<compile_context>
chip_gen: v7x
topology: tpu7x:2x2x1
jax: 0.10.2.dev20260603
libtpu: 0.0.44.dev20260713+nightly
codegen_flags: <defaults>
</compile_context>

<pallas_src>
import functools

import numpy as np
import jax
import jax.numpy as jnp
from jax import lax
from jax.experimental import pallas as pl
from jax.experimental.pallas import tpu as pltpu
from jax.experimental.pallas import tpu_sc as plsc

_NUM_BUCKETS = 100000

_Z = np.int32(0)

_NC = 2
_NS = 16
_NW = _NC * _NS
_L = 16


def _sc_hash_gather(n_rows, hash_dim):
    rows_w = n_rows // _NW
    n_vec = rows_w // _L
    gchunk = 128
    n_g = rows_w // gchunk

    mesh = plsc.VectorSubcoreMesh(
        core_axis_name="c", subcore_axis_name="s",
        num_cores=_NC, num_subcores=_NS)

    @functools.partial(
        pl.kernel,
        out_type=jax.ShapeDtypeStruct((n_rows, hash_dim), jnp.float32),
        mesh=mesh,
        scratch_types=[
            pltpu.VMEM((rows_w,), jnp.int32),
            pltpu.VMEM((rows_w,), jnp.int32),
            pltpu.VMEM((rows_w,), jnp.int32),
            pltpu.VMEM((rows_w, hash_dim), jnp.float32),
            pltpu.SemaphoreType.DMA,
        ],
    )
    def body(cur_hbm, prev_hbm, table_hbm, emb_hbm, cur_v, prev_v, idx_v,
             rows_v, sem):
        wid = lax.axis_index("s") * _NC + lax.axis_index("c")
        base = wid * rows_w
        pltpu.sync_copy(cur_hbm.at[pl.ds(base, rows_w)], cur_v)
        pltpu.sync_copy(prev_hbm.at[pl.ds(base, rows_w)], prev_v)
        for i in range(n_vec):
            sl = pl.ds(i * _L, _L)
            p = prev_v[sl]
            c = cur_v[sl]
            t = ((p * 92) % _NUM_BUCKETS) * 1000 + p * 821 + c
            idx_v[sl] = t % _NUM_BUCKETS
        copies = [
            pltpu.async_copy(
                table_hbm.at[idx_v.at[pl.ds(g * gchunk, gchunk)]],
                rows_v.at[pl.ds(g * gchunk, gchunk)], sem)
            for g in range(n_g)
        ]
        for c in copies:
            c.wait()
        pltpu.sync_copy(rows_v, emb_hbm.at[pl.ds(base, rows_w)])

    return body


def _tc_matmul_body(emb_ref, w_ref, out_ref):
    out_ref[...] = lax.dot_general(
        emb_ref[...], w_ref[...], (((1,), (1,)), ((), ())),
        preferred_element_type=jnp.float32)


def kernel(input_ids, table, W):
    bsz, seqlen = input_ids.shape
    n_rows = bsz * seqlen
    num_buckets, hash_dim = table.shape
    model_dim = W.shape[0]

    ids32 = input_ids.astype(jnp.int32)
    prev32 = jnp.concatenate(
        [jnp.zeros((bsz, 1), jnp.int32), ids32[:, :-1]], axis=1)
    cur_flat = ids32.reshape(n_rows)
    prev_flat = prev32.reshape(n_rows)

    emb = _sc_hash_gather(n_rows, hash_dim)(
        cur_flat, prev_flat, table.astype(jnp.float32))

    w32 = W.astype(jnp.float32)
    block_m = 1024
    grid = (n_rows // block_m,)
    out = pl.pallas_call(
        _tc_matmul_body,
        grid=grid,
        in_specs=[
            pl.BlockSpec((block_m, hash_dim), lambda i: (i, _Z)),
            pl.BlockSpec((model_dim, hash_dim), lambda i: (_Z, _Z)),
        ],
        out_specs=pl.BlockSpec((block_m, model_dim), lambda i: (i, _Z)),
        out_shape=jax.ShapeDtypeStruct((n_rows, model_dim), jnp.float32),
    )(emb, w32)

    out_dtype = jnp.result_type(table.dtype, W.dtype)
    return out.reshape(bsz, seqlen, model_dim).astype(out_dtype)

# --- scband reference (transcript-rebuilt; emitter-appended) ---
"""Pipeline reference for scband-bigram-hash-embedding-72310069395616 (READ-ONLY COPY).

The authoritative reference and input builder live on the scoring server;
editing this copy changes nothing except your own understanding.
"""

import jax, jax.numpy as jnp
import numpy as np

jax.config.update("jax_enable_x64", True)

NUM_BUCKETS = 100000
HASH_DIM = 128
MODEL_DIM = 1024
B = 4
S = 2048


def setup_inputs(seed: int = 0) -> dict:
    key = jax.random.key(seed)
    k1, k2, k3 = jax.random.split(key, 3)
    input_ids = jax.random.randint(k1, (B, S), 0, 50000, dtype=jnp.int64)
    # nn.Embedding table initialized with std=0.01
    table = jax.random.normal(k2, (NUM_BUCKETS, HASH_DIM), dtype=jnp.float32) * 0.01
    # CastedLinear weight [out_features, in_features], no bias
    W = jax.random.normal(k3, (MODEL_DIM, HASH_DIM), dtype=jnp.float32) * (1.0 / np.sqrt(HASH_DIM))
    return {"input_ids": input_ids, "table": table, "W": W}


def reference(input_ids, table, W):
    bsz, seqlen = input_ids.shape
    prev_ids = jnp.concatenate(
        [jnp.zeros((bsz, 1), dtype=input_ids.dtype), input_ids[:, :-1]], axis=1
    )
    h = (prev_ids.astype(jnp.int64) * 92821 + input_ids.astype(jnp.int64)) % NUM_BUCKETS
    emb = jnp.take(table, h, axis=0)  # [B, S, HASH_DIM]
    # F.linear(x, W) == x @ W.T (QAT disabled in given config; weight already fp32)
    out = emb @ W.T  # [B, S, MODEL_DIM]
    return out

if __name__ == "__main__":
    import jax
    _d = setup_inputs()
    print(jax.jit(kernel)(*tuple(_d.values())))

</pallas_src>

<mosaic_0001>
#map = affine_map<(d0, d1) -> (0)>
#map1 = affine_map<(d0, d1) -> (0, 0)>
module attributes {stable_mosaic.version = 14 : i64} {
  func.func @body(%arg0: i32, %arg1: i32, %arg2: memref<8192xi32, #tpu.memory_space<hbm>>, %arg3: memref<8192xi32, #tpu.memory_space<hbm>>, %arg4: memref<100000x128xf32, #tpu.memory_space<hbm>>, %arg5: memref<8192x128xf32, #tpu.memory_space<hbm>>, %arg6: memref<256xi32, #tpu.memory_space<vmem>>, %arg7: memref<256xi32, #tpu.memory_space<vmem>>, %arg8: memref<256xi32, #tpu.memory_space<vmem>>, %arg9: memref<256x128xf32, #tpu.memory_space<vmem>>, %arg10: memref<!tpu.dma_semaphore, #tpu.memory_space<semaphore_mem>>) attributes {dimension_semantics = [#tpu.dimension_semantics<core_parallel>, #tpu.dimension_semantics<subcore_parallel>], iteration_bounds = array<i64: 2, 16>, scalar_prefetch = 0 : i64, scratch_operands = 5 : i64, tpu.core_type = #tpu.core_type<sc_vector_subcore>, window_params = [{transform_indices = #map}, {transform_indices = #map}, {transform_indices = #map1}, {transform_indices = #map1}]} {
    %mul3A = arith.constant 2 : i32
    %mul3A_0 = arith.muli %arg1, %mul3A : i32
    %add3A = arith.addi %mul3A_0, %arg0 : i32
    %mul3A_1 = arith.constant 256 : i32
    %mul3A_2 = arith.muli %add3A, %mul3A_1 : i32
    "tpu.region"() ({
      %run_scoped3A = tpu.sem_alloc : memref<!tpu.dma_semaphore, #tpu.memory_space<semaphore_mem>>
      %dma_start3A_1095 = tpu.memref_slice %arg2[%mul3A_2] : memref<8192xi32, #tpu.memory_space<hbm>> -> memref<256xi32, #tpu.memory_space<hbm>>
      %dma_start3A_1096 = tpu.memref_slice %arg2[%mul3A_2] : memref<8192xi32, #tpu.memory_space<hbm>> -> memref<256xi32, #tpu.memory_space<hbm>>
      tpu.enqueue_dma source(%dma_start3A_1096 : memref<256xi32, #tpu.memory_space<hbm>>) target(%arg6 : memref<256xi32, #tpu.memory_space<vmem>>) target_semaphore(%run_scoped3A : memref<!tpu.dma_semaphore, #tpu.memory_space<semaphore_mem>>)
      %dma_wait3A_1097 = tpu.memref_slice %arg2[%mul3A_2] : memref<8192xi32, #tpu.memory_space<hbm>> -> memref<256xi32, #tpu.memory_space<hbm>>
      %dma_wait3A_1098 = tpu.memref_slice %arg2[%mul3A_2] : memref<8192xi32, #tpu.memory_space<hbm>> -> memref<256xi32, #tpu.memory_space<hbm>>
      tpu.wait_dma2 semaphore(%run_scoped3A : memref<!tpu.dma_semaphore, #tpu.memory_space<semaphore_mem>>) src(%dma_wait3A_1098 : memref<256xi32, #tpu.memory_space<hbm>>) dst(%arg6 : memref<256xi32, #tpu.memory_space<vmem>>)
      tpu.yield
    }) : () -> ()
    "tpu.region"() ({
      %run_scoped3A = tpu.sem_alloc : memref<!tpu.dma_semaphore, #tpu.memory_space<semaphore_mem>>
      %dma_start3A_1095 = tpu.memref_slice %arg3[%mul3A_2] : memref<8192xi32, #tpu.memory_space<hbm>> -> memref<256xi32, #tpu.memory_space<hbm>>
      %dma_start3A_1096 = tpu.memref_slice %arg3[%mul3A_2] : memref<8192xi32, #tpu.memory_space<hbm>> -> memref<256xi32, #tpu.memory_space<hbm>>
      tpu.enqueue_dma source(%dma_start3A_1096 : memref<256xi32, #tpu.memory_space<hbm>>) target(%arg7 : memref<256xi32, #tpu.memory_space<vmem>>) target_semaphore(%run_scoped3A : memref<!tpu.dma_semaphore, #tpu.memory_space<semaphore_mem>>)
      %dma_wait3A_1097 = tpu.memref_slice %arg3[%mul3A_2] : memref<8192xi32, #tpu.memory_space<hbm>> -> memref<256xi32, #tpu.memory_space<hbm>>
      %dma_wait3A_1098 = tpu.memref_slice %arg3[%mul3A_2] : memref<8192xi32, #tpu.memory_space<hbm>> -> memref<256xi32, #tpu.memory_space<hbm>>
      tpu.wait_dma2 semaphore(%run_scoped3A : memref<!tpu.dma_semaphore, #tpu.memory_space<semaphore_mem>>) src(%dma_wait3A_1098 : memref<256xi32, #tpu.memory_space<hbm>>) dst(%arg7 : memref<256xi32, #tpu.memory_space<vmem>>)
      tpu.yield
    }) : () -> ()
    %get3A = arith.constant 0 : index
    %get3A_3 = tpu.vector_load %arg7[%get3A] {strides = array<i32>} : memref<256xi32, #tpu.memory_space<vmem>>, vector<16xi32>,
    %get3A_4 = vector.shape_cast %get3A_3 : vector<16xi32> to vector<16xi32>
    %get3A_5 = arith.constant 0 : index
    %get3A_6 = tpu.vector_load %arg6[%get3A_5] {strides = array<i32>} : memref<256xi32, #tpu.memory_space<vmem>>, vector<16xi32>,
    %get3A_7 = vector.shape_cast %get3A_6 : vector<16xi32> to vector<16xi32>
    %mul3A_8 = arith.constant 92 : i32
    %mul3A_9 = vector.broadcast %mul3A_8 : i32 to vector<16xi32>
    %mul3A_10 = arith.muli %get3A_4, %mul3A_9 : vector<16xi32>
    %jit3A = arith.constant 100000 : i64
    %convert_element_type3A = arith.trunci %jit3A : i64 to i32
    %eq3A = arith.constant 0 : i32
    %eq3A_11 = arith.cmpi eq, %convert_element_type3A, %eq3A : i32
    %jit3A_12 = arith.constant 1 : i32
    %select_n3A = arith.select %eq3A_11, %jit3A_12, %convert_element_type3A : i32
    %rem3A = vector.broadcast %select_n3A : i32 to vector<16xi32>
    %rem3A_13 = arith.remsi %mul3A_10, %rem3A : vector<16xi32>
    %ne3A = arith.constant 0 : i32
    %ne3A_14 = vector.broadcast %ne3A : i32 to vector<16xi32>
    %ne3A_15 = arith.cmpi ne, %rem3A_13, %ne3A_14 : vector<16xi32>
    %lt3A = arith.constant 0 : i32
    %lt3A_16 = vector.broadcast %lt3A : i32 to vector<16xi32>
    %lt3A_17 = arith.cmpi slt, %rem3A_13, %lt3A_16 : vector<16xi32>
    %lt3A_18 = arith.constant 0 : i32
    %lt3A_19 = arith.cmpi slt, %select_n3A, %lt3A_18 : i32
    %ne3A_20 = vector.broadcast %lt3A_19 : i1 to vector<16xi1>
    %ne3A_21 = vector.broadcast %ne3A_20 : vector<16xi1> to vector<16xi1>
    %ne3A_22 = arith.xori %lt3A_17, %ne3A_21 : vector<16xi1>
    %and3A = arith.andi %ne3A_22, %ne3A_15 : vector<16xi1>
    %add3A_23 = vector.broadcast %select_n3A : i32 to vector<16xi32>
    %add3A_24 = arith.addi %rem3A_13, %add3A_23 : vector<16xi32>
    %select_n3A_25 = arith.select %and3A, %add3A_24, %rem3A_13 : vector<16xi1>, vector<16xi32>
    %mul3A_26 = arith.constant 1000 : i32
    %mul3A_27 = vector.broadcast %mul3A_26 : i32 to vector<16xi32>
    %mul3A_28 = arith.muli %select_n3A_25, %mul3A_27 : vector<16xi32>
    %mul3A_29 = arith.constant 821 : i32
    %mul3A_30 = vector.broadcast %mul3A_29 : i32 to vector<16xi32>
    %mul3A_31 = arith.muli %get3A_4, %mul3A_30 : vector<16xi32>
    %add3A_32 = arith.addi %mul3A_28, %mul3A_31 : vector<16xi32>
    %add3A_33 = arith.addi %add3A_32, %get3A_7 : vector<16xi32>
    %jit3A_34 = arith.constant 100000 : i64
    %convert_element_type3A_35 = arith.trunci %jit3A_34 : i64 to i32
    %eq3A_36 = arith.constant 0 : i32
    %eq3A_37 = arith.cmpi eq, %convert_element_type3A_35, %eq3A_36 : i32
    %jit3A_38 = arith.constant 1 : i32
    %select_n3A_39 = arith.select %eq3A_37, %jit3A_38, %convert_element_type3A_35 : i32
    %rem3A_40 = vector.broadcast %select_n3A_39 : i32 to vector<16xi32>
    %rem3A_41 = arith.remsi %add3A_33, %rem3A_40 : vector<16xi32>
    %ne3A_42 = arith.constant 0 : i32
    %ne3A_43 = vector.broadcast %ne3A_42 : i32 to vector<16xi32>
    %ne3A_44 = arith.cmpi ne, %rem3A_41, %ne3A_43 : vector<16xi32>
    %lt3A_45 = arith.constant 0 : i32
    %lt3A_46 = vector.broadcast %lt3A_45 : i32 to vector<16xi32>
    %lt3A_47 = arith.cmpi slt, %rem3A_41, %lt3A_46 : vector<16xi32>
    %lt3A_48 = arith.constant 0 : i32
    %lt3A_49 = arith.cmpi slt, %select_n3A_39, %lt3A_48 : i32
    %ne3A_50 = vector.broadcast %lt3A_49 : i1 to vector<16xi1>
    %ne3A_51 = vector.broadcast %ne3A_50 : vector<16xi1> to vector<16xi1>
    %ne3A_52 = arith.xori %lt3A_47, %ne3A_51 : vector<16xi1>
    %and3A_53 = arith.andi %ne3A_52, %ne3A_44 : vector<16xi1>
    %add3A_54 = vector.broadcast %select_n3A_39 : i32 to vector<16xi32>
    %add3A_55 = arith.addi %rem3A_41, %add3A_54 : vector<16xi32>
    %select_n3A_56 = arith.select %and3A_53, %add3A_55, %rem3A_41 : vector<16xi1>, vector<16xi32>
    %swap3A = arith.constant 0 : index
    %swap3A_57 = tpu.vector_load %arg8[%swap3A] {strides = array<i32>} : memref<256xi32, #tpu.memory_space<vmem>>, vector<16xi32>,
    %swap3A_58 = vector.shape_cast %swap3A_57 : vector<16xi32> to vector<16xi32>
    %swap3A_59 = vector.shape_cast %select_n3A_56 : vector<16xi32> to vector<16xi32>
    tpu.vector_store %arg8[%swap3A], %swap3A_59 {strides = array<i32>} : memref<256xi32, #tpu.memory_space<vmem>>, vector<16xi32>,
    %get3A_60 = arith.constant 16 : index
    %get3A_61 = tpu.vector_load %arg7[%get3A_60] {strides = array<i32>} : memref<256xi32, #tpu.memory_space<vmem>>, vector<16xi32>,
    %get3A_62 = vector.shape_cast %get3A_61 : vector<16xi32> to vector<16xi32>
    %get3A_63 = arith.constant 16 : index
    %get3A_64 = tpu.vector_load %arg6[%get3A_63] {strides = array<i32>} : memref<256xi32, #tpu.memory_space<vmem>>, vector<16xi32>,
    %get3A_65 = vector.shape_cast %get3A_64 : vector<16xi32> to vector<16xi32>
    %mul3A_66 = arith.constant 92 : i32
    %mul3A_67 = vector.broadcast %mul3A_66 : i32 to vector<16xi32>
    %mul3A_68 = arith.muli %get3A_62, %mul3A_67 : vector<16xi32>
    %jit3A_69 = arith.constant 100000 : i64
    %convert_element_type3A_70 = arith.trunci %jit3A_69 : i64 to i32
    %eq3A_71 = arith.constant 0 : i32
    %eq3A_72 = arith.cmpi eq, %convert_element_type3A_70, %eq3A_71 : i32
    %jit3A_73 = arith.constant 1 : i32
    %select_n3A_74 = arith.select %eq3A_72, %jit3A_73, %convert_element_type3A_70 : i32
    %rem3A_75 = vector.broadcast %select_n3A_74 : i32 to vector<16xi32>
    %rem3A_76 = arith.remsi %mul3A_68, %rem3A_75 : vector<16xi32>
    %ne3A_77 = arith.constant 0 : i32
    %ne3A_78 = vector.broadcast %ne3A_77 : i32 to vector<16xi32>
    %ne3A_79 = arith.cmpi ne, %rem3A_76, %ne3A_78 : vector<16xi32>
    %lt3A_80 = arith.constant 0 : i32
    %lt3A_81 = vector.broadcast %lt3A_80 : i32 to vector<16xi32>
    %lt3A_82 = arith.cmpi slt, %rem3A_76, %lt3A_81 : vector<16xi32>
    %lt3A_83 = arith.constant 0 : i32
    %lt3A_84 = arith.cmpi slt, %select_n3A_74, %lt3A_83 : i32
    %ne3A_85 = vector.broadcast %lt3A_84 : i1 to vector<16xi1>
    %ne3A_86 = vector.broadcast %ne3A_85 : vector<16xi1> to vector<16xi1>
    %ne3A_87 = arith.xori %lt3A_82, %ne3A_86 : vector<16xi1>
    %and3A_88 = arith.andi %ne3A_87, %ne3A_79 : vector<16xi1>
    %add3A_89 = vector.broadcast %select_n3A_74 : i32 to vector<16xi32>
    %add3A_90 = arith.addi %rem3A_76, %add3A_89 : vector<16xi32>
    %select_n3A_91 = arith.select %and3A_88, %add3A_90, %rem3A_76 : vector<16xi1>, vector<16xi32>
    %mul3A_92 = arith.constant 1000 : i32
    %mul3A_93 = vector.broadcast %mul3A_92 : i32 to vector<16xi32>
    %mul3A_94 = arith.muli %select_n3A_91, %mul3A_93 : vector<16xi32>
    %mul3A_95 = arith.constant 821 : i32
    %mul3A_96 = vector.broadcast %mul3A_95 : i32 to vector<16xi32>
    %mul3A_97 = arith.muli %get3A_62, %mul3A_96 : vector<16xi32>
    %add3A_98 = arith.addi %mul3A_94, %mul3A_97 : vector<16xi32>
    %add3A_99 = arith.addi %add3A_98, %get3A_65 : vector<16xi32>
    %jit3A_100 = arith.constant 100000 : i64
    %convert_element_type3A_101 = arith.trunci %jit3A_100 : i64 to i32
    %eq3A_102 = arith.constant 0 : i32
    %eq3A_103 = arith.cmpi eq, %convert_element_type3A_101, %eq3A_102 : i32
    %jit3A_104 = arith.constant 1 : i32
    %select_n3A_105 = arith.select %eq3A_103, %jit3A_104, %convert_element_type3A_101 : i32
    %rem3A_106 = vector.broadcast %select_n3A_105 : i32 to vector<16xi32>
    %rem3A_107 = arith.remsi %add3A_99, %rem3A_106 : vector<16xi32>
    %ne3A_108 = arith.constant 0 : i32
    %ne3A_109 = vector.broadcast %ne3A_108 : i32 to vector<16xi32>
    %ne3A_110 = arith.cmpi ne, %rem3A_107, %ne3A_109 : vector<16xi32>
    %lt3A_111 = arith.constant 0 : i32
    %lt3A_112 = vector.broadcast %lt3A_111 : i32 to vector<16xi32>
    %lt3A_113 = arith.cmpi slt, %rem3A_107, %lt3A_112 : vector<16xi32>
    %lt3A_114 = arith.constant 0 : i32
    %lt3A_115 = arith.cmpi slt, %select_n3A_105, %lt3A_114 : i32
    %ne3A_116 = vector.broadcast %lt3A_115 : i1 to vector<16xi1>
    %ne3A_117 = vector.broadcast %ne3A_116 : vector<16xi1> to vector<16xi1>
    %ne3A_118 = arith.xori %lt3A_113, %ne3A_117 : vector<16xi1>
    %and3A_119 = arith.andi %ne3A_118, %ne3A_110 : vector<16xi1>
    %add3A_120 = vector.broadcast %select_n3A_105 : i32 to vector<16xi32>
    %add3A_121 = arith.addi %rem3A_107, %add3A_120 : vector<16xi32>
    %select_n3A_122 = arith.select %and3A_119, %add3A_121, %rem3A_107 : vector<16xi1>, vector<16xi32>
    %swap3A_123 = arith.constant 16 : index
    %swap3A_124 = tpu.vector_load %arg8[%swap3A_123] {strides = array<i32>} : memref<256xi32, #tpu.memory_space<vmem>>, vector<16xi32>,
    %swap3A_125 = vector.shape_cast %swap3A_124 : vector<16xi32> to vector<16xi32>
    %swap3A_126 = vector.shape_cast %select_n3A_122 : vector<16xi32> to vector<16xi32>
    tpu.vector_store %arg8[%swap3A_123], %swap3A_126 {strides = array<i32>} : memref<256xi32, #tpu.memory_space<vmem>>, vector<16xi32>,
    %get3A_127 = arith.constant 32 : index
    %get3A_128 = tpu.vector_load %arg7[%get3A_127] {strides = array<i32>} : memref<256xi32, #tpu.memory_space<vmem>>, vector<16xi32>,
    %get3A_129 = vector.shape_cast %get3A_128 : vector<16xi32> to vector<16xi32>
    %get3A_130 = arith.constant 32 : index
    %get3A_131 = tpu.vector_load %arg6[%get3A_130] {strides = array<i32>} : memref<256xi32, #tpu.memory_space<vmem>>, vector<16xi32>,
    %get3A_132 = vector.shape_cast %get3A_131 : vector<16xi32> to vector<16xi32>
    %mul3A_133 = arith.constant 92 : i32
    %mul3A_134 = vector.broadcast %mul3A_133 : i32 to vector<16xi32>
    %mul3A_135 = arith.muli %get3A_129, %mul3A_134 : vector<16xi32>
    %jit3A_136 = arith.constant 100000 : i64
    %convert_element_type3A_137 = arith.trunci %jit3A_136 : i64 to i32
    %eq3A_138 = arith.constant 0 : i32
    %eq3A_139 = arith.cmpi eq, %convert_element_type3A_137, %eq3A_138 : i32
    %jit3A_140 = arith.constant 1 : i32
    %select_n3A_141 = arith.select %eq3A_139, %jit3A_140, %convert_element_type3A_137 : i32
    %rem3A_142 = vector.broadcast %select_n3A_141 : i32 to vector<16xi32>
    %rem3A_143 = arith.remsi %mul3A_135, %rem3A_142 : vector<16xi32>
    %ne3A_144 = arith.constant 0 : i32
    %ne3A_145 = vector.broadcast %ne3A_144 : i32 to vector<16xi32>
    %ne3A_146 = arith.cmpi ne, %rem3A_143, %ne3A_145 : vector<16xi32>
    %lt3A_147 = arith.constant 0 : i32
    %lt3A_148 = vector.broadcast %lt3A_147 : i32 to vector<16xi32>
    %lt3A_149 = arith.cmpi slt, %rem3A_143, %lt3A_148 : vector<16xi32>
    %lt3A_150 = arith.constant 0 : i32
    %lt3A_151 = arith.cmpi slt, %select_n3A_141, %lt3A_150 : i32
    %ne3A_152 = vector.broadcast %lt3A_151 : i1 to vector<16xi1>
    %ne3A_153 = vector.broadcast %ne3A_152 : vector<16xi1> to vector<16xi1>
    %ne3A_154 = arith.xori %lt3A_149, %ne3A_153 : vector<16xi1>
    %and3A_155 = arith.andi %ne3A_154, %ne3A_146 : vector<16xi1>
    %add3A_156 = vector.broadcast %select_n3A_141 : i32 to vector<16xi32>
    %add3A_157 = arith.addi %rem3A_143, %add3A_156 : vector<16xi32>
    %select_n3A_158 = arith.select %and3A_155, %add3A_157, %rem3A_143 : vector<16xi1>, vector<16xi32>
    %mul3A_159 = arith.constant 1000 : i32
    %mul3A_160 = vector.broadcast %mul3A_159 : i32 to vector<16xi32>
    %mul3A_161 = arith.muli %select_n3A_158, %mul3A_160 : vector<16xi32>
    %mul3A_162 = arith.constant 821 : i32
    %mul3A_163 = vector.broadcast %mul3A_162 : i32 to vector<16xi32>
    %mul3A_164 = arith.muli %get3A_129, %mul3A_163 : vector<16xi32>
    %add3A_165 = arith.addi %mul3A_161, %mul3A_164 : vector<16xi32>
    %add3A_166 = arith.addi %add3A_165, %get3A_132 : vector<16xi32>
    %jit3A_167 = arith.constant 100000 : i64
    %convert_element_type3A_168 = arith.trunci %jit3A_167 : i64 to i32
    %eq3A_169 = arith.constant 0 : i32
    %eq3A_170 = arith.cmpi eq, %convert_element_type3A_168, %eq3A_169 : i32
    %jit3A_171 = arith.constant 1 : i32
    %select_n3A_172 = arith.select %eq3A_170, %jit3A_171, %convert_element_type3A_168 : i32
    %rem3A_173 = vector.broadcast %select_n3A_172 : i32 to vector<16xi32>
    %rem3A_174 = arith.remsi %add3A_166, %rem3A_173 : vector<16xi32>
    %ne3A_175 = arith.constant 0 : i32
    %ne3A_176 = vector.broadcast %ne3A_175 : i32 to vector<16xi32>
    %ne3A_177 = arith.cmpi ne, %rem3A_174, %ne3A_176 : vector<16xi32>
    %lt3A_178 = arith.constant 0 : i32
    %lt3A_179 = vector.broadcast %lt3A_178 : i32 to vector<16xi32>
    %lt3A_180 = arith.cmpi slt, %rem3A_174, %lt3A_179 : vector<16xi32>
    %lt3A_181 = arith.constant 0 : i32
    %lt3A_182 = arith.cmpi slt, %select_n3A_172, %lt3A_181 : i32
    %ne3A_183 = vector.broadcast %lt3A_182 : i1 to vector<16xi1>
    %ne3A_184 = vector.broadcast %ne3A_183 : vector<16xi1> to vector<16xi1>
    %ne3A_185 = arith.xori %lt3A_180, %ne3A_184 : vector<16xi1>
    %and3A_186 = arith.andi %ne3A_185, %ne3A_177 : vector<16xi1>
    %add3A_187 = vector.broadcast %select_n3A_172 : i32 to vector<16xi32>
    %add3A_188 = arith.addi %rem3A_174, %add3A_187 : vector<16xi32>
    %select_n3A_189 = arith.select %and3A_186, %add3A_188, %rem3A_174 : vector<16xi1>, vector<16xi32>
    %swap3A_190 = arith.constant 32 : index
    %swap3A_191 = tpu.vector_load %arg8[%swap3A_190] {strides = array<i32>} : memref<256xi32, #tpu.memory_space<vmem>>, vector<16xi32>,
    %swap3A_192 = vector.shape_cast %swap3A_191 : vector<16xi32> to vector<16xi32>
    %swap3A_193 = vector.shape_cast %select_n3A_189 : vector<16xi32> to vector<16xi32>
    tpu.vector_store %arg8[%swap3A_190], %swap3A_193 {strides = array<i32>} : memref<256xi32, #tpu.memory_space<vmem>>, vector<16xi32>,
    %get3A_194 = arith.constant 48 : index
    %get3A_195 = tpu.vector_load %arg7[%get3A_194] {strides = array<i32>} : memref<256xi32, #tpu.memory_space<vmem>>, vector<16xi32>,
    %get3A_196 = vector.shape_cast %get3A_195 : vector<16xi32> to vector<16xi32>
    %get3A_197 = arith.constant 48 : index
    %get3A_198 = tpu.vector_load %arg6[%get3A_197] {strides = array<i32>} : memref<256xi32, #tpu.memory_space<vmem>>, vector<16xi32>,
    %get3A_199 = vector.shape_cast %get3A_198 : vector<16xi32> to vector<16xi32>
    %mul3A_200 = arith.constant 92 : i32
    %mul3A_201 = vector.broadcast %mul3A_200 : i32 to vector<16xi32>
    %mul3A_202 = arith.muli %get3A_196, %mul3A_201 : vector<16xi32>
    %jit3A_203 = arith.constant 100000 : i64
    %convert_element_type3A_204 = arith.trunci %jit3A_203 : i64 to i32
    %eq3A_205 = arith.constant 0 : i32
    %eq3A_206 = arith.cmpi eq, %convert_element_type3A_204, %eq3A_205 : i32
    %jit3A_207 = arith.constant 1 : i32
    %select_n3A_208 = arith.select %eq3A_206, %jit3A_207, %convert_element_type3A_204 : i32
    %rem3A_209 = vector.broadcast %select_n3A_208 : i32 to vector<16xi32>
    %rem3A_210 = arith.remsi %mul3A_202, %rem3A_209 : vector<16xi32>
    %ne3A_211 = arith.constant 0 : i32
    %ne3A_212 = vector.broadcast %ne3A_211 : i32 to vector<16xi32>
    %ne3A_213 = arith.cmpi ne, %rem3A_210, %ne3A_212 : vector<16xi32>
    %lt3A_214 = arith.constant 0 : i32
    %lt3A_215 = vector.broadcast %lt3A_214 : i32 to vector<16xi32>
    %lt3A_216 = arith.cmpi slt, %rem3A_210, %lt3A_215 : vector<16xi32>
    %lt3A_217 = arith.constant 0 : i32
    %lt3A_218 = arith.cmpi slt, %select_n3A_208, %lt3A_217 : i32
    %ne3A_219 = vector.broadcast %lt3A_218 : i1 to vector<16xi1>
    %ne3A_220 = vector.broadcast %ne3A_219 : vector<16xi1> to vector<16xi1>
    %ne3A_221 = arith.xori %lt3A_216, %ne3A_220 : vector<16xi1>
    %and3A_222 = arith.andi %ne3A_221, %ne3A_213 : vector<16xi1>
    %add3A_223 = vector.broadcast %select_n3A_208 : i32 to vector<16xi32>
    %add3A_224 = arith.addi %rem3A_210, %add3A_223 : vector<16xi32>
    %select_n3A_225 = arith.select %and3A_222, %add3A_224, %rem3A_210 : vector<16xi1>, vector<16xi32>
    %mul3A_226 = arith.constant 1000 : i32
    %mul3A_227 = vector.broadcast %mul3A_226 : i32 to vector<16xi32>
    %mul3A_228 = arith.muli %select_n3A_225, %mul3A_227 : vector<16xi32>
    %mul3A_229 = arith.constant 821 : i32
    %mul3A_230 = vector.broadcast %mul3A_229 : i32 to vector<16xi32>
    %mul3A_231 = arith.muli %get3A_196, %mul3A_230 : vector<16xi32>
    %add3A_232 = arith.addi %mul3A_228, %mul3A_231 : vector<16xi32>
    %add3A_233 = arith.addi %add3A_232, %get3A_199 : vector<16xi32>
    %jit3A_234 = arith.constant 100000 : i64
    %convert_element_type3A_235 = arith.trunci %jit3A_234 : i64 to i32
    %eq3A_236 = arith.constant 0 : i32
    %eq3A_237 = arith.cmpi eq, %convert_element_type3A_235, %eq3A_236 : i32
    %jit3A_238 = arith.constant 1 : i32
    %select_n3A_239 = arith.select %eq3A_237, %jit3A_238, %convert_element_type3A_235 : i32
    %rem3A_240 = vector.broadcast %select_n3A_239 : i32 to vector<16xi32>
    %rem3A_241 = arith.remsi %add3A_233, %rem3A_240 : vector<16xi32>
    %ne3A_242 = arith.constant 0 : i32
    %ne3A_243 = vector.broadcast %ne3A_242 : i32 to vector<16xi32>
    %ne3A_244 = arith.cmpi ne, %rem3A_241, %ne3A_243 : vector<16xi32>
    %lt3A_245 = arith.constant 0 : i32
    %lt3A_246 = vector.broadcast %lt3A_245 : i32 to vector<16xi32>
    %lt3A_247 = arith.cmpi slt, %rem3A_241, %lt3A_246 : vector<16xi32>
    %lt3A_248 = arith.constant 0 : i32
    %lt3A_249 = arith.cmpi slt, %select_n3A_239, %lt3A_248 : i32
    %ne3A_250 = vector.broadcast %lt3A_249 : i1 to vector<16xi1>
    %ne3A_251 = vector.broadcast %ne3A_250 : vector<16xi1> to vector<16xi1>
    %ne3A_252 = arith.xori %lt3A_247, %ne3A_251 : vector<16xi1>
    %and3A_253 = arith.andi %ne3A_252, %ne3A_244 : vector<16xi1>
    %add3A_254 = vector.broadcast %select_n3A_239 : i32 to vector<16xi32>
    %add3A_255 = arith.addi %rem3A_241, %add3A_254 : vector<16xi32>
    %select_n3A_256 = arith.select %and3A_253, %add3A_255, %rem3A_241 : vector<16xi1>, vector<16xi32>
    %swap3A_257 = arith.constant 48 : index
    %swap3A_258 = tpu.vector_load %arg8[%swap3A_257] {strides = array<i32>} : memref<256xi32, #tpu.memory_space<vmem>>, vector<16xi32>,
    %swap3A_259 = vector.shape_cast %swap3A_258 : vector<16xi32> to vector<16xi32>
    %swap3A_260 = vector.shape_cast %select_n3A_256 : vector<16xi32> to vector<16xi32>
    tpu.vector_store %arg8[%swap3A_257], %swap3A_260 {strides = array<i32>} : memref<256xi32, #tpu.memory_space<vmem>>, vector<16xi32>,
    %get3A_261 = arith.constant 64 : index
    %get3A_262 = tpu.vector_load %arg7[%get3A_261] {strides = array<i32>} : memref<256xi32, #tpu.memory_space<vmem>>, vector<16xi32>,
    %get3A_263 = vector.shape_cast %get3A_262 : vector<16xi32> to vector<16xi32>
    %get3A_264 = arith.constant 64 : index
    %get3A_265 = tpu.vector_load %arg6[%get3A_264] {strides = array<i32>} : memref<256xi32, #tpu.memory_space<vmem>>, vector<16xi32>,
    %get3A_266 = vector.shape_cast %get3A_265 : vector<16xi32> to vector<16xi32>
    %mul3A_267 = arith.constant 92 : i32
    %mul3A_268 = vector.broadcast %mul3A_267 : i32 to vector<16xi32>
    %mul3A_269 = arith.muli %get3A_263, %mul3A_268 : vector<16xi32>
    %jit3A_270 = arith.constant 100000 : i64
    %convert_element_type3A_271 = arith.trunci %jit3A_270 : i64 to i32
    %eq3A_272 = arith.constant 0 : i32
    %eq3A_273 = arith.cmpi eq, %convert_element_type3A_271, %eq3A_272 : i32
    %jit3A_274 = arith.constant 1 : i32
    %select_n3A_275 = arith.select %eq3A_273, %jit3A_274, %convert_element_type3A_271 : i32
    %rem3A_276 = vector.broadcast %select_n3A_275 : i32 to vector<16xi32>
    %rem3A_277 = arith.remsi %mul3A_269, %rem3A_276 : vector<16xi32>
    %ne3A_278 = arith.constant 0 : i32
    %ne3A_279 = vector.broadcast %ne3A_278 : i32 to vector<16xi32>
    %ne3A_280 = arith.cmpi ne, %rem3A_277, %ne3A_279 : vector<16xi32>
    %lt3A_281 = arith.constant 0 : i32
    %lt3A_282 = vector.broadcast %lt3A_281 : i32 to vector<16xi32>
    %lt3A_283 = arith.cmpi slt, %rem3A_277, %lt3A_282 : vector<16xi32>
    %lt3A_284 = arith.constant 0 : i32
    %lt3A_285 = arith.cmpi slt, %select_n3A_275, %lt3A_284 : i32
    %ne3A_286 = vector.broadcast %lt3A_285 : i1 to vector<16xi1>
    %ne3A_287 = vector.broadcast %ne3A_286 : vector<16xi1> to vector<16xi1>
    %ne3A_288 = arith.xori %lt3A_283, %ne3A_287 : vector<16xi1>
    %and3A_289 = arith.andi %ne3A_288, %ne3A_280 : vector<16xi1>
    %add3A_290 = vector.broadcast %select_n3A_275 : i32 to vector<16xi32>
    %add3A_291 = arith.addi %rem3A_277, %add3A_290 : vector<16xi32>
    %select_n3A_292 = arith.select %and3A_289, %add3A_291, %rem3A_277 : vector<16xi1>, vector<16xi32>
    %mul3A_293 = arith.constant 1000 : i32
    %mul3A_294 = vector.broadcast %mul3A_293 : i32 to vector<16xi32>
    %mul3A_295 = arith.muli %select_n3A_292, %mul3A_294 : vector<16xi32>
    %mul3A_296 = arith.constant 821 : i32
    %mul3A_297 = vector.broadcast %mul3A_296 : i32 to vector<16xi32>
    %mul3A_298 = arith.muli %get3A_263, %mul3A_297 : vector<16xi32>
    %add3A_299 = arith.addi %mul3A_295, %mul3A_298 : vector<16xi32>
    %add3A_300 = arith.addi %add3A_299, %get3A_266 : vector<16xi32>
    %jit3A_301 = arith.constant 100000 : i64
    %convert_element_type3A_302 = arith.trunci %jit3A_301 : i64 to i32
    %eq3A_303 = arith.constant 0 : i32
    %eq3A_304 = arith.cmpi eq, %convert_element_type3A_302, %eq3A_303 : i32
    %jit3A_305 = arith.constant 1 : i32
    %select_n3A_306 = arith.select %eq3A_304, %jit3A_305, %convert_element_type3A_302 : i32
    %rem3A_307 = vector.broadcast %select_n3A_306 : i32 to vector<16xi32>
    %rem3A_308 = arith.remsi %add3A_300, %rem3A_307 : vector<16xi32>
    %ne3A_309 = arith.constant 0 : i32
    %ne3A_310 = vector.broadcast %ne3A_309 : i32 to vector<16xi32>
    %ne3A_311 = arith.cmpi ne, %rem3A_308, %ne3A_310 : vector<16xi32>
    %lt3A_312 = arith.constant 0 : i32
    %lt3A_313 = vector.broadcast %lt3A_312 : i32 to vector<16xi32>
    %lt3A_314 = arith.cmpi slt, %rem3A_308, %lt3A_313 : vector<16xi32>
    %lt3A_315 = arith.constant 0 : i32
    %lt3A_316 = arith.cmpi slt, %select_n3A_306, %lt3A_315 : i32
    %ne3A_317 = vector.broadcast %lt3A_316 : i1 to vector<16xi1>
    %ne3A_318 = vector.broadcast %ne3A_317 : vector<16xi1> to vector<16xi1>
    %ne3A_319 = arith.xori %lt3A_314, %ne3A_318 : vector<16xi1>
    %and3A_320 = arith.andi %ne3A_319, %ne3A_311 : vector<16xi1>
    %add3A_321 = vector.broadcast %select_n3A_306 : i32 to vector<16xi32>
    %add3A_322 = arith.addi %rem3A_308, %add3A_321 : vector<16xi32>
    %select_n3A_323 = arith.select %and3A_320, %add3A_322, %rem3A_308 : vector<16xi1>, vector<16xi32>
    %swap3A_324 = arith.constant 64 : index
    %swap3A_325 = tpu.vector_load %arg8[%swap3A_324] {strides = array<i32>} : memref<256xi32, #tpu.memory_space<vmem>>, vector<16xi32>,
    %swap3A_326 = vector.shape_cast %swap3A_325 : vector<16xi32> to vector<16xi32>
    %swap3A_327 = vector.shape_cast %select_n3A_323 : vector<16xi32> to vector<16xi32>
    tpu.vector_store %arg8[%swap3A_324], %swap3A_327 {strides = array<i32>} : memref<256xi32, #tpu.memory_space<vmem>>, vector<16xi32>,
    %get3A_328 = arith.constant 80 : index
    %get3A_329 = tpu.vector_load %arg7[%get3A_328] {strides = array<i32>} : memref<256xi32, #tpu.memory_space<vmem>>, vector<16xi32>,
    %get3A_330 = vector.shape_cast %get3A_329 : vector<16xi32> to vector<16xi32>
    %get3A_331 = arith.constant 80 : index
    %get3A_332 = tpu.vector_load %arg6[%get3A_331] {strides = array<i32>} : memref<256xi32, #tpu.memory_space<vmem>>, vector<16xi32>,
    %get3A_333 = vector.shape_cast %get3A_332 : vector<16xi32> to vector<16xi32>
    %mul3A_334 = arith.constant 92 : i32
    %mul3A_335 = vector.broadcast %mul3A_334 : i32 to vector<16xi32>
    %mul3A_336 = arith.muli %get3A_330, %mul3A_335 : vector<16xi32>
    %jit3A_337 = arith.constant 100000 : i64
    %convert_element_type3A_338 = arith.trunci %jit3A_337 : i64 to i32
    %eq3A_339 = arith.constant 0 : i32
    %eq3A_340 = arith.cmpi eq, %convert_element_type3A_338, %eq3A_339 : i32
    %jit3A_341 = arith.constant 1 : i32
    %select_n3A_342 = arith.select %eq3A_340, %jit3A_341, %convert_element_type3A_338 : i32
    %rem3A_343 = vector.broadcast %select_n3A_342 : i32 to vector<16xi32>
    %rem3A_344 = arith.remsi %mul3A_336, %rem3A_343 : vector<16xi32>
    %ne3A_345 = arith.constant 0 : i32
    %ne3A_346 = vector.broadcast %ne3A_345 : i32 to vector<16xi32>
    %ne3A_347 = arith.cmpi ne, %rem3A_344, %ne3A_346 : vector<16xi32>
    %lt3A_348 = arith.constant 0 : i32
    %lt3A_349 = vector.broadcast %lt3A_348 : i32 to vector<16xi32>
    %lt3A_350 = arith.cmpi slt, %rem3A_344, %lt3A_349 : vector<16xi32>
    %lt3A_351 = arith.constant 0 : i32
    %lt3A_352 = arith.cmpi slt, %select_n3A_342, %lt3A_351 : i32
    %ne3A_353 = vector.broadcast %lt3A_352 : i1 to vector<16xi1>
    %ne3A_354 = vector.broadcast %ne3A_353 : vector<16xi1> to vector<16xi1>
    %ne3A_355 = arith.xori %lt3A_350, %ne3A_354 : vector<16xi1>
    %and3A_356 = arith.andi %ne3A_355, %ne3A_347 : vector<16xi1>
    %add3A_357 = vector.broadcast %select_n3A_342 : i32 to vector<16xi32>
    %add3A_358 = arith.addi %rem3A_344, %add3A_357 : vector<16xi32>
    %select_n3A_359 = arith.select %and3A_356, %add3A_358, %rem3A_344 : vector<16xi1>, vector<16xi32>
    %mul3A_360 = arith.constant 1000 : i32
    %mul3A_361 = vector.broadcast %mul3A_360 : i32 to vector<16xi32>
    %mul3A_362 = arith.muli %select_n3A_359, %mul3A_361 : vector<16xi32>
    %mul3A_363 = arith.constant 821 : i32
    %mul3A_364 = vector.broadcast %mul3A_363 : i32 to vector<16xi32>
    %mul3A_365 = arith.muli %get3A_330, %mul3A_364 : vector<16xi32>
    %add3A_366 = arith.addi %mul3A_362, %mul3A_365 : vector<16xi32>
    %add3A_367 = arith.addi %add3A_366, %get3A_333 : vector<16xi32>
    %jit3A_368 = arith.constant 100000 : i64
    %convert_element_type3A_369 = arith.trunci %jit3A_368 : i64 to i32
    %eq3A_370 = arith.constant 0 : i32
    %eq3A_371 = arith.cmpi eq, %convert_element_type3A_369, %eq3A_370 : i32
    %jit3A_372 = arith.constant 1 : i32
    %select_n3A_373 = arith.select %eq3A_371, %jit3A_372, %convert_element_type3A_369 : i32
    %rem3A_374 = vector.broadcast %select_n3A_373 : i32 to vector<16xi32>
    %rem3A_375 = arith.remsi %add3A_367, %rem3A_374 : vector<16xi32>
    %ne3A_376 = arith.constant 0 : i32
    %ne3A_377 = vector.broadcast %ne3A_376 : i32 to vector<16xi32>
    %ne3A_378 = arith.cmpi ne, %rem3A_375, %ne3A_377 : vector<16xi32>
    %lt3A_379 = arith.constant 0 : i32
    %lt3A_380 = vector.broadcast %lt3A_379 : i32 to vector<16xi32>
    %lt3A_381 = arith.cmpi slt, %rem3A_375, %lt3A_380 : vector<16xi32>
    %lt3A_382 = arith.constant 0 : i32
    %lt3A_383 = arith.cmpi slt, %select_n3A_373, %lt3A_382 : i32
    %ne3A_384 = vector.broadcast %lt3A_383 : i1 to vector<16xi1>
    %ne3A_385 = vector.broadcast %ne3A_384 : vector<16xi1> to vector<16xi1>
    %ne3A_386 = arith.xori %lt3A_381, %ne3A_385 : vector<16xi1>
    %and3A_387 = arith.andi %ne3A_386, %ne3A_378 : vector<16xi1>
    %add3A_388 = vector.broadcast %select_n3A_373 : i32 to vector<16xi32>
    %add3A_389 = arith.addi %rem3A_375, %add3A_388 : vector<16xi32>
    %select_n3A_390 = arith.select %and3A_387, %add3A_389, %rem3A_375 : vector<16xi1>, vector<16xi32>
    %swap3A_391 = arith.constant 80 : index
    %swap3A_392 = tpu.vector_load %arg8[%swap3A_391] {strides = array<i32>} : memref<256xi32, #tpu.memory_space<vmem>>, vector<16xi32>,
    %swap3A_393 = vector.shape_cast %swap3A_392 : vector<16xi32> to vector<16xi32>
    %swap3A_394 = vector.shape_cast %select_n3A_390 : vector<16xi32> to vector<16xi32>
    tpu.vector_store %arg8[%swap3A_391], %swap3A_394 {strides = array<i32>} : memref<256xi32, #tpu.memory_space<vmem>>, vector<16xi32>,
    %get3A_395 = arith.constant 96 : index
    %get3A_396 = tpu.vector_load %arg7[%get3A_395] {strides = array<i32>} : memref<256xi32, #tpu.memory_space<vmem>>, vector<16xi32>,
    %get3A_397 = vector.shape_cast %get3A_396 : vector<16xi32> to vector<16xi32>
    %get3A_398 = arith.constant 96 : index
    %get3A_399 = tpu.vector_load %arg6[%get3A_398] {strides = array<i32>} : memref<256xi32, #tpu.memory_space<vmem>>, vector<16xi32>,
    %get3A_400 = vector.shape_cast %get3A_399 : vector<16xi32> to vector<16xi32>
    %mul3A_401 = arith.constant 92 : i32
    %mul3A_402 = vector.broadcast %mul3A_401 : i32 to vector<16xi32>
    %mul3A_403 = arith.muli %get3A_397, %mul3A_402 : vector<16xi32>
    %jit3A_404 = arith.constant 100000 : i64
    %convert_element_type3A_405 = arith.trunci %jit3A_404 : i64 to i32
    %eq3A_406 = arith.constant 0 : i32
    %eq3A_407 = arith.cmpi eq, %convert_element_type3A_405, %eq3A_406 : i32
    %jit3A_408 = arith.constant 1 : i32
    %select_n3A_409 = arith.select %eq3A_407, %jit3A_408, %convert_element_type3A_405 : i32
    %rem3A_410 = vector.broadcast %select_n3A_409 : i32 to vector<16xi32>
    %rem3A_411 = arith.remsi %mul3A_403, %rem3A_410 : vector<16xi32>
    %ne3A_412 = arith.constant 0 : i32
    %ne3A_413 = vector.broadcast %ne3A_412 : i32 to vector<16xi32>
    %ne3A_414 = arith.cmpi ne, %rem3A_411, %ne3A_413 : vector<16xi32>
    %lt3A_415 = arith.constant 0 : i32
    %lt3A_416 = vector.broadcast %lt3A_415 : i32 to vector<16xi32>
    %lt3A_417 = arith.cmpi slt, %rem3A_411, %lt3A_416 : vector<16xi32>
    %lt3A_418 = arith.constant 0 : i32
    %lt3A_419 = arith.cmpi slt, %select_n3A_409, %lt3A_418 : i32
    %ne3A_420 = vector.broadcast %lt3A_419 : i1 to vector<16xi1>
    %ne3A_421 = vector.broadcast %ne3A_420 : vector<16xi1> to vector<16xi1>
    %ne3A_422 = arith.xori %lt3A_417, %ne3A_421 : vector<16xi1>
    %and3A_423 = arith.andi %ne3A_422, %ne3A_414 : vector<16xi1>
    %add3A_424 = vector.broadcast %select_n3A_409 : i32 to vector<16xi32>
    %add3A_425 = arith.addi %rem3A_411, %add3A_424 : vector<16xi32>
    %select_n3A_426 = arith.select %and3A_423, %add3A_425, %rem3A_411 : vector<16xi1>, vector<16xi32>
    %mul3A_427 = arith.constant 1000 : i32
    %mul3A_428 = vector.broadcast %mul3A_427 : i32 to vector<16xi32>
    %mul3A_429 = arith.muli %select_n3A_426, %mul3A_428 : vector<16xi32>
    %mul3A_430 = arith.constant 821 : i32
    %mul3A_431 = vector.broadcast %mul3A_430 : i32 to vector<16xi32>
    %mul3A_432 = arith.muli %get3A_397, %mul3A_431 : vector<16xi32>
    %add3A_433 = arith.addi %mul3A_429, %mul3A_432 : vector<16xi32>
    %add3A_434 = arith.addi %add3A_433, %get3A_400 : vector<16xi32>
    %jit3A_435 = arith.constant 100000 : i64
    %convert_element_type3A_436 = arith.trunci %jit3A_435 : i64 to i32
    %eq3A_437 = arith.constant 0 : i32
    %eq3A_438 = arith.cmpi eq, %convert_element_type3A_436, %eq3A_437 : i32
    %jit3A_439 = arith.constant 1 : i32
    %select_n3A_440 = arith.select %eq3A_438, %jit3A_439, %convert_element_type3A_436 : i32
    %rem3A_441 = vector.broadcast %select_n3A_440 : i32 to vector<16xi32>
    %rem3A_442 = arith.remsi %add3A_434, %rem3A_441 : vector<16xi32>
    %ne3A_443 = arith.constant 0 : i32
    %ne3A_444 = vector.broadcast %ne3A_443 : i32 to vector<16xi32>
    %ne3A_445 = arith.cmpi ne, %rem3A_442, %ne3A_444 : vector<16xi32>
    %lt3A_446 = arith.constant 0 : i32
    %lt3A_447 = vector.broadcast %lt3A_446 : i32 to vector<16xi32>
    %lt3A_448 = arith.cmpi slt, %rem3A_442, %lt3A_447 : vector<16xi32>
    %lt3A_449 = arith.constant 0 : i32
    %lt3A_450 = arith.cmpi slt, %select_n3A_440, %lt3A_449 : i32
    %ne3A_451 = vector.broadcast %lt3A_450 : i1 to vector<16xi1>
    %ne3A_452 = vector.broadcast %ne3A_451 : vector<16xi1> to vector<16xi1>
    %ne3A_453 = arith.xori %lt3A_448, %ne3A_452 : vector<16xi1>
    %and3A_454 = arith.andi %ne3A_453, %ne3A_445 : vector<16xi1>
    %add3A_455 = vector.broadcast %select_n3A_440 : i32 to vector<16xi32>
    %add3A_456 = arith.addi %rem3A_442, %add3A_455 : vector<16xi32>
    %select_n3A_457 = arith.select %and3A_454, %add3A_456, %rem3A_442 : vector<16xi1>, vector<16xi32>
    %swap3A_458 = arith.constant 96 : index
    %swap3A_459 = tpu.vector_load %arg8[%swap3A_458] {strides = array<i32>} : memref<256xi32, #tpu.memory_space<vmem>>, vector<16xi32>,
    %swap3A_460 = vector.shape_cast %swap3A_459 : vector<16xi32> to vector<16xi32>
    %swap3A_461 = vector.shape_cast %select_n3A_457 : vector<16xi32> to vector<16xi32>
    tpu.vector_store %arg8[%swap3A_458], %swap3A_461 {strides = array<i32>} : memref<256xi32, #tpu.memory_space<vmem>>, vector<16xi32>,
    %get3A_462 = arith.constant 112 : index
    %get3A_463 = tpu.vector_load %arg7[%get3A_462] {strides = array<i32>} : memref<256xi32, #tpu.memory_space<vmem>>, vector<16xi32>,
    %get3A_464 = vector.shape_cast %get3A_463 : vector<16xi32> to vector<16xi32>
    %get3A_465 = arith.constant 112 : index
    %get3A_466 = tpu.vector_load %arg6[%get3A_465] {strides = array<i32>} : memref<256xi32, #tpu.memory_space<vmem>>, vector<16xi32>,
    %get3A_467 = vector.shape_cast %get3A_466 : vector<16xi32> to vector<16xi32>
    %mul3A_468 = arith.constant 92 : i32
    %mul3A_469 = vector.broadcast %mul3A_468 : i32 to vector<16xi32>
    %mul3A_470 = arith.muli %get3A_464, %mul3A_469 : vector<16xi32>
    %jit3A_471 = arith.constant 100000 : i64
    %convert_element_type3A_472 = arith.trunci %jit3A_471 : i64 to i32
    %eq3A_473 = arith.constant 0 : i32
    %eq3A_474 = arith.cmpi eq, %convert_element_type3A_472, %eq3A_473 : i32
    %jit3A_475 = arith.constant 1 : i32
    %select_n3A_476 = arith.select %eq3A_474, %jit3A_475, %convert_element_type3A_472 : i32
    %rem3A_477 = vector.broadcast %select_n3A_476 : i32 to vector<16xi32>
    %rem3A_478 = arith.remsi %mul3A_470, %rem3A_477 : vector<16xi32>
    %ne3A_479 = arith.constant 0 : i32
    %ne3A_480 = vector.broadcast %ne3A_479 : i32 to vector<16xi32>
    %ne3A_481 = arith.cmpi ne, %rem3A_478, %ne3A_480 : vector<16xi32>
    %lt3A_482 = arith.constant 0 : i32
    %lt3A_483 = vector.broadcast %lt3A_482 : i32 to vector<16xi32>
    %lt3A_484 = arith.cmpi slt, %rem3A_478, %lt3A_483 : vector<16xi32>
    %lt3A_485 = arith.constant 0 : i32
    %lt3A_486 = arith.cmpi slt, %select_n3A_476, %lt3A_485 : i32
    %ne3A_487 = vector.broadcast %lt3A_486 : i1 to vector<16xi1>
    %ne3A_488 = vector.broadcast %ne3A_487 : vector<16xi1> to vector<16xi1>
    %ne3A_489 = arith.xori %lt3A_484, %ne3A_488 : vector<16xi1>
    %and3A_490 = arith.andi %ne3A_489, %ne3A_481 : vector<16xi1>
    %add3A_491 = vector.broadcast %select_n3A_476 : i32 to vector<16xi32>
    %add3A_492 = arith.addi %rem3A_478, %add3A_491 : vector<16xi32>
    %select_n3A_493 = arith.select %and3A_490, %add3A_492, %rem3A_478 : vector<16xi1>, vector<16xi32>
    %mul3A_494 = arith.constant 1000 : i32
    %mul3A_495 = vector.broadcast %mul3A_494 : i32 to vector<16xi32>
    %mul3A_496 = arith.muli %select_n3A_493, %mul3A_495 : vector<16xi32>
    %mul3A_497 = arith.constant 821 : i32
    %mul3A_498 = vector.broadcast %mul3A_497 : i32 to vector<16xi32>
    %mul3A_499 = arith.muli %get3A_464, %mul3A_498 : vector<16xi32>
    %add3A_500 = arith.addi %mul3A_496, %mul3A_499 : vector<16xi32>
    %add3A_501 = arith.addi %add3A_500, %get3A_467 : vector<16xi32>
    %jit3A_502 = arith.constant 100000 : i64
    %convert_element_type3A_503 = arith.trunci %jit3A_502 : i64 to i32
    %eq3A_504 = arith.constant 0 : i32
    %eq3A_505 = arith.cmpi eq, %convert_element_type3A_503, %eq3A_504 : i32
    %jit3A_506 = arith.constant 1 : i32
    %select_n3A_507 = arith.select %eq3A_505, %jit3A_506, %convert_element_type3A_503 : i32
    %rem3A_508 = vector.broadcast %select_n3A_507 : i32 to vector<16xi32>
    %rem3A_509 = arith.remsi %add3A_501, %rem3A_508 : vector<16xi32>
    %ne3A_510 = arith.constant 0 : i32
    %ne3A_511 = vector.broadcast %ne3A_510 : i32 to vector<16xi32>
    %ne3A_512 = arith.cmpi ne, %rem3A_509, %ne3A_511 : vector<16xi32>
    %lt3A_513 = arith.constant 0 : i32
    %lt3A_514 = vector.broadcast %lt3A_513 : i32 to vector<16xi32>
    %lt3A_515 = arith.cmpi slt, %rem3A_509, %lt3A_514 : vector<16xi32>
    %lt3A_516 = arith.constant 0 : i32
    %lt3A_517 = arith.cmpi slt, %select_n3A_507, %lt3A_516 : i32
    %ne3A_518 = vector.broadcast %lt3A_517 : i1 to vector<16xi1>
    %ne3A_519 = vector.broadcast %ne3A_518 : vector<16xi1> to vector<16xi1>
    %ne3A_520 = arith.xori %lt3A_515, %ne3A_519 : vector<16xi1>
    %and3A_521 = arith.andi %ne3A_520, %ne3A_512 : vector<16xi1>
    %add3A_522 = vector.broadcast %select_n3A_507 : i32 to vector<16xi32>
    %add3A_523 = arith.addi %rem3A_509, %add3A_522 : vector<16xi32>
    %select_n3A_524 = arith.select %and3A_521, %add3A_523, %rem3A_509 : vector<16xi1>, vector<16xi32>
    %swap3A_525 = arith.constant 112 : index
    %swap3A_526 = tpu.vector_load %arg8[%swap3A_525] {strides = array<i32>} : memref<256xi32, #tpu.memory_space<vmem>>, vector<16xi32>,
    %swap3A_527 = vector.shape_cast %swap3A_526 : vector<16xi32> to vector<16xi32>
    %swap3A_528 = vector.shape_cast %select_n3A_524 : vector<16xi32> to vector<16xi32>
    tpu.vector_store %arg8[%swap3A_525], %swap3A_528 {strides = array<i32>} : memref<256xi32, #tpu.memory_space<vmem>>, vector<16xi32>,
    %get3A_529 = arith.constant 128 : index
    %get3A_530 = tpu.vector_load %arg7[%get3A_529] {strides = array<i32>} : memref<256xi32, #tpu.memory_space<vmem>>, vector<16xi32>,
    %get3A_531 = vector.shape_cast %get3A_530 : vector<16xi32> to vector<16xi32>
    %get3A_532 = arith.constant 128 : index
    %get3A_533 = tpu.vector_load %arg6[%get3A_532] {strides = array<i32>} : memref<256xi32, #tpu.memory_space<vmem>>, vector<16xi32>,
    %get3A_534 = vector.shape_cast %get3A_533 : vector<16xi32> to vector<16xi32>
    %mul3A_535 = arith.constant 92 : i32
    %mul3A_536 = vector.broadcast %mul3A_535 : i32 to vector<16xi32>
    %mul3A_537 = arith.muli %get3A_531, %mul3A_536 : vector<16xi32>
    %jit3A_538 = arith.constant 100000 : i64
    %convert_element_type3A_539 = arith.trunci %jit3A_538 : i64 to i32
    %eq3A_540 = arith.constant 0 : i32
    %eq3A_541 = arith.cmpi eq, %convert_element_type3A_539, %eq3A_540 : i32
    %jit3A_542 = arith.constant 1 : i32
    %select_n3A_543 = arith.select %eq3A_541, %jit3A_542, %convert_element_type3A_539 : i32
    %rem3A_544 = vector.broadcast %select_n3A_543 : i32 to vector<16xi32>
    %rem3A_545 = arith.remsi %mul3A_537, %rem3A_544 : vector<16xi32>
    %ne3A_546 = arith.constant 0 : i32
    %ne3A_547 = vector.broadcast %ne3A_546 : i32 to vector<16xi32>
    %ne3A_548 = arith.cmpi ne, %rem3A_545, %ne3A_547 : vector<16xi32>
    %lt3A_549 = arith.constant 0 : i32
    %lt3A_550 = vector.broadcast %lt3A_549 : i32 to vector<16xi32>
    %lt3A_551 = arith.cmpi slt, %rem3A_545, %lt3A_550 : vector<16xi32>
    %lt3A_552 = arith.constant 0 : i32
    %lt3A_553 = arith.cmpi slt, %select_n3A_543, %lt3A_552 : i32
    %ne3A_554 = vector.broadcast %lt3A_553 : i1 to vector<16xi1>
    %ne3A_555 = vector.broadcast %ne3A_554 : vector<16xi1> to vector<16xi1>
    %ne3A_556 = arith.xori %lt3A_551, %ne3A_555 : vector<16xi1>
    %and3A_557 = arith.andi %ne3A_556, %ne3A_548 : vector<16xi1>
    %add3A_558 = vector.broadcast %select_n3A_543 : i32 to vector<16xi32>
    %add3A_559 = arith.addi %rem3A_545, %add3A_558 : vector<16xi32>
    %select_n3A_560 = arith.select %and3A_557, %add3A_559, %rem3A_545 : vector<16xi1>, vector<16xi32>
    %mul3A_561 = arith.constant 1000 : i32
    %mul3A_562 = vector.broadcast %mul3A_561 : i32 to vector<16xi32>
    %mul3A_563 = arith.muli %select_n3A_560, %mul3A_562 : vector<16xi32>
    %mul3A_564 = arith.constant 821 : i32
    %mul3A_565 = vector.broadcast %mul3A_564 : i32 to vector<16xi32>
    %mul3A_566 = arith.muli %get3A_531, %mul3A_565 : vector<16xi32>
    %add3A_567 = arith.addi %mul3A_563, %mul3A_566 : vector<16xi32>
    %add3A_568 = arith.addi %add3A_567, %get3A_534 : vector<16xi32>
    %jit3A_569 = arith.constant 100000 : i64
    %convert_element_type3A_570 = arith.trunci %jit3A_569 : i64 to i32
    %eq3A_571 = arith.constant 0 : i32
    %eq3A_572 = arith.cmpi eq, %convert_element_type3A_570, %eq3A_571 : i32
    %jit3A_573 = arith.constant 1 : i32
    %select_n3A_574 = arith.select %eq3A_572, %jit3A_573, %convert_element_type3A_570 : i32
    %rem3A_575 = vector.broadcast %select_n3A_574 : i32 to vector<16xi32>
    %rem3A_576 = arith.remsi %add3A_568, %rem3A_575 : vector<16xi32>
    %ne3A_577 = arith.constant 0 : i32
    %ne3A_578 = vector.broadcast %ne3A_577 : i32 to vector<16xi32>
    %ne3A_579 = arith.cmpi ne, %rem3A_576, %ne3A_578 : vector<16xi32>
    %lt3A_580 = arith.constant 0 : i32
    %lt3A_581 = vector.broadcast %lt3A_580 : i32 to vector<16xi32>
    %lt3A_582 = arith.cmpi slt, %rem3A_576, %lt3A_581 : vector<16xi32>
    %lt3A_583 = arith.constant 0 : i32
    %lt3A_584 = arith.cmpi slt, %select_n3A_574, %lt3A_583 : i32
    %ne3A_585 = vector.broadcast %lt3A_584 : i1 to vector<16xi1>
    %ne3A_586 = vector.broadcast %ne3A_585 : vector<16xi1> to vector<16xi1>
    %ne3A_587 = arith.xori %lt3A_582, %ne3A_586 : vector<16xi1>
    %and3A_588 = arith.andi %ne3A_587, %ne3A_579 : vector<16xi1>
    %add3A_589 = vector.broadcast %select_n3A_574 : i32 to vector<16xi32>
    %add3A_590 = arith.addi %rem3A_576, %add3A_589 : vector<16xi32>
    %select_n3A_591 = arith.select %and3A_588, %add3A_590, %rem3A_576 : vector<16xi1>, vector<16xi32>
    %swap3A_592 = arith.constant 128 : index
    %swap3A_593 = tpu.vector_load %arg8[%swap3A_592] {strides = array<i32>} : memref<256xi32, #tpu.memory_space<vmem>>, vector<16xi32>,
    %swap3A_594 = vector.shape_cast %swap3A_593 : vector<16xi32> to vector<16xi32>
    %swap3A_595 = vector.shape_cast %select_n3A_591 : vector<16xi32> to vector<16xi32>
    tpu.vector_store %arg8[%swap3A_592], %swap3A_595 {strides = array<i32>} : memref<256xi32, #tpu.memory_space<vmem>>, vector<16xi32>,
    %get3A_596 = arith.constant 144 : index
    %get3A_597 = tpu.vector_load %arg7[%get3A_596] {strides = array<i32>} : memref<256xi32, #tpu.memory_space<vmem>>, vector<16xi32>,
    %get3A_598 = vector.shape_cast %get3A_597 : vector<16xi32> to vector<16xi32>
    %get3A_599 = arith.constant 144 : index
    %get3A_600 = tpu.vector_load %arg6[%get3A_599] {strides = array<i32>} : memref<256xi32, #tpu.memory_space<vmem>>, vector<16xi32>,
    %get3A_601 = vector.shape_cast %get3A_600 : vector<16xi32> to vector<16xi32>
    %mul3A_602 = arith.constant 92 : i32
    %mul3A_603 = vector.broadcast %mul3A_602 : i32 to vector<16xi32>
    %mul3A_604 = arith.muli %get3A_598, %mul3A_603 : vector<16xi32>
    %jit3A_605 = arith.constant 100000 : i64
    %convert_element_type3A_606 = arith.trunci %jit3A_605 : i64 to i32
    %eq3A_607 = arith.constant 0 : i32
    %eq3A_608 = arith.cmpi eq, %convert_element_type3A_606, %eq3A_607 : i32
    %jit3A_609 = arith.constant 1 : i32
    %select_n3A_610 = arith.select %eq3A_608, %jit3A_609, %convert_element_type3A_606 : i32
    %rem3A_611 = vector.broadcast %select_n3A_610 : i32 to vector<16xi32>
    %rem3A_612 = arith.remsi %mul3A_604, %rem3A_611 : vector<16xi32>
    %ne3A_613 = arith.constant 0 : i32
    %ne3A_614 = vector.broadcast %ne3A_613 : i32 to vector<16xi32>
    %ne3A_615 = arith.cmpi ne, %rem3A_612, %ne3A_614 : vector<16xi32>
    %lt3A_616 = arith.constant 0 : i32
    %lt3A_617 = vector.broadcast %lt3A_616 : i32 to vector<16xi32>
    %lt3A_618 = arith.cmpi slt, %rem3A_612, %lt3A_617 : vector<16xi32>
    %lt3A_619 = arith.constant 0 : i32
    %lt3A_620 = arith.cmpi slt, %select_n3A_610, %lt3A_619 : i32
    %ne3A_621 = vector.broadcast %lt3A_620 : i1 to vector<16xi1>
    %ne3A_622 = vector.broadcast %ne3A_621 : vector<16xi1> to vector<16xi1>
    %ne3A_623 = arith.xori %lt3A_618, %ne3A_622 : vector<16xi1>
    %and3A_624 = arith.andi %ne3A_623, %ne3A_615 : vector<16xi1>
    %add3A_625 = vector.broadcast %select_n3A_610 : i32 to vector<16xi32>
    %add3A_626 = arith.addi %rem3A_612, %add3A_625 : vector<16xi32>
    %select_n3A_627 = arith.select %and3A_624, %add3A_626, %rem3A_612 : vector<16xi1>, vector<16xi32>
    %mul3A_628 = arith.constant 1000 : i32
    %mul3A_629 = vector.broadcast %mul3A_628 : i32 to vector<16xi32>
    %mul3A_630 = arith.muli %select_n3A_627, %mul3A_629 : vector<16xi32>
    %mul3A_631 = arith.constant 821 : i32
    %mul3A_632 = vector.broadcast %mul3A_631 : i32 to vector<16xi32>
    %mul3A_633 = arith.muli %get3A_598, %mul3A_632 : vector<16xi32>
    %add3A_634 = arith.addi %mul3A_630, %mul3A_633 : vector<16xi32>
    %add3A_635 = arith.addi %add3A_634, %get3A_601 : vector<16xi32>
    %jit3A_636 = arith.constant 100000 : i64
    %convert_element_type3A_637 = arith.trunci %jit3A_636 : i64 to i32
    %eq3A_638 = arith.constant 0 : i32
    %eq3A_639 = arith.cmpi eq, %convert_element_type3A_637, %eq3A_638 : i32
    %jit3A_640 = arith.constant 1 : i32
    %select_n3A_641 = arith.select %eq3A_639, %jit3A_640, %convert_element_type3A_637 : i32
    %rem3A_642 = vector.broadcast %select_n3A_641 : i32 to vector<16xi32>
    %rem3A_643 = arith.remsi %add3A_635, %rem3A_642 : vector<16xi32>
    %ne3A_644 = arith.constant 0 : i32
    %ne3A_645 = vector.broadcast %ne3A_644 : i32 to vector<16xi32>
    %ne3A_646 = arith.cmpi ne, %rem3A_643, %ne3A_645 : vector<16xi32>
    %lt3A_647 = arith.constant 0 : i32
    %lt3A_648 = vector.broadcast %lt3A_647 : i32 to vector<16xi32>
    %lt3A_649 = arith.cmpi slt, %rem3A_643, %lt3A_648 : vector<16xi32>
    %lt3A_650 = arith.constant 0 : i32
    %lt3A_651 = arith.cmpi slt, %select_n3A_641, %lt3A_650 : i32
    %ne3A_652 = vector.broadcast %lt3A_651 : i1 to vector<16xi1>
    %ne3A_653 = vector.broadcast %ne3A_652 : vector<16xi1> to vector<16xi1>
    %ne3A_654 = arith.xori %lt3A_649, %ne3A_653 : vector<16xi1>
    %and3A_655 = arith.andi %ne3A_654, %ne3A_646 : vector<16xi1>
    %add3A_656 = vector.broadcast %select_n3A_641 : i32 to vector<16xi32>
    %add3A_657 = arith.addi %rem3A_643, %add3A_656 : vector<16xi32>
    %select_n3A_658 = arith.select %and3A_655, %add3A_657, %rem3A_643 : vector<16xi1>, vector<16xi32>
    %swap3A_659 = arith.constant 144 : index
    %swap3A_660 = tpu.vector_load %arg8[%swap3A_659] {strides = array<i32>} : memref<256xi32, #tpu.memory_space<vmem>>, vector<16xi32>,
    %swap3A_661 = vector.shape_cast %swap3A_660 : vector<16xi32> to vector<16xi32>
    %swap3A_662 = vector.shape_cast %select_n3A_658 : vector<16xi32> to vector<16xi32>
    tpu.vector_store %arg8[%swap3A_659], %swap3A_662 {strides = array<i32>} : memref<256xi32, #tpu.memory_space<vmem>>, vector<16xi32>,
    %get3A_663 = arith.constant 160 : index
    %get3A_664 = tpu.vector_load %arg7[%get3A_663] {strides = array<i32>} : memref<256xi32, #tpu.memory_space<vmem>>, vector<16xi32>,
    %get3A_665 = vector.shape_cast %get3A_664 : vector<16xi32> to vector<16xi32>
    %get3A_666 = arith.constant 160 : index
    %get3A_667 = tpu.vector_load %arg6[%get3A_666] {strides = array<i32>} : memref<256xi32, #tpu.memory_space<vmem>>, vector<16xi32>,
    %get3A_668 = vector.shape_cast %get3A_667 : vector<16xi32> to vector<16xi32>
    %mul3A_669 = arith.constant 92 : i32
    %mul3A_670 = vector.broadcast %mul3A_669 : i32 to vector<16xi32>
    %mul3A_671 = arith.muli %get3A_665, %mul3A_670 : vector<16xi32>
    %jit3A_672 = arith.constant 100000 : i64
    %convert_element_type3A_673 = arith.trunci %jit3A_672 : i64 to i32
    %eq3A_674 = arith.constant 0 : i32
    %eq3A_675 = arith.cmpi eq, %convert_element_type3A_673, %eq3A_674 : i32
    %jit3A_676 = arith.constant 1 : i32
    %select_n3A_677 = arith.select %eq3A_675, %jit3A_676, %convert_element_type3A_673 : i32
    %rem3A_678 = vector.broadcast %select_n3A_677 : i32 to vector<16xi32>
    %rem3A_679 = arith.remsi %mul3A_671, %rem3A_678 : vector<16xi32>
    %ne3A_680 = arith.constant 0 : i32
    %ne3A_681 = vector.broadcast %ne3A_680 : i32 to vector<16xi32>
    %ne3A_682 = arith.cmpi ne, %rem3A_679, %ne3A_681 : vector<16xi32>
    %lt3A_683 = arith.constant 0 : i32
    %lt3A_684 = vector.broadcast %lt3A_683 : i32 to vector<16xi32>
    %lt3A_685 = arith.cmpi slt, %rem3A_679, %lt3A_684 : vector<16xi32>
    %lt3A_686 = arith.constant 0 : i32
    %lt3A_687 = arith.cmpi slt, %select_n3A_677, %lt3A_686 : i32
    %ne3A_688 = vector.broadcast %lt3A_687 : i1 to vector<16xi1>
    %ne3A_689 = vector.broadcast %ne3A_688 : vector<16xi1> to vector<16xi1>
    %ne3A_690 = arith.xori %lt3A_685, %ne3A_689 : vector<16xi1>
    %and3A_691 = arith.andi %ne3A_690, %ne3A_682 : vector<16xi1>
    %add3A_692 = vector.broadcast %select_n3A_677 : i32 to vector<16xi32>
    %add3A_693 = arith.addi %rem3A_679, %add3A_692 : vector<16xi32>
    %select_n3A_694 = arith.select %and3A_691, %add3A_693, %rem3A_679 : vector<16xi1>, vector<16xi32>
    %mul3A_695 = arith.constant 1000 : i32
    %mul3A_696 = vector.broadcast %mul3A_695 : i32 to vector<16xi32>
    %mul3A_697 = arith.muli %select_n3A_694, %mul3A_696 : vector<16xi32>
    %mul3A_698 = arith.constant 821 : i32
    %mul3A_699 = vector.broadcast %mul3A_698 : i32 to vector<16xi32>
    %mul3A_700 = arith.muli %get3A_665, %mul3A_699 : vector<16xi32>
    %add3A_701 = arith.addi %mul3A_697, %mul3A_700 : vector<16xi32>
    %add3A_702 = arith.addi %add3A_701, %get3A_668 : vector<16xi32>
    %jit3A_703 = arith.constant 100000 : i64
    %convert_element_type3A_704 = arith.trunci %jit3A_703 : i64 to i32
    %eq3A_705 = arith.constant 0 : i32
    %eq3A_706 = arith.cmpi eq, %convert_element_type3A_704, %eq3A_705 : i32
    %jit3A_707 = arith.constant 1 : i32
    %select_n3A_708 = arith.select %eq3A_706, %jit3A_707, %convert_element_type3A_704 : i32
    %rem3A_709 = vector.broadcast %select_n3A_708 : i32 to vector<16xi32>
    %rem3A_710 = arith.remsi %add3A_702, %rem3A_709 : vector<16xi32>
    %ne3A_711 = arith.constant 0 : i32
    %ne3A_712 = vector.broadcast %ne3A_711 : i32 to vector<16xi32>
    %ne3A_713 = arith.cmpi ne, %rem3A_710, %ne3A_712 : vector<16xi32>
    %lt3A_714 = arith.constant 0 : i32
    %lt3A_715 = vector.broadcast %lt3A_714 : i32 to vector<16xi32>
    %lt3A_716 = arith.cmpi slt, %rem3A_710, %lt3A_715 : vector<16xi32>
    %lt3A_717 = arith.constant 0 : i32
    %lt3A_718 = arith.cmpi slt, %select_n3A_708, %lt3A_717 : i32
    %ne3A_719 = vector.broadcast %lt3A_718 : i1 to vector<16xi1>
    %ne3A_720 = vector.broadcast %ne3A_719 : vector<16xi1> to vector<16xi1>
    %ne3A_721 = arith.xori %lt3A_716, %ne3A_720 : vector<16xi1>
    %and3A_722 = arith.andi %ne3A_721, %ne3A_713 : vector<16xi1>
    %add3A_723 = vector.broadcast %select_n3A_708 : i32 to vector<16xi32>
    %add3A_724 = arith.addi %rem3A_710, %add3A_723 : vector<16xi32>
    %select_n3A_725 = arith.select %and3A_722, %add3A_724, %rem3A_710 : vector<16xi1>, vector<16xi32>
    %swap3A_726 = arith.constant 160 : index
    %swap3A_727 = tpu.vector_load %arg8[%swap3A_726] {strides = array<i32>} : memref<256xi32, #tpu.memory_space<vmem>>, vector<16xi32>,
    %swap3A_728 = vector.shape_cast %swap3A_727 : vector<16xi32> to vector<16xi32>
    %swap3A_729 = vector.shape_cast %select_n3A_725 : vector<16xi32> to vector<16xi32>
    tpu.vector_store %arg8[%swap3A_726], %swap3A_729 {strides = array<i32>} : memref<256xi32, #tpu.memory_space<vmem>>, vector<16xi32>,
    %get3A_730 = arith.constant 176 : index
    %get3A_731 = tpu.vector_load %arg7[%get3A_730] {strides = array<i32>} : memref<256xi32, #tpu.memory_space<vmem>>, vector<16xi32>,
    %get3A_732 = vector.shape_cast %get3A_731 : vector<16xi32> to vector<16xi32>
    %get3A_733 = arith.constant 176 : index
    %get3A_734 = tpu.vector_load %arg6[%get3A_733] {strides = array<i32>} : memref<256xi32, #tpu.memory_space<vmem>>, vector<16xi32>,
    %get3A_735 = vector.shape_cast %get3A_734 : vector<16xi32> to vector<16xi32>
    %mul3A_736 = arith.constant 92 : i32
    %mul3A_737 = vector.broadcast %mul3A_736 : i32 to vector<16xi32>
    %mul3A_738 = arith.muli %get3A_732, %mul3A_737 : vector<16xi32>
    %jit3A_739 = arith.constant 100000 : i64
    %convert_element_type3A_740 = arith.trunci %jit3A_739 : i64 to i32
    %eq3A_741 = arith.constant 0 : i32
    %eq3A_742 = arith.cmpi eq, %convert_element_type3A_740, %eq3A_741 : i32
    %jit3A_743 = arith.constant 1 : i32
    %select_n3A_744 = arith.select %eq3A_742, %jit3A_743, %convert_element_type3A_740 : i32
    %rem3A_745 = vector.broadcast %select_n3A_744 : i32 to vector<16xi32>
    %rem3A_746 = arith.remsi %mul3A_738, %rem3A_745 : vector<16xi32>
    %ne3A_747 = arith.constant 0 : i32
    %ne3A_748 = vector.broadcast %ne3A_747 : i32 to vector<16xi32>
    %ne3A_749 = arith.cmpi ne, %rem3A_746, %ne3A_748 : vector<16xi32>
    %lt3A_750 = arith.constant 0 : i32
    %lt3A_751 = vector.broadcast %lt3A_750 : i32 to vector<16xi32>
    %lt3A_752 = arith.cmpi slt, %rem3A_746, %lt3A_751 : vector<16xi32>
    %lt3A_753 = arith.constant 0 : i32
    %lt3A_754 = arith.cmpi slt, %select_n3A_744, %lt3A_753 : i32
    %ne3A_755 = vector.broadcast %lt3A_754 : i1 to vector<16xi1>
    %ne3A_756 = vector.broadcast %ne3A_755 : vector<16xi1> to vector<16xi1>
    %ne3A_757 = arith.xori %lt3A_752, %ne3A_756 : vector<16xi1>
    %and3A_758 = arith.andi %ne3A_757, %ne3A_749 : vector<16xi1>
    %add3A_759 = vector.broadcast %select_n3A_744 : i32 to vector<16xi32>
    %add3A_760 = arith.addi %rem3A_746, %add3A_759 : vector<16xi32>
    %select_n3A_761 = arith.select %and3A_758, %add3A_760, %rem3A_746 : vector<16xi1>, vector<16xi32>
    %mul3A_762 = arith.constant 1000 : i32
    %mul3A_763 = vector.broadcast %mul3A_762 : i32 to vector<16xi32>
    %mul3A_764 = arith.muli %select_n3A_761, %mul3A_763 : vector<16xi32>
    %mul3A_765 = arith.constant 821 : i32
    %mul3A_766 = vector.broadcast %mul3A_765 : i32 to vector<16xi32>
    %mul3A_767 = arith.muli %get3A_732, %mul3A_766 : vector<16xi32>
    %add3A_768 = arith.addi %mul3A_764, %mul3A_767 : vector<16xi32>
    %add3A_769 = arith.addi %add3A_768, %get3A_735 : vector<16xi32>
    %jit3A_770 = arith.constant 100000 : i64
    %convert_element_type3A_771 = arith.trunci %jit3A_770 : i64 to i32
    %eq3A_772 = arith.constant 0 : i32
    %eq3A_773 = arith.cmpi eq, %convert_element_type3A_771, %eq3A_772 : i32
    %jit3A_774 = arith.constant 1 : i32
    %select_n3A_775 = arith.select %eq3A_773, %jit3A_774, %convert_element_type3A_771 : i32
    %rem3A_776 = vector.broadcast %select_n3A_775 : i32 to vector<16xi32>
    %rem3A_777 = arith.remsi %add3A_769, %rem3A_776 : vector<16xi32>
    %ne3A_778 = arith.constant 0 : i32
    %ne3A_779 = vector.broadcast %ne3A_778 : i32 to vector<16xi32>
    %ne3A_780 = arith.cmpi ne, %rem3A_777, %ne3A_779 : vector<16xi32>
    %lt3A_781 = arith.constant 0 : i32
    %lt3A_782 = vector.broadcast %lt3A_781 : i32 to vector<16xi32>
    %lt3A_783 = arith.cmpi slt, %rem3A_777, %lt3A_782 : vector<16xi32>
    %lt3A_784 = arith.constant 0 : i32
    %lt3A_785 = arith.cmpi slt, %select_n3A_775, %lt3A_784 : i32
    %ne3A_786 = vector.broadcast %lt3A_785 : i1 to vector<16xi1>
    %ne3A_787 = vector.broadcast %ne3A_786 : vector<16xi1> to vector<16xi1>
    %ne3A_788 = arith.xori %lt3A_783, %ne3A_787 : vector<16xi1>
    %and3A_789 = arith.andi %ne3A_788, %ne3A_780 : vector<16xi1>
    %add3A_790 = vector.broadcast %select_n3A_775 : i32 to vector<16xi32>
    %add3A_791 = arith.addi %rem3A_777, %add3A_790 : vector<16xi32>
    %select_n3A_792 = arith.select %and3A_789, %add3A_791, %rem3A_777 : vector<16xi1>, vector<16xi32>
    %swap3A_793 = arith.constant 176 : index
    %swap3A_794 = tpu.vector_load %arg8[%swap3A_793] {strides = array<i32>} : memref<256xi32, #tpu.memory_space<vmem>>, vector<16xi32>,
    %swap3A_795 = vector.shape_cast %swap3A_794 : vector<16xi32> to vector<16xi32>
    %swap3A_796 = vector.shape_cast %select_n3A_792 : vector<16xi32> to vector<16xi32>
    tpu.vector_store %arg8[%swap3A_793], %swap3A_796 {strides = array<i32>} : memref<256xi32, #tpu.memory_space<vmem>>, vector<16xi32>,
    %get3A_797 = arith.constant 192 : index
    %get3A_798 = tpu.vector_load %arg7[%get3A_797] {strides = array<i32>} : memref<256xi32, #tpu.memory_space<vmem>>, vector<16xi32>,
    %get3A_799 = vector.shape_cast %get3A_798 : vector<16xi32> to vector<16xi32>
    %get3A_800 = arith.constant 192 : index
    %get3A_801 = tpu.vector_load %arg6[%get3A_800] {strides = array<i32>} : memref<256xi32, #tpu.memory_space<vmem>>, vector<16xi32>,
    %get3A_802 = vector.shape_cast %get3A_801 : vector<16xi32> to vector<16xi32>
    %mul3A_803 = arith.constant 92 : i32
    %mul3A_804 = vector.broadcast %mul3A_803 : i32 to vector<16xi32>
    %mul3A_805 = arith.muli %get3A_799, %mul3A_804 : vector<16xi32>
    %jit3A_806 = arith.constant 100000 : i64
    %convert_element_type3A_807 = arith.trunci %jit3A_806 : i64 to i32
    %eq3A_808 = arith.constant 0 : i32
    %eq3A_809 = arith.cmpi eq, %convert_element_type3A_807, %eq3A_808 : i32
    %jit3A_810 = arith.constant 1 : i32
    %select_n3A_811 = arith.select %eq3A_809, %jit3A_810, %convert_element_type3A_807 : i32
    %rem3A_812 = vector.broadcast %select_n3A_811 : i32 to vector<16xi32>
    %rem3A_813 = arith.remsi %mul3A_805, %rem3A_812 : vector<16xi32>
    %ne3A_814 = arith.constant 0 : i32
    %ne3A_815 = vector.broadcast %ne3A_814 : i32 to vector<16xi32>
    %ne3A_816 = arith.cmpi ne, %rem3A_813, %ne3A_815 : vector<16xi32>
    %lt3A_817 = arith.constant 0 : i32
    %lt3A_818 = vector.broadcast %lt3A_817 : i32 to vector<16xi32>
    %lt3A_819 = arith.cmpi slt, %rem3A_813, %lt3A_818 : vector<16xi32>
    %lt3A_820 = arith.constant 0 : i32
    %lt3A_821 = arith.cmpi slt, %select_n3A_811, %lt3A_820 : i32
    %ne3A_822 = vector.broadcast %lt3A_821 : i1 to vector<16xi1>
    %ne3A_823 = vector.broadcast %ne3A_822 : vector<16xi1> to vector<16xi1>
    %ne3A_824 = arith.xori %lt3A_819, %ne3A_823 : vector<16xi1>
    %and3A_825 = arith.andi %ne3A_824, %ne3A_816 : vector<16xi1>
    %add3A_826 = vector.broadcast %select_n3A_811 : i32 to vector<16xi32>
    %add3A_827 = arith.addi %rem3A_813, %add3A_826 : vector<16xi32>
    %select_n3A_828 = arith.select %and3A_825, %add3A_827, %rem3A_813 : vector<16xi1>, vector<16xi32>
    %mul3A_829 = arith.constant 1000 : i32
    %mul3A_830 = vector.broadcast %mul3A_829 : i32 to vector<16xi32>
    %mul3A_831 = arith.muli %select_n3A_828, %mul3A_830 : vector<16xi32>
    %mul3A_832 = arith.constant 821 : i32
    %mul3A_833 = vector.broadcast %mul3A_832 : i32 to vector<16xi32>
    %mul3A_834 = arith.muli %get3A_799, %mul3A_833 : vector<16xi32>
    %add3A_835 = arith.addi %mul3A_831, %mul3A_834 : vector<16xi32>
    %add3A_836 = arith.addi %add3A_835, %get3A_802 : vector<16xi32>
    %jit3A_837 = arith.constant 100000 : i64
    %convert_element_type3A_838 = arith.trunci %jit3A_837 : i64 to i32
    %eq3A_839 = arith.constant 0 : i32
    %eq3A_840 = arith.cmpi eq, %convert_element_type3A_838, %eq3A_839 : i32
    %jit3A_841 = arith.constant 1 : i32
    %select_n3A_842 = arith.select %eq3A_840, %jit3A_841, %convert_element_type3A_838 : i32
    %rem3A_843 = vector.broadcast %select_n3A_842 : i32 to vector<16xi32>
    %rem3A_844 = arith.remsi %add3A_836, %rem3A_843 : vector<16xi32>
    %ne3A_845 = arith.constant 0 : i32
    %ne3A_846 = vector.broadcast %ne3A_845 : i32 to vector<16xi32>
    %ne3A_847 = arith.cmpi ne, %rem3A_844, %ne3A_846 : vector<16xi32>
    %lt3A_848 = arith.constant 0 : i32
    %lt3A_849 = vector.broadcast %lt3A_848 : i32 to vector<16xi32>
    %lt3A_850 = arith.cmpi slt, %rem3A_844, %lt3A_849 : vector<16xi32>
    %lt3A_851 = arith.constant 0 : i32
    %lt3A_852 = arith.cmpi slt, %select_n3A_842, %lt3A_851 : i32
    %ne3A_853 = vector.broadcast %lt3A_852 : i1 to vector<16xi1>
    %ne3A_854 = vector.broadcast %ne3A_853 : vector<16xi1> to vector<16xi1>
    %ne3A_855 = arith.xori %lt3A_850, %ne3A_854 : vector<16xi1>
    %and3A_856 = arith.andi %ne3A_855, %ne3A_847 : vector<16xi1>
    %add3A_857 = vector.broadcast %select_n3A_842 : i32 to vector<16xi32>
    %add3A_858 = arith.addi %rem3A_844, %add3A_857 : vector<16xi32>
    %select_n3A_859 = arith.select %and3A_856, %add3A_858, %rem3A_844 : vector<16xi1>, vector<16xi32>
    %swap3A_860 = arith.constant 192 : index
    %swap3A_861 = tpu.vector_load %arg8[%swap3A_860] {strides = array<i32>} : memref<256xi32, #tpu.memory_space<vmem>>, vector<16xi32>,
    %swap3A_862 = vector.shape_cast %swap3A_861 : vector<16xi32> to vector<16xi32>
    %swap3A_863 = vector.shape_cast %select_n3A_859 : vector<16xi32> to vector<16xi32>
    tpu.vector_store %arg8[%swap3A_860], %swap3A_863 {strides = array<i32>} : memref<256xi32, #tpu.memory_space<vmem>>, vector<16xi32>,
    %get3A_864 = arith.constant 208 : index
    %get3A_865 = tpu.vector_load %arg7[%get3A_864] {strides = array<i32>} : memref<256xi32, #tpu.memory_space<vmem>>, vector<16xi32>,
    %get3A_866 = vector.shape_cast %get3A_865 : vector<16xi32> to vector<16xi32>
    %get3A_867 = arith.constant 208 : index
    %get3A_868 = tpu.vector_load %arg6[%get3A_867] {strides = array<i32>} : memref<256xi32, #tpu.memory_space<vmem>>, vector<16xi32>,
    %get3A_869 = vector.shape_cast %get3A_868 : vector<16xi32> to vector<16xi32>
    %mul3A_870 = arith.constant 92 : i32
    %mul3A_871 = vector.broadcast %mul3A_870 : i32 to vector<16xi32>
    %mul3A_872 = arith.muli %get3A_866, %mul3A_871 : vector<16xi32>
    %jit3A_873 = arith.constant 100000 : i64
    %convert_element_type3A_874 = arith.trunci %jit3A_873 : i64 to i32
    %eq3A_875 = arith.constant 0 : i32
    %eq3A_876 = arith.cmpi eq, %convert_element_type3A_874, %eq3A_875 : i32
    %jit3A_877 = arith.constant 1 : i32
    %select_n3A_878 = arith.select %eq3A_876, %jit3A_877, %convert_element_type3A_874 : i32
    %rem3A_879 = vector.broadcast %select_n3A_878 : i32 to vector<16xi32>
    %rem3A_880 = arith.remsi %mul3A_872, %rem3A_879 : vector<16xi32>
    %ne3A_881 = arith.constant 0 : i32
    %ne3A_882 = vector.broadcast %ne3A_881 : i32 to vector<16xi32>
    %ne3A_883 = arith.cmpi ne, %rem3A_880, %ne3A_882 : vector<16xi32>
    %lt3A_884 = arith.constant 0 : i32
    %lt3A_885 = vector.broadcast %lt3A_884 : i32 to vector<16xi32>
    %lt3A_886 = arith.cmpi slt, %rem3A_880, %lt3A_885 : vector<16xi32>
    %lt3A_887 = arith.constant 0 : i32
    %lt3A_888 = arith.cmpi slt, %select_n3A_878, %lt3A_887 : i32
    %ne3A_889 = vector.broadcast %lt3A_888 : i1 to vector<16xi1>
    %ne3A_890 = vector.broadcast %ne3A_889 : vector<16xi1> to vector<16xi1>
    %ne3A_891 = arith.xori %lt3A_886, %ne3A_890 : vector<16xi1>
    %and3A_892 = arith.andi %ne3A_891, %ne3A_883 : vector<16xi1>
    %add3A_893 = vector.broadcast %select_n3A_878 : i32 to vector<16xi32>
    %add3A_894 = arith.addi %rem3A_880, %add3A_893 : vector<16xi32>
    %select_n3A_895 = arith.select %and3A_892, %add3A_894, %rem3A_880 : vector<16xi1>, vector<16xi32>
    %mul3A_896 = arith.constant 1000 : i32
    %mul3A_897 = vector.broadcast %mul3A_896 : i32 to vector<16xi32>
    %mul3A_898 = arith.muli %select_n3A_895, %mul3A_897 : vector<16xi32>
    %mul3A_899 = arith.constant 821 : i32
    %mul3A_900 = vector.broadcast %mul3A_899 : i32 to vector<16xi32>
    %mul3A_901 = arith.muli %get3A_866, %mul3A_900 : vector<16xi32>
    %add3A_902 = arith.addi %mul3A_898, %mul3A_901 : vector<16xi32>
    %add3A_903 = arith.addi %add3A_902, %get3A_869 : vector<16xi32>
    %jit3A_904 = arith.constant 100000 : i64
    %convert_element_type3A_905 = arith.trunci %jit3A_904 : i64 to i32
    %eq3A_906 = arith.constant 0 : i32
    %eq3A_907 = arith.cmpi eq, %convert_element_type3A_905, %eq3A_906 : i32
    %jit3A_908 = arith.constant 1 : i32
    %select_n3A_909 = arith.select %eq3A_907, %jit3A_908, %convert_element_type3A_905 : i32
    %rem3A_910 = vector.broadcast %select_n3A_909 : i32 to vector<16xi32>
    %rem3A_911 = arith.remsi %add3A_903, %rem3A_910 : vector<16xi32>
    %ne3A_912 = arith.constant 0 : i32
    %ne3A_913 = vector.broadcast %ne3A_912 : i32 to vector<16xi32>
    %ne3A_914 = arith.cmpi ne, %rem3A_911, %ne3A_913 : vector<16xi32>
    %lt3A_915 = arith.constant 0 : i32
    %lt3A_916 = vector.broadcast %lt3A_915 : i32 to vector<16xi32>
    %lt3A_917 = arith.cmpi slt, %rem3A_911, %lt3A_916 : vector<16xi32>
    %lt3A_918 = arith.constant 0 : i32
    %lt3A_919 = arith.cmpi slt, %select_n3A_909, %lt3A_918 : i32
    %ne3A_920 = vector.broadcast %lt3A_919 : i1 to vector<16xi1>
    %ne3A_921 = vector.broadcast %ne3A_920 : vector<16xi1> to vector<16xi1>
    %ne3A_922 = arith.xori %lt3A_917, %ne3A_921 : vector<16xi1>
    %and3A_923 = arith.andi %ne3A_922, %ne3A_914 : vector<16xi1>
    %add3A_924 = vector.broadcast %select_n3A_909 : i32 to vector<16xi32>
    %add3A_925 = arith.addi %rem3A_911, %add3A_924 : vector<16xi32>
    %select_n3A_926 = arith.select %and3A_923, %add3A_925, %rem3A_911 : vector<16xi1>, vector<16xi32>
    %swap3A_927 = arith.constant 208 : index
    %swap3A_928 = tpu.vector_load %arg8[%swap3A_927] {strides = array<i32>} : memref<256xi32, #tpu.memory_space<vmem>>, vector<16xi32>,
    %swap3A_929 = vector.shape_cast %swap3A_928 : vector<16xi32> to vector<16xi32>
    %swap3A_930 = vector.shape_cast %select_n3A_926 : vector<16xi32> to vector<16xi32>
    tpu.vector_store %arg8[%swap3A_927], %swap3A_930 {strides = array<i32>} : memref<256xi32, #tpu.memory_space<vmem>>, vector<16xi32>,
    %get3A_931 = arith.constant 224 : index
    %get3A_932 = tpu.vector_load %arg7[%get3A_931] {strides = array<i32>} : memref<256xi32, #tpu.memory_space<vmem>>, vector<16xi32>,
    %get3A_933 = vector.shape_cast %get3A_932 : vector<16xi32> to vector<16xi32>
    %get3A_934 = arith.constant 224 : index
    %get3A_935 = tpu.vector_load %arg6[%get3A_934] {strides = array<i32>} : memref<256xi32, #tpu.memory_space<vmem>>, vector<16xi32>,
    %get3A_936 = vector.shape_cast %get3A_935 : vector<16xi32> to vector<16xi32>
    %mul3A_937 = arith.constant 92 : i32
    %mul3A_938 = vector.broadcast %mul3A_937 : i32 to vector<16xi32>
    %mul3A_939 = arith.muli %get3A_933, %mul3A_938 : vector<16xi32>
    %jit3A_940 = arith.constant 100000 : i64
    %convert_element_type3A_941 = arith.trunci %jit3A_940 : i64 to i32
    %eq3A_942 = arith.constant 0 : i32
    %eq3A_943 = arith.cmpi eq, %convert_element_type3A_941, %eq3A_942 : i32
    %jit3A_944 = arith.constant 1 : i32
    %select_n3A_945 = arith.select %eq3A_943, %jit3A_944, %convert_element_type3A_941 : i32
    %rem3A_946 = vector.broadcast %select_n3A_945 : i32 to vector<16xi32>
    %rem3A_947 = arith.remsi %mul3A_939, %rem3A_946 : vector<16xi32>
    %ne3A_948 = arith.constant 0 : i32
    %ne3A_949 = vector.broadcast %ne3A_948 : i32 to vector<16xi32>
    %ne3A_950 = arith.cmpi ne, %rem3A_947, %ne3A_949 : vector<16xi32>
    %lt3A_951 = arith.constant 0 : i32
    %lt3A_952 = vector.broadcast %lt3A_951 : i32 to vector<16xi32>
    %lt3A_953 = arith.cmpi slt, %rem3A_947, %lt3A_952 : vector<16xi32>
    %lt3A_954 = arith.constant 0 : i32
    %lt3A_955 = arith.cmpi slt, %select_n3A_945, %lt3A_954 : i32
    %ne3A_956 = vector.broadcast %lt3A_955 : i1 to vector<16xi1>
    %ne3A_957 = vector.broadcast %ne3A_956 : vector<16xi1> to vector<16xi1>
    %ne3A_958 = arith.xori %lt3A_953, %ne3A_957 : vector<16xi1>
    %and3A_959 = arith.andi %ne3A_958, %ne3A_950 : vector<16xi1>
    %add3A_960 = vector.broadcast %select_n3A_945 : i32 to vector<16xi32>
    %add3A_961 = arith.addi %rem3A_947, %add3A_960 : vector<16xi32>
    %select_n3A_962 = arith.select %and3A_959, %add3A_961, %rem3A_947 : vector<16xi1>, vector<16xi32>
    %mul3A_963 = arith.constant 1000 : i32
    %mul3A_964 = vector.broadcast %mul3A_963 : i32 to vector<16xi32>
    %mul3A_965 = arith.muli %select_n3A_962, %mul3A_964 : vector<16xi32>
    %mul3A_966 = arith.constant 821 : i32
    %mul3A_967 = vector.broadcast %mul3A_966 : i32 to vector<16xi32>
    %mul3A_968 = arith.muli %get3A_933, %mul3A_967 : vector<16xi32>
    %add3A_969 = arith.addi %mul3A_965, %mul3A_968 : vector<16xi32>
    %add3A_970 = arith.addi %add3A_969, %get3A_936 : vector<16xi32>
    %jit3A_971 = arith.constant 100000 : i64
    %convert_element_type3A_972 = arith.trunci %jit3A_971 : i64 to i32
    %eq3A_973 = arith.constant 0 : i32
    %eq3A_974 = arith.cmpi eq, %convert_element_type3A_972, %eq3A_973 : i32
    %jit3A_975 = arith.constant 1 : i32
    %select_n3A_976 = arith.select %eq3A_974, %jit3A_975, %convert_element_type3A_972 : i32
    %rem3A_977 = vector.broadcast %select_n3A_976 : i32 to vector<16xi32>
    %rem3A_978 = arith.remsi %add3A_970, %rem3A_977 : vector<16xi32>
    %ne3A_979 = arith.constant 0 : i32
    %ne3A_980 = vector.broadcast %ne3A_979 : i32 to vector<16xi32>
    %ne3A_981 = arith.cmpi ne, %rem3A_978, %ne3A_980 : vector<16xi32>
    %lt3A_982 = arith.constant 0 : i32
    %lt3A_983 = vector.broadcast %lt3A_982 : i32 to vector<16xi32>
    %lt3A_984 = arith.cmpi slt, %rem3A_978, %lt3A_983 : vector<16xi32>
    %lt3A_985 = arith.constant 0 : i32
    %lt3A_986 = arith.cmpi slt, %select_n3A_976, %lt3A_985 : i32
    %ne3A_987 = vector.broadcast %lt3A_986 : i1 to vector<16xi1>
    %ne3A_988 = vector.broadcast %ne3A_987 : vector<16xi1> to vector<16xi1>
    %ne3A_989 = arith.xori %lt3A_984, %ne3A_988 : vector<16xi1>
    %and3A_990 = arith.andi %ne3A_989, %ne3A_981 : vector<16xi1>
    %add3A_991 = vector.broadcast %select_n3A_976 : i32 to vector<16xi32>
    %add3A_992 = arith.addi %rem3A_978, %add3A_991 : vector<16xi32>
    %select_n3A_993 = arith.select %and3A_990, %add3A_992, %rem3A_978 : vector<16xi1>, vector<16xi32>
    %swap3A_994 = arith.constant 224 : index
    %swap3A_995 = tpu.vector_load %arg8[%swap3A_994] {strides = array<i32>} : memref<256xi32, #tpu.memory_space<vmem>>, vector<16xi32>,
    %swap3A_996 = vector.shape_cast %swap3A_995 : vector<16xi32> to vector<16xi32>
    %swap3A_997 = vector.shape_cast %select_n3A_993 : vector<16xi32> to vector<16xi32>
    tpu.vector_store %arg8[%swap3A_994], %swap3A_997 {strides = array<i32>} : memref<256xi32, #tpu.memory_space<vmem>>, vector<16xi32>,
    %get3A_998 = arith.constant 240 : index
    %get3A_999 = tpu.vector_load %arg7[%get3A_998] {strides = array<i32>} : memref<256xi32, #tpu.memory_space<vmem>>, vector<16xi32>,
    %get3A_1000 = vector.shape_cast %get3A_999 : vector<16xi32> to vector<16xi32>
    %get3A_1001 = arith.constant 240 : index
    %get3A_1002 = tpu.vector_load %arg6[%get3A_1001] {strides = array<i32>} : memref<256xi32, #tpu.memory_space<vmem>>, vector<16xi32>,
    %get3A_1003 = vector.shape_cast %get3A_1002 : vector<16xi32> to vector<16xi32>
    %mul3A_1004 = arith.constant 92 : i32
    %mul3A_1005 = vector.broadcast %mul3A_1004 : i32 to vector<16xi32>
    %mul3A_1006 = arith.muli %get3A_1000, %mul3A_1005 : vector<16xi32>
    %jit3A_1007 = arith.constant 100000 : i64
    %convert_element_type3A_1008 = arith.trunci %jit3A_1007 : i64 to i32
    %eq3A_1009 = arith.constant 0 : i32
    %eq3A_1010 = arith.cmpi eq, %convert_element_type3A_1008, %eq3A_1009 : i32
    %jit3A_1011 = arith.constant 1 : i32
    %select_n3A_1012 = arith.select %eq3A_1010, %jit3A_1011, %convert_element_type3A_1008 : i32
    %rem3A_1013 = vector.broadcast %select_n3A_1012 : i32 to vector<16xi32>
    %rem3A_1014 = arith.remsi %mul3A_1006, %rem3A_1013 : vector<16xi32>
    %ne3A_1015 = arith.constant 0 : i32
    %ne3A_1016 = vector.broadcast %ne3A_1015 : i32 to vector<16xi32>
    %ne3A_1017 = arith.cmpi ne, %rem3A_1014, %ne3A_1016 : vector<16xi32>
    %lt3A_1018 = arith.constant 0 : i32
    %lt3A_1019 = vector.broadcast %lt3A_1018 : i32 to vector<16xi32>
    %lt3A_1020 = arith.cmpi slt, %rem3A_1014, %lt3A_1019 : vector<16xi32>
    %lt3A_1021 = arith.constant 0 : i32
    %lt3A_1022 = arith.cmpi slt, %select_n3A_1012, %lt3A_1021 : i32
    %ne3A_1023 = vector.broadcast %lt3A_1022 : i1 to vector<16xi1>
    %ne3A_1024 = vector.broadcast %ne3A_1023 : vector<16xi1> to vector<16xi1>
    %ne3A_1025 = arith.xori %lt3A_1020, %ne3A_1024 : vector<16xi1>
    %and3A_1026 = arith.andi %ne3A_1025, %ne3A_1017 : vector<16xi1>
    %add3A_1027 = vector.broadcast %select_n3A_1012 : i32 to vector<16xi32>
    %add3A_1028 = arith.addi %rem3A_1014, %add3A_1027 : vector<16xi32>
    %select_n3A_1029 = arith.select %and3A_1026, %add3A_1028, %rem3A_1014 : vector<16xi1>, vector<16xi32>
    %mul3A_1030 = arith.constant 1000 : i32
    %mul3A_1031 = vector.broadcast %mul3A_1030 : i32 to vector<16xi32>
    %mul3A_1032 = arith.muli %select_n3A_1029, %mul3A_1031 : vector<16xi32>
    %mul3A_1033 = arith.constant 821 : i32
    %mul3A_1034 = vector.broadcast %mul3A_1033 : i32 to vector<16xi32>
    %mul3A_1035 = arith.muli %get3A_1000, %mul3A_1034 : vector<16xi32>
    %add3A_1036 = arith.addi %mul3A_1032, %mul3A_1035 : vector<16xi32>
    %add3A_1037 = arith.addi %add3A_1036, %get3A_1003 : vector<16xi32>
    %jit3A_1038 = arith.constant 100000 : i64
    %convert_element_type3A_1039 = arith.trunci %jit3A_1038 : i64 to i32
    %eq3A_1040 = arith.constant 0 : i32
    %eq3A_1041 = arith.cmpi eq, %convert_element_type3A_1039, %eq3A_1040 : i32
    %jit3A_1042 = arith.constant 1 : i32
    %select_n3A_1043 = arith.select %eq3A_1041, %jit3A_1042, %convert_element_type3A_1039 : i32
    %rem3A_1044 = vector.broadcast %select_n3A_1043 : i32 to vector<16xi32>
    %rem3A_1045 = arith.remsi %add3A_1037, %rem3A_1044 : vector<16xi32>
    %ne3A_1046 = arith.constant 0 : i32
    %ne3A_1047 = vector.broadcast %ne3A_1046 : i32 to vector<16xi32>
    %ne3A_1048 = arith.cmpi ne, %rem3A_1045, %ne3A_1047 : vector<16xi32>
    %lt3A_1049 = arith.constant 0 : i32
    %lt3A_1050 = vector.broadcast %lt3A_1049 : i32 to vector<16xi32>
    %lt3A_1051 = arith.cmpi slt, %rem3A_1045, %lt3A_1050 : vector<16xi32>
    %lt3A_1052 = arith.constant 0 : i32
    %lt3A_1053 = arith.cmpi slt, %select_n3A_1043, %lt3A_1052 : i32
    %ne3A_1054 = vector.broadcast %lt3A_1053 : i1 to vector<16xi1>
    %ne3A_1055 = vector.broadcast %ne3A_1054 : vector<16xi1> to vector<16xi1>
    %ne3A_1056 = arith.xori %lt3A_1051, %ne3A_1055 : vector<16xi1>
    %and3A_1057 = arith.andi %ne3A_1056, %ne3A_1048 : vector<16xi1>
    %add3A_1058 = vector.broadcast %select_n3A_1043 : i32 to vector<16xi32>
    %add3A_1059 = arith.addi %rem3A_1045, %add3A_1058 : vector<16xi32>
    %select_n3A_1060 = arith.select %and3A_1057, %add3A_1059, %rem3A_1045 : vector<16xi1>, vector<16xi32>
    %swap3A_1061 = arith.constant 240 : index
    %swap3A_1062 = tpu.vector_load %arg8[%swap3A_1061] {strides = array<i32>} : memref<256xi32, #tpu.memory_space<vmem>>, vector<16xi32>,
    %swap3A_1063 = vector.shape_cast %swap3A_1062 : vector<16xi32> to vector<16xi32>
    %swap3A_1064 = vector.shape_cast %select_n3A_1060 : vector<16xi32> to vector<16xi32>
    tpu.vector_store %arg8[%swap3A_1061], %swap3A_1064 {strides = array<i32>} : memref<256xi32, #tpu.memory_space<vmem>>, vector<16xi32>,
    %dma_start3A = arith.constant 0 : i32
    %dma_start3A_1065 = arith.constant 0 : i32
    %dma_start3A_1066 = tpu.memref_slice %arg9[%dma_start3A, %dma_start3A_1065] : memref<256x128xf32, #tpu.memory_space<vmem>> -> memref<128x128xf32, #tpu.memory_space<vmem>>
    %dma_start3A_1067 = arith.constant 0 : i32
    %dma_start3A_1068 = tpu.memref_slice %arg8[%dma_start3A_1067] : memref<256xi32, #tpu.memory_space<vmem>> -> memref<128xi32, #tpu.memory_space<vmem>>
    %dma_start3A_1069 = arith.constant 0 : i32
    %dma_start3A_1070 = arith.constant 0 : i32
    %dma_start3A_1071 = tpu.memref_slice %arg4[%dma_start3A_1069, %dma_start3A_1070] : memref<100000x128xf32, #tpu.memory_space<hbm>> -> memref<100000x128xf32, #tpu.memory_space<hbm>>
    tpu.enqueue_indirect_dma source(%dma_start3A_1071 : memref<100000x128xf32, #tpu.memory_space<hbm>>) target(%dma_start3A_1066 : memref<128x128xf32, #tpu.memory_space<vmem>>) offsets(%dma_start3A_1068 : memref<128xi32, #tpu.memory_space<vmem>>) semaphore(%arg10 : memref<!tpu.dma_semaphore, #tpu.memory_space<semaphore_mem>>)
    %dma_start3A_1072 = arith.constant 128 : i32
    %dma_start3A_1073 = arith.constant 0 : i32
    %dma_start3A_1074 = tpu.memref_slice %arg9[%dma_start3A_1072, %dma_start3A_1073] : memref<256x128xf32, #tpu.memory_space<vmem>> -> memref<128x128xf32, #tpu.memory_space<vmem>>
    %dma_start3A_1075 = arith.constant 128 : i32
    %dma_start3A_1076 = tpu.memref_slice %arg8[%dma_start3A_1075] : memref<256xi32, #tpu.memory_space<vmem>> -> memref<128xi32, #tpu.memory_space<vmem>>
    %dma_start3A_1077 = arith.constant 0 : i32
    %dma_start3A_1078 = arith.constant 0 : i32
    %dma_start3A_1079 = tpu.memref_slice %arg4[%dma_start3A_1077, %dma_start3A_1078] : memref<100000x128xf32, #tpu.memory_space<hbm>> -> memref<100000x128xf32, #tpu.memory_space<hbm>>
    tpu.enqueue_indirect_dma source(%dma_start3A_1079 : memref<100000x128xf32, #tpu.memory_space<hbm>>) target(%dma_start3A_1074 : memref<128x128xf32, #tpu.memory_space<vmem>>) offsets(%dma_start3A_1076 : memref<128xi32, #tpu.memory_space<vmem>>) semaphore(%arg10 : memref<!tpu.dma_semaphore, #tpu.memory_space<semaphore_mem>>)
    %dma_wait3A = arith.constant 0 : i32
    %dma_wait3A_1080 = arith.constant 0 : i32
    %dma_wait3A_1081 = tpu.memref_slice %arg9[%dma_wait3A, %dma_wait3A_1080] : memref<256x128xf32, #tpu.memory_space<vmem>> -> memref<128x128xf32, #tpu.memory_space<vmem>>
    %dma_wait3A_1082 = arith.constant 0 : i32
    %dma_wait3A_1083 = tpu.memref_slice %arg8[%dma_wait3A_1082] : memref<256xi32, #tpu.memory_space<vmem>> -> memref<128xi32, #tpu.memory_space<vmem>>
    %dma_wait3A_1084 = arith.constant 0 : i32
    %dma_wait3A_1085 = arith.constant 0 : i32
    %dma_wait3A_1086 = tpu.memref_slice %arg4[%dma_wait3A_1084, %dma_wait3A_1085] : memref<100000x128xf32, #tpu.memory_space<hbm>> -> memref<100000x128xf32, #tpu.memory_space<hbm>>
    tpu.wait_indirect_dma semaphore(%arg10 : memref<!tpu.dma_semaphore, #tpu.memory_space<semaphore_mem>>) src(%dma_wait3A_1086 : memref<100000x128xf32, #tpu.memory_space<hbm>>) dst(%dma_wait3A_1081 : memref<128x128xf32, #tpu.memory_space<vmem>>)
    %dma_wait3A_1087 = arith.constant 128 : i32
    %dma_wait3A_1088 = arith.constant 0 : i32
    %dma_wait3A_1089 = tpu.memref_slice %arg9[%dma_wait3A_1087, %dma_wait3A_1088] : memref<256x128xf32, #tpu.memory_space<vmem>> -> memref<128x128xf32, #tpu.memory_space<vmem>>
    %dma_wait3A_1090 = arith.constant 128 : i32
    %dma_wait3A_1091 = tpu.memref_slice %arg8[%dma_wait3A_1090] : memref<256xi32, #tpu.memory_space<vmem>> -> memref<128xi32, #tpu.memory_space<vmem>>
    %dma_wait3A_1092 = arith.constant 0 : i32
    %dma_wait3A_1093 = arith.constant 0 : i32
    %dma_wait3A_1094 = tpu.memref_slice %arg4[%dma_wait3A_1092, %dma_wait3A_1093] : memref<100000x128xf32, #tpu.memory_space<hbm>> -> memref<100000x128xf32, #tpu.memory_space<hbm>>
    tpu.wait_indirect_dma semaphore(%arg10 : memref<!tpu.dma_semaphore, #tpu.memory_space<semaphore_mem>>) src(%dma_wait3A_1094 : memref<100000x128xf32, #tpu.memory_space<hbm>>) dst(%dma_wait3A_1089 : memref<128x128xf32, #tpu.memory_space<vmem>>)
    "tpu.region"() ({
      %run_scoped3A = tpu.sem_alloc : memref<!tpu.dma_semaphore, #tpu.memory_space<semaphore_mem>>
      %dma_start3A_1095 = arith.constant 0 : i32
      %dma_start3A_1096 = tpu.memref_slice %arg5[%mul3A_2, %dma_start3A_1095] : memref<8192x128xf32, #tpu.memory_space<hbm>> -> memref<256x128xf32, #tpu.memory_space<hbm>>
      %dma_start3A_1097 = arith.constant 0 : i32
      %dma_start3A_1098 = tpu.memref_slice %arg5[%mul3A_2, %dma_start3A_1097] : memref<8192x128xf32, #tpu.memory_space<hbm>> -> memref<256x128xf32, #tpu.memory_space<hbm>>
      tpu.enqueue_dma source(%arg9 : memref<256x128xf32, #tpu.memory_space<vmem>>) target(%dma_start3A_1098 : memref<256x128xf32, #tpu.memory_space<hbm>>) target_semaphore(%run_scoped3A : memref<!tpu.dma_semaphore, #tpu.memory_space<semaphore_mem>>)
      %dma_wait3A_1099 = arith.constant 0 : i32
      %dma_wait3A_1100 = tpu.memref_slice %arg5[%mul3A_2, %dma_wait3A_1099] : memref<8192x128xf32, #tpu.memory_space<hbm>> -> memref<256x128xf32, #tpu.memory_space<hbm>>
      %dma_wait3A_1101 = arith.constant 0 : i32
      %dma_wait3A_1102 = tpu.memref_slice %arg5[%mul3A_2, %dma_wait3A_1101] : memref<8192x128xf32, #tpu.memory_space<hbm>> -> memref<256x128xf32, #tpu.memory_space<hbm>>
      tpu.wait_dma2 semaphore(%run_scoped3A : memref<!tpu.dma_semaphore, #tpu.memory_space<semaphore_mem>>) src(%arg9 : memref<256x128xf32, #tpu.memory_space<vmem>>) dst(%dma_wait3A_1102 : memref<256x128xf32, #tpu.memory_space<hbm>>)
      tpu.yield
    }) : () -> ()
    return
  }
}

module attributes {stable_mosaic.version = 14 : i64} {
  func.func @_tc_matmul_body(%arg0: i32, %arg1: memref<1024x128xf32, #tpu.memory_space<vmem>>, %arg2: memref<1024x128xf32, #tpu.memory_space<vmem>>, %arg3: memref<1024x1024xf32, #tpu.memory_space<vmem>>) attributes {dimension_semantics = [#tpu.dimension_semantics<arbitrary>], iteration_bounds = array<i64: 8>, scalar_prefetch = 0 : i64, scratch_operands = 0 : i64, tpu.core_type = #tpu.core_type<tc>, window_params = [{transform_indices = @transform_0, window_bounds = array<i64: 1024, 128>}, {pipeline_mode = #tpu.pipeline_mode<synchronous>, transform_indices = @transform_1, window_bounds = array<i64: 1024, 128>}, {transform_indices = @transform_2, window_bounds = array<i64: 1024, 1024>}]} {
    %get3A = arith.constant 0 : index
    %get3A_0 = arith.constant 0 : index
    %get3A_1 = vector.load %arg1[%get3A, %get3A_0] : memref<1024x128xf32, #tpu.memory_space<vmem>>, vector<1024x128xf32>
    %get3A_2 = arith.constant 0 : index
    %get3A_3 = arith.constant 0 : index
    %get3A_4 = vector.load %arg2[%get3A_2, %get3A_3] : memref<1024x128xf32, #tpu.memory_space<vmem>>, vector<1024x128xf32>
    %dot_general3A = arith.constant dense<0.000000e+00> : vector<1024x1024xf32>
    %dot_general3A_5 = tpu.matmul %get3A_1, %get3A_4, %dot_general3A {dimension_numbers = #tpu.dot_dimension_numbers<[1], [1], [0], [0], [0, 0, 1, 0], [], []>, transpose_lhs_hint = false} : vector<1024x128xf32>, vector<1024x128xf32>, vector<1024x1024xf32> -> vector<1024x1024xf32>
    %swap3A = arith.constant 0 : index
    %swap3A_6 = arith.constant 0 : index
    %swap3A_7 = vector.load %arg3[%swap3A, %swap3A_6] : memref<1024x1024xf32, #tpu.memory_space<vmem>>, vector<1024x1024xf32>
    tpu.vector_store %arg3[%swap3A, %swap3A_6], %dot_general3A_5 {strides = array<i32>} : memref<1024x1024xf32, #tpu.memory_space<vmem>>, vector<1024x1024xf32>,
    return
  }
  func.func @transform_0(%arg0: i32) -> (i32, i32) {
    %c0_i32 = arith.constant 0 : i32
    %c0_i32_0 = arith.constant 0 : i32
    return %arg0, %c0_i32 : i32, i32
  }
  func.func @transform_1(%arg0: i32) -> (i32, i32) {
    %c0_i32 = arith.constant 0 : i32
    %c0_i32_0 = arith.constant 0 : i32
    %c0_i32_1 = arith.constant 0 : i32
    return %c0_i32, %c0_i32_0 : i32, i32
  }
  func.func @transform_2(%arg0: i32) -> (i32, i32) {
    %c0_i32 = arith.constant 0 : i32
    %c0_i32_0 = arith.constant 0 : i32
    return %arg0, %c0_i32 : i32, i32
  }
}

</mosaic_0001>

<sc_bundles>
// kernel: kernel.4.cloned.1.call-start
scs
__scs_entry_jumppad:
0x0: {  	(pc) =	sbr.rel $0x88, $3  }
0x1: {  	(tag) =	ssettag $0x0;
	lr =	simm.s32 $0x1  }
0x2: {  	[smem:$0x3F9E] =	sst lr;
	_ =	strace $0xD0000000  }
0x3: {  	_ = 	snop  }
0x4: {  	_ = 	snop  }
0x5: {  	_ = 	snop  }
0x6: {  	_ = 	snop  }
0x7: {  	_ = 	snop  }
__scs_overlays_trampoline_lowered:
0x8: {  	[smem:$0x3FAD] =	sst s0  }
0x9: {  	[smem:$0x3FAE] =	sst s1  }
0xa: {  	[smem:$0x3FAF] =	sst s2  }
0xb: {  	[smem:$0x3FB0] =	sst s3  }
0xc: {  	[smem:$0x3FB1] =	sst s4  }
0xd: {  	[smem:$0x3FB2] =	sst s5  }
0xe: {  	[smem:$0x3FB3] =	sst s6  }
0xf: {  	[smem:$0x3FB4] =	sst s7  }
0x10: {  	[smem:$0x3FB5] =	sst s8  }
0x11: {  	[smem:$0x3FB6] =	sst s9;
	s0 =	simm.s32 @!p0 $0x0  }
0x12: {  	s1 =	sld [smem:$0x3F9C];
	s0 =	simm.s32 @p0 $0x1  }
0x13: {  	[smem:$0x3FB7] =	sst s0;
	s0 =	simm.s32 @!p1 $0x0  }
0x14: {  	s2 =	sld [smem:$0x3F9B];
	s0 =	simm.s32 @p1 $0x1  }
0x15: {  	[smem:$0x3FB8] =	sst s0;
	s0 =	simm.s32 @!p2 $0x0  }
0x16: {  	s3 =	sld [smem:$0x3FDB];
	s0 =	simm.s32 @p2 $0x1  }
0x17: {  	s4 =	simm.s32 $0x1BF5;
	[smem:$0x3FBA] =	sst s0  }
0x18: {  	s0 =	sld [smem:$0x3F9D];
	_ =	swait.ge [sflag:s4], $0x0  }
0x19: {  	s7 =	sld [smem:$0x3F9E]  }
0x1a: {  	s8 =	sadd.s32 $0xFFFFE003, lr  }
0x1b: {  	s9 =	sadd.s32 $0xFFFFFEF7, lr;
	s5 =	simm.s32 $0xFFFFFFFF;
	p2 =	slt.u32 s8, $0xFFFFF086  }
0x1c: {  	p1 =	slt.u32 s9, $0xF7A;
	s5 =	simm.s32 @!p2 $0x0  }
0x1d: {  	s5 =	simm.s32 @p1 $0x1;
	p0 =	seq.s32 s7, s2  }
0x1e: {  	s7 =	smul.u32 @!p0 $0xF7A, s2;
	p2 =	seq.s32 @!p0 s5, $0x0  }
0x1f: {  	s9 =	smul.u32 $0xF7A, s1;
	s8 =	simm.s32 @!p0 $0x1BF5;
	p2 =	por !p2, p0  }
0x20: {  	[sflag:s8] =	ssyncset.s32 @!p0 $0xFFFFF086;
	s6 =	sadd.s32 @!p0 s3, s7;
	s7 =	simm.s32 @!p0 $0x108  }
0x21: {  	s3 =	sadd.s32 s3, s9;
	s6 =	sadd.s32 @!p0 $0x88, s6;
	s7 =	simm.s32 @p2 $0x1082  }
0x22: {  	[simem:s7], [sflag:s8] =	dma.local @!p0 [hbm:s6], $0xF7A  }
0x23: {  	s9 =	sor.u32 $0xD0000000, s2;
	s6 =	simm.s32 $0x108;
	_ =	swait.ge @!p0 [sflag:s8], $0x0  }
0x24: {  	s3 =	sadd.s32 $0x88, s3;
	s6 =	simm.s32 @!p1 $0x1082;
	[sflag:s4] =	ssyncset.s32 $0xFFFFF086  }
0x25: {  	[simem:s6], [sflag:s4] =	dma.local [hbm:s3], $0xF7A  }
0x26: {  	[smem:$0x3F9E] =	sst s1;
	(tag) =	ssettag s2;
	_ =	strace s9  }
0x27: {  	s1 =	sld [smem:$0x3FAE]  }
0x28: {  	s2 =	sld [smem:$0x3FAF]  }
0x29: {  	s4 =	sld [smem:$0x3FB1]  }
0x2a: {  	p0 =	seq.s32 s5, $0x0;
	s5 =	sld [smem:$0x3FB2]  }
0x2b: {  	s6 =	sld [smem:$0x3FB3]  }
0x2c: {  	s7 =	sld [smem:$0x3FB4]  }
0x2d: {  	s3 =	simm.s32 $0x108;
	s8 =	sld [smem:$0x3FB5]  }
0x2e: {  	s3 =	simm.s32 @!p0 $0x1082;
	s9 =	sld [smem:$0x3FB6]  }
0x2f: {  	lr =	sadd.s32 s0, s3;
	s0 =	sld [smem:$0x3FAD]  }
0x30: {  	s3 =	sld [smem:$0x3FB0]  }
0x31: {  	[smem:$0x3FB9] =	sst s10  }
0x32: {  	s10 =	sld [smem:$0x3FB7];
	_ =	sdelay $0x3  }
0x33: {  	p0 =	seq.s32 s10, $0x1;
	s10 =	sld [smem:$0x3FB9];
	_ =	sdelay $0x3  }
0x34: {  	[smem:$0x3FB9] =	sst s10  }
0x35: {  	s10 =	sld [smem:$0x3FB8];
	_ =	sdelay $0x3  }
0x36: {  	p1 =	seq.s32 s10, $0x1;
	s10 =	sld [smem:$0x3FB9];
	_ =	sdelay $0x3  }
0x37: {  	[smem:$0x3FB9] =	sst s10  }
0x38: {  	s10 =	sld [smem:$0x3FBA]  }
0x39: {  	_ = 	snop;
	(pc) =	sbr.ind lr, $3  }
0x3a: {  	_ = 	snop  }
0x3b: {  	_ = 	snop  }
0x3c: {  	p2 =	seq.s32 s10, $0x1;
	s10 =	sld [smem:$0x3FB9]  }
0x3d: {  	_ =	shalt  }
0x3e: {  	_ =	shalt  }
0x3f: {  	_ =	shalt  }
0x40: {  	_ =	shalt  }
0x41: {  	_ =	shalt  }
0x42: {  	_ =	shalt  }
0x43: {  	_ =	shalt  }
0x44: {  	_ =	shalt  }
0x45: {  	_ =	shalt  }
0x46: {  	_ =	shalt  }
0x47: {  	_ =	shalt  }
0x48: {  	_ =	shalt  }
0x49: {  	_ =	shalt  }
0x4a: {  	_ =	shalt  }
0x4b: {  	_ =	shalt  }
0x4c: {  	_ =	shalt  }
0x4d: {  	_ =	shalt  }
0x4e: {  	_ =	shalt  }
0x4f: {  	_ =	shalt  }
0x50: {  	_ =	shalt  }
0x51: {  	_ =	shalt  }
0x52: {  	_ =	shalt  }
0x53: {  	_ =	shalt  }
0x54: {  	_ =	shalt  }
0x55: {  	_ =	shalt  }
0x56: {  	_ =	shalt  }
0x57: {  	_ =	shalt  }
0x58: {  	_ =	shalt  }
0x59: {  	_ =	shalt  }
0x5a: {  	_ =	shalt  }
0x5b: {  	_ =	shalt  }
0x5c: {  	_ =	shalt  }
0x5d: {  	_ =	shalt  }
0x5e: {  	_ =	shalt  }
0x5f: {  	_ =	shalt  }
0x60: {  	_ =	shalt  }
0x61: {  	_ =	shalt  }
0x62: {  	_ =	shalt  }
0x63: {  	_ =	shalt  }
0x64: {  	_ =	shalt  }
0x65: {  	_ =	shalt  }
0x66: {  	_ =	shalt  }
0x67: {  	_ =	shalt  }
0x68: {  	_ =	shalt  }
0x69: {  	_ =	shalt  }
0x6a: {  	_ =	shalt  }
0x6b: {  	_ =	shalt  }
0x6c: {  	_ =	shalt  }
0x6d: {  	_ =	shalt  }
0x6e: {  	_ =	shalt  }
0x6f: {  	_ =	shalt  }
0x70: {  	_ =	shalt  }
0x71: {  	_ =	shalt  }
0x72: {  	_ =	shalt  }
0x73: {  	_ =	shalt  }
0x74: {  	_ =	shalt  }
0x75: {  	_ =	shalt  }
0x76: {  	_ =	shalt  }
0x77: {  	_ =	shalt  }
0x78: {  	_ =	shalt  }
0x79: {  	_ =	shalt  }
0x7a: {  	_ =	shalt  }
0x7b: {  	_ =	shalt  }
0x7c: {  	_ =	shalt  }
0x7d: {  	_ =	shalt  }
0x7e: {  	_ =	shalt  }
0x7f: {  	_ =	shalt  }
0x80: {  	_ =	shalt  }
0x81: {  	_ =	shalt  }
0x82: {  	_ =	shalt  }
0x83: {  	_ =	shalt  }
0x84: {  	_ =	shalt  }
0x85: {  	_ =	shalt  }
0x86: {  	_ =	shalt  }
0x87: {  	_ =	shalt  }
.Lfunc_end0:
.L_simem_size_0:
called_computation_lowered:
.L_overlay_start_0:
0x88: {  	s2 =	sld [smem:$0x3FD9]  }
0x89: {  	s3 =	sld [smem:$0x3FFE];
	_ =	sdelay $0x1  }
0x8a: {  	s1 =	srdreg.scid  }
0x8b: {  	s0 =	sand.u32 $0x1, s1  }
0x8c: {  	s17 =	sshll.u32 s0, $0xA;
	s2 =	sadd.s32 s3, s2  }
0x8d: {  	s2 =	sadd.s32 s2, s17  }
0x8e: {  	[smem:$0x3FC5] =	sst s2  }
0x8f: {  	_ = 	snop  }
0x90: {  	s2 =	sld [smem:$0x3FC8]  }
0x91: {  	s18 =	sld [smem:$0x3FD0];
	(tm) =	ssettm $0x1  }
0x92: {  	s4 =	sld [smem:$0x3FFB];
	_ =	sdelay $0x3  }
0x93: {  	_ =	strace s4  }
0x94: {  	s4 =	sld [smem:$0x3FFC];
	_ =	sdelay $0x3  }
0x95: {  	_ =	strace s4  }
0x96: {  	s4 =	sld [smem:$0x3FFD];
	_ =	sdelay $0x3  }
0x97: {  	_ =	strace s4  }
0x98: {  	_ =	strace $0x8FFFFFFF  }
0x99: {  	s19 =	sld [smem:$0x3FDB];
	_ =	sdelay $0x1  }
0x9a: {  	s5 =	simm.s32 $_scs_section_size  }
0x9b: {  	s6 =	simm.s32 $_size__tile_overlayer_lowered;
	s7 =	simm.s32 $_tile_overlayer_lowered  }
0x9c: {  	s22 =	simm.s32 $0x1BFF;
	s21 =	sshll.u32 s7, $0x1;
	s4 =	sadd.s32 s5, s19  }
0x9d: {  	s8 =	simm.s32 $0x0;
	s20 =	sshll.u32 s6, $0x1;
	s6 =	sadd.s32 s21, s4  }
0x9e: {  	[timem:s8], [sflag:s22] =	dma.local [hbm:s6], s20  }
0x9f: {  	_ =	swait.ge [sflag:s22], s20  }
0xa0: {  	s5 =	ssub.s32 $0x0, s20;
	[sflag:s22] =	ssyncset.done $0x0  }
0xa1: {  	[sflag:s22] =	ssyncadd.s32 s5;
	_ =	sdelay $0x1  }
0xa2: {  	s23 =	simm.s32 $0x1B8B  }
0xa3: {  	_ =	swait.ge [sflag:s23], $0x1  }
0xa4: {  	[sflag:s23] =	ssyncset.done $0x0  }
0xa5: {  	s25 =	simm.s32 $0x1B8E;
	s24 =	sld [smem:$0x3FFE];
	[sflag:s23] =	ssyncadd.s32 $0xFFFFFFFF  }
0xa6: {  	s26 =	simm.s32 $execute0_lowered;
	[smem:$0x3FD2] =	sst s25  }
0xa7: {  	s6 =	sshll.u32 s26, $0x1;
	_ =	strace $0x80000046;
	[dreg:$0x1] =	wrdreg $0xFFFFFFFF  }
0xa8: {  	s28 =	simm.s32 $_size_execute0_lowered;
	s4 =	sadd.s32 s4, s6;
	[dreg:$0x0] =	wrdreg $0x0  }
0xa9: {  	s6 =	sshll.u32 s28, $0x1;
	[dreg:$0x2] =	wrdreg s4  }
0xaa: {  	[dreg:$0x3] =	wrdreg s6  }
0xab: {  	[dreg:$0x4] =	wrdreg $0xC0  }
0xac: {  	_ =	task [dreg:s8], $0x5FFFF  }
0xad: {  	[dreg:$0x1] =	wrdreg $0xFFFFFFFF  }
0xae: {  	[dreg:$0x0] =	wrdreg $0x60  }
0xaf: {  	[dreg:$0x2] =	wrdreg s24  }
0xb0: {  	[dreg:$0x3] =	wrdreg s2  }
0xb1: {  	[dreg:$0x4] =	wrdreg s18  }
0xb2: {  	[dreg:$0x5] =	wrdreg $0x9  }
0xb3: {  	_ =	task.clear_ibuf [dreg:s8], $0x6FFFF;
	_ =	strace $0x90000046  }
0xb4: {  	s29 =	simm.s32 $0x9;
	_ =	strace $0x80000048  }
0xb5: {  	_ =	swait.ge [sflag:s29], $0x1  }
0xb6: {  	[sflag:s29] =	ssyncadd.s32 $0xFFFFFFFF  }
0xb7: {  	_ =	strace $0x90000048  }
0xb8: {  	_ =	sfence  }
0xb9: {  	s30 =	sld [smem:$0x0];
	_ =	sdelay $0x2  }
0xba: {  	s31 =	sshll.u32 s1, $0xD;
	s1 =	sshrl.u32 s1, $0x2  }
0xbb: {  	s3 =	sand.u32 $0x4000, s31;
	s1 =	sadd.s32 s1, s30  }
0xbc: {  	s0 =	sor.u32 s3, s0;
	s1 =	sshll.u32 s1, $0x11  }
0xbd: {  	s0 =	sor.u32 s1, s0  }
0xbe: {  	s0 =	sadd.s32 $0x8F2B, s0  }
0xbf: {  	[sflag:s0] =	ssyncadd.remote.s32 $0x1  }
0xc0: {  	_ =	sfence.sel $0xFFFF  }
0xc1: {  	[dreg:$0x0] =	wrdreg $0xFFFFFFFF;
	(pc) =	sbr.abs _section_cstart, $3  }
0xc2: {  	[dreg:$0x1] =	wrdreg $0xFFFFFFFF  }
0xc3: {  	_ =	task.clear_ibuf [dreg:s8], $0x2FFFF;
	_ =	strace $0x9FFFFFFF  }
0xc4: {  	(tm) =	ssettm $0x7FFFFFFF  }
0xc5: {  	_ =	shalt  }
tec
execute0_lowered:
.L_overlay_start_1:
0x0: {  	(tag) =	ssettag $0x1  }
0x1: {  	s0 =	srdreg.scid  }
0x2: {  	s1 =	rddreg [dreg:$0x0];
	s2 =	stileid.u32  }
0x3: {  	s4 =	rddreg [dreg:$0x2];
	s5 =	simm.s32 $0x0;
	s28 =	simm.s32 $0x100  }
0x4: {  	s29 =	simm.s32 $0x200;
	s30 =	simm.s32 $0x280;
	s31 =	simm.s32 $0x4300  }
0x5: {  	s0 =	sand.u32 $0x1, s0;
	s2 =	sshll.u32 s2, $0x9;
	[smem:$0x7FF] =	sst s5  }
0x6: {  	s3 =	sshll.u32 s0, $0x8;
	_ =	strace $0x80000047;
	[dreg:$0x5] =	wrdreg s28  }
0x7: {  	s0 =	ssub.s32 $0x2, s0;
	[dreg:$0x7] =	wrdreg s29;
	s2 =	sor.u32 s3, s2  }
0x8: {  	[dreg:$0x9] =	wrdreg s30;
	s3 =	sshrl.u32 s2, $0x3;
	s2 =	sshll.u32 s2, $0x4  }
0x9: {  	v0 =	vimm.s32 $0xECA86420;
	[dreg:$0x8] =	wrdreg s31;
	s1 =	sadd.s32 s3, s1;
	s26 =	sadd.s32 s4, s2  }
0xa: {  	vm3 =	vmmov $0xff;
	v2 =	vimm.s32 $0x0;
	v0 =	vunpack.c.l.s4.s8 v0;
	s25 =	sshrl.u32 s0, $0x1;
	s3 =	sadd.s32 $0xC00, s1;
	[dreg:$0xa] =	wrdreg s26  }
0xb: {  	v1 =	vlaneseq.u32;
	v2 =	vsel vm3, $0xFFFFFFFF, v2;
	s0 =	ssub.s32 s0, s25;
	s1 =	sadd.s32 $0x800, s1;
	[dreg:$0x4] =	wrdreg s3  }
0xc: {  	v1 =	vmul.u32 $0x2, v1;
	[tilespmem:$0x1FFF0] =	vst v2;
	v0 =	vunpack.c.0.s8.s32 v0;
	s2 =	smax.u32 s0, $0x1;
	[dreg:$0x6] =	wrdreg s1  }
.LBB2_1:
0xd: {  	[dreg:$0xb] =	wrdreg s2  }
0xe: {  	s0 =	rddreg [dreg:$0x4];
	s3 =	simm.s32 $0x0;
	s19 =	simm.s32 $0x2  }
0xf: {  	[tilespmem:s3], [sflag:$0x2] =	stream.linear.gather [hbm4b:s0+s3], $0x100, $0x38;
	[tilespmem:$0x8300] =	vst v63  }
0x10: {  	_ =	swait.ge [sflag:s19], $0x100  }
0x11: {  	s20 =	rddreg [dreg:$0x5];
	[sflag:s19] =	ssyncset.done $0x0  }
0x12: {  	s1 =	rddreg [dreg:$0x6];
	[sflag:s19] =	ssyncadd.s32 $0xFFFFFF00  }
0x13: {  	[tilespmem:s20], [sflag:$0x2] =	stream.linear.gather [hbm4b:s1+s3], $0x100, $0x38;
	[tilespmem:$0x8300] =	vst v63  }
0x14: {  	_ =	swait.ge [sflag:s19], $0x100  }
0x15: {  	[sflag:s19] =	ssyncset.done $0x0  }
0x16: {  	[sflag:s19] =	ssyncadd.s32 $0xFFFFFF00  }
0x17: {  	v2 =	vld [tilespmem:$0x100];
	_ =	sdelay $0x4  }
0x18: {  	v3 =	vmul.u32 $0x5C, v2;
	_ =	sdelay $0x1  }
0x19: {  	(v2sf) =	vpush v3, $0xD;
	_ =	sdelay $0x1  }
0x1a: {  	(v2sf) =	vpush v3, $0xC;
	_ =	sdelay $0x1  }
0x1b: {  	(v2sf) =	vpush v3, $0xE;
	_ =	sdelay $0x1  }
0x1c: {  	(v2sf) =	vpush v3, $0xF;
	_ =	sdelay $0x1  }
0x1d: {  	(v2sf) =	vpush v3, $0x9;
	_ =	sdelay $0x1  }
0x1e: {  	(v2sf) =	vpush v3, $0x8;
	_ =	sdelay $0x1  }
0x1f: {  	(v2sf) =	vpush v3, $0xA;
	_ =	sdelay $0x1  }
0x20: {  	(v2sf) =	vpush v3, $0xB  }
0x21: {  	s21 =	spop (v2sf)  }
0x22: {  	(v2sf) =	vpush v3, $0x0;
	s22 =	smulhi.u32 $0x14F8B589, s21;
	s0 =	sshra.s32 s21, $0x1F  }
0x23: {  	(v2sf) =	vpush v3, $0x1;
	s23 =	spop (v2sf);
	s0 =	smul.u32 $0x14F8B589, s0  }
0x24: {  	(v2sf) =	vpush v3, $0x2;
	s24 =	smulhi.u32 $0x14F8B589, s23;
	s2 =	sshra.s32 s23, $0x1F  }
0x25: {  	(v2sf) =	vpush v3, $0x3;
	s4 =	spop (v2sf);
	s2 =	smul.u32 $0x14F8B589, s2  }
0x26: {  	(v2sf) =	vpush v3, $0x4;
	s5 =	smulhi.u32 $0x14F8B589, s4;
	s4 =	sshra.s32 s4, $0x1F  }
0x27: {  	(v2sf) =	vpush v3, $0x5;
	s6 =	spop (v2sf);
	s4 =	smul.u32 $0x14F8B589, s4  }
0x28: {  	(v2sf) =	vpush v3, $0x6;
	s0 =	sadd.s32 s0, s22;
	s7 =	smulhi.u32 $0x14F8B589, s6;
	s25 =	sshra.s32 s6, $0x1F  }
0x29: {  	(v2sf) =	vpush v3, $0x7;
	s26 =	spop (v2sf);
	s9 =	sshrl.u32 s0, $0x1F;
	s6 =	smul.u32 $0x14F8B589, s25  }
0x2a: {  	s3 =	sadd.s32 s2, s24;
	s8 =	smulhi.u32 $0x14F8B589, s26;
	s1 =	sshra.s32 s26, $0x1F  }
0x2b: {  	s28 =	spop (v2sf);
	s0 =	sshra.s32 s0, $0xD;
	s10 =	smul.u32 $0x14F8B589, s1  }
0x2c: {  	s13 =	sshrl.u32 s3, $0x1F;
	s1 =	sadd.s32 s4, s5;
	s29 =	smulhi.u32 $0x14F8B589, s28  }
0x2d: {  	s2 =	sshra.s32 s28, $0x1F;
	s30 =	spop (v2sf);
	s3 =	sshra.s32 s3, $0xD  }
0x2e: {  	s11 =	sshrl.u32 s1, $0x1F;
	s14 =	smul.u32 $0x14F8B589, s2;
	s2 =	sadd.s32 s6, s7  }
0x2f: {  	s31 =	smulhi.u32 $0x14F8B589, s30;
	s4 =	sshra.s32 s30, $0x1F;
	s23 =	spop (v2sf)  }
0x30: {  	s12 =	sshrl.u32 s2, $0x1F;
	s15 =	smul.u32 $0x14F8B589, s4;
	s4 =	sadd.s32 s10, s8  }
0x31: {  	s16 =	smulhi.u32 $0x14F8B589, s23;
	s7 =	sshra.s32 s23, $0x1F;
	s24 =	spop (v2sf)  }
0x32: {  	s10 =	sshrl.u32 s4, $0x1F;
	s17 =	smul.u32 $0x14F8B589, s7;
	s19 =	spop (v2sf)  }
0x33: {  	s18 =	smulhi.u32 $0x14F8B589, s24;
	s25 =	sshra.s32 s24, $0x1F;
	s26 =	spop (v2sf)  }
0x34: {  	s7 =	sadd.s32 s14, s29;
	s14 =	smul.u32 $0x14F8B589, s25;
	s29 =	spop (v2sf)  }
0x35: {  	s20 =	smulhi.u32 $0x14F8B589, s19;
	s28 =	sshra.s32 s19, $0x1F;
	s23 =	spop (v2sf)  }
0x36: {  	s8 =	sadd.s32 s15, s31;
	s22 =	smul.u32 $0x14F8B589, s28;
	s25 =	spop (v2sf)  }
0x37: {  	s24 =	smulhi.u32 $0x14F8B589, s26;
	s5 =	sshra.s32 s26, $0x1F;
	s15 =	spop (v2sf)  }
0x38: {  	s21 =	sshrl.u32 s7, $0x1F;
	s30 =	smul.u32 $0x14F8B589, s5;
	s26 =	spop (v2sf)  }
0x39: {  	s5 =	sadd.s32 s17, s16;
	s28 =	smulhi.u32 $0x14F8B589, s26;
	s17 =	sshra.s32 s26, $0x1F  }
0x3a: {  	vm3 =	vcmask $0x300;
	vm12 =	vcmask $0xB08;
	s7 =	sshra.s32 s7, $0xD;
	v7 =	vmov s21;
	s21 =	sshra.s32 s4, $0xD;
	s17 =	smul.u32 $0x14F8B589, s17  }
0x3b: {  	vm11 =	vcmask $0x704;
	vm2 =	vcmask $0x1310;
	vm0 =	vcmask $0x1B18;
	s31 =	smulhi.u32 $0x14F8B589, s29;
	s14 =	sadd.s32 s14, s18;
	s19 =	sshra.s32 s29, $0x1F  }
0x3c: {  	vm5 =	vcmask $0xF0C;
	vm13 =	vcmask $0x1714;
	vm10 =	vcmask $0x2320;
	s20 =	sadd.s32 s22, s20;
	s22 =	sshrl.u32 s8, $0x1F;
	s6 =	sadd.s32 s17, s28  }
0x3d: {  	vm6 =	vcmask $0x2B28;
	vm14 =	vcmask $0x1F1C;
	vm7 =	vcmask $0x3330;
	s19 =	smul.u32 $0x14F8B589, s19;
	s24 =	sadd.s32 s30, s24;
	s30 =	sshra.s32 s6, $0x1F  }
0x3e: {  	vm15 =	vcmask $0x2724;
	v5 =	vmov s13;
	s29 =	sshrl.u32 s14, $0x1F;
	s18 =	smulhi.u32 $0x14F8B589, s23;
	s28 =	sshra.s32 s14, $0xD;
	v4 =	vmov s30  }
0x3f: {  	v5 =	vsel vm12, s9, v5;
	v6 =	vmov s29;
	s9 =	smulhi.u32 $0x14F8B589, s25;
	s29 =	sshra.s32 s25, $0x1F;
	s14 =	sshra.s32 s14, $0x1F;
	v4 =	vsel vm3, s28, v4  }
0x40: {  	vm9 =	vcmask $0x3734;
	v23 =	vmov s3;
	s16 =	sadd.s32 s19, s31;
	s31 =	sshra.s32 s23, $0x1F;
	s30 =	sshra.s32 s20, $0xD;
	v4 =	vsel vm11, s14, v4  }
0x41: {  	v5 =	vsel vm2, s11, v5;
	s23 =	sshrl.u32 s20, $0x1F;
	v6 =	vnsel vm3, $0x0, v6;
	s25 =	smulhi.u32 $0x14F8B589, s15;
	s20 =	sshra.s32 s20, $0x1F;
	v4 =	vsel vm12, s30, v4  }
0x42: {  	v5 =	vsel vm0, s12, v5;
	s19 =	sshrl.u32 s24, $0x1F;
	s13 =	smul.u32 $0x14F8B589, s31;
	v6 =	vsel vm12, s23, v6;
	s28 =	sshra.s32 s24, $0xD;
	v4 =	vsel vm5, s20, v4  }
0x43: {  	v7 =	vsel vm12, s10, v7;
	s31 =	sshrl.u32 s16, $0x1F;
	v6 =	vsel vm2, s19, v6;
	s17 =	smul.u32 $0x14F8B589, s29;
	s29 =	sshra.s32 s24, $0x1F;
	v4 =	vsel vm2, s28, v4  }
0x44: {  	v7 =	vsel vm2, s22, v7;
	s15 =	sshra.s32 s15, $0x1F;
	s26 =	sshrl.u32 s5, $0x1F;
	v6 =	vsel vm0, s31, v6;
	s31 =	sshra.s32 s16, $0xD;
	v4 =	vsel vm13, s29, v4  }
0x45: {  	v8 =	vmov s7;
	v7 =	vsel vm0, s26, v7;
	s13 =	sadd.s32 s13, s18;
	s9 =	sadd.s32 s17, s9;
	s17 =	sshra.s32 s16, $0x1F;
	v4 =	vsel vm0, s31, v4  }
0x46: {  	s15 =	smul.u32 $0x14F8B589, s15;
	s23 =	sshra.s32 s1, $0xD;
	v5 =	vcombine.low v7, v5;
	v7 =	vsel vm12, s0, v23;
	s19 =	sshra.s32 s13, $0xD;
	v4 =	vsel vm14, s17, v4  }
0x47: {  	v8 =	vsel vm12, s21, v8;
	s26 =	sshra.s32 s2, $0xD;
	v7 =	vsel vm2, s23, v7;
	s30 =	sshrl.u32 s13, $0x1F;
	s20 =	sshra.s32 s13, $0x1F;
	v4 =	vsel vm10, s19, v4  }
0x48: {  	s12 =	sadd.s32 s15, s25;
	v7 =	vsel vm0, s26, v7;
	s22 =	sshra.s32 s9, $0xD;
	s14 =	sshrl.u32 s9, $0x1F;
	v6 =	vsel vm10, s30, v6;
	v4 =	vsel vm15, s20, v4  }
0x49: {  	s18 =	sshrl.u32 s12, $0x1F;
	s24 =	sshra.s32 s8, $0xD;
	s25 =	sshra.s32 s9, $0x1F;
	v6 =	vsel vm6, s14, v6;
	vm15 =	vcmask $0x2F2C;
	v4 =	vsel vm6, s22, v4  }
0x4a: {  	v24 =	vld [tilespmem:$0x1FFF0];
	v8 =	vsel vm2, s24, v8;
	s28 =	sshra.s32 s5, $0xD;
	v6 =	vsel vm7, s18, v6;
	s29 =	sshra.s32 s12, $0xD;
	v4 =	vsel vm15, s25, v4  }
0x4b: {  	s30 =	sshrl.u32 s6, $0x1F;
	v8 =	vsel vm0, s28, v8;
	vm13 =	vcmask $0x3B38;
	s31 =	sshra.s32 s12, $0x1F;
	v4 =	vsel vm7, s29, v4  }
0x4c: {  	s1 =	sshra.s32 s6, $0xD;
	v6 =	vsel vm13, s30, v6;
	v7 =	vcombine.low v8, v7;
	v4 =	vsel vm9, s31, v4  }
0x4d: {  	v5 =	vperm.xlane v5, v0;
	v6 =	vperm.xlane v6, v1;
	v4 =	vsel vm13, s1, v4  }
0x4e: {  	v7 =	vperm.xlane v7, v0;
	v4 =	vperm.xlane v4, v1  }
0x4f: {  	vm8 =	vnez.u8 v24  }
0x50: {  	v5 =	vsel vm8, v6, v5;
	v4 =	vsel vm8, v4, v7  }
0x51: {  	v4 =	vadd.s32 v5, v4  }
0x52: {  	v4 =	vmul.u32 $0x186A0, v4  }
0x53: {  	v25 =	vld [tilespmem:$0x0]  }
0x54: {  	v3 =	vsub.s32 v3, v4  }
0x55: {  	vm4 =	vlt.s32 v3, $0x0;
	v4 =	vadd.s32 $0x186A0, v3  }
0x56: {  	v2 =	vmul.u32 $0x335, v2;
	v3 =	vsel vm4, v4, v3  }
0x57: {  	v3 =	vmul.u32 $0x3E8, v3  }
0x58: {  	v2 =	vadd.s32 v2, v25  }
0x59: {  	v26 =	vadd.s32 v3, v2  }
0x5a: {  	(v2sf) =	vpush v26, $0xD;
	_ =	sdelay $0x1  }
0x5b: {  	(v2sf) =	vpush v26, $0xC;
	_ =	sdelay $0x1  }
0x5c: {  	(v2sf) =	vpush v26, $0xE;
	_ =	sdelay $0x1  }
0x5d: {  	(v2sf) =	vpush v26, $0xF  }
0x5e: {  	(v2sf) =	vpush v26, $0x9;
	_ =	sdelay $0x2  }
0x5f: {  	(v2sf) =	vpush v26, $0x8;
	_ =	sdelay $0x1  }
0x60: {  	(v2sf) =	vpush v26, $0xA;
	_ =	sdelay $0x1  }
0x61: {  	(v2sf) =	vpush v26, $0xB  }
0x62: {  	(v2sf) =	vpush v26, $0x0;
	s2 =	spop (v2sf)  }
0x63: {  	(v2sf) =	vpush v26, $0x1;
	s3 =	smulhi.u32 $0x14F8B589, s2;
	s0 =	sshra.s32 s2, $0x1F  }
0x64: {  	(v2sf) =	vpush v26, $0x2;
	s4 =	spop (v2sf);
	s0 =	smul.u32 $0x14F8B589, s0  }
0x65: {  	(v2sf) =	vpush v26, $0x3;
	s5 =	smulhi.u32 $0x14F8B589, s4;
	s2 =	sshra.s32 s4, $0x1F  }
0x66: {  	(v2sf) =	vpush v26, $0x4;
	s6 =	spop (v2sf);
	s2 =	smul.u32 $0x14F8B589, s2  }
0x67: {  	(v2sf) =	vpush v26, $0x5;
	s7 =	smulhi.u32 $0x14F8B589, s6;
	s4 =	sshra.s32 s6, $0x1F  }
0x68: {  	s9 =	spop (v2sf);
	(v2sf) =	vpush v26, $0x6;
	s4 =	smul.u32 $0x14F8B589, s4  }
0x69: {  	s10 =	smulhi.u32 $0x14F8B589, s9;
	s6 =	sshra.s32 s9, $0x1F;
	s11 =	spop (v2sf);
	(v2sf) =	vpush v26, $0x7  }
0x6a: {  	s6 =	smul.u32 $0x14F8B589, s6  }
0x6b: {  	s12 =	smulhi.u32 $0x14F8B589, s11;
	s1 =	sshra.s32 s11, $0x1F  }
0x6c: {  	s15 =	spop (v2sf);
	s14 =	smul.u32 $0x14F8B589, s1  }
0x6d: {  	s16 =	smulhi.u32 $0x14F8B589, s15;
	s17 =	sshra.s32 s15, $0x1F  }
0x6e: {  	s0 =	sadd.s32 s0, s3;
	s19 =	spop (v2sf);
	s18 =	smul.u32 $0x14F8B589, s17  }
0x6f: {  	s3 =	sadd.s32 s2, s5;
	s20 =	smulhi.u32 $0x14F8B589, s19;
	s21 =	sshra.s32 s19, $0x1F  }
0x70: {  	s2 =	sadd.s32 s6, s10;
	s23 =	spop (v2sf);
	s22 =	smul.u32 $0x14F8B589, s21  }
0x71: {  	s24 =	smulhi.u32 $0x14F8B589, s23;
	s6 =	sshra.s32 s23, $0x1F;
	s25 =	spop (v2sf)  }
0x72: {  	s8 =	sshrl.u32 s0, $0x1F;
	s6 =	smul.u32 $0x14F8B589, s6;
	s26 =	spop (v2sf)  }
0x73: {  	s28 =	smulhi.u32 $0x14F8B589, s25;
	s15 =	sshra.s32 s25, $0x1F;
	s29 =	spop (v2sf)  }
0x74: {  	s11 =	sshrl.u32 s3, $0x1F;
	s30 =	smul.u32 $0x14F8B589, s15;
	s15 =	spop (v2sf)  }
0x75: {  	s5 =	sadd.s32 s14, s12;
	s31 =	smulhi.u32 $0x14F8B589, s26;
	s21 =	spop (v2sf)  }
0x76: {  	s17 =	sshra.s32 s26, $0x1F;
	s6 =	sadd.s32 s6, s24;
	s23 =	spop (v2sf)  }
0x77: {  	s24 =	smulhi.u32 $0x14F8B589, s29;
	s19 =	sshra.s32 s29, $0x1F;
	s25 =	spop (v2sf)  }
0x78: {  	s14 =	sadd.s32 s30, s28;
	s26 =	smul.u32 $0x14F8B589, s19;
	s28 =	spop (v2sf)  }
0x79: {  	s1 =	sadd.s32 s4, s7;
	s29 =	smulhi.u32 $0x14F8B589, s28;
	s19 =	sshra.s32 s28, $0x1F  }
0x7a: {  	v2 =	vld [tilespmem:$0x110];
	s13 =	sshrl.u32 s1, $0x1F;
	s7 =	sadd.s32 s18, s16;
	s19 =	smul.u32 $0x14F8B589, s19  }
0x7b: {  	v3 =	vmov s11;
	s9 =	sshrl.u32 s2, $0x1F;
	s12 =	sshrl.u32 s7, $0x1F;
	s4 =	sadd.s32 s22, s20  }
0x7c: {  	v3 =	vsel vm12, s8, v3;
	s10 =	sshrl.u32 s5, $0x1F;
	s16 =	sshrl.u32 s4, $0x1F;
	v27 =	vmov s12;
	s8 =	sadd.s32 s19, s29  }
0x7d: {  	v3 =	vsel vm2, s13, v3;
	v5 =	vsel vm12, s10, v27;
	s13 =	smulhi.u32 $0x14F8B589, s21;
	s20 =	sshra.s32 s21, $0x1F;
	s21 =	sshra.s32 s8, $0x1F  }
0x7e: {  	v28 =	vsel vm0, s9, v3;
	v5 =	vsel vm2, s16, v5;
	s16 =	sshra.s32 s14, $0xD;
	v3 =	vmov s21  }
0x7f: {  	v30 =	vsel vm3, s16, v3;
	v3 =	vmul.u32 $0x5C, v2;
	_ =	sdelay $0x1  }
0x80: {  	(v2sf) =	vpush v3, $0xD  }
0x81: {  	s0 =	sshra.s32 s0, $0xD;
	s3 =	sshra.s32 s3, $0xD  }
0x82: {  	s5 =	sshra.s32 s5, $0xD;
	s7 =	sshra.s32 s7, $0xD;
	s17 =	smul.u32 $0x14F8B589, s17;
	(v2sf) =	vpush v3, $0xC  }
0x83: {  	s22 =	sshrl.u32 s6, $0x1F;
	s18 =	smulhi.u32 $0x14F8B589, s15;
	s15 =	sshra.s32 s15, $0x1F;
	(v2sf) =	vpush v3, $0xE  }
0x84: {  	s17 =	sadd.s32 s17, s31;
	s30 =	sshrl.u32 s14, $0x1F;
	s15 =	smul.u32 $0x14F8B589, s15;
	(v2sf) =	vpush v3, $0xF  }
0x85: {  	s11 =	sadd.s32 s26, s24;
	v5 =	vsel vm0, s22, v5;
	s22 =	smul.u32 $0x14F8B589, s20;
	s24 =	sshra.s32 s23, $0x1F;
	(v2sf) =	vpush v3, $0x9  }
0x86: {  	s14 =	sshra.s32 s14, $0x1F;
	v29 =	vmov s30;
	s9 =	sadd.s32 s15, s18;
	s18 =	smul.u32 $0x14F8B589, s24;
	(v2sf) =	vpush v3, $0x8  }
0x87: {  	s31 =	sshrl.u32 s17, $0x1F;
	s10 =	sshrl.u32 s11, $0x1F;
	v31 =	vnsel vm3, $0x0, v29;
	s30 =	smulhi.u32 $0x14F8B589, s25;
	(v2sf) =	vpush v3, $0xA  }
0x88: {  	v6 =	vsel vm12, s31, v31;
	s31 =	sshra.s32 s25, $0x1F;
	s24 =	sshra.s32 s11, $0xD;
	s11 =	sshra.s32 s11, $0x1F;
	(v2sf) =	vpush v3, $0xB  }
0x89: {  	s26 =	sshrl.u32 s9, $0x1F;
	s22 =	sadd.s32 s22, s13;
	s29 =	sshra.s32 s17, $0xD;
	v32 =	vsel vm11, s14, v30  }
0x8a: {  	vm1 =	vmmov vm6;
	v6 =	vsel vm2, s10, v6;
	s13 =	sshra.s32 s1, $0xD;
	s19 =	smulhi.u32 $0x14F8B589, s23;
	s21 =	sshra.s32 s17, $0x1F;
	v7 =	vsel vm12, s29, v32  }
0x8b: {  	vm4 =	vmmov vm10;
	v6 =	vsel vm0, s26, v6;
	s25 =	sshrl.u32 s22, $0x1F;
	s10 =	sshra.s32 s22, $0x1F;
	s23 =	smul.u32 $0x14F8B589, s31;
	v7 =	vsel vm5, s21, v7  }
0x8c: {  	v6 =	vsel vm10, s25, v6;
	vm10 =	vcmask $0x1714;
	s31 =	sshra.s32 s22, $0xD;
	s20 =	sshrl.u32 s8, $0x1F;
	s26 =	sadd.s32 s18, s19;
	v7 =	vsel vm2, s24, v7  }
0x8d: {  	v33 =	vmov s3;
	v9 =	vmov s7;
	s12 =	sadd.s32 s23, s30;
	s17 =	sshra.s32 s2, $0xD;
	s29 =	sshra.s32 s9, $0xD;
	v7 =	vsel vm10, s11, v7  }
0x8e: {  	v8 =	vsel vm12, s0, v33;
	v9 =	vsel vm12, s5, v9;
	s18 =	sshra.s32 s6, $0xD;
	s28 =	sshrl.u32 s26, $0x1F;
	s9 =	sshra.s32 s9, $0x1F;
	v7 =	vsel vm0, s29, v7  }
0x8f: {  	s30 =	sshrl.u32 s12, $0x1F;
	v6 =	vsel vm6, s28, v6;
	vm6 =	vcmask $0x2724;
	s14 =	sshra.s32 s4, $0xD;
	v7 =	vsel vm14, s9, v7;
	s23 =	spop (v2sf)  }
0x90: {  	s16 =	sshra.s32 s26, $0x1F;
	v9 =	vsel vm2, s14, v9;
	v7 =	vsel vm4, s31, v7;
	(v2sf) =	vpush v3, $0x0;
	s14 =	smulhi.u32 $0x14F8B589, s23;
	s0 =	sshra.s32 s23, $0x1F  }
0x91: {  	s11 =	sshra.s32 s26, $0xD;
	v7 =	vsel vm6, s10, v7;
	s24 =	spop (v2sf);
	(v2sf) =	vpush v3, $0x1;
	s0 =	smul.u32 $0x14F8B589, s0  }
0x92: {  	v8 =	vsel vm2, s13, v8;
	v7 =	vsel vm1, s11, v7;
	s25 =	spop (v2sf);
	s15 =	smulhi.u32 $0x14F8B589, s24;
	s1 =	sshra.s32 s24, $0x1F;
	(v2sf) =	vpush v3, $0x2  }
0x93: {  	s19 =	sshra.s32 s12, $0xD;
	v8 =	vsel vm0, s17, v8;
	v7 =	vsel vm15, s16, v7;
	s26 =	spop (v2sf);
	s16 =	smul.u32 $0x14F8B589, s1;
	(v2sf) =	vpush v3, $0x3  }
0x94: {  	v6 =	vsel vm7, s30, v6;
	v9 =	vsel vm0, s18, v9;
	s17 =	smulhi.u32 $0x14F8B589, s25;
	s18 =	sshra.s32 s25, $0x1F;
	s28 =	spop (v2sf);
	(v2sf) =	vpush v3, $0x4  }
0x95: {  	s21 =	sshra.s32 s12, $0x1F;
	v6 =	vsel vm13, s20, v6;
	vm4 =	vmmov vm1;
	s2 =	smul.u32 $0x14F8B589, s18;
	s29 =	spop (v2sf);
	(v2sf) =	vpush v3, $0x5  }
0x96: {  	vm1 =	vcmask $0x3734;
	v7 =	vsel vm7, s19, v7;
	s19 =	smulhi.u32 $0x14F8B589, s26;
	s20 =	sshra.s32 s26, $0x1F;
	s30 =	spop (v2sf);
	(v2sf) =	vpush v3, $0x6  }
0x97: {  	s22 =	sshra.s32 s8, $0xD;
	v7 =	vsel vm1, s21, v7;
	s21 =	smul.u32 $0x14F8B589, s20;
	s31 =	spop (v2sf);
	(v2sf) =	vpush v3, $0x7  }
0x98: {  	v7 =	vsel vm13, s22, v7;
	s1 =	sadd.s32 s0, s14;
	s22 =	smulhi.u32 $0x14F8B589, s28;
	s23 =	sshra.s32 s28, $0x1F  }
0x99: {  	s10 =	sshrl.u32 s1, $0x1F;
	s3 =	sadd.s32 s16, s15;
	s4 =	smul.u32 $0x14F8B589, s23  }
0x9a: {  	s1 =	sshra.s32 s1, $0xD;
	s24 =	smulhi.u32 $0x14F8B589, s29;
	s25 =	sshra.s32 s29, $0x1F  }
0x9b: {  	s16 =	sshrl.u32 s3, $0x1F;
	s2 =	sadd.s32 s2, s17;
	s5 =	smul.u32 $0x14F8B589, s25  }
0x9c: {  	s3 =	sshra.s32 s3, $0xD;
	s12 =	smulhi.u32 $0x14F8B589, s30;
	s6 =	sshra.s32 s30, $0x1F  }
0x9d: {  	s0 =	sadd.s32 s21, s19;
	s13 =	sshrl.u32 s2, $0x1F;
	s6 =	smul.u32 $0x14F8B589, s6  }
0x9e: {  	s11 =	sshrl.u32 s0, $0x1F;
	s4 =	sadd.s32 s4, s22;
	s14 =	smulhi.u32 $0x14F8B589, s31  }
0x9f: {  	s7 =	sshra.s32 s31, $0x1F;
	s0 =	sshra.s32 s0, $0xD;
	s26 =	spop (v2sf)  }
0xa0: {  	s17 =	smul.u32 $0x14F8B589, s7;
	s7 =	sadd.s32 s5, s24;
	s29 =	spop (v2sf)  }
0xa1: {  	v5 =	vcombine.low v5, v28;
	s18 =	smulhi.u32 $0x14F8B589, s26;
	s28 =	sshra.s32 s26, $0x1F;
	s20 =	spop (v2sf)  }
0xa2: {  	v8 =	vcombine.low v9, v8;
	s30 =	smul.u32 $0x14F8B589, s28;
	s23 =	sshra.s32 s29, $0x1F;
	s19 =	spop (v2sf)  }
0xa3: {  	v5 =	vperm.xlane v5, v0;
	v6 =	vperm.xlane v6, v1;
	s21 =	sshrl.u32 s7, $0x1F;
	s24 =	smul.u32 $0x14F8B589, s23;
	s23 =	spop (v2sf)  }
0xa4: {  	v8 =	vperm.xlane v8, v0;
	v7 =	vperm.xlane v7, v1;
	s22 =	smulhi.u32 $0x14F8B589, s29;
	s5 =	sshra.s32 s20, $0x1F;
	s25 =	spop (v2sf)  }
0xa5: {  	s8 =	sadd.s32 s6, s12;
	s26 =	smul.u32 $0x14F8B589, s5;
	s12 =	spop (v2sf)  }
0xa6: {  	v5 =	vsel vm8, v6, v5;
	v34 =	vsel vm8, v7, v8;
	s5 =	sadd.s32 s17, s14;
	s28 =	smulhi.u32 $0x14F8B589, s19;
	s29 =	spop (v2sf)  }
0xa7: {  	v5 =	vadd.s32 v5, v34;
	s15 =	sadd.s32 s30, s18;
	s30 =	smulhi.u32 $0x14F8B589, s29;
	s17 =	sshra.s32 s29, $0x1F  }
0xa8: {  	v5 =	vmul.u32 $0x186A0, v5;
	s7 =	sshra.s32 s7, $0xD;
	s19 =	sshra.s32 s19, $0x1F;
	s17 =	smul.u32 $0x14F8B589, s17  }
0xa9: {  	s9 =	sshrl.u32 s4, $0x1F;
	v41 =	vmov s7;
	s7 =	sshra.s32 s2, $0xD;
	s19 =	smul.u32 $0x14F8B589, s19  }
0xaa: {  	v4 =	vsub.s32 v26, v5;
	s31 =	smulhi.u32 $0x14F8B589, s20;
	s20 =	sadd.s32 s24, s22;
	s6 =	sadd.s32 s17, s30  }
0xab: {  	vm1 =	vlt.s32 v4, $0x0;
	v5 =	vadd.s32 $0x186A0, v4;
	s22 =	sshrl.u32 s8, $0x1F;
	s14 =	sadd.s32 s19, s28;
	s28 =	sshra.s32 s6, $0x1F  }
0xac: {  	v4 =	vsel vm1, v5, v4;
	v37 =	vmov s16;
	s18 =	smulhi.u32 $0x14F8B589, s23;
	s24 =	sadd.s32 s26, s31;
	s30 =	sshra.s32 s15, $0xD;
	v36 =	vmov s28  }
0xad: {  	v40 =	vmov s3;
	v6 =	vsel vm12, s10, v37;
	s31 =	sshrl.u32 s15, $0x1F;
	s10 =	smulhi.u32 $0x14F8B589, s25;
	s15 =	sshra.s32 s15, $0x1F;
	v5 =	vsel vm3, s30, v36  }
0xae: {  	v39 =	vmov s21;
	v38 =	vmov s31;
	s31 =	sshra.s32 s25, $0x1F;
	s25 =	sshra.s32 s20, $0xD;
	s29 =	sshra.s32 s23, $0x1F;
	v5 =	vsel vm11, s15, v5  }
0xaf: {  	v6 =	vsel vm2, s13, v6;
	v8 =	vsel vm12, s9, v39;
	s26 =	sshrl.u32 s5, $0x1F;
	s16 =	smul.u32 $0x14F8B589, s29;
	s29 =	sshra.s32 s20, $0x1F;
	v5 =	vsel vm12, s25, v5  }
0xb0: {  	v6 =	vsel vm0, s11, v6;
	v8 =	vsel vm2, s22, v8;
	s23 =	sshrl.u32 s20, $0x1F;
	s17 =	smul.u32 $0x14F8B589, s31;
	s31 =	sshra.s32 s24, $0xD;
	v5 =	vsel vm5, s29, v5  }
0xb1: {  	v8 =	vsel vm0, s26, v8;
	v7 =	vnsel vm3, $0x0, v38;
	s20 =	sshra.s32 s24, $0x1F;
	s30 =	smulhi.u32 $0x14F8B589, s12;
	s12 =	sshra.s32 s12, $0x1F;
	v5 =	vsel vm2, s31, v5  }
0xb2: {  	s19 =	sshrl.u32 s24, $0x1F;
	v6 =	vcombine.low v8, v6;
	v7 =	vsel vm12, s23, v7;
	s23 =	sshra.s32 s14, $0xD;
	s12 =	smul.u32 $0x14F8B589, s12;
	v5 =	vsel vm10, s20, v5  }
0xb3: {  	v8 =	vsel vm12, s1, v40;
	v7 =	vsel vm2, s19, v7;
	s16 =	sadd.s32 s16, s18;
	s28 =	sshrl.u32 s14, $0x1F;
	s25 =	sshra.s32 s14, $0x1F;
	v5 =	vsel vm0, s23, v5  }
0xb4: {  	v7 =	vsel vm0, s28, v7;
	s28 =	sshra.s32 s16, $0xD;
	s11 =	sadd.s32 s12, s30;
	s30 =	sshra.s32 s4, $0xD;
	vm10 =	vcmask $0x2320;
	v5 =	vsel vm14, s25, v5  }
0xb5: {  	s9 =	sshra.s32 s8, $0xD;
	v8 =	vsel vm2, s7, v8;
	s10 =	sadd.s32 s17, s10;
	s29 =	sshra.s32 s16, $0x1F;
	v9 =	vsel vm12, s30, v41;
	v5 =	vsel vm10, s28, v5  }
0xb6: {  	v8 =	vsel vm0, s0, v8;
	s21 =	sshrl.u32 s16, $0x1F;
	s12 =	sshra.s32 s5, $0xD;
	s31 =	sshra.s32 s10, $0xD;
	v9 =	vsel vm2, s9, v9;
	v5 =	vsel vm6, s29, v5  }
0xb7: {  	s24 =	sshrl.u32 s10, $0x1F;
	s10 =	sshra.s32 s10, $0x1F;
	v7 =	vsel vm10, s21, v7;
	v9 =	vsel vm0, s12, v9;
	v5 =	vsel vm4, s31, v5  }
0xb8: {  	s13 =	sshra.s32 s11, $0xD;
	v7 =	vsel vm4, s24, v7;
	v8 =	vcombine.low v9, v8;
	v5 =	vsel vm15, s10, v5  }
0xb9: {  	s26 =	sshrl.u32 s11, $0x1F;
	s15 =	sshra.s32 s11, $0x1F;
	vm10 =	vmmov vm4;
	vm4 =	vcmask $0x3734;
	v5 =	vsel vm7, s13, v5  }
0xba: {  	v6 =	vperm.xlane v6, v0;
	s14 =	sshrl.u32 s6, $0x1F;
	s16 =	sshra.s32 s6, $0xD;
	v7 =	vsel vm7, s26, v7;
	v5 =	vsel vm4, s15, v5  }
0xbb: {  	v7 =	vsel vm13, s14, v7;
	v8 =	vperm.xlane v8, v0;
	v5 =	vsel vm13, s16, v5  }
0xbc: {  	v7 =	vperm.xlane v7, v1;
	v5 =	vperm.xlane v5, v1;
	_ =	sdelay $0x1  }
0xbd: {  	v6 =	vsel vm8, v7, v6;
	v5 =	vsel vm8, v5, v8  }
0xbe: {  	v5 =	vadd.s32 v6, v5  }
0xbf: {  	v5 =	vmul.u32 $0x186A0, v5  }
0xc0: {  	v35 =	vld [tilespmem:$0x10]  }
0xc1: {  	v3 =	vsub.s32 v3, v5  }
0xc2: {  	vm3 =	vmmov vm6;
	vm6 =	vlt.s32 v3, $0x0;
	v5 =	vadd.s32 $0x186A0, v3  }
0xc3: {  	v2 =	vmul.u32 $0x335, v2;
	v3 =	vsel vm6, v5, v3  }
0xc4: {  	v3 =	vmul.u32 $0x3E8, v3  }
0xc5: {  	v2 =	vadd.s32 v2, v35  }
0xc6: {  	v2 =	vadd.s32 v3, v2  }
0xc7: {  	(v2sf) =	vpush v2, $0xD  }
0xc8: {  	(v2sf) =	vpush v2, $0xC  }
0xc9: {  	(v2sf) =	vpush v2, $0xE  }
0xca: {  	(v2sf) =	vpush v2, $0xF  }
0xcb: {  	(v2sf) =	vpush v2, $0x9  }
0xcc: {  	(v2sf) =	vpush v2, $0x8  }
0xcd: {  	(v2sf) =	vpush v2, $0xA  }
0xce: {  	(v2sf) =	vpush v2, $0xB  }
0xcf: {  	(v2sf) =	vpush v2, $0x0  }
0xd0: {  	v3 =	vld [tilespmem:$0x120];
	(v2sf) =	vpush v2, $0x1  }
0xd1: {  	(v2sf) =	vpush v2, $0x2  }
0xd2: {  	(v2sf) =	vpush v2, $0x3  }
0xd3: {  	(v2sf) =	vpush v2, $0x4  }
0xd4: {  	(v2sf) =	vpush v2, $0x5  }
0xd5: {  	v42 =	vmul.u32 $0x5C, v3;
	(v2sf) =	vpush v2, $0x6  }
0xd6: {  	s17 =	spop (v2sf);
	(v2sf) =	vpush v2, $0x7  }
0xd7: {  	s18 =	spop (v2sf);
	(v2sf) =	vpush v42, $0xD  }
0xd8: {  	s19 =	spop (v2sf)  }
0xd9: {  	(v2sf) =	vpush v42, $0xC;
	s20 =	spop (v2sf)  }
0xda: {  	s21 =	spop (v2sf)  }
0xdb: {  	(v2sf) =	vpush v42, $0xE;
	s22 =	spop (v2sf)  }
0xdc: {  	s23 =	spop (v2sf)  }
0xdd: {  	(v2sf) =	vpush v42, $0xF;
	s24 =	spop (v2sf)  }
0xde: {  	s25 =	spop (v2sf)  }
0xdf: {  	(v2sf) =	vpush v42, $0x9;
	s26 =	spop (v2sf)  }
0xe0: {  	[smem:$0x546] =	sst s17;
	s28 =	spop (v2sf)  }
0xe1: {  	[smem:$0x547] =	sst s18;
	(v2sf) =	vpush v42, $0x8;
	s29 =	spop (v2sf)  }
0xe2: {  	[smem:$0x548] =	sst s19;
	s30 =	spop (v2sf)  }
0xe3: {  	[smem:$0x549] =	sst s20;
	(v2sf) =	vpush v42, $0xA;
	s31 =	spop (v2sf)  }
0xe4: {  	[smem:$0x54A] =	sst s21;
	s1 =	spop (v2sf)  }
0xe5: {  	[smem:$0x54B] =	sst s22;
	s2 =	spop (v2sf);
	(v2sf) =	vpush v42, $0xB  }
0xe6: {  	[smem:$0x54C] =	sst s23;
	s3 =	spop (v2sf)  }
0xe7: {  	[smem:$0x54D] =	sst s24;
	(v2sf) =	vpush v42, $0x0;
	s4 =	smulhi.u32 $0x14F8B589, s3;
	s0 =	sshra.s32 s3, $0x1F  }
0xe8: {  	s6 =	spop (v2sf);
	s0 =	smul.u32 $0x14F8B589, s0  }
0xe9: {  	[smem:$0x555] =	sst s2;
	(v2sf) =	vpush v42, $0x1;
	s7 =	smulhi.u32 $0x14F8B589, s6;
	s2 =	sshra.s32 s6, $0x1F  }
0xea: {  	s10 =	spop (v2sf);
	s2 =	smul.u32 $0x14F8B589, s2  }
0xeb: {  	[smem:$0x54F] =	sst s26;
	(v2sf) =	vpush v42, $0x2;
	s11 =	smulhi.u32 $0x14F8B589, s10;
	s3 =	sshra.s32 s10, $0x1F  }
0xec: {  	s13 =	spop (v2sf);
	s12 =	smul.u32 $0x14F8B589, s3  }
0xed: {  	[smem:$0x550] =	sst s28;
	(v2sf) =	vpush v42, $0x3;
	s14 =	smulhi.u32 $0x14F8B589, s13;
	s3 =	sshra.s32 s13, $0x1F  }
0xee: {  	s26 =	spop (v2sf);
	s15 =	smul.u32 $0x14F8B589, s3  }
0xef: {  	[smem:$0x553] =	sst s31;
	(v2sf) =	vpush v42, $0x4;
	s28 =	smulhi.u32 $0x14F8B589, s26;
	s3 =	sshra.s32 s26, $0x1F  }
0xf0: {  	s17 =	spop (v2sf);
	s31 =	smul.u32 $0x14F8B589, s3  }
0xf1: {  	[smem:$0x54E] =	sst s25;
	(v2sf) =	vpush v42, $0x5;
	s16 =	smulhi.u32 $0x14F8B589, s17;
	s3 =	sshra.s32 s17, $0x1F  }
0xf2: {  	(v2sf) =	vpush v42, $0x6;
	s17 =	smul.u32 $0x14F8B589, s3;
	s18 =	spop (v2sf)  }
0xf3: {  	[smem:$0x551] =	sst s29;
	(v2sf) =	vpush v42, $0x7;
	s19 =	smulhi.u32 $0x14F8B589, s18;
	s3 =	sshra.s32 s18, $0x1F  }
0xf4: {  	s13 =	smul.u32 $0x14F8B589, s3;
	s21 =	spop (v2sf)  }
0xf5: {  	[smem:$0x552] =	sst s30;
	s20 =	smulhi.u32 $0x14F8B589, s21;
	s3 =	sshra.s32 s21, $0x1F  }
0xf6: {  	s22 =	spop (v2sf);
	s21 =	smul.u32 $0x14F8B589, s3  }
0xf7: {  	[smem:$0x554] =	sst s1;
	s23 =	smulhi.u32 $0x14F8B589, s22;
	s3 =	sshra.s32 s22, $0x1F  }
0xf8: {  	s5 =	spop (v2sf);
	s26 =	smul.u32 $0x14F8B589, s3  }
0xf9: {  	s2 =	sadd.s32 s2, s7;
	s24 =	smulhi.u32 $0x14F8B589, s5;
	s3 =	sshra.s32 s5, $0x1F  }
0xfa: {  	s6 =	sadd.s32 s12, s11;
	s8 =	spop (v2sf);
	s25 =	smul.u32 $0x14F8B589, s3  }
0xfb: {  	s17 =	sadd.s32 s17, s16;
	s29 =	smulhi.u32 $0x14F8B589, s8;
	s30 =	sshra.s32 s8, $0x1F  }
0xfc: {  	s19 =	sadd.s32 s13, s19;
	s9 =	spop (v2sf);
	s30 =	smul.u32 $0x14F8B589, s30  }
0xfd: {  	s3 =	sadd.s32 s0, s4;
	s0 =	smulhi.u32 $0x14F8B589, s9;
	s1 =	sshra.s32 s9, $0x1F  }
0xfe: {  	s4 =	sadd.s32 s15, s14;
	s10 =	spop (v2sf);
	s7 =	smul.u32 $0x14F8B589, s1  }
0xff: {  	s20 =	sadd.s32 s21, s20;
	s12 =	smulhi.u32 $0x14F8B589, s10;
	s1 =	sshra.s32 s10, $0x1F  }
0x100: {  	s10 =	sadd.s32 s31, s28;
	s28 =	spop (v2sf);
	s15 =	smul.u32 $0x14F8B589, s1  }
0x101: {  	s31 =	smulhi.u32 $0x14F8B589, s28;
	s1 =	sshra.s32 s28, $0x1F;
	s5 =	spop (v2sf)  }
0x102: {  	s26 =	sadd.s32 s26, s23;
	s8 =	smul.u32 $0x14F8B589, s1;
	s9 =	spop (v2sf)  }
0x103: {  	s28 =	sadd.s32 s25, s24;
	s13 =	smulhi.u32 $0x14F8B589, s9;
	s1 =	sshra.s32 s9, $0x1F  }
0x104: {  	s23 =	sadd.s32 s30, s29;
	s0 =	sadd.s32 s7, s0;
	s1 =	smul.u32 $0x14F8B589, s1  }
0x105: {  	s29 =	smulhi.u32 $0x14F8B589, s5;
	s11 =	sadd.s32 s15, s12;
	s12 =	sshra.s32 s5, $0x1F  }
0x106: {  	vm9 =	vcmask $0x300;
	vm1 =	vmmov vm5;
	s14 =	sadd.s32 s8, s31;
	s8 =	sshrl.u32 s26, $0x1F;
	s7 =	sadd.s32 s1, s13  }
0x107: {  	vm5 =	vcmask $0x2320;
	vm13 =	vmmov vm10;
	s25 =	sshrl.u32 s28, $0x1F;
	s12 =	smul.u32 $0x14F8B589, s12;
	v45 =	vmov s8;
	s30 =	sshra.s32 s7, $0x1F  }
0x108: {  	vm6 =	vcmask $0x1714;
	s5 =	sshra.s32 s26, $0xD;
	s31 =	sshrl.u32 s2, $0x1F;
	s9 =	sshra.s32 s26, $0x1F;
	v7 =	vnsel vm9, $0x0, v45;
	v43 =	vmov s30  }
0x109: {  	v44 =	vmov s31;
	s15 =	sadd.s32 s12, s29;
	s29 =	sshrl.u32 s17, $0x1F;
	v7 =	vsel vm12, s25, v7;
	s13 =	sshrl.u32 s3, $0x1F;
	v5 =	vsel vm9, s5, v43  }
0x10a: {  	s21 =	sshrl.u32 s6, $0x1F;
	s24 =	sshra.s32 s28, $0xD;
	s8 =	sshrl.u32 s10, $0x1F;
	v46 =	vmov s29;
	v6 =	vsel vm12, s13, v44;
	v5 =	vsel vm11, s9, v5  }
0x10b: {  	s26 =	sshra.s32 s28, $0x1F;
	s28 =	sshrl.u32 s4, $0x1F;
	v8 =	vsel vm12, s8, v46;
	s13 =	sshrl.u32 s19, $0x1F;
	v6 =	vsel vm2, s21, v6;
	v5 =	vsel vm12, s24, v5  }
0x10c: {  	s31 =	sshra.s32 s23, $0xD;
	s30 =	sshrl.u32 s23, $0x1F;
	v8 =	vsel vm2, s13, v8;
	s21 =	sshrl.u32 s20, $0x1F;
	v6 =	vsel vm0, s28, v6;
	v5 =	vsel vm1, s26, v5  }
0x10d: {  	v7 =	vsel vm2, s30, v7;
	s5 =	sshra.s32 s23, $0x1F;
	v8 =	vsel vm0, s21, v8;
	s23 =	sshra.s32 s2, $0xD;
	v5 =	vsel vm2, s31, v5  }
0x10e: {  	s18 =	sshra.s32 s0, $0xD;
	s29 =	sshra.s32 s3, $0xD;
	s9 =	sshrl.u32 s0, $0x1F;
	v47 =	vmov s23;
	v6 =	vcombine.low v8, v6;
	v5 =	vsel vm6, s5, v5  }
0x10f: {  	s16 =	sshrl.u32 s11, $0x1F;
	s3 =	sshra.s32 s6, $0xD;
	s0 =	sshra.s32 s0, $0x1F;
	v7 =	vsel vm0, s9, v7;
	v48 =	vsel vm12, s29, v47;
	v5 =	vsel vm0, s18, v5  }
0x110: {  	s25 =	sshra.s32 s11, $0xD;
	v7 =	vsel vm5, s16, v7;
	s26 =	sshra.s32 s17, $0xD;
	v8 =	vsel vm2, s3, v48;
	v5 =	vsel vm14, s0, v5  }
0x111: {  	s22 =	sshrl.u32 s14, $0x1F;
	s28 =	sshra.s32 s11, $0x1F;
	s30 =	sshra.s32 s10, $0xD;
	v6 =	vperm.xlane v6, v0;
	v10 =	vmov s26;
	v5 =	vsel vm5, s25, v5  }
0x112: {  	s8 =	sshra.s32 s4, $0xD;
	v7 =	vsel vm10, s22, v7;
	s31 =	sshra.s32 s14, $0xD;
	v49 =	vsel vm12, s30, v10;
	s5 =	sshra.s32 s19, $0xD;
	v5 =	vsel vm3, s28, v5  }
0x113: {  	s6 =	sshra.s32 s14, $0x1F;
	s24 =	sshrl.u32 s15, $0x1F;
	s9 =	sshra.s32 s20, $0xD;
	v8 =	vsel vm0, s8, v8;
	v9 =	vsel vm2, s5, v49;
	v5 =	vsel vm13, s31, v5  }
0x114: {  	s10 =	sshra.s32 s15, $0xD;
	v7 =	vsel vm7, s24, v7;
	v9 =	vsel vm0, s9, v9;
	v5 =	vsel vm15, s6, v5  }
0x115: {  	s12 =	sshra.s32 s15, $0x1F;
	vm5 =	vmmov vm13;
	v8 =	vcombine.low v9, v8;
	v5 =	vsel vm7, s10, v5  }
0x116: {  	s13 =	sshra.s32 s7, $0xD;
	s11 =	sshrl.u32 s7, $0x1F;
	vm13 =	vmmov vm7;
	vm7 =	vcmask $0x3B38;
	v5 =	vsel vm4, s12, v5  }
0x117: {  	v8 =	vperm.xlane v8, v0;
	v7 =	vsel vm7, s11, v7;
	v5 =	vsel vm7, s13, v5  }
0x118: {  	v7 =	vperm.xlane v7, v1;
	v5 =	vperm.xlane v5, v1;
	_ =	sdelay $0x1  }
0x119: {  	v6 =	vsel vm8, v7, v6;
	v5 =	vsel vm8, v5, v8  }
0x11a: {  	v5 =	vadd.s32 v6, v5  }
0x11b: {  	v5 =	vmul.u32 $0x186A0, v5  }
0x11c: {  	v50 =	vld [tilespmem:$0x20]  }
0x11d: {  	[tilespmem:$0x200] =	vst v4;
	v4 =	vsub.s32 v42, v5  }
0x11e: {  	vm10 =	vmmov vm3;
	vm3 =	vlt.s32 v4, $0x0;
	v5 =	vadd.s32 $0x186A0, v4  }
0x11f: {  	v3 =	vmul.u32 $0x335, v3;
	v4 =	vsel vm3, v5, v4  }
0x120: {  	v4 =	vmul.u32 $0x3E8, v4  }
0x121: {  	v3 =	vadd.s32 v3, v50  }
0x122: {  	v3 =	vadd.s32 v4, v3  }
0x123: {  	(v2sf) =	vpush v3, $0xD  }
0x124: {  	(v2sf) =	vpush v3, $0xC  }
0x125: {  	(v2sf) =	vpush v3, $0xE  }
0x126: {  	(v2sf) =	vpush v3, $0xF  }
0x127: {  	(v2sf) =	vpush v3, $0x9  }
0x128: {  	(v2sf) =	vpush v3, $0x8  }
0x129: {  	(v2sf) =	vpush v3, $0xA  }
0x12a: {  	(v2sf) =	vpush v3, $0xB  }
0x12b: {  	(v2sf) =	vpush v3, $0x0  }
0x12c: {  	v51 =	vld [tilespmem:$0x130];
	(v2sf) =	vpush v3, $0x1  }
0x12d: {  	(v2sf) =	vpush v3, $0x2  }
0x12e: {  	(v2sf) =	vpush v3, $0x3  }
0x12f: {  	(v2sf) =	vpush v3, $0x4  }
0x130: {  	(v2sf) =	vpush v3, $0x5  }
0x131: {  	v52 =	vmul.u32 $0x5C, v51;
	(v2sf) =	vpush v3, $0x6  }
0x132: {  	s26 =	spop (v2sf);
	(v2sf) =	vpush v3, $0x7  }
0x133: {  	s28 =	spop (v2sf);
	(v2sf) =	vpush v52, $0xD  }
0x134: {  	s31 =	spop (v2sf)  }
0x135: {  	(v2sf) =	vpush v52, $0xC;
	s14 =	spop (v2sf)  }
0x136: {  	s15 =	spop (v2sf)  }
0x137: {  	(v2sf) =	vpush v52, $0xE;
	s16 =	spop (v2sf)  }
0x138: {  	s17 =	spop (v2sf)  }
0x139: {  	(v2sf) =	vpush v52, $0xF;
	s18 =	spop (v2sf)  }
0x13a: {  	s19 =	spop (v2sf)  }
0x13b: {  	(v2sf) =	vpush v52, $0x9;
	s20 =	spop (v2sf)  }
0x13c: {  	s21 =	spop (v2sf)  }
0x13d: {  	(v2sf) =	vpush v52, $0x8;
	s22 =	spop (v2sf)  }
0x13e: {  	s23 =	spop (v2sf)  }
0x13f: {  	[smem:$0x556] =	sst s14;
	(v2sf) =	vpush v52, $0xA;
	s24 =	spop (v2sf)  }
0x140: {  	[smem:$0x557] =	sst s15;
	s25 =	spop (v2sf)  }
0x141: {  	[smem:$0x558] =	sst s16;
	(v2sf) =	vpush v52, $0xB;
	s29 =	spop (v2sf)  }
0x142: {  	[smem:$0x559] =	sst s17;
	s30 =	spop (v2sf)  }
0x143: {  	[smem:$0x55A] =	sst s18;
	(v2sf) =	vpush v52, $0x0;
	s1 =	smulhi.u32 $0x14F8B589, s30;
	s0 =	sshra.s32 s30, $0x1F  }
0x144: {  	s4 =	spop (v2sf);
	s15 =	smul.u32 $0x14F8B589, s0  }
0x145: {  	[smem:$0x55B] =	sst s19;
	(v2sf) =	vpush v52, $0x1;
	s9 =	smulhi.u32 $0x14F8B589, s4;
	s2 =	sshra.s32 s4, $0x1F  }
0x146: {  	s6 =	spop (v2sf);
	s0 =	smul.u32 $0x14F8B589, s2  }
0x147: {  	[dreg:$0x1b] =	wrdreg s25;
	(v2sf) =	vpush v52, $0x2;
	s7 =	smulhi.u32 $0x14F8B589, s6;
	s3 =	sshra.s32 s6, $0x1F  }
0x148: {  	s25 =	spop (v2sf);
	s17 =	smul.u32 $0x14F8B589, s3  }
0x149: {  	[dreg:$0x1a] =	wrdreg s29;
	(v2sf) =	vpush v52, $0x3;
	s10 =	smulhi.u32 $0x14F8B589, s25;
	s3 =	sshra.s32 s25, $0x1F  }
0x14a: {  	s29 =	spop (v2sf);
	s11 =	smul.u32 $0x14F8B589, s3  }
0x14b: {  	[smem:$0x55C] =	sst s20;
	(v2sf) =	vpush v52, $0x4;
	s14 =	smulhi.u32 $0x14F8B589, s29;
	s3 =	sshra.s32 s29, $0x1F  }
0x14c: {  	s30 =	spop (v2sf);
	(v2sf) =	vpush v52, $0x5;
	s16 =	smul.u32 $0x14F8B589, s3  }
0x14d: {  	[smem:$0x55D] =	sst s21;
	s18 =	smulhi.u32 $0x14F8B589, s30;
	s3 =	sshra.s32 s30, $0x1F;
	(v2sf) =	vpush v52, $0x6  }
0x14e: {  	s19 =	smul.u32 $0x14F8B589, s3;
	s2 =	spop (v2sf);
	(v2sf) =	vpush v52, $0x7  }
0x14f: {  	[smem:$0x55E] =	sst s22;
	s20 =	smulhi.u32 $0x14F8B589, s2;
	s3 =	sshra.s32 s2, $0x1F  }
0x150: {  	s4 =	spop (v2sf);
	s21 =	smul.u32 $0x14F8B589, s3  }
0x151: {  	[dreg:$0x1e] =	wrdreg s23;
	s22 =	smulhi.u32 $0x14F8B589, s4;
	s3 =	sshra.s32 s4, $0x1F  }
0x152: {  	s23 =	smul.u32 $0x14F8B589, s3;
	s8 =	spop (v2sf)  }
0x153: {  	[dreg:$0x1d] =	wrdreg s24;
	s24 =	smulhi.u32 $0x14F8B589, s8;
	s3 =	sshra.s32 s8, $0x1F  }
0x154: {  	s5 =	sadd.s32 s0, s9;
	s12 =	spop (v2sf);
	s25 =	smul.u32 $0x14F8B589, s3  }
0x155: {  	s6 =	sadd.s32 s17, s7;
	s29 =	smulhi.u32 $0x14F8B589, s12;
	s3 =	sshra.s32 s12, $0x1F  }
0x156: {  	s9 =	sadd.s32 s11, s10;
	s13 =	spop (v2sf);
	s30 =	smul.u32 $0x14F8B589, s3  }
0x157: {  	s10 =	sadd.s32 s16, s14;
	s4 =	smulhi.u32 $0x14F8B589, s13;
	s3 =	sshra.s32 s13, $0x1F  }
0x158: {  	s8 =	sadd.s32 s15, s1;
	s15 =	spop (v2sf);
	s3 =	smul.u32 $0x14F8B589, s3  }
0x159: {  	s19 =	sadd.s32 s19, s18;
	s2 =	smulhi.u32 $0x14F8B589, s15;
	s1 =	sshra.s32 s15, $0x1F  }
0x15a: {  	s20 =	sadd.s32 s21, s20;
	s17 =	spop (v2sf);
	s7 =	smul.u32 $0x14F8B589, s1  }
0x15b: {  	s11 =	smulhi.u32 $0x14F8B589, s17;
	s1 =	sshra.s32 s17, $0x1F;
	s0 =	spop (v2sf)  }
0x15c: {  	s22 =	sadd.s32 s23, s22;
	s16 =	smul.u32 $0x14F8B589, s1;
	s1 =	spop (v2sf)  }
0x15d: {  	s25 =	sadd.s32 s25, s24;
	s14 =	smulhi.u32 $0x14F8B589, s0;
	s15 =	spop (v2sf)  }
0x15e: {  	s12 =	sshra.s32 s0, $0x1F;
	s17 =	smulhi.u32 $0x14F8B589, s15;
	s0 =	sshra.s32 s15, $0x1F  }
0x15f: {  	s18 =	sshra.s32 s25, $0xD;
	s21 =	sshrl.u32 s25, $0x1F;
	s0 =	smul.u32 $0x14F8B589, s0  }
0x160: {  	s23 =	sshra.s32 s25, $0x1F;
	s25 =	sshrl.u32 s8, $0x1F;
	s3 =	sadd.s32 s3, s4  }
0x161: {  	s13 =	smul.u32 $0x14F8B589, s12;
	s2 =	sadd.s32 s7, s2;
	s7 =	sadd.s32 s0, s17  }
0x162: {  	s12 =	sadd.s32 s30, s29;
	s4 =	sadd.s32 s16, s11;
	s15 =	sshra.s32 s7, $0x1F  }
0x163: {  	vm9 =	vcmask $0x300;
	v55 =	vmov s21;
	s16 =	sadd.s32 s13, s14;
	s13 =	smulhi.u32 $0x14F8B589, s1;
	s1 =	sshra.s32 s1, $0x1F;
	v53 =	vmov s15  }
0x164: {  	v8 =	vnsel vm9, $0x0, v55;
	s14 =	sshrl.u32 s19, $0x1F;
	s1 =	smul.u32 $0x14F8B589, s1;
	s17 =	sshrl.u32 s5, $0x1F;
	v6 =	vsel vm9, s18, v53  }
0x165: {  	s29 =	sshrl.u32 s6, $0x1F;
	s30 =	sshra.s32 s12, $0xD;
	v56 =	vmov s14;
	s14 =	sshra.s32 s5, $0xD;
	v54 =	vmov s17;
	v6 =	vsel vm11, s23, v6  }
0x166: {  	v57 =	vmov s14;
	v7 =	vsel vm12, s25, v54;
	s18 =	sadd.s32 s1, s13;
	s1 =	sshrl.u32 s12, $0x1F;
	s12 =	sshra.s32 s12, $0x1F;
	v6 =	vsel vm12, s30, v6  }
0x167: {  	s17 =	sshra.s32 s3, $0xD;
	v7 =	vsel vm2, s29, v7;
	s13 =	sshrl.u32 s9, $0x1F;
	vm9 =	vcmask $0x2320;
	v6 =	vsel vm1, s12, v6  }
0x168: {  	s21 =	sshra.s32 s3, $0x1F;
	s15 =	sshrl.u32 s3, $0x1F;
	v7 =	vsel vm0, s13, v7;
	v8 =	vsel vm12, s1, v8;
	s23 =	sshrl.u32 s10, $0x1F;
	v6 =	vsel vm2, s17, v6  }
0x169: {  	s24 =	sshrl.u32 s2, $0x1F;
	s25 =	sshrl.u32 s20, $0x1F;
	v8 =	vsel vm2, s15, v8;
	v9 =	vsel vm12, s23, v56;
	s30 =	sshra.s32 s2, $0xD;
	v6 =	vsel vm6, s21, v6  }
0x16a: {  	s11 =	sshra.s32 s2, $0x1F;
	s29 =	sshrl.u32 s4, $0x1F;
	s23 =	sshra.s32 s19, $0xD;
	v8 =	vsel vm0, s24, v8;
	v9 =	vsel vm2, s25, v9;
	v6 =	vsel vm0, s30, v6  }
0x16b: {  	s13 =	sshrl.u32 s16, $0x1F;
	s12 =	sshrl.u32 s22, $0x1F;
	v11 =	vmov s23;
	v8 =	vsel vm9, s29, v8;
	s17 =	sshra.s32 s4, $0xD;
	v6 =	vsel vm14, s11, v6  }
0x16c: {  	s24 =	sshra.s32 s4, $0x1F;
	v9 =	vsel vm0, s12, v9;
	s29 =	sshra.s32 s10, $0xD;
	v8 =	vsel vm5, s13, v8;
	v6 =	vsel vm9, s17, v6  }
0x16d: {  	s15 =	sshrl.u32 s18, $0x1F;
	s21 =	sshra.s32 s8, $0xD;
	v11 =	vsel vm12, s29, v11;
	v7 =	vcombine.low v9, v7;
	s30 =	sshra.s32 s16, $0xD;
	v6 =	vsel vm10, s24, v6  }
0x16e: {  	s3 =	sshra.s32 s20, $0xD;
	s25 =	sshra.s32 s6, $0xD;
	s4 =	sshra.s32 s16, $0x1F;
	v8 =	vsel vm13, s15, v8;
	v10 =	vsel vm12, s21, v57;
	v6 =	vsel vm5, s30, v6  }
0x16f: {  	s5 =	sshra.s32 s22, $0xD;
	s2 =	sshra.s32 s9, $0xD;
	s6 =	sshra.s32 s18, $0xD;
	v11 =	vsel vm2, s3, v11;
	v10 =	vsel vm2, s25, v10;
	v6 =	vsel vm15, s4, v6  }
0x170: {  	s9 =	sshrl.u32 s7, $0x1F;
	s8 =	sshra.s32 s18, $0x1F;
	v11 =	vsel vm0, s5, v11;
	v10 =	vsel vm0, s2, v10;
	v6 =	vsel vm13, s6, v6  }
0x171: {  	s10 =	sshra.s32 s7, $0xD;
	v8 =	vsel vm7, s9, v8;
	v58 =	vcombine.low v11, v10;
	v6 =	vsel vm4, s8, v6  }
0x172: {  	v7 =	vperm.xlane v7, v0;
	v8 =	vperm.xlane v8, v1;
	v6 =	vsel vm7, s10, v6  }
0x173: {  	v9 =	vperm.xlane v58, v0;
	v6 =	vperm.xlane v6, v1;
	_ =	sdelay $0x1  }
0x174: {  	v7 =	vsel vm8, v8, v7;
	v6 =	vsel vm8, v6, v9  }
0x175: {  	v6 =	vadd.s32 v7, v6  }
0x176: {  	v6 =	vmul.u32 $0x186A0, v6  }
0x177: {  	v59 =	vld [tilespmem:$0x30]  }
0x178: {  	v5 =	vsub.s32 v52, v6  }
0x179: {  	vm6 =	vlt.s32 v5, $0x0;
	v6 =	vadd.s32 $0x186A0, v5  }
0x17a: {  	v4 =	vmul.u32 $0x335, v51;
	v5 =	vsel vm6, v6, v5  }
0x17b: {  	v5 =	vmul.u32 $0x3E8, v5  }
0x17c: {  	v4 =	vadd.s32 v4, v59  }
0x17d: {  	v4 =	vadd.s32 v5, v4  }
0x17e: {  	(v2sf) =	vpush v4, $0xD  }
0x17f: {  	(v2sf) =	vpush v4, $0xC  }
0x180: {  	(v2sf) =	vpush v4, $0xE  }
0x181: {  	(v2sf) =	vpush v4, $0xF  }
0x182: {  	(v2sf) =	vpush v4, $0x9  }
0x183: {  	(v2sf) =	vpush v4, $0x8  }
0x184: {  	(v2sf) =	vpush v4, $0xA  }
0x185: {  	(v2sf) =	vpush v4, $0xB  }
0x186: {  	(v2sf) =	vpush v4, $0x0  }
0x187: {  	v60 =	vld [tilespmem:$0x140];
	(v2sf) =	vpush v4, $0x1  }
0x188: {  	(v2sf) =	vpush v4, $0x2  }
0x189: {  	(v2sf) =	vpush v4, $0x3  }
0x18a: {  	(v2sf) =	vpush v4, $0x4  }
0x18b: {  	(v2sf) =	vpush v4, $0x5  }
0x18c: {  	v61 =	vmul.u32 $0x5C, v60;
	(v2sf) =	vpush v4, $0x6  }
0x18d: {  	(v2sf) =	vpush v4, $0x7;
	s19 =	spop (v2sf)  }
0x18e: {  	(v2sf) =	vpush v61, $0xD;
	s21 =	spop (v2sf)  }
0x18f: {  	s23 =	spop (v2sf)  }
0x190: {  	(v2sf) =	vpush v61, $0xC;
	s11 =	spop (v2sf)  }
0x191: {  	s12 =	spop (v2sf)  }
0x192: {  	(v2sf) =	vpush v61, $0xE;
	s13 =	spop (v2sf)  }
0x193: {  	s14 =	spop (v2sf)  }
0x194: {  	(v2sf) =	vpush v61, $0xF;
	s15 =	spop (v2sf)  }
0x195: {  	s16 =	spop (v2sf)  }
0x196: {  	(v2sf) =	vpush v61, $0x9;
	s17 =	spop (v2sf)  }
0x197: {  	s18 =	spop (v2sf)  }
0x198: {  	(v2sf) =	vpush v61, $0x8;
	s20 =	spop (v2sf)  }
0x199: {  	s22 =	spop (v2sf)  }
0x19a: {  	[smem:$0x55F] =	sst s11;
	(v2sf) =	vpush v61, $0xA;
	s24 =	spop (v2sf)  }
0x19b: {  	[smem:$0x560] =	sst s12;
	s25 =	spop (v2sf)  }
0x19c: {  	[smem:$0x561] =	sst s13;
	(v2sf) =	vpush v61, $0xB;
	s29 =	spop (v2sf)  }
0x19d: {  	[smem:$0x562] =	sst s14;
	s30 =	spop (v2sf)  }
0x19e: {  	[smem:$0x563] =	sst s15;
	(v2sf) =	vpush v61, $0x0;
	s15 =	smulhi.u32 $0x14F8B589, s30;
	s0 =	sshra.s32 s30, $0x1F  }
0x19f: {  	s13 =	smul.u32 $0x14F8B589, s0;
	s0 =	spop (v2sf)  }
0x1a0: {  	[smem:$0x564] =	sst s16;
	(v2sf) =	vpush v61, $0x1;
	s14 =	smulhi.u32 $0x14F8B589, s0;
	s2 =	sshra.s32 s0, $0x1F  }
0x1a1: {  	s1 =	spop (v2sf);
	s2 =	smul.u32 $0x14F8B589, s2  }
0x1a2: {  	(v2sf) =	vpush v61, $0x2;
	[smem:$0x567] =	sst s20;
	s16 =	smulhi.u32 $0x14F8B589, s1;
	s4 =	sshra.s32 s1, $0x1F  }
0x1a3: {  	s3 =	spop (v2sf);
	s7 =	smul.u32 $0x14F8B589, s4  }
0x1a4: {  	[smem:$0x568] =	sst s22;
	s1 =	smulhi.u32 $0x14F8B589, s3;
	s8 =	sshra.s32 s3, $0x1F  }
0x1a5: {  	(v2sf) =	vpush v61, $0x3;
	s4 =	spop (v2sf);
	s3 =	smul.u32 $0x14F8B589, s8  }
0x1a6: {  	[smem:$0x569] =	sst s24;
	s22 =	smulhi.u32 $0x14F8B589, s4;
	s10 =	sshra.s32 s4, $0x1F  }
0x1a7: {  	(v2sf) =	vpush v61, $0x4;
	s5 =	spop (v2sf);
	s10 =	smul.u32 $0x14F8B589, s10  }
0x1a8: {  	[dreg:$0x18] =	wrdreg s29;
	s29 =	smulhi.u32 $0x14F8B589, s5;
	s20 =	sshra.s32 s5, $0x1F  }
0x1a9: {  	(v2sf) =	vpush v61, $0x5;
	s6 =	spop (v2sf);
	s20 =	smul.u32 $0x14F8B589, s20  }
0x1aa: {  	[smem:$0x56A] =	sst s25;
	(v2sf) =	vpush v61, $0x6;
	s25 =	smulhi.u32 $0x14F8B589, s6;
	s24 =	sshra.s32 s6, $0x1F  }
0x1ab: {  	(v2sf) =	vpush v61, $0x7;
	s8 =	spop (v2sf);
	s30 =	smul.u32 $0x14F8B589, s24  }
0x1ac: {  	[smem:$0x565] =	sst s17;
	s12 =	smulhi.u32 $0x14F8B589, s8;
	s24 =	sshra.s32 s8, $0x1F  }
0x1ad: {  	s9 =	spop (v2sf);
	s24 =	smul.u32 $0x14F8B589, s24  }
0x1ae: {  	[smem:$0x566] =	sst s18;
	s11 =	smulhi.u32 $0x14F8B589, s9;
	s0 =	sshra.s32 s9, $0x1F  }
0x1af: {  	s17 =	spop (v2sf);
	s8 =	smul.u32 $0x14F8B589, s0  }
0x1b0: {  	s16 =	sadd.s32 s7, s16;
	s9 =	smulhi.u32 $0x14F8B589, s17;
	s0 =	sshra.s32 s17, $0x1F  }
0x1b1: {  	s18 =	spop (v2sf);
	s17 =	sadd.s32 s13, s15;
	s6 =	smul.u32 $0x14F8B589, s0  }
0x1b2: {  	s15 =	sadd.s32 s2, s14;
	s5 =	smulhi.u32 $0x14F8B589, s18;
	s0 =	sshra.s32 s18, $0x1F  }
0x1b3: {  	s18 =	sadd.s32 s3, s1;
	s24 =	sadd.s32 s24, s12;
	s4 =	smul.u32 $0x14F8B589, s0  }
0x1b4: {  	s0 =	spop (v2sf);
	s8 =	sadd.s32 s8, s11;
	s11 =	sshrl.u32 s15, $0x1F  }
0x1b5: {  	s14 =	smulhi.u32 $0x14F8B589, s0;
	s13 =	sshra.s32 s0, $0x1F;
	s6 =	sadd.s32 s6, s9  }
0x1b6: {  	s12 =	sshra.s32 s8, $0xD;
	s7 =	smul.u32 $0x14F8B589, s13;
	s13 =	spop (v2sf)  }
0x1b7: {  	s4 =	sadd.s32 s4, s5;
	s3 =	smulhi.u32 $0x14F8B589, s13;
	s0 =	sshra.s32 s13, $0x1F  }
0x1b8: {  	s13 =	sadd.s32 s10, s22;
	s1 =	spop (v2sf);
	s2 =	smul.u32 $0x14F8B589, s0  }
0x1b9: {  	s22 =	smulhi.u32 $0x14F8B589, s1;
	s0 =	sshra.s32 s1, $0x1F;
	s1 =	spop (v2sf)  }
0x1ba: {  	s10 =	sadd.s32 s20, s29;
	s20 =	sadd.s32 s30, s25;
	s29 =	spop (v2sf)  }
0x1bb: {  	s25 =	sshrl.u32 s16, $0x1F;
	s30 =	smulhi.u32 $0x14F8B589, s29;
	s29 =	sshra.s32 s29, $0x1F  }
0x1bc: {  	v63 =	vmov s11;
	s11 =	sshrl.u32 s4, $0x1F;
	s5 =	sadd.s32 s7, s14;
	s29 =	smul.u32 $0x14F8B589, s29  }
0x1bd: {  	s14 =	sshrl.u32 s8, $0x1F;
	s8 =	sshra.s32 s8, $0x1F;
	s7 =	sshra.s32 s6, $0x1F  }
0x1be: {  	s0 =	smul.u32 $0x14F8B589, s0;
	v12 =	vmov s14;
	s14 =	sshra.s32 s4, $0x1F;
	s29 =	sadd.s32 s29, s30  }
0x1bf: {  	vm10 =	vmmov vm13;
	vm13 =	vcmask $0x300;
	s30 =	smulhi.u32 $0x14F8B589, s1;
	s1 =	sshra.s32 s1, $0x1F;
	s9 =	sshra.s32 s29, $0x1F  }
0x1c0: {  	vm3 =	vmmov vm5;
	s2 =	sadd.s32 s2, s3;
	v9 =	vnsel vm13, $0x0, v12;
	s3 =	sshrl.u32 s6, $0x1F;
	s1 =	smul.u32 $0x14F8B589, s1;
	v62 =	vmov s9  }
0x1c1: {  	vm1 =	vmmov vm14;
	s0 =	sadd.s32 s0, s22;
	s22 =	sshrl.u32 s17, $0x1F;
	v9 =	vsel vm12, s3, v9;
	s3 =	sshra.s32 s13, $0xD;
	v7 =	vsel vm13, s12, v62  }
0x1c2: {  	vm14 =	vmmov vm9;
	v8 =	vsel vm12, s22, v63;
	s9 =	sshrl.u32 s10, $0x1F;
	s22 =	sadd.s32 s1, s30;
	s30 =	sshra.s32 s6, $0xD;
	v7 =	vsel vm11, s8, v7  }
0x1c3: {  	vm9 =	vcmask $0xF0C;
	v8 =	vsel vm2, s25, v8;
	s12 =	sshra.s32 s4, $0xD;
	s6 =	sshrl.u32 s2, $0x1F;
	s8 =	sshrl.u32 s18, $0x1F;
	v7 =	vsel vm12, s30, v7  }
0x1c4: {  	v9 =	vsel vm2, s11, v9;
	v8 =	vsel vm0, s8, v8;
	s30 =	sshrl.u32 s5, $0x1F;
	s8 =	sshra.s32 s5, $0x1F;
	v7 =	vsel vm9, s7, v7;
	s7 =	sshra.s32 s5, $0xD  }
0x1c5: {  	vm6 =	vcmask $0x1714;
	v13 =	vmov s9;
	v9 =	vsel vm0, s30, v9;
	s30 =	sshra.s32 s10, $0xD;
	s5 =	sshra.s32 s18, $0xD;
	s18 =	sld [smem:$0x548]  }
0x1c6: {  	s11 =	sshrl.u32 s0, $0x1F;
	v7 =	vsel vm2, s12, v7;
	v9 =	vsel vm14, s6, v9;
	s12 =	sshra.s32 s15, $0xD;
	v12 =	vmov s30;
	s30 =	sld [smem:$0x54A]  }
0x1c7: {  	s9 =	sshrl.u32 s24, $0x1F;
	s6 =	sshra.s32 s20, $0xD;
	v7 =	vsel vm6, s14, v7;
	v14 =	vmov s12;
	v12 =	vsel vm12, s3, v12;
	s12 =	sld [smem:$0x546]  }
0x1c8: {  	v9 =	vsel vm3, s11, v9;
	s14 =	sshrl.u32 s22, $0x1F;
	v7 =	vsel vm0, s7, v7;
	v12 =	vsel vm2, s6, v12;
	s7 =	sshra.s32 s24, $0xD;
	s24 =	sld [smem:$0x549]  }
0x1c9: {  	s4 =	sshrl.u32 s20, $0x1F;
	s10 =	sshrl.u32 s29, $0x1F;
	v9 =	vsel vm10, s14, v9;
	v12 =	vsel vm0, s7, v12;
	s7 =	sld [smem:$0x54C]  }
0x1ca: {  	s15 =	sshra.s32 s2, $0xD;
	s20 =	smulhi.u32 $0x14F8B589, s18;
	v7 =	vsel vm1, s8, v7;
	v9 =	vsel vm7, s10, v9;
	s10 =	sld [smem:$0x54D]  }
0x1cb: {  	s25 =	sshrl.u32 s13, $0x1F;
	v7 =	vsel vm14, s15, v7;
	s13 =	smulhi.u32 $0x14F8B589, s12;
	s15 =	sld [smem:$0x547]  }
0x1cc: {  	v10 =	vsel vm12, s25, v13;
	vm9 =	vcmask $0x2724;
	s2 =	sshra.s32 s2, $0x1F;
	[smem:$0x57F] =	sst s20  }
0x1cd: {  	s25 =	sshra.s32 s17, $0xD;
	v10 =	vsel vm2, s4, v10;
	s4 =	sshra.s32 s0, $0xD;
	v7 =	vsel vm9, s2, v7;
	[smem:$0x57B] =	sst s13  }
0x1ce: {  	s0 =	sshra.s32 s0, $0x1F;
	s3 =	sshra.s32 s30, $0x1F;
	v7 =	vsel vm3, s4, v7;
	s4 =	sld [smem:$0x54B]  }
0x1cf: {  	v11 =	vsel vm12, s25, v14;
	s2 =	sshra.s32 s16, $0xD;
	s25 =	smulhi.u32 $0x14F8B589, s24;
	s13 =	sld [smem:$0x54E]  }
0x1d0: {  	s14 =	sshra.s32 s12, $0x1F;
	v11 =	vsel vm2, s2, v11;
	s2 =	smulhi.u32 $0x14F8B589, s30;
	s30 =	sld [smem:$0x552]  }
0x1d1: {  	v7 =	vsel vm15, s0, v7;
	s0 =	smul.u32 $0x14F8B589, s14;
	[smem:$0x581] =	sst s25  }
0x1d2: {  	s16 =	smulhi.u32 $0x14F8B589, s15;
	s17 =	sshra.s32 s15, $0x1F;
	s15 =	sld [smem:$0x54F]  }
0x1d3: {  	[smem:$0x583] =	sst s2  }
0x1d4: {  	v10 =	vsel vm0, s9, v10;
	s8 =	sshra.s32 s22, $0xD;
	[smem:$0x57C] =	sst s0  }
0x1d5: {  	s9 =	sshra.s32 s22, $0x1F;
	v8 =	vcombine.low v10, v8;
	v11 =	vsel vm0, s5, v11;
	v7 =	vsel vm10, s8, v7;
	s8 =	smulhi.u32 $0x14F8B589, s7;
	[smem:$0x57D] =	sst s16  }
0x1d6: {  	s11 =	sshra.s32 s29, $0xD;
	v15 =	vcombine.low v12, v11;
	v7 =	vsel vm4, s9, v7;
	s0 =	smul.u32 $0x14F8B589, s17;
	s17 =	sld [smem:$0x550]  }
0x1d7: {  	v8 =	vperm.xlane v8, v0;
	s22 =	sshra.s32 s18, $0x1F;
	v9 =	vperm.xlane v9, v1;
	s5 =	smulhi.u32 $0x14F8B589, s4;
	v7 =	vsel vm7, s11, v7;
	[smem:$0x587] =	sst s8  }
0x1d8: {  	v10 =	vperm.xlane v15, v0;
	v7 =	vperm.xlane v7, v1;
	[smem:$0x57E] =	sst s0;
	s0 =	smul.u32 $0x14F8B589, s22  }
0x1d9: {  	s29 =	sshra.s32 s24, $0x1F;
	s14 =	smulhi.u32 $0x14F8B589, s13;
	[smem:$0x585] =	sst s5  }
0x1da: {  	v8 =	vsel vm8, v9, v8;
	v7 =	vsel vm8, v7, v10;
	[smem:$0x580] =	sst s0;
	s0 =	smul.u32 $0x14F8B589, s29  }
0x1db: {  	[smem:$0x58B] =	sst s14;
	v7 =	vadd.s32 v8, v7  }
0x1dc: {  	v7 =	vmul.u32 $0x186A0, v7;
	[smem:$0x582] =	sst s0;
	s0 =	smul.u32 $0x14F8B589, s3  }
0x1dd: {  	v16 =	vld [tilespmem:$0x40];
	s6 =	sshra.s32 s4, $0x1F;
	s2 =	smulhi.u32 $0x14F8B589, s30;
	s22 =	sld [smem:$0x551]  }
0x1de: {  	v6 =	vsub.s32 v61, v7;
	[smem:$0x584] =	sst s0;
	s0 =	smul.u32 $0x14F8B589, s6  }
0x1df: {  	s9 =	sshra.s32 s7, $0x1F;
	[smem:$0x593] =	sst s2;
	vm7 =	vlt.s32 v6, $0x0;
	v7 =	vadd.s32 $0x186A0, v6  }
0x1e0: {  	v5 =	vmul.u32 $0x335, v60;
	v6 =	vsel vm7, v7, v6;
	[smem:$0x586] =	sst s0;
	s0 =	smul.u32 $0x14F8B589, s9  }
0x1e1: {  	s12 =	sshra.s32 s10, $0x1F;
	s11 =	smulhi.u32 $0x14F8B589, s10;
	s5 =	sld [smem:$0x553];
	v6 =	vmul.u32 $0x3E8, v6  }
0x1e2: {  	v5 =	vadd.s32 v5, v16;
	[smem:$0x588] =	sst s0;
	s0 =	smul.u32 $0x14F8B589, s12  }
0x1e3: {  	s16 =	smulhi.u32 $0x14F8B589, s15;
	[smem:$0x589] =	sst s11;
	v5 =	vadd.s32 v6, v5  }
0x1e4: {  	s18 =	smulhi.u32 $0x14F8B589, s17;
	(v2sf) =	vpush v5, $0xD;
	[smem:$0x58A] =	sst s0;
	s0 =	sshra.s32 s13, $0x1F  }
0x1e5: {  	[smem:$0x58D] =	sst s16;
	s0 =	smul.u32 $0x14F8B589, s0  }
0x1e6: {  	[smem:$0x58F] =	sst s18;
	s24 =	smulhi.u32 $0x14F8B589, s22;
	(v2sf) =	vpush v5, $0xC  }
0x1e7: {  	(v2sf) =	vpush v5, $0xE;
	[smem:$0x58C] =	sst s0;
	s0 =	sshra.s32 s15, $0x1F  }
0x1e8: {  	[smem:$0x591] =	sst s24;
	s0 =	smul.u32 $0x14F8B589, s0  }
0x1e9: {  	s24 =	smulhi.u32 $0x14F8B589, s28;
	s9 =	sld [smem:$0x554];
	(v2sf) =	vpush v5, $0xF  }
0x1ea: {  	(v2sf) =	vpush v5, $0x9;
	[smem:$0x58E] =	sst s0;
	s0 =	sshra.s32 s17, $0x1F  }
0x1eb: {  	[smem:$0x59D] =	sst s24;
	(v2sf) =	vpush v5, $0x8;
	s0 =	smul.u32 $0x14F8B589, s0  }
0x1ec: {  	s6 =	smulhi.u32 $0x14F8B589, s5;
	s13 =	sld [smem:$0x555];
	(v2sf) =	vpush v5, $0xA  }
0x1ed: {  	s10 =	smulhi.u32 $0x14F8B589, s9;
	(v2sf) =	vpush v5, $0xB;
	[smem:$0x590] =	sst s0;
	s0 =	sshra.s32 s22, $0x1F  }
0x1ee: {  	[smem:$0x595] =	sst s6;
	(v2sf) =	vpush v5, $0x0;
	s0 =	smul.u32 $0x14F8B589, s0  }
0x1ef: {  	[smem:$0x597] =	sst s10;
	s14 =	smulhi.u32 $0x14F8B589, s13;
	(v2sf) =	vpush v5, $0x1  }
0x1f0: {  	v17 =	vld [tilespmem:$0x150];
	s17 =	smulhi.u32 $0x14F8B589, s26;
	[smem:$0x592] =	sst s0;
	s0 =	sshra.s32 s30, $0x1F  }
0x1f1: {  	[smem:$0x599] =	sst s14;
	(v2sf) =	vpush v5, $0x2;
	s0 =	smul.u32 $0x14F8B589, s0  }
0x1f2: {  	[smem:$0x59B] =	sst s17;
	(v2sf) =	vpush v5, $0x3  }
0x1f3: {  	(v2sf) =	vpush v5, $0x4;
	s20 =	spop (v2sf);
	[smem:$0x594] =	sst s0  }
0x1f4: {  	(v2sf) =	vpush v5, $0x5;
	s0 =	sshra.s32 s5, $0x1F;
	[smem:$0x56B] =	sst s20  }
0x1f5: {  	v18 =	vmul.u32 $0x5C, v17;
	(v2sf) =	vpush v5, $0x6;
	s25 =	spop (v2sf);
	s0 =	smul.u32 $0x14F8B589, s0  }
0x1f6: {  	(v2sf) =	vpush v5, $0x7;
	[smem:$0x56C] =	sst s25;
	s29 =	spop (v2sf)  }
0x1f7: {  	(v2sf) =	vpush v18, $0xD;
	[smem:$0x56D] =	sst s29  }
0x1f8: {  	s3 =	spop (v2sf);
	[smem:$0x596] =	sst s0  }
0x1f9: {  	(v2sf) =	vpush v18, $0xC;
	s0 =	sshra.s32 s9, $0x1F;
	s29 =	smulhi.u32 $0x14F8B589, s31;
	s4 =	spop (v2sf)  }
0x1fa: {  	s0 =	smul.u32 $0x14F8B589, s0;
	s7 =	spop (v2sf)  }
0x1fb: {  	(v2sf) =	vpush v18, $0xE;
	[smem:$0x56E] =	sst s3;
	s8 =	spop (v2sf)  }
0x1fc: {  	[smem:$0x598] =	sst s0;
	s0 =	sshra.s32 s13, $0x1F;
	s11 =	spop (v2sf)  }
0x1fd: {  	(v2sf) =	vpush v18, $0xF;
	s0 =	smul.u32 $0x14F8B589, s0;
	s12 =	spop (v2sf)  }
0x1fe: {  	s18 =	sshra.s32 s26, $0x1F;
	[smem:$0x56F] =	sst s4;
	s15 =	spop (v2sf)  }
0x1ff: {  	(v2sf) =	vpush v18, $0x9;
	[smem:$0x59A] =	sst s0;
	s0 =	smul.u32 $0x14F8B589, s18  }
0x200: {  	[smem:$0x59F] =	sst s29;
	s16 =	spop (v2sf)  }
0x201: {  	s25 =	sshra.s32 s28, $0x1F;
	(v2sf) =	vpush v18, $0x8;
	s20 =	spop (v2sf);
	[smem:$0x59C] =	sst s0  }
0x202: {  	s0 =	smul.u32 $0x14F8B589, s25;
	s22 =	spop (v2sf)  }
0x203: {  	[smem:$0x570] =	sst s7;
	(v2sf) =	vpush v18, $0xA;
	s26 =	spop (v2sf)  }
0x204: {  	s30 =	sshra.s32 s31, $0x1F;
	[smem:$0x59E] =	sst s0;
	s28 =	spop (v2sf)  }
0x205: {  	(v2sf) =	vpush v18, $0xB;
	s0 =	smul.u32 $0x14F8B589, s30;
	s31 =	spop (v2sf)  }
0x206: {  	[smem:$0x571] =	sst s8;
	s2 =	spop (v2sf)  }
0x207: {  	(v2sf) =	vpush v18, $0x0;
	[smem:$0x5A0] =	sst s0;
	s3 =	smulhi.u32 $0x14F8B589, s2;
	s0 =	sshra.s32 s2, $0x1F  }
0x208: {  	s4 =	spop (v2sf);
	s0 =	smul.u32 $0x14F8B589, s0  }
0x209: {  	[smem:$0x572] =	sst s11;
	(v2sf) =	vpush v18, $0x1;
	s5 =	smulhi.u32 $0x14F8B589, s4;
	s2 =	sshra.s32 s4, $0x1F  }
0x20a: {  	s6 =	spop (v2sf);
	s2 =	smul.u32 $0x14F8B589, s2  }
0x20b: {  	[smem:$0x573] =	sst s12;
	(v2sf) =	vpush v18, $0x2;
	s7 =	smulhi.u32 $0x14F8B589, s6;
	s4 =	sshra.s32 s6, $0x1F  }
0x20c: {  	s8 =	spop (v2sf);
	s4 =	smul.u32 $0x14F8B589, s4  }
0x20d: {  	[smem:$0x574] =	sst s15;
	(v2sf) =	vpush v18, $0x3;
	s9 =	smulhi.u32 $0x14F8B589, s8;
	s6 =	sshra.s32 s8, $0x1F  }
0x20e: {  	s10 =	spop (v2sf);
	s6 =	smul.u32 $0x14F8B589, s6  }
0x20f: {  	[smem:$0x575] =	sst s16;
	(v2sf) =	vpush v18, $0x4;
	s11 =	smulhi.u32 $0x14F8B589, s10;
	s8 =	sshra.s32 s10, $0x1F  }
0x210: {  	s30 =	spop (v2sf);
	s8 =	smul.u32 $0x14F8B589, s8  }
0x211: {  	(v2sf) =	vpush v18, $0x5;
	[smem:$0x57A] =	sst s31;
	s31 =	smulhi.u32 $0x14F8B589, s30;
	s10 =	sshra.s32 s30, $0x1F  }
0x212: {  	s17 =	spop (v2sf);
	s10 =	smul.u32 $0x14F8B589, s10  }
0x213: {  	[smem:$0x576] =	sst s20;
	(v2sf) =	vpush v18, $0x6;
	s14 =	smulhi.u32 $0x14F8B589, s17;
	s12 =	sshra.s32 s17, $0x1F  }
0x214: {  	s18 =	spop (v2sf);
	s12 =	smul.u32 $0x14F8B589, s12  }
0x215: {  	[smem:$0x577] =	sst s22;
	s15 =	smulhi.u32 $0x14F8B589, s18;
	s13 =	sshra.s32 s18, $0x1F  }
0x216: {  	(v2sf) =	vpush v18, $0x7;
	s20 =	spop (v2sf);
	s16 =	smul.u32 $0x14F8B589, s13  }
0x217: {  	[smem:$0x578] =	sst s26;
	s17 =	smulhi.u32 $0x14F8B589, s20;
	s13 =	sshra.s32 s20, $0x1F  }
0x218: {  	s22 =	spop (v2sf);
	s18 =	smul.u32 $0x14F8B589, s13  }
0x219: {  	[smem:$0x579] =	sst s28;
	s20 =	smulhi.u32 $0x14F8B589, s22;
	s13 =	sshra.s32 s22, $0x1F  }
0x21a: {  	s24 =	spop (v2sf);
	s26 =	smul.u32 $0x14F8B589, s13  }
0x21b: {  	s28 =	sadd.s32 s0, s3;
	s1 =	smulhi.u32 $0x14F8B589, s24;
	s25 =	sshra.s32 s24, $0x1F  }
0x21c: {  	s13 =	sadd.s32 s2, s5;
	s29 =	spop (v2sf);
	s2 =	smul.u32 $0x14F8B589, s25  }
0x21d: {  	s4 =	sadd.s32 s4, s7;
	s3 =	smulhi.u32 $0x14F8B589, s29;
	s0 =	sshra.s32 s29, $0x1F  }
0x21e: {  	s5 =	sadd.s32 s6, s9;
	s30 =	spop (v2sf);
	s6 =	smul.u32 $0x14F8B589, s0  }
0x21f: {  	s9 =	sadd.s32 s8, s11;
	s7 =	smulhi.u32 $0x14F8B589, s30;
	s0 =	sshra.s32 s30, $0x1F  }
0x220: {  	s8 =	sadd.s32 s10, s31;
	s31 =	spop (v2sf);
	s10 =	smul.u32 $0x14F8B589, s0  }
0x221: {  	s12 =	sadd.s32 s12, s14;
	s11 =	smulhi.u32 $0x14F8B589, s31  }
0x222: {  	s22 =	sshra.s32 s31, $0x1F;
	s0 =	sadd.s32 s16, s15;
	s24 =	spop (v2sf)  }
0x223: {  	s16 =	sadd.s32 s18, s17;
	s18 =	sadd.s32 s26, s20;
	s14 =	smul.u32 $0x14F8B589, s22  }
0x224: {  	s26 =	sadd.s32 s2, s1;
	s25 =	smulhi.u32 $0x14F8B589, s24;
	s15 =	sshra.s32 s24, $0x1F  }
0x225: {  	s17 =	sshrl.u32 s4, $0x1F;
	s29 =	spop (v2sf);
	s15 =	smul.u32 $0x14F8B589, s15  }
0x226: {  	s24 =	sld [smem:$0x557];
	s30 =	smulhi.u32 $0x14F8B589, s29;
	s20 =	sshra.s32 s29, $0x1F  }
0x227: {  	s3 =	sadd.s32 s6, s3;
	s2 =	sadd.s32 s10, s7;
	s31 =	smul.u32 $0x14F8B589, s20  }
0x228: {  	s10 =	sadd.s32 s14, s11;
	s14 =	sld [smem:$0x556];
	s15 =	sadd.s32 s15, s25  }
0x229: {  	s25 =	smulhi.u32 $0x14F8B589, s24;
	s6 =	sshra.s32 s24, $0x1F;
	s24 =	sshra.s32 s18, $0x1F  }
0x22a: {  	s1 =	sadd.s32 s31, s30;
	s6 =	smul.u32 $0x14F8B589, s6;
	s30 =	sshrl.u32 s13, $0x1F  }
0x22b: {  	s31 =	sshra.s32 s16, $0xD;
	s20 =	smulhi.u32 $0x14F8B589, s14;
	s7 =	sshra.s32 s14, $0x1F  }
0x22c: {  	[smem:$0x5A3] =	sst s25;
	s29 =	sshra.s32 s1, $0x1F;
	s14 =	sshra.s32 s16, $0x1F  }
0x22d: {  	v20 =	vmov s30;
	s25 =	sshrl.u32 s5, $0x1F;
	s30 =	sshra.s32 s26, $0xD;
	s22 =	smul.u32 $0x14F8B589, s7  }
0x22e: {  	v19 =	vmov s29;
	[smem:$0x5A4] =	sst s6;
	s7 =	sshrl.u32 s16, $0x1F;
	s16 =	sshrl.u32 s28, $0x1F  }
0x22f: {  	vm3 =	vmmov vm11;
	s6 =	sshra.s32 s28, $0xD;
	s28 =	sshrl.u32 s8, $0x1F;
	s29 =	sshrl.u32 s26, $0x1F;
	v8 =	vsel vm13, s31, v19;
	v9 =	vsel vm12, s16, v20  }
0x230: {  	[smem:$0x5A1] =	sst s20;
	v21 =	vmov s7;
	s20 =	sshra.s32 s18, $0xD;
	v22 =	vmov s28;
	s31 =	sshra.s32 s26, $0x1F;
	v8 =	vsel vm11, s14, v8  }
0x231: {  	s16 =	sshrl.u32 s3, $0x1F;
	s7 =	sshra.s32 s10, $0xD;
	[smem:$0x5A2] =	sst s22;
	v9 =	vsel vm2, s17, v9;
	vm11 =	vcmask $0xF0C;
	v8 =	vsel vm12, s20, v8  }
0x232: {  	v10 =	vnsel vm13, $0x0, v21;
	s22 =	sshrl.u32 s18, $0x1F;
	s14 =	sshrl.u32 s9, $0x1F;
	v9 =	vsel vm0, s25, v9;
	s25 =	sshra.s32 s13, $0xD;
	v8 =	vsel vm11, s24, v8  }
0x233: {  	s17 =	sshrl.u32 s12, $0x1F;
	s18 =	sshrl.u32 s2, $0x1F;
	v11 =	vsel vm12, s14, v22;
	v23 =	vmov s25;
	v8 =	vsel vm2, s30, v8;
	s30 =	sshra.s32 s8, $0xD  }
0x234: {  	s20 =	sshra.s32 s3, $0xD;
	v11 =	vsel vm2, s17, v11;
	s17 =	sld [smem:$0x559];
	v12 =	vsel vm12, s6, v23;
	s6 =	sshra.s32 s9, $0xD;
	v13 =	vmov s30  }
0x235: {  	vm5 =	vmmov vm6;
	v10 =	vsel vm12, s22, v10;
	s22 =	sshrl.u32 s0, $0x1F;
	s0 =	sshra.s32 s0, $0xD;
	s8 =	sshra.s32 s12, $0xD;
	v13 =	vsel vm12, s6, v13  }
0x236: {  	v10 =	vsel vm2, s29, v10;
	s24 =	sshrl.u32 s10, $0x1F;
	s9 =	sshra.s32 s10, $0x1F;
	s10 =	sld [smem:$0x558];
	v8 =	vsel vm6, s31, v8;
	v13 =	vsel vm2, s8, v13  }
0x237: {  	s29 =	sshra.s32 s4, $0xD;
	v10 =	vsel vm0, s16, v10;
	v8 =	vsel vm0, s20, v8;
	s20 =	sld [smem:$0x55A];
	v13 =	vsel vm0, s0, v13;
	s0 =	sshra.s32 s17, $0x1F  }
0x238: {  	v10 =	vsel vm14, s18, v10;
	vm6 =	vcmask $0x2B28;
	v12 =	vsel vm2, s29, v12;
	s29 =	sld [smem:$0x55D];
	s0 =	smul.u32 $0x14F8B589, s0  }
0x239: {  	s26 =	sshrl.u32 s15, $0x1F;
	v10 =	vsel vm6, s24, v10;
	s24 =	sld [smem:$0x55B]  }
0x23a: {  	s28 =	sshra.s32 s2, $0xD;
	[smem:$0x5A8] =	sst s0;
	s0 =	sshra.s32 s20, $0x1F  }
0x23b: {  	s31 =	sshra.s32 s5, $0xD;
	s5 =	rddreg [dreg:$0x1d];
	s0 =	smul.u32 $0x14F8B589, s0  }
0x23c: {  	s2 =	sshra.s32 s2, $0x1F;
	s3 =	sshra.s32 s3, $0x1F;
	v10 =	vsel vm10, s26, v10;
	s26 =	sld [smem:$0x55C]  }
0x23d: {  	vm7 =	vmmov vm10;
	s13 =	sshra.s32 s15, $0xD;
	v8 =	vsel vm1, s3, v8;
	[smem:$0x5AA] =	sst s0;
	s0 =	sshra.s32 s24, $0x1F  }
0x23e: {  	s15 =	sshra.s32 s15, $0x1F;
	v12 =	vsel vm0, s31, v12;
	s31 =	sld [smem:$0x55E];
	vm10 =	vcmask $0x2724;
	v8 =	vsel vm14, s28, v8;
	s0 =	smul.u32 $0x14F8B589, s0  }
0x23f: {  	s16 =	sshrl.u32 s1, $0x1F;
	s18 =	smulhi.u32 $0x14F8B589, s17;
	s3 =	rddreg [dreg:$0x1e];
	v8 =	vsel vm10, s2, v8  }
0x240: {  	v11 =	vsel vm0, s22, v11;
	s6 =	smulhi.u32 $0x14F8B589, s5;
	v8 =	vsel vm6, s7, v8;
	[smem:$0x5AC] =	sst s0;
	s0 =	sshra.s32 s26, $0x1F  }
0x241: {  	s1 =	sshra.s32 s1, $0xD;
	v9 =	vcombine.low v11, v9;
	[smem:$0x5A7] =	sst s18;
	v8 =	vsel vm15, s9, v8;
	s0 =	smul.u32 $0x14F8B589, s0  }
0x242: {  	s11 =	smulhi.u32 $0x14F8B589, s10;
	s12 =	sshra.s32 s10, $0x1F;
	[smem:$0x5B8] =	sst s6;
	v24 =	vcombine.low v13, v12;
	v8 =	vsel vm7, s13, v8  }
0x243: {  	v9 =	vperm.xlane v9, v0;
	s14 =	smul.u32 $0x14F8B589, s12;
	vm15 =	vcmask $0x3B38;
	v8 =	vsel vm4, s15, v8;
	[smem:$0x5AE] =	sst s0;
	s0 =	sshra.s32 s29, $0x1F  }
0x244: {  	[smem:$0x5A5] =	sst s11;
	v11 =	vperm.xlane v24, v0;
	v10 =	vsel vm15, s16, v10;
	v8 =	vsel vm15, s1, v8;
	s0 =	smul.u32 $0x14F8B589, s0  }
0x245: {  	s30 =	smulhi.u32 $0x14F8B589, s29;
	[smem:$0x5A6] =	sst s14;
	v10 =	vperm.xlane v10, v1;
	v8 =	vperm.xlane v8, v1  }
0x246: {  	s4 =	smulhi.u32 $0x14F8B589, s3;
	[smem:$0x5B2] =	sst s0;
	s0 =	sshra.s32 s31, $0x1F  }
0x247: {  	[smem:$0x5B1] =	sst s30;
	v9 =	vsel vm8, v10, v9;
	v8 =	vsel vm8, v8, v11;
	s0 =	smul.u32 $0x14F8B589, s0  }
0x248: {  	[smem:$0x5B5] =	sst s4;
	v8 =	vadd.s32 v9, v8  }
0x249: {  	s22 =	smulhi.u32 $0x14F8B589, s20;
	v8 =	vmul.u32 $0x186A0, v8;
	[smem:$0x5B4] =	sst s0;
	s0 =	sshra.s32 s3, $0x1F  }
0x24a: {  	v25 =	vld [tilespmem:$0x50];
	s7 =	rddreg [dreg:$0x1b];
	s0 =	smul.u32 $0x14F8B589, s0  }
0x24b: {  	s25 =	smulhi.u32 $0x14F8B589, s24;
	[smem:$0x5A9] =	sst s22;
	v7 =	vsub.s32 v18, v8  }
0x24c: {  	vm11 =	vmmov vm4;
	s2 =	smulhi.u32 $0x14F8B589, s31;
	vm4 =	vlt.s32 v7, $0x0;
	v8 =	vadd.s32 $0x186A0, v7;
	[smem:$0x5B6] =	sst s0;
	s0 =	sshra.s32 s5, $0x1F  }
0x24d: {  	v6 =	vmul.u32 $0x335, v17;
	[smem:$0x5AB] =	sst s25;
	v7 =	vsel vm4, v8, v7;
	s0 =	smul.u32 $0x14F8B589, s0  }
0x24e: {  	[smem:$0x5B3] =	sst s2;
	v7 =	vmul.u32 $0x3E8, v7  }
0x24f: {  	v6 =	vadd.s32 v6, v25;
	s28 =	smulhi.u32 $0x14F8B589, s26;
	[smem:$0x5B9] =	sst s0;
	s0 =	sshra.s32 s7, $0x1F  }
0x250: {  	s9 =	rddreg [dreg:$0x1a];
	v6 =	vadd.s32 v7, v6;
	s0 =	smul.u32 $0x14F8B589, s0  }
0x251: {  	s8 =	smulhi.u32 $0x14F8B589, s7;
	[smem:$0x5AD] =	sst s28;
	(v2sf) =	vpush v6, $0xD  }
0x252: {  	s10 =	smulhi.u32 $0x14F8B589, s9;
	(v2sf) =	vpush v6, $0xC;
	[smem:$0x5BB] =	sst s0;
	s0 =	sshra.s32 s9, $0x1F  }
0x253: {  	[smem:$0x5BA] =	sst s8;
	(v2sf) =	vpush v6, $0xE;
	s0 =	smul.u32 $0x14F8B589, s0  }
0x254: {  	s11 =	smulhi.u32 $0x14F8B589, s19;
	[smem:$0x5BC] =	sst s10;
	(v2sf) =	vpush v6, $0xF  }
0x255: {  	s13 =	smulhi.u32 $0x14F8B589, s21;
	(v2sf) =	vpush v6, $0x9;
	[smem:$0x5BD] =	sst s0  }
0x256: {  	s12 =	sshra.s32 s19, $0x1F;
	s15 =	smulhi.u32 $0x14F8B589, s23;
	(v2sf) =	vpush v6, $0x8;
	[smem:$0x5BF] =	sst s11  }
0x257: {  	s0 =	smul.u32 $0x14F8B589, s12;
	[smem:$0x5C1] =	sst s13  }
0x258: {  	[smem:$0x5C3] =	sst s15  }
0x259: {  	[smem:$0x5C0] =	sst s0  }
0x25a: {  	s14 =	sshra.s32 s21, $0x1F;
	s17 =	sld [smem:$0x55F]  }
0x25b: {  	s0 =	smul.u32 $0x14F8B589, s14;
	s20 =	sld [smem:$0x560]  }
0x25c: {  	s16 =	sshra.s32 s23, $0x1F;
	s23 =	sld [smem:$0x561]  }
0x25d: {  	[smem:$0x5C2] =	sst s0;
	s0 =	smul.u32 $0x14F8B589, s16  }
0x25e: {  	s26 =	sld [smem:$0x562];
	s18 =	smulhi.u32 $0x14F8B589, s17  }
0x25f: {  	s30 =	sld [smem:$0x563];
	s21 =	smulhi.u32 $0x14F8B589, s20  }
0x260: {  	s2 =	sld [smem:$0x564];
	s24 =	smulhi.u32 $0x14F8B589, s23  }
0x261: {  	s5 =	sld [smem:$0x565];
	s28 =	smulhi.u32 $0x14F8B589, s26  }
0x262: {  	s9 =	sld [smem:$0x566];
	s31 =	smulhi.u32 $0x14F8B589, s30  }
0x263: {  	s13 =	sld [smem:$0x567];
	s3 =	smulhi.u32 $0x14F8B589, s2  }
0x264: {  	(v2sf) =	vpush v6, $0xA;
	s19 =	sshra.s32 s17, $0x1F;
	s6 =	smulhi.u32 $0x14F8B589, s5;
	s17 =	sld [smem:$0x568]  }
0x265: {  	(v2sf) =	vpush v6, $0xB;
	s10 =	smulhi.u32 $0x14F8B589, s9;
	[smem:$0x5C4] =	sst s0  }
0x266: {  	(v2sf) =	vpush v6, $0x0;
	s14 =	smulhi.u32 $0x14F8B589, s13;
	[smem:$0x5C6] =	sst s18  }
0x267: {  	v26 =	vld [tilespmem:$0x160];
	(v2sf) =	vpush v6, $0x1;
	s0 =	smul.u32 $0x14F8B589, s19;
	[smem:$0x5C8] =	sst s21  }
0x268: {  	s22 =	sshra.s32 s20, $0x1F;
	(v2sf) =	vpush v6, $0x2;
	s18 =	spop (v2sf);
	[smem:$0x5CA] =	sst s24  }
0x269: {  	(v2sf) =	vpush v6, $0x3;
	[smem:$0x5C7] =	sst s0;
	s0 =	smul.u32 $0x14F8B589, s22  }
0x26a: {  	s25 =	sshra.s32 s23, $0x1F;
	[smem:$0x5CD] =	sst s28;
	(v2sf) =	vpush v6, $0x4;
	s19 =	spop (v2sf)  }
0x26b: {  	(v2sf) =	vpush v6, $0x5;
	[smem:$0x5C9] =	sst s0;
	s0 =	smul.u32 $0x14F8B589, s25  }
0x26c: {  	s29 =	sshra.s32 s26, $0x1F;
	v27 =	vmul.u32 $0x5C, v26;
	[smem:$0x5CF] =	sst s31;
	s20 =	spop (v2sf);
	(v2sf) =	vpush v6, $0x6  }
0x26d: {  	(v2sf) =	vpush v6, $0x7;
	[smem:$0x5CB] =	sst s0;
	s0 =	smul.u32 $0x14F8B589, s29  }
0x26e: {  	s1 =	sshra.s32 s30, $0x1F;
	[smem:$0x5D1] =	sst s3;
	s21 =	spop (v2sf);
	(v2sf) =	vpush v27, $0xD  }
0x26f: {  	(v2sf) =	vpush v27, $0xC;
	[smem:$0x5CE] =	sst s0;
	s0 =	smul.u32 $0x14F8B589, s1  }
0x270: {  	s4 =	sshra.s32 s2, $0x1F;
	[smem:$0x5D6] =	sst s10;
	s22 =	spop (v2sf)  }
0x271: {  	[smem:$0x5D0] =	sst s0;
	s0 =	smul.u32 $0x14F8B589, s4  }
0x272: {  	[smem:$0x5D8] =	sst s14;
	(v2sf) =	vpush v27, $0xE;
	s24 =	spop (v2sf)  }
0x273: {  	s25 =	spop (v2sf);
	[smem:$0x5D2] =	sst s0;
	s0 =	sshra.s32 s5, $0x1F  }
0x274: {  	(v2sf) =	vpush v27, $0xF;
	s28 =	spop (v2sf);
	s0 =	smul.u32 $0x14F8B589, s0  }
0x275: {  	s23 =	smulhi.u32 $0x14F8B589, s17;
	s29 =	spop (v2sf)  }
0x276: {  	(v2sf) =	vpush v27, $0x9;
	s7 =	spop (v2sf);
	[smem:$0x5D5] =	sst s0;
	s0 =	sshra.s32 s9, $0x1F  }
0x277: {  	s8 =	spop (v2sf);
	s0 =	smul.u32 $0x14F8B589, s0  }
0x278: {  	[smem:$0x5DA] =	sst s23;
	(v2sf) =	vpush v27, $0x8;
	s11 =	spop (v2sf)  }
0x279: {  	s12 =	spop (v2sf);
	[smem:$0x5D7] =	sst s0;
	s0 =	sshra.s32 s13, $0x1F  }
0x27a: {  	(v2sf) =	vpush v27, $0xA;
	s15 =	spop (v2sf);
	s0 =	smul.u32 $0x14F8B589, s0  }
0x27b: {  	[smem:$0x5BE] =	sst s12;
	s16 =	spop (v2sf)  }
0x27c: {  	(v2sf) =	vpush v27, $0xB;
	s26 =	spop (v2sf);
	[smem:$0x5D9] =	sst s0;
	s0 =	sshra.s32 s17, $0x1F  }
0x27d: {  	s30 =	spop (v2sf);
	s0 =	smul.u32 $0x14F8B589, s0  }
0x27e: {  	(v2sf) =	vpush v27, $0x0;
	s23 =	smulhi.u32 $0x14F8B589, s30;
	s31 =	spop (v2sf)  }
0x27f: {  	[smem:$0x5CC] =	sst s16;
	s17 =	smulhi.u32 $0x14F8B589, s31;
	s2 =	sshra.s32 s31, $0x1F  }
0x280: {  	(v2sf) =	vpush v27, $0x1;
	[smem:$0x5DB] =	sst s0;
	s0 =	sshra.s32 s30, $0x1F;
	s14 =	smul.u32 $0x14F8B589, s2  }
0x281: {  	s16 =	smul.u32 $0x14F8B589, s0;
	s0 =	spop (v2sf)  }
0x282: {  	(v2sf) =	vpush v27, $0x2;
	[smem:$0x5C5] =	sst s15;
	s15 =	smulhi.u32 $0x14F8B589, s0;
	s4 =	sshra.s32 s0, $0x1F  }
0x283: {  	s1 =	spop (v2sf);
	s12 =	smul.u32 $0x14F8B589, s4  }
0x284: {  	[smem:$0x5B7] =	sst s11;
	(v2sf) =	vpush v27, $0x3;
	s13 =	smulhi.u32 $0x14F8B589, s1;
	s5 =	sshra.s32 s1, $0x1F  }
0x285: {  	s2 =	spop (v2sf);
	s10 =	smul.u32 $0x14F8B589, s5  }
0x286: {  	(v2sf) =	vpush v27, $0x4;
	[smem:$0x5D3] =	sst s26;
	s11 =	smulhi.u32 $0x14F8B589, s2;
	s5 =	sshra.s32 s2, $0x1F  }
0x287: {  	s3 =	spop (v2sf);
	s26 =	smul.u32 $0x14F8B589, s5  }
0x288: {  	[smem:$0x5B0] =	sst s8;
	(v2sf) =	vpush v27, $0x5;
	s31 =	smulhi.u32 $0x14F8B589, s3;
	s5 =	sshra.s32 s3, $0x1F  }
0x289: {  	s4 =	spop (v2sf);
	s8 =	smul.u32 $0x14F8B589, s5  }
0x28a: {  	[smem:$0x5D4] =	sst s6;
	(v2sf) =	vpush v27, $0x6;
	s9 =	smulhi.u32 $0x14F8B589, s4;
	s5 =	sshra.s32 s4, $0x1F  }
0x28b: {  	(v2sf) =	vpush v27, $0x7;
	s6 =	smul.u32 $0x14F8B589, s5;
	s5 =	spop (v2sf)  }
0x28c: {  	[smem:$0x5AF] =	sst s7;
	s7 =	smulhi.u32 $0x14F8B589, s5;
	s0 =	sshra.s32 s5, $0x1F  }
0x28d: {  	s30 =	spop (v2sf);
	s4 =	smul.u32 $0x14F8B589, s0  }
0x28e: {  	s5 =	smulhi.u32 $0x14F8B589, s30;
	s0 =	sshra.s32 s30, $0x1F  }
0x28f: {  	s1 =	spop (v2sf);
	s2 =	smul.u32 $0x14F8B589, s0  }
0x290: {  	s14 =	sadd.s32 s14, s17;
	s3 =	smulhi.u32 $0x14F8B589, s1;
	s0 =	sshra.s32 s1, $0x1F  }
0x291: {  	s16 =	sadd.s32 s16, s23;
	s30 =	spop (v2sf);
	s1 =	smul.u32 $0x14F8B589, s0  }
0x292: {  	s12 =	sadd.s32 s12, s15;
	s23 =	smulhi.u32 $0x14F8B589, s30;
	s0 =	sshra.s32 s30, $0x1F  }
0x293: {  	s13 =	sadd.s32 s10, s13;
	s30 =	spop (v2sf);
	s0 =	smul.u32 $0x14F8B589, s0  }
0x294: {  	s11 =	sadd.s32 s26, s11;
	s15 =	smulhi.u32 $0x14F8B589, s30;
	s17 =	sshra.s32 s30, $0x1F  }
0x295: {  	s8 =	sadd.s32 s8, s31;
	s30 =	spop (v2sf);
	s17 =	smul.u32 $0x14F8B589, s17  }
0x296: {  	s6 =	sadd.s32 s6, s9;
	s26 =	smulhi.u32 $0x14F8B589, s30;
	s10 =	sshra.s32 s30, $0x1F  }
0x297: {  	s4 =	sadd.s32 s4, s7;
	s30 =	spop (v2sf);
	s10 =	smul.u32 $0x14F8B589, s10  }
0x298: {  	s5 =	sadd.s32 s2, s5;
	s9 =	smulhi.u32 $0x14F8B589, s30;
	s31 =	sshra.s32 s30, $0x1F  }
0x299: {  	s3 =	sadd.s32 s1, s3;
	s30 =	spop (v2sf);
	s7 =	smul.u32 $0x14F8B589, s31  }
0x29a: {  	s2 =	smulhi.u32 $0x14F8B589, s30;
	s31 =	sshra.s32 s30, $0x1F;
	s30 =	spop (v2sf)  }
0x29b: {  	s31 =	smul.u32 $0x14F8B589, s31;
	s10 =	sadd.s32 s10, s26;
	s26 =	sld [smem:$0x569]  }
0x29c: {  	s23 =	sadd.s32 s0, s23;
	s0 =	smulhi.u32 $0x14F8B589, s30;
	s1 =	sshra.s32 s30, $0x1F  }
0x29d: {  	s15 =	sadd.s32 s17, s15;
	s17 =	smul.u32 $0x14F8B589, s1  }
0x29e: {  	s2 =	sadd.s32 s31, s2;
	s31 =	sld [smem:$0x56A];
	s30 =	smulhi.u32 $0x14F8B589, s26  }
0x29f: {  	s1 =	sadd.s32 s7, s9;
	s26 =	sshra.s32 s26, $0x1F  }
0x2a0: {  	s7 =	sadd.s32 s17, s0;
	[smem:$0x5DC] =	sst s30;
	s30 =	smul.u32 $0x14F8B589, s26  }
0x2a1: {  	s17 =	smulhi.u32 $0x14F8B589, s31;
	s0 =	sshra.s32 s31, $0x1F;
	s26 =	sshra.s32 s7, $0x1F  }
0x2a2: {  	s31 =	sshra.s32 s5, $0xD;
	s0 =	smul.u32 $0x14F8B589, s0;
	[smem:$0x5DD] =	sst s30  }
0x2a3: {  	v28 =	vmov s26;
	s26 =	sshrl.u32 s16, $0x1F;
	[smem:$0x5DE] =	sst s17;
	s30 =	sshrl.u32 s14, $0x1F  }
0x2a4: {  	v9 =	vsel vm13, s31, v28;
	s17 =	sshrl.u32 s5, $0x1F;
	s5 =	sshra.s32 s5, $0x1F;
	s31 =	sshra.s32 s3, $0xD  }
0x2a5: {  	[smem:$0x5DF] =	sst s0;
	v29 =	vmov s30;
	s0 =	sshra.s32 s16, $0xD;
	s30 =	sshrl.u32 s12, $0x1F  }
0x2a6: {  	vm15 =	vcmask $0xF0C;
	v30 =	vmov s17;
	v9 =	vsel vm3, s5, v9;
	s16 =	sshrl.u32 s3, $0x1F;
	s3 =	sshra.s32 s3, $0x1F;
	s17 =	sshrl.u32 s13, $0x1F  }
0x2a7: {  	s5 =	sld [smem:$0x570];
	v10 =	vsel vm12, s26, v29;
	v9 =	vsel vm12, s31, v9;
	v11 =	vnsel vm13, $0x0, v30;
	s26 =	sshrl.u32 s8, $0x1F;
	s31 =	sshra.s32 s23, $0xD  }
0x2a8: {  	v10 =	vsel vm2, s30, v10;
	v11 =	vsel vm12, s16, v11;
	v9 =	vsel vm15, s3, v9;
	s30 =	sshrl.u32 s23, $0x1F;
	s16 =	sshra.s32 s23, $0x1F;
	s23 =	sshrl.u32 s15, $0x1F  }
0x2a9: {  	v31 =	vmov s26;
	s26 =	sshrl.u32 s6, $0x1F;
	s3 =	sld [smem:$0x56F];
	v10 =	vsel vm0, s17, v10;
	v9 =	vsel vm2, s31, v9;
	s17 =	sshrl.u32 s11, $0x1F  }
0x2aa: {  	v11 =	vsel vm2, s30, v11;
	s30 =	sshrl.u32 s10, $0x1F;
	s31 =	sshra.s32 s15, $0xD;
	v12 =	vsel vm12, s17, v31;
	v9 =	vsel vm5, s16, v9;
	s16 =	sshra.s32 s15, $0x1F  }
0x2ab: {  	v11 =	vsel vm0, s23, v11;
	s17 =	sshrl.u32 s4, $0x1F;
	s23 =	sshrl.u32 s1, $0x1F;
	v12 =	vsel vm2, s26, v12;
	v9 =	vsel vm0, s31, v9;
	s26 =	sshra.s32 s14, $0xD  }
0x2ac: {  	s15 =	sshra.s32 s8, $0xD;
	v11 =	vsel vm14, s30, v11;
	s30 =	sshrl.u32 s2, $0x1F;
	s31 =	sshra.s32 s10, $0xD;
	v9 =	vsel vm1, s16, v9;
	v32 =	vmov s26  }
0x2ad: {  	s14 =	sshra.s32 s12, $0xD;
	s16 =	sshra.s32 s10, $0x1F;
	v9 =	vsel vm14, s31, v9;
	v13 =	vsel vm12, s0, v32;
	s31 =	rddreg [dreg:$0x18]  }
0x2ae: {  	s10 =	sshra.s32 s4, $0xD;
	s4 =	smulhi.u32 $0x14F8B589, s3;
	v13 =	vsel vm2, s14, v13;
	s14 =	sld [smem:$0x56B]  }
0x2af: {  	s8 =	smulhi.u32 $0x14F8B589, s31;
	s9 =	sshra.s32 s31, $0x1F;
	s31 =	sld [smem:$0x56E]  }
0x2b0: {  	v12 =	vsel vm0, s17, v12;
	s17 =	sshra.s32 s13, $0xD;
	s26 =	sshra.s32 s1, $0xD;
	[smem:$0x5EA] =	sst s4  }
0x2b1: {  	v11 =	vsel vm6, s23, v11;
	s13 =	sshrl.u32 s7, $0x1F;
	v9 =	vsel vm10, s16, v9;
	s16 =	sshra.s32 s7, $0xD;
	s7 =	sld [smem:$0x571]  }
0x2b2: {  	v11 =	vsel vm7, s30, v11;
	s30 =	sshra.s32 s6, $0xD;
	s6 =	smulhi.u32 $0x14F8B589, s5;
	v13 =	vsel vm0, s17, v13;
	s17 =	sld [smem:$0x56C]  }
0x2b3: {  	v9 =	vsel vm6, s26, v9;
	s26 =	sld [smem:$0x56D]  }
0x2b4: {  	[smem:$0x5EC] =	sst s6  }
0x2b5: {  	vm3 =	vmmov vm13;
	vm13 =	vmmov vm10;
	vm10 =	vcmask $0x3B38;
	s0 =	smul.u32 $0x14F8B589, s9;
	s9 =	sld [smem:$0x572]  }
0x2b6: {  	v11 =	vsel vm10, s13, v11;
	s13 =	sld [smem:$0x574]  }
0x2b7: {  	vm15 =	vmmov vm5;
	vm5 =	vcmask $0x2F2C;
	s23 =	sshra.s32 s11, $0xD;
	s1 =	sshra.s32 s1, $0x1F;
	[smem:$0x5E0] =	sst s8  }
0x2b8: {  	v14 =	vmov s15;
	s11 =	sshra.s32 s2, $0xD;
	v9 =	vsel vm5, s1, v9;
	[smem:$0x5E1] =	sst s0;
	s15 =	smulhi.u32 $0x14F8B589, s14  }
0x2b9: {  	s12 =	sshra.s32 s2, $0x1F;
	v9 =	vsel vm7, s11, v9;
	s2 =	smulhi.u32 $0x14F8B589, s31;
	s11 =	sld [smem:$0x573]  }
0x2ba: {  	s8 =	smulhi.u32 $0x14F8B589, s7;
	[smem:$0x5E2] =	sst s15  }
0x2bb: {  	s0 =	sshra.s32 s14, $0x1F;
	[smem:$0x5E8] =	sst s2  }
0x2bc: {  	s0 =	smul.u32 $0x14F8B589, s0;
	[smem:$0x5EE] =	sst s8  }
0x2bd: {  	v14 =	vsel vm12, s23, v14;
	s23 =	smulhi.u32 $0x14F8B589, s17;
	s15 =	sld [smem:$0x575]  }
0x2be: {  	v14 =	vsel vm2, s30, v14;
	s30 =	smulhi.u32 $0x14F8B589, s26;
	[smem:$0x5E3] =	sst s0  }
0x2bf: {  	v14 =	vsel vm0, s10, v14;
	s10 =	smulhi.u32 $0x14F8B589, s9;
	[smem:$0x5E4] =	sst s23  }
0x2c0: {  	s14 =	smulhi.u32 $0x14F8B589, s13;
	[smem:$0x5E6] =	sst s30  }
0x2c1: {  	[smem:$0x5F0] =	sst s10  }
0x2c2: {  	v9 =	vsel vm11, s12, v9;
	s12 =	smulhi.u32 $0x14F8B589, s11;
	[smem:$0x5F4] =	sst s14  }
0x2c3: {  	s0 =	sshra.s32 s17, $0x1F;
	s17 =	sld [smem:$0x576]  }
0x2c4: {  	s0 =	smul.u32 $0x14F8B589, s0;
	[smem:$0x5F2] =	sst s12  }
0x2c5: {  	s12 =	sld [smem:$0x57B]  }
0x2c6: {  	v9 =	vsel vm10, s16, v9;
	s16 =	smulhi.u32 $0x14F8B589, s15;
	[smem:$0x5E5] =	sst s0  }
0x2c7: {  	s0 =	sshra.s32 s26, $0x1F;
	s23 =	smulhi.u32 $0x14F8B589, s17;
	s26 =	sld [smem:$0x577]  }
0x2c8: {  	s0 =	smul.u32 $0x14F8B589, s0;
	[smem:$0x5F6] =	sst s16  }
0x2c9: {  	[smem:$0x5F9] =	sst s23  }
0x2ca: {  	s23 =	smulhi.u32 $0x14F8B589, s21;
	[smem:$0x5E7] =	sst s0  }
0x2cb: {  	s0 =	sshra.s32 s31, $0x1F;
	s30 =	smulhi.u32 $0x14F8B589, s26;
	s31 =	sld [smem:$0x578]  }
0x2cc: {  	s0 =	smul.u32 $0x14F8B589, s0;
	[smem:$0x60B] =	sst s23  }
0x2cd: {  	[smem:$0x5FB] =	sst s30  }
0x2ce: {  	[smem:$0x5E9] =	sst s0;
	s0 =	sshra.s32 s3, $0x1F;
	s2 =	smulhi.u32 $0x14F8B589, s31  }
0x2cf: {  	s3 =	sld [smem:$0x579];
	s0 =	smul.u32 $0x14F8B589, s0  }
0x2d0: {  	s8 =	sshra.s32 s18, $0x1F;
	[smem:$0x5FD] =	sst s2  }
0x2d1: {  	s2 =	smul.u32 $0x14F8B589, s8;
	[smem:$0x5EB] =	sst s0  }
0x2d2: {  	s0 =	sshra.s32 s5, $0x1F;
	s4 =	smulhi.u32 $0x14F8B589, s3;
	s5 =	sld [smem:$0x57A]  }
0x2d3: {  	s10 =	sshra.s32 s19, $0x1F;
	s0 =	smul.u32 $0x14F8B589, s0;
	[smem:$0x605] =	sst s2  }
0x2d4: {  	s2 =	smul.u32 $0x14F8B589, s10;
	[smem:$0x600] =	sst s4  }
0x2d5: {  	[smem:$0x5ED] =	sst s0  }
0x2d6: {  	s16 =	sshra.s32 s20, $0x1F;
	s6 =	smulhi.u32 $0x14F8B589, s5;
	[smem:$0x608] =	sst s2  }
0x2d7: {  	s0 =	sshra.s32 s7, $0x1F;
	s7 =	smulhi.u32 $0x14F8B589, s18;
	s18 =	sld [smem:$0x57D]  }
0x2d8: {  	s2 =	smul.u32 $0x14F8B589, s16;
	[smem:$0x602] =	sst s6  }
0x2d9: {  	s0 =	smul.u32 $0x14F8B589, s0;
	[smem:$0x604] =	sst s7  }
0x2da: {  	[smem:$0x60A] =	sst s2  }
0x2db: {  	[smem:$0x5EF] =	sst s0;
	s0 =	sshra.s32 s9, $0x1F  }
0x2dc: {  	s6 =	sld [smem:$0x57F];
	s0 =	smul.u32 $0x14F8B589, s0  }
0x2dd: {  	s7 =	sld [smem:$0x580]  }
0x2de: {  	s9 =	smulhi.u32 $0x14F8B589, s19;
	[smem:$0x5F1] =	sst s0;
	s0 =	sshra.s32 s11, $0x1F  }
0x2df: {  	s19 =	sld [smem:$0x57E];
	s0 =	smul.u32 $0x14F8B589, s0  }
0x2e0: {  	[smem:$0x607] =	sst s9  }
0x2e1: {  	v10 =	vcombine.low v12, v10;
	s9 =	smulhi.u32 $0x14F8B589, s22;
	[smem:$0x5F3] =	sst s0;
	s0 =	sshra.s32 s13, $0x1F  }
0x2e2: {  	v33 =	vcombine.low v14, v13;
	s13 =	sld [smem:$0x57C];
	s0 =	smul.u32 $0x14F8B589, s0  }
0x2e3: {  	v10 =	vperm.xlane v10, v0;
	v11 =	vperm.xlane v11, v1;
	[smem:$0x60E] =	sst s9  }
0x2e4: {  	v12 =	vperm.xlane v33, v0;
	v9 =	vperm.xlane v9, v1;
	[smem:$0x5F5] =	sst s0  }
0x2e5: {  	s4 =	sadd.s32 s13, s12;
	s12 =	sld [smem:$0x581]  }
0x2e6: {  	v10 =	vsel vm8, v11, v10;
	v9 =	vsel vm8, v9, v12;
	s13 =	sld [smem:$0x582]  }
0x2e7: {  	v9 =	vadd.s32 v10, v9;
	s0 =	sshra.s32 s15, $0x1F;
	[smem:$0x633] =	sst s4  }
0x2e8: {  	v9 =	vmul.u32 $0x186A0, v9;
	s15 =	smulhi.u32 $0x14F8B589, s20;
	s4 =	sadd.s32 s19, s18;
	s18 =	sld [smem:$0x583]  }
0x2e9: {  	v34 =	vld [tilespmem:$0x60];
	s19 =	sld [smem:$0x584]  }
0x2ea: {  	v8 =	vsub.s32 v27, v9;
	[smem:$0x609] =	sst s15  }
0x2eb: {  	vm4 =	vlt.s32 v8, $0x0;
	v9 =	vadd.s32 $0x186A0, v8;
	[smem:$0x634] =	sst s4  }
0x2ec: {  	v7 =	vmul.u32 $0x335, v26;
	v8 =	vsel vm4, v9, v8;
	s16 =	sshra.s32 s24, $0x1F;
	s15 =	smulhi.u32 $0x14F8B589, s24;
	s24 =	sld [smem:$0x585]  }
0x2ed: {  	v8 =	vmul.u32 $0x3E8, v8;
	s0 =	smul.u32 $0x14F8B589, s0;
	s4 =	sadd.s32 s7, s6;
	s6 =	sld [smem:$0x588]  }
0x2ee: {  	v7 =	vadd.s32 v7, v34;
	s7 =	sld [smem:$0x589]  }
0x2ef: {  	v7 =	vadd.s32 v8, v7;
	[smem:$0x5F7] =	sst s0  }
0x2f0: {  	(v2sf) =	vpush v7, $0xD;
	[smem:$0x636] =	sst s4  }
0x2f1: {  	s4 =	sadd.s32 s13, s12;
	s12 =	sld [smem:$0x58D]  }
0x2f2: {  	s13 =	sld [smem:$0x58E]  }
0x2f3: {  	(v2sf) =	vpush v7, $0xC;
	s0 =	sshra.s32 s17, $0x1F;
	[smem:$0x638] =	sst s4  }
0x2f4: {  	(v2sf) =	vpush v7, $0xE;
	s0 =	smul.u32 $0x14F8B589, s0;
	[smem:$0x611] =	sst s15  }
0x2f5: {  	s15 =	sld [smem:$0x58F]  }
0x2f6: {  	[smem:$0x5FA] =	sst s0;
	s0 =	sshra.s32 s26, $0x1F  }
0x2f7: {  	s4 =	sadd.s32 s19, s18;
	s18 =	sld [smem:$0x592];
	s0 =	smul.u32 $0x14F8B589, s0  }
0x2f8: {  	(v2sf) =	vpush v7, $0xF;
	[smem:$0x63B] =	sst s4  }
0x2f9: {  	(v2sf) =	vpush v7, $0x9;
	[smem:$0x5FC] =	sst s0  }
0x2fa: {  	(v2sf) =	vpush v7, $0x8;
	s0 =	sshra.s32 s31, $0x1F;
	s31 =	sshra.s32 s21, $0x1F;
	s21 =	smulhi.u32 $0x14F8B589, s25  }
0x2fb: {  	s10 =	sshra.s32 s22, $0x1F;
	(v2sf) =	vpush v7, $0xA;
	s22 =	sshra.s32 s25, $0x1F;
	s25 =	sld [smem:$0x586]  }
0x2fc: {  	(v2sf) =	vpush v7, $0xB;
	s0 =	smul.u32 $0x14F8B589, s0;
	[smem:$0x614] =	sst s21  }
0x2fd: {  	(v2sf) =	vpush v7, $0x0;
	s2 =	smul.u32 $0x14F8B589, s31;
	s21 =	sld [smem:$0x594]  }
0x2fe: {  	(v2sf) =	vpush v7, $0x1;
	[smem:$0x5FE] =	sst s0  }
0x2ff: {  	s0 =	sshra.s32 s3, $0x1F;
	s3 =	spop (v2sf);
	[smem:$0x60C] =	sst s2  }
0x300: {  	(v2sf) =	vpush v7, $0x2;
	s2 =	smul.u32 $0x14F8B589, s10;
	s10 =	sld [smem:$0x58B]  }
0x301: {  	s4 =	sadd.s32 s25, s24;
	s25 =	sld [smem:$0x597];
	s0 =	smul.u32 $0x14F8B589, s0  }
0x302: {  	(v2sf) =	vpush v7, $0x3;
	s26 =	spop (v2sf);
	[smem:$0x639] =	sst s4  }
0x303: {  	s1 =	spop (v2sf);
	[smem:$0x60F] =	sst s2  }
0x304: {  	(v2sf) =	vpush v7, $0x4;
	s2 =	smul.u32 $0x14F8B589, s16;
	[smem:$0x601] =	sst s0;
	s0 =	sshra.s32 s5, $0x1F  }
0x305: {  	(v2sf) =	vpush v7, $0x5;
	s16 =	sld [smem:$0x590];
	s0 =	smul.u32 $0x14F8B589, s0  }
0x306: {  	[smem:$0x612] =	sst s2;
	s2 =	smul.u32 $0x14F8B589, s22  }
0x307: {  	[smem:$0x603] =	sst s0;
	s0 =	spop (v2sf)  }
0x308: {  	(v2sf) =	vpush v7, $0x6;
	s22 =	sld [smem:$0x595];
	s30 =	spop (v2sf)  }
0x309: {  	[smem:$0x615] =	sst s2;
	s11 =	spop (v2sf)  }
0x30a: {  	v35 =	vld [tilespmem:$0x170];
	[smem:$0x5F8] =	sst s11;
	s14 =	spop (v2sf)  }
0x30b: {  	[smem:$0x5FF] =	sst s14;
	s17 =	spop (v2sf)  }
0x30c: {  	[smem:$0x606] =	sst s17;
	s20 =	spop (v2sf)  }
0x30d: {  	[smem:$0x60D] =	sst s20;
	s5 =	spop (v2sf)  }
0x30e: {  	(v2sf) =	vpush v7, $0x7;
	[smem:$0x610] =	sst s5  }
0x30f: {  	v36 =	vmul.u32 $0x5C, v35;
	s8 =	spop (v2sf);
	s5 =	sld [smem:$0x587]  }
0x310: {  	[smem:$0x613] =	sst s8  }
0x311: {  	(v2sf) =	vpush v36, $0xD;
	s11 =	spop (v2sf);
	s8 =	sld [smem:$0x58A]  }
0x312: {  	(v2sf) =	vpush v36, $0xC;
	[smem:$0x616] =	sst s11  }
0x313: {  	s14 =	spop (v2sf);
	s11 =	sld [smem:$0x58C]  }
0x314: {  	[smem:$0x618] =	sst s14;
	s17 =	spop (v2sf)  }
0x315: {  	s2 =	sadd.s32 s6, s5;
	[smem:$0x61B] =	sst s17  }
0x316: {  	[smem:$0x63D] =	sst s2  }
0x317: {  	s20 =	spop (v2sf);
	s17 =	sld [smem:$0x591]  }
0x318: {  	(v2sf) =	vpush v36, $0xE;
	s5 =	sadd.s32 s8, s7;
	s8 =	sadd.s32 s16, s15;
	s15 =	sld [smem:$0x59A]  }
0x319: {  	[smem:$0x61C] =	sst s20  }
0x31a: {  	s7 =	sadd.s32 s13, s12;
	[smem:$0x63F] =	sst s5  }
0x31b: {  	(v2sf) =	vpush v36, $0xF;
	[smem:$0x637] =	sst s7  }
0x31c: {  	[smem:$0x63A] =	sst s8  }
0x31d: {  	(v2sf) =	vpush v36, $0x9;
	s23 =	spop (v2sf);
	s20 =	sld [smem:$0x593]  }
0x31e: {  	s5 =	sadd.s32 s11, s10;
	[smem:$0x61D] =	sst s23  }
0x31f: {  	[smem:$0x635] =	sst s5  }
0x320: {  	s31 =	spop (v2sf);
	s23 =	sld [smem:$0x596]  }
0x321: {  	(v2sf) =	vpush v36, $0x8;
	s2 =	smulhi.u32 $0x14F8B589, s31;
	s9 =	spop (v2sf)  }
0x322: {  	s4 =	sshra.s32 s31, $0x1F;
	s31 =	sld [smem:$0x598];
	s5 =	smulhi.u32 $0x14F8B589, s9  }
0x323: {  	s6 =	sshra.s32 s9, $0x1F;
	s9 =	sadd.s32 s18, s17;
	s17 =	sld [smem:$0x59B]  }
0x324: {  	s18 =	sld [smem:$0x59C]  }
0x325: {  	s10 =	sadd.s32 s21, s20;
	s20 =	sld [smem:$0x59E]  }
0x326: {  	(v2sf) =	vpush v36, $0xA;
	[smem:$0x63C] =	sst s9  }
0x327: {  	s14 =	spop (v2sf);
	[smem:$0x63E] =	sst s10  }
0x328: {  	s8 =	smulhi.u32 $0x14F8B589, s14;
	s7 =	sshra.s32 s14, $0x1F;
	s14 =	sld [smem:$0x599]  }
0x329: {  	s11 =	sadd.s32 s23, s22;
	s22 =	sld [smem:$0x59F]  }
0x32a: {  	(v2sf) =	vpush v36, $0xB;
	s19 =	spop (v2sf);
	s23 =	sld [smem:$0x5A0]  }
0x32b: {  	s10 =	smulhi.u32 $0x14F8B589, s19;
	[smem:$0x640] =	sst s11  }
0x32c: {  	s9 =	sshra.s32 s19, $0x1F;
	s24 =	spop (v2sf);
	s19 =	sld [smem:$0x59D]  }
0x32d: {  	s12 =	sadd.s32 s31, s25;
	s25 =	sld [smem:$0x5A2];
	s11 =	smul.u32 $0x14F8B589, s9  }
0x32e: {  	[smem:$0x641] =	sst s12;
	s12 =	smulhi.u32 $0x14F8B589, s24  }
0x32f: {  	s9 =	sshra.s32 s24, $0x1F;
	s24 =	sld [smem:$0x5A1];
	s13 =	sadd.s32 s15, s14  }
0x330: {  	s16 =	spop (v2sf);
	s14 =	sadd.s32 s18, s17;
	[smem:$0x632] =	sst s13  }
0x331: {  	(v2sf) =	vpush v36, $0x0;
	s13 =	smul.u32 $0x14F8B589, s9;
	[smem:$0x642] =	sst s14  }
0x332: {  	s14 =	smulhi.u32 $0x14F8B589, s16;
	s15 =	sadd.s32 s20, s19;
	s20 =	sld [smem:$0x5A3]  }
0x333: {  	s9 =	sshra.s32 s16, $0x1F;
	s16 =	sadd.s32 s23, s22;
	s22 =	sld [smem:$0x5A5]  }
0x334: {  	s23 =	sld [smem:$0x5A6]  }
0x335: {  	(v2sf) =	vpush v36, $0x1;
	s21 =	spop (v2sf);
	[smem:$0x644] =	sst s15  }
0x336: {  	s15 =	smul.u32 $0x14F8B589, s9;
	[smem:$0x646] =	sst s16  }
0x337: {  	s16 =	smulhi.u32 $0x14F8B589, s21;
	s9 =	sshra.s32 s21, $0x1F;
	s21 =	sld [smem:$0x5A4]  }
0x338: {  	(v2sf) =	vpush v36, $0x2;
	s17 =	sadd.s32 s25, s24;
	s25 =	sld [smem:$0x5A7]  }
0x339: {  	s31 =	spop (v2sf);
	[smem:$0x647] =	sst s17  }
0x33a: {  	s19 =	sadd.s32 s23, s22;
	s22 =	sld [smem:$0x5A9];
	s18 =	sadd.s32 s21, s20  }
0x33b: {  	(v2sf) =	vpush v36, $0x3;
	s17 =	smul.u32 $0x14F8B589, s9;
	[smem:$0x64B] =	sst s18  }
0x33c: {  	s9 =	sshra.s32 s31, $0x1F;
	s18 =	smulhi.u32 $0x14F8B589, s31;
	s31 =	sld [smem:$0x5A8]  }
0x33d: {  	(v2sf) =	vpush v36, $0x4;
	s23 =	sld [smem:$0x5AA]  }
0x33e: {  	[smem:$0x649] =	sst s19  }
0x33f: {  	(v2sf) =	vpush v36, $0x5;
	s4 =	smul.u32 $0x14F8B589, s4;
	s20 =	sadd.s32 s31, s25;
	s25 =	sld [smem:$0x5AB]  }
0x340: {  	s24 =	spop (v2sf);
	s21 =	sadd.s32 s23, s22;
	s31 =	sld [smem:$0x5AC]  }
0x341: {  	(v2sf) =	vpush v36, $0x6;
	s19 =	smul.u32 $0x14F8B589, s9;
	s9 =	sshra.s32 s24, $0x1F;
	[smem:$0x64F] =	sst s21  }
0x342: {  	s21 =	smul.u32 $0x14F8B589, s9;
	[smem:$0x64D] =	sst s20  }
0x343: {  	s20 =	smulhi.u32 $0x14F8B589, s24;
	s22 =	sadd.s32 s31, s25;
	s25 =	sld [smem:$0x5AE]  }
0x344: {  	(v2sf) =	vpush v36, $0x7;
	s24 =	spop (v2sf);
	[smem:$0x645] =	sst s22  }
0x345: {  	s9 =	sshra.s32 s24, $0x1F;
	s22 =	smulhi.u32 $0x14F8B589, s24;
	s24 =	sld [smem:$0x5AD]  }
0x346: {  	s6 =	smul.u32 $0x14F8B589, s6  }
0x347: {  	s7 =	smul.u32 $0x14F8B589, s7;
	s31 =	spop (v2sf)  }
0x348: {  	s23 =	sadd.s32 s25, s24;
	s24 =	sadd.s32 s4, s2;
	s25 =	smulhi.u32 $0x14F8B589, s31  }
0x349: {  	s4 =	sshra.s32 s31, $0x1F;
	[smem:$0x648] =	sst s23;
	s23 =	smul.u32 $0x14F8B589, s9  }
0x34a: {  	s9 =	sadd.s32 s6, s5;
	s31 =	smul.u32 $0x14F8B589, s4;
	s5 =	spop (v2sf)  }
0x34b: {  	s6 =	sadd.s32 s7, s8;
	s8 =	smulhi.u32 $0x14F8B589, s5;
	s2 =	sshra.s32 s5, $0x1F  }
0x34c: {  	s4 =	sadd.s32 s11, s10;
	s10 =	spop (v2sf);
	s11 =	smul.u32 $0x14F8B589, s2  }
0x34d: {  	s5 =	sadd.s32 s13, s12;
	s12 =	smulhi.u32 $0x14F8B589, s10;
	s2 =	sshra.s32 s10, $0x1F  }
0x34e: {  	s10 =	sadd.s32 s15, s14;
	s15 =	spop (v2sf);
	s13 =	smul.u32 $0x14F8B589, s2  }
0x34f: {  	s7 =	sadd.s32 s17, s16;
	s14 =	smulhi.u32 $0x14F8B589, s15;
	s17 =	sshra.s32 s15, $0x1F  }
0x350: {  	s2 =	sadd.s32 s19, s18;
	s19 =	spop (v2sf);
	s15 =	smul.u32 $0x14F8B589, s17  }
0x351: {  	s17 =	sadd.s32 s21, s20;
	s18 =	smulhi.u32 $0x14F8B589, s19  }
0x352: {  	s16 =	sshra.s32 s19, $0x1F;
	s21 =	sadd.s32 s31, s25;
	s25 =	smulhi.u32 $0x14F8B589, s28  }
0x353: {  	s19 =	sadd.s32 s23, s22;
	s23 =	spop (v2sf);
	s16 =	smul.u32 $0x14F8B589, s16  }
0x354: {  	s31 =	sshra.s32 s28, $0x1F;
	s22 =	smulhi.u32 $0x14F8B589, s23  }
0x355: {  	s20 =	sshra.s32 s23, $0x1F;
	s23 =	sadd.s32 s11, s8;
	s13 =	sadd.s32 s13, s12  }
0x356: {  	s28 =	sshrl.u32 s17, $0x1F;
	s20 =	smul.u32 $0x14F8B589, s20;
	s12 =	sadd.s32 s15, s14  }
0x357: {  	[smem:$0x617] =	sst s25;
	s15 =	smulhi.u32 $0x14F8B589, s29;
	s25 =	sshra.s32 s17, $0xD  }
0x358: {  	v39 =	vmov s28;
	s28 =	sshrl.u32 s10, $0x1F;
	s11 =	sadd.s32 s16, s18;
	s18 =	smul.u32 $0x14F8B589, s31  }
0x359: {  	s16 =	sshra.s32 s29, $0x1F;
	s29 =	sshra.s32 s17, $0x1F;
	s31 =	sshrl.u32 s24, $0x1F  }
0x35a: {  	s17 =	sshrl.u32 s6, $0x1F;
	v40 =	vmov s28;
	s28 =	sshra.s32 s23, $0x1F;
	s6 =	sshra.s32 s6, $0xD  }
0x35b: {  	s8 =	sadd.s32 s20, s22;
	[smem:$0x619] =	sst s15;
	s14 =	smul.u32 $0x14F8B589, s16  }
0x35c: {  	s22 =	sshrl.u32 s9, $0x1F;
	s9 =	sshra.s32 s9, $0xD;
	s15 =	sld [smem:$0x5B4]  }
0x35d: {  	vm14 =	vmmov vm11;
	vm11 =	vcmask $0x704;
	s16 =	sld [smem:$0x5B5];
	s20 =	sshra.s32 s8, $0x1F;
	v38 =	vmov s22;
	s22 =	sshrl.u32 s19, $0x1F  }
0x35e: {  	v12 =	vnsel vm3, $0x0, v39;
	v41 =	vmov s9;
	v37 =	vmov s20;
	[smem:$0x61A] =	sst s14;
	s14 =	sshra.s32 s24, $0xD;
	s20 =	sshra.s32 s19, $0xD  }
0x35f: {  	v11 =	vsel vm12, s31, v38;
	s24 =	sshra.s32 s19, $0x1F;
	v12 =	vsel vm12, s22, v12;
	s31 =	sshra.s32 s21, $0xD;
	s19 =	sshra.s32 s21, $0x1F;
	v10 =	vsel vm3, s25, v37  }
0x360: {  	s22 =	sshrl.u32 s7, $0x1F;
	v11 =	vsel vm2, s17, v11;
	s25 =	sshrl.u32 s4, $0x1F;
	v14 =	vsel vm12, s14, v41;
	s14 =	sld [smem:$0x5B3];
	v10 =	vsel vm11, s29, v10  }
0x361: {  	v11 =	vsel vm0, s25, v11;
	vm11 =	vcmask $0xF0C;
	s29 =	sshrl.u32 s21, $0x1F;
	s21 =	sshrl.u32 s23, $0x1F;
	v10 =	vsel vm12, s20, v10;
	s20 =	sshrl.u32 s5, $0x1F  }
0x362: {  	s25 =	sshra.s32 s23, $0xD;
	v14 =	vsel vm2, s6, v14;
	s6 =	sld [smem:$0x5B0];
	v10 =	vsel vm11, s24, v10;
	v13 =	vsel vm12, s20, v40;
	s20 =	sshra.s32 s10, $0xD  }
0x363: {  	s23 =	sshra.s32 s7, $0xD;
	v12 =	vsel vm2, s29, v12;
	s24 =	sshrl.u32 s13, $0x1F;
	v10 =	vsel vm2, s31, v10;
	v15 =	vmov s20;
	s20 =	sld [smem:$0x5B8]  }
0x364: {  	v12 =	vsel vm0, s21, v12;
	s21 =	sshra.s32 s13, $0x1F;
	v10 =	vsel vm15, s19, v10;
	s19 =	sshra.s32 s13, $0xD;
	s13 =	sld [smem:$0x5B2]  }
0x365: {  	s5 =	sshra.s32 s5, $0xD;
	s31 =	sshrl.u32 s12, $0x1F;
	vm15 =	vcmask $0x2320;
	v10 =	vsel vm0, s25, v10;
	s25 =	sld [smem:$0x5AF]  }
0x366: {  	v13 =	vsel vm2, s22, v13;
	s22 =	sshra.s32 s12, $0xD;
	v15 =	vsel vm12, s5, v15;
	v12 =	vsel vm15, s24, v12;
	s24 =	sshra.s32 s12, $0x1F;
	s12 =	sld [smem:$0x5B1]  }
0x367: {  	s17 =	sshrl.u32 s11, $0x1F;
	v15 =	vsel vm2, s23, v15;
	s23 =	sld [smem:$0x5BB];
	v12 =	vsel vm6, s31, v12  }
0x368: {  	v10 =	vsel vm1, s28, v10;
	v12 =	vsel vm7, s17, v12;
	s17 =	sld [smem:$0x5B6]  }
0x369: {  	v10 =	vsel vm15, s19, v10;
	s19 =	sld [smem:$0x5B7]  }
0x36a: {  	s5 =	sshrl.u32 s8, $0x1F;
	v10 =	vsel vm13, s21, v10;
	s21 =	sld [smem:$0x5B9]  }
0x36b: {  	s9 =	smulhi.u32 $0x14F8B589, s25;
	s28 =	sshra.s32 s25, $0x1F;
	s25 =	sld [smem:$0x5BD]  }
0x36c: {  	v12 =	vsel vm10, s5, v12;
	s5 =	sadd.s32 s13, s12;
	s12 =	sld [smem:$0x5C1]  }
0x36d: {  	s13 =	sld [smem:$0x5C2]  }
0x36e: {  	[smem:$0x64A] =	sst s5  }
0x36f: {  	v10 =	vsel vm6, s22, v10;
	s22 =	sld [smem:$0x5BA]  }
0x370: {  	s10 =	smul.u32 $0x14F8B589, s28;
	s28 =	sld [smem:$0x5BE]  }
0x371: {  	s5 =	sadd.s32 s15, s14;
	s14 =	sld [smem:$0x5C3]  }
0x372: {  	s15 =	sld [smem:$0x5C4]  }
0x373: {  	[smem:$0x64C] =	sst s5  }
0x374: {  	s29 =	sshrl.u32 s2, $0x1F;
	v10 =	vsel vm5, s24, v10;
	s24 =	sld [smem:$0x5BC]  }
0x375: {  	v13 =	vsel vm0, s29, v13;
	s29 =	sshra.s32 s11, $0xD;
	s5 =	sld [smem:$0x5CF]  }
0x376: {  	s4 =	sshra.s32 s4, $0xD;
	v10 =	vsel vm7, s29, v10;
	s29 =	sld [smem:$0x5BF]  }
0x377: {  	v14 =	vsel vm0, s4, v14;
	s4 =	sadd.s32 s21, s20;
	s20 =	sld [smem:$0x5C7]  }
0x378: {  	s21 =	sld [smem:$0x5C8]  }
0x379: {  	s31 =	sshra.s32 s11, $0x1F;
	[smem:$0x650] =	sst s4  }
0x37a: {  	v10 =	vsel vm14, s31, v10;
	s31 =	sld [smem:$0x5C0]  }
0x37b: {  	s4 =	sadd.s32 s23, s22;
	s22 =	sld [smem:$0x5C9]  }
0x37c: {  	s2 =	sshra.s32 s2, $0xD;
	s23 =	sld [smem:$0x5CA]  }
0x37d: {  	v15 =	vsel vm0, s2, v15;
	s2 =	sshra.s32 s6, $0x1F;
	s11 =	sshra.s32 s8, $0xD;
	[smem:$0x651] =	sst s4  }
0x37e: {  	v10 =	vsel vm10, s11, v10;
	s11 =	smul.u32 $0x14F8B589, s2;
	s2 =	sadd.s32 s17, s16;
	s16 =	sld [smem:$0x5C5]  }
0x37f: {  	s7 =	smulhi.u32 $0x14F8B589, s6;
	[smem:$0x64E] =	sst s2  }
0x380: {  	s6 =	smulhi.u32 $0x14F8B589, s19;
	s2 =	sshra.s32 s19, $0x1F;
	s19 =	sld [smem:$0x5C6]  }
0x381: {  	s4 =	sadd.s32 s31, s29;
	s29 =	sld [smem:$0x5CD]  }
0x382: {  	s31 =	sld [smem:$0x5CE]  }
0x383: {  	[smem:$0x655] =	sst s4  }
0x384: {  	s2 =	smul.u32 $0x14F8B589, s2;
	s4 =	sadd.s32 s13, s12;
	s12 =	sld [smem:$0x5D0]  }
0x385: {  	s13 =	sld [smem:$0x5D1]  }
0x386: {  	[smem:$0x61E] =	sst s2  }
0x387: {  	[smem:$0x654] =	sst s4  }
0x388: {  	s2 =	sadd.s32 s25, s24;
	s24 =	sld [smem:$0x5CB]  }
0x389: {  	s25 =	sld [smem:$0x5CC]  }
0x38a: {  	s4 =	sadd.s32 s20, s19;
	s19 =	sld [smem:$0x5D5]  }
0x38b: {  	s17 =	smulhi.u32 $0x14F8B589, s16;
	s20 =	sld [smem:$0x5D6]  }
0x38c: {  	[smem:$0x643] =	sst s2  }
0x38d: {  	[smem:$0x620] =	sst s17  }
0x38e: {  	[smem:$0x658] =	sst s4  }
0x38f: {  	s17 =	sld [smem:$0x5D4]  }
0x390: {  	s4 =	sadd.s32 s22, s21;
	s21 =	sld [smem:$0x5D7]  }
0x391: {  	s22 =	sld [smem:$0x5D8]  }
0x392: {  	[smem:$0x65B] =	sst s4  }
0x393: {  	s4 =	sadd.s32 s31, s29;
	s29 =	sld [smem:$0x5DC]  }
0x394: {  	s2 =	sshra.s32 s28, $0x1F;
	s31 =	sld [smem:$0x5DD]  }
0x395: {  	s2 =	smul.u32 $0x14F8B589, s2;
	[smem:$0x65D] =	sst s4  }
0x396: {  	s4 =	sadd.s32 s12, s5;
	s12 =	sld [smem:$0x5DE]  }
0x397: {  	[smem:$0x61F] =	sst s2  }
0x398: {  	[smem:$0x65F] =	sst s4  }
0x399: {  	s2 =	sadd.s32 s15, s14;
	s14 =	sld [smem:$0x5D2]  }
0x39a: {  	s15 =	sld [smem:$0x5D3]  }
0x39b: {  	s8 =	smulhi.u32 $0x14F8B589, s28;
	s4 =	sadd.s32 s19, s17;
	s17 =	sld [smem:$0x5E1]  }
0x39c: {  	s28 =	smulhi.u32 $0x14F8B589, s25;
	s19 =	sld [smem:$0x5E2]  }
0x39d: {  	[smem:$0x657] =	sst s2  }
0x39e: {  	[smem:$0x622] =	sst s28  }
0x39f: {  	[smem:$0x656] =	sst s4  }
0x3a0: {  	s28 =	sld [smem:$0x5DB]  }
0x3a1: {  	s2 =	sshra.s32 s16, $0x1F;
	s4 =	sadd.s32 s21, s20;
	s20 =	sld [smem:$0x5E3]  }
0x3a2: {  	s21 =	sld [smem:$0x5E4];
	s2 =	smul.u32 $0x14F8B589, s2  }
0x3a3: {  	[smem:$0x659] =	sst s4  }
0x3a4: {  	[smem:$0x621] =	sst s2  }
0x3a5: {  	s16 =	smulhi.u32 $0x14F8B589, s15;
	s2 =	sadd.s32 s24, s23;
	s23 =	sld [smem:$0x5D9]  }
0x3a6: {  	[smem:$0x65A] =	sst s2  }
0x3a7: {  	s2 =	sshra.s32 s25, $0x1F;
	[smem:$0x624] =	sst s16  }
0x3a8: {  	s25 =	sld [smem:$0x5DA];
	s2 =	smul.u32 $0x14F8B589, s2  }
0x3a9: {  	s16 =	sld [smem:$0x5E0]  }
0x3aa: {  	[smem:$0x623] =	sst s2  }
0x3ab: {  	s5 =	smulhi.u32 $0x14F8B589, s3;
	s2 =	sadd.s32 s14, s13;
	s13 =	sld [smem:$0x5DF]  }
0x3ac: {  	s24 =	sshra.s32 s3, $0x1F;
	s3 =	sadd.s32 s28, s25;
	s25 =	sld [smem:$0x5E7]  }
0x3ad: {  	s28 =	sld [smem:$0x5E9]  }
0x3ae: {  	[smem:$0x653] =	sst s2  }
0x3af: {  	s14 =	smulhi.u32 $0x14F8B589, s26;
	[smem:$0x65E] =	sst s3  }
0x3b0: {  	s2 =	sshra.s32 s15, $0x1F;
	s15 =	sshra.s32 s26, $0x1F;
	s26 =	sld [smem:$0x5E8]  }
0x3b1: {  	s3 =	sadd.s32 s31, s29;
	s29 =	sld [smem:$0x5EA]  }
0x3b2: {  	s31 =	sld [smem:$0x5EB]  }
0x3b3: {  	[smem:$0x660] =	sst s3  }
0x3b4: {  	[smem:$0x627] =	sst s14  }
0x3b5: {  	s14 =	sld [smem:$0x5EF]  }
0x3b6: {  	s4 =	smul.u32 $0x14F8B589, s15;
	s15 =	sld [smem:$0x5F0]  }
0x3b7: {  	s3 =	sadd.s32 s17, s16;
	s16 =	sld [smem:$0x5F1]  }
0x3b8: {  	[smem:$0x652] =	sst s3  }
0x3b9: {  	s2 =	smul.u32 $0x14F8B589, s2;
	s3 =	sadd.s32 s20, s19;
	s20 =	sld [smem:$0x5F2]  }
0x3ba: {  	s17 =	smulhi.u32 $0x14F8B589, s30;
	s19 =	sshra.s32 s30, $0x1F;
	s30 =	sld [smem:$0x5F9]  }
0x3bb: {  	[smem:$0x625] =	sst s2  }
0x3bc: {  	[smem:$0x665] =	sst s3  }
0x3bd: {  	s2 =	sadd.s32 s23, s22;
	s22 =	sld [smem:$0x5E5]  }
0x3be: {  	s3 =	sld [smem:$0x5EC]  }
0x3bf: {  	[smem:$0x62C] =	sst s17  }
0x3c0: {  	s17 =	sld [smem:$0x600]  }
0x3c1: {  	s23 =	smulhi.u32 $0x14F8B589, s1;
	[smem:$0x65C] =	sst s2  }
0x3c2: {  	s2 =	smul.u32 $0x14F8B589, s24;
	s24 =	sld [smem:$0x5E6]  }
0x3c3: {  	s1 =	sshra.s32 s1, $0x1F;
	[smem:$0x628] =	sst s23  }
0x3c4: {  	s1 =	smul.u32 $0x14F8B589, s1;
	s23 =	sld [smem:$0x5F5]  }
0x3c5: {  	[smem:$0x626] =	sst s2  }
0x3c6: {  	[smem:$0x629] =	sst s1  }
0x3c7: {  	s2 =	sadd.s32 s13, s12;
	s12 =	sld [smem:$0x5ED]  }
0x3c8: {  	s13 =	sld [smem:$0x5EE]  }
0x3c9: {  	s1 =	sadd.s32 s31, s29;
	s31 =	sld [smem:$0x5FA]  }
0x3ca: {  	[smem:$0x661] =	sst s2  }
0x3cb: {  	[smem:$0x66C] =	sst s1  }
0x3cc: {  	s2 =	sadd.s32 s22, s21;
	s21 =	sld [smem:$0x5F3]  }
0x3cd: {  	s22 =	sld [smem:$0x5F4]  }
0x3ce: {  	[smem:$0x664] =	sst s2  }
0x3cf: {  	s2 =	sadd.s32 s25, s24;
	s24 =	sld [smem:$0x5F6]  }
0x3d0: {  	s25 =	sld [smem:$0x5F7]  }
0x3d1: {  	[smem:$0x667] =	sst s2  }
0x3d2: {  	s2 =	sadd.s32 s28, s26;
	s26 =	sld [smem:$0x5F8]  }
0x3d3: {  	s1 =	sadd.s32 s12, s3;
	s3 =	sld [smem:$0x5FC]  }
0x3d4: {  	s12 =	sld [smem:$0x5FD]  }
0x3d5: {  	[smem:$0x668] =	sst s2  }
0x3d6: {  	[smem:$0x66A] =	sst s1  }
0x3d7: {  	s1 =	sadd.s32 s14, s13;
	s13 =	sld [smem:$0x5FE]  }
0x3d8: {  	s14 =	sld [smem:$0x5FF]  }
0x3d9: {  	[smem:$0x66E] =	sst s1  }
0x3da: {  	s2 =	smulhi.u32 $0x14F8B589, s0;
	s1 =	sadd.s32 s21, s20;
	s20 =	sld [smem:$0x602]  }
0x3db: {  	s21 =	sld [smem:$0x603]  }
0x3dc: {  	v11 =	vcombine.low v13, v11;
	[smem:$0x62A] =	sst s2  }
0x3dd: {  	v42 =	vcombine.low v15, v14;
	[smem:$0x663] =	sst s1  }
0x3de: {  	v11 =	vperm.xlane v11, v0;
	v12 =	vperm.xlane v12, v1;
	s2 =	sld [smem:$0x5FB]  }
0x3df: {  	v13 =	vperm.xlane v42, v0;
	v10 =	vperm.xlane v10, v1;
	s0 =	sshra.s32 s0, $0x1F;
	s1 =	sadd.s32 s23, s22;
	s22 =	sld [smem:$0x604]  }
0x3e0: {  	s0 =	smul.u32 $0x14F8B589, s0;
	s23 =	sld [smem:$0x605]  }
0x3e1: {  	v11 =	vsel vm8, v12, v11;
	v10 =	vsel vm8, v10, v13;
	s28 =	smulhi.u32 $0x14F8B589, s26;
	s29 =	sshra.s32 s26, $0x1F;
	s26 =	sld [smem:$0x607]  }
0x3e2: {  	v10 =	vadd.s32 v11, v10;
	[smem:$0x62B] =	sst s0  }
0x3e3: {  	v10 =	vmul.u32 $0x186A0, v10;
	[smem:$0x666] =	sst s1  }
0x3e4: {  	v43 =	vld [tilespmem:$0x70];
	s1 =	sadd.s32 s31, s30;
	s30 =	sld [smem:$0x609]  }
0x3e5: {  	v9 =	vsub.s32 v36, v10;
	s0 =	sadd.s32 s16, s15;
	s31 =	sld [smem:$0x60A]  }
0x3e6: {  	vm5 =	vmmov vm7;
	vm7 =	vlt.s32 v9, $0x0;
	v10 =	vadd.s32 $0x186A0, v9;
	[smem:$0x670] =	sst s0  }
0x3e7: {  	v8 =	vmul.u32 $0x335, v35;
	v9 =	vsel vm7, v10, v9;
	[smem:$0x62E] =	sst s28  }
0x3e8: {  	v9 =	vmul.u32 $0x3E8, v9;
	s15 =	smulhi.u32 $0x14F8B589, s14;
	[smem:$0x66B] =	sst s1  }
0x3e9: {  	v8 =	vadd.s32 v8, v43;
	s0 =	smul.u32 $0x14F8B589, s19;
	s19 =	sld [smem:$0x601]  }
0x3ea: {  	v8 =	vadd.s32 v9, v8;
	s28 =	sld [smem:$0x608]  }
0x3eb: {  	(v2sf) =	vpush v8, $0xD;
	[smem:$0x62F] =	sst s15  }
0x3ec: {  	(v2sf) =	vpush v8, $0xC;
	s1 =	sadd.s32 s3, s2;
	[smem:$0x62D] =	sst s0  }
0x3ed: {  	(v2sf) =	vpush v8, $0xE;
	[smem:$0x66D] =	sst s1  }
0x3ee: {  	(v2sf) =	vpush v8, $0xF;
	s0 =	sadd.s32 s25, s24;
	s24 =	sld [smem:$0x606]  }
0x3ef: {  	(v2sf) =	vpush v8, $0x9;
	[smem:$0x669] =	sst s0;
	s0 =	sadd.s32 s13, s12  }
0x3f0: {  	(v2sf) =	vpush v8, $0x8;
	s16 =	sshra.s32 s14, $0x1F;
	s1 =	sadd.s32 s19, s17;
	[smem:$0x66F] =	sst s0  }
0x3f1: {  	(v2sf) =	vpush v8, $0xA;
	[smem:$0x671] =	sst s1;
	s1 =	sadd.s32 s21, s20;
	s0 =	smul.u32 $0x14F8B589, s16  }
0x3f2: {  	(v2sf) =	vpush v8, $0xB;
	[smem:$0x662] =	sst s1  }
0x3f3: {  	(v2sf) =	vpush v8, $0x0;
	s1 =	sadd.s32 s28, s26;
	[smem:$0x630] =	sst s0  }
0x3f4: {  	(v2sf) =	vpush v8, $0x1;
	s25 =	smulhi.u32 $0x14F8B589, s24;
	s0 =	sadd.s32 s23, s22;
	[smem:$0x674] =	sst s1  }
0x3f5: {  	(v2sf) =	vpush v8, $0x2;
	[smem:$0x673] =	sst s0  }
0x3f6: {  	(v2sf) =	vpush v8, $0x3;
	s1 =	sadd.s32 s31, s30;
	[smem:$0x631] =	sst s25  }
0x3f7: {  	(v2sf) =	vpush v8, $0x4;
	[smem:$0x676] =	sst s1  }
0x3f8: {  	v9 =	vld [tilespmem:$0x180];
	(v2sf) =	vpush v8, $0x5  }
0x3f9: {  	s1 =	sld [smem:$0x60B]  }
0x3fa: {  	s2 =	sld [smem:$0x60C]  }
0x3fb: {  	s3 =	sld [smem:$0x60D]  }
0x3fc: {  	s12 =	sld [smem:$0x60E]  }
0x3fd: {  	s13 =	sld [smem:$0x60F]  }
0x3fe: {  	s15 =	sld [smem:$0x610]  }
0x3ff: {  	s16 =	sld [smem:$0x611]  }
0x400: {  	s17 =	sld [smem:$0x612]  }
0x401: {  	s20 =	sld [smem:$0x613]  }
0x402: {  	s30 =	sld [smem:$0x614]  }
0x403: {  	s14 =	spop (v2sf);
	s31 =	sld [smem:$0x615]  }
0x404: {  	s0 =	sshra.s32 s24, $0x1F;
	[smem:$0x692] =	sst s14  }
0x405: {  	s26 =	smul.u32 $0x14F8B589, s0;
	s14 =	sld [smem:$0x617]  }
0x406: {  	s0 =	sadd.s32 s2, s1;
	s1 =	sadd.s32 s13, s12;
	s12 =	sld [smem:$0x616]  }
0x407: {  	s2 =	sadd.s32 s17, s16;
	s16 =	sld [smem:$0x618]  }
0x408: {  	[smem:$0x678] =	sst s0  }
0x409: {  	s28 =	smulhi.u32 $0x14F8B589, s3;
	[smem:$0x67C] =	sst s1  }
0x40a: {  	s24 =	smulhi.u32 $0x14F8B589, s15;
	[smem:$0x679] =	sst s2  }
0x40b: {  	s23 =	smulhi.u32 $0x14F8B589, s20;
	s2 =	sadd.s32 s31, s30;
	s30 =	sld [smem:$0x619]  }
0x40c: {  	s1 =	spop (v2sf);
	s31 =	sld [smem:$0x61A]  }
0x40d: {  	s0 =	sshra.s32 s3, $0x1F;
	s19 =	spop (v2sf);
	[smem:$0x67E] =	sst s2  }
0x40e: {  	s2 =	sadd.s32 s18, s14;
	s14 =	sadd.s32 s10, s9;
	s9 =	sld [smem:$0x61D]  }
0x40f: {  	s25 =	smul.u32 $0x14F8B589, s0;
	s0 =	sshra.s32 s15, $0x1F;
	[smem:$0x693] =	sst s19  }
0x410: {  	s22 =	smul.u32 $0x14F8B589, s0;
	[smem:$0x680] =	sst s2  }
0x411: {  	s0 =	sshra.s32 s20, $0x1F;
	s21 =	spop (v2sf);
	[smem:$0x677] =	sst s14  }
0x412: {  	[smem:$0x694] =	sst s21;
	s20 =	smul.u32 $0x14F8B589, s0  }
0x413: {  	s21 =	smulhi.u32 $0x14F8B589, s12;
	s0 =	sshra.s32 s12, $0x1F;
	s12 =	sld [smem:$0x61B]  }
0x414: {  	s3 =	spop (v2sf);
	s2 =	sadd.s32 s31, s30;
	s30 =	sld [smem:$0x61C]  }
0x415: {  	s19 =	smulhi.u32 $0x14F8B589, s16;
	[dreg:$0x1f] =	wrdreg s3  }
0x416: {  	s13 =	spop (v2sf);
	[smem:$0x675] =	sst s2  }
0x417: {  	s18 =	smul.u32 $0x14F8B589, s0;
	s0 =	sshra.s32 s16, $0x1F;
	[dreg:$0x1c] =	wrdreg s13  }
0x418: {  	s15 =	spop (v2sf);
	s16 =	smul.u32 $0x14F8B589, s0  }
0x419: {  	(v2sf) =	vpush v8, $0x6;
	[dreg:$0x16] =	wrdreg s15;
	s17 =	spop (v2sf)  }
0x41a: {  	[dreg:$0x14] =	wrdreg s17;
	s3 =	spop (v2sf)  }
0x41b: {  	v10 =	vmul.u32 $0x5C, v9;
	(v2sf) =	vpush v8, $0x7;
	s0 =	sshra.s32 s12, $0x1F;
	s17 =	smulhi.u32 $0x14F8B589, s12;
	[dreg:$0x13] =	wrdreg s3  }
0x41c: {  	s13 =	spop (v2sf);
	s3 =	sadd.s32 s11, s7;
	s11 =	sld [smem:$0x61E]  }
0x41d: {  	(v2sf) =	vpush v10, $0xD;
	s14 =	smul.u32 $0x14F8B589, s0;
	s0 =	sshra.s32 s30, $0x1F;
	[dreg:$0x12] =	wrdreg s13  }
0x41e: {  	s12 =	smul.u32 $0x14F8B589, s0;
	[smem:$0x67A] =	sst s3  }
0x41f: {  	(v2sf) =	vpush v10, $0xC;
	s15 =	spop (v2sf);
	s3 =	sld [smem:$0x61F]  }
0x420: {  	s0 =	sshra.s32 s9, $0x1F;
	s13 =	smulhi.u32 $0x14F8B589, s9;
	s9 =	sld [smem:$0x621]  }
0x421: {  	[dreg:$0x11] =	wrdreg s15;
	s31 =	spop (v2sf)  }
0x422: {  	[dreg:$0xf] =	wrdreg s31;
	s7 =	spop (v2sf)  }
0x423: {  	s2 =	sadd.s32 s11, s6;
	[dreg:$0xe] =	wrdreg s7  }
0x424: {  	s11 =	smulhi.u32 $0x14F8B589, s1;
	[smem:$0x67B] =	sst s2  }
0x425: {  	(v2sf) =	vpush v10, $0xE;
	s31 =	sshra.s32 s1, $0x1F;
	s10 =	spop (v2sf);
	s7 =	sld [smem:$0x620]  }
0x426: {  	s1 =	sadd.s32 s3, s8;
	s8 =	smul.u32 $0x14F8B589, s31;
	s31 =	sld [smem:$0x623]  }
0x427: {  	s15 =	smulhi.u32 $0x14F8B589, s30;
	[dreg:$0xd] =	wrdreg s10  }
0x428: {  	s30 =	spop (v2sf);
	[smem:$0x67D] =	sst s1  }
0x429: {  	[dreg:$0xc] =	wrdreg s30  }
0x42a: {  	s2 =	spop (v2sf);
	s30 =	sld [smem:$0x622]  }
0x42b: {  	s10 =	smul.u32 $0x14F8B589, s0;
	[dreg:$0x10] =	wrdreg s2  }
0x42c: {  	s6 =	spop (v2sf);
	s1 =	sadd.s32 s9, s7;
	s2 =	sld [smem:$0x628]  }
0x42d: {  	[smem:$0x67F] =	sst s1;
	s9 =	smulhi.u32 $0x14F8B589, s6;
	s0 =	sshra.s32 s6, $0x1F  }
0x42e: {  	s3 =	spop (v2sf);
	s1 =	sadd.s32 s31, s30;
	s30 =	sld [smem:$0x624]  }
0x42f: {  	s7 =	smul.u32 $0x14F8B589, s0;
	s31 =	sld [smem:$0x625]  }
0x430: {  	s6 =	smulhi.u32 $0x14F8B589, s3;
	s0 =	sshra.s32 s3, $0x1F;
	s3 =	sld [smem:$0x626]  }
0x431: {  	[smem:$0x681] =	sst s1  }
0x432: {  	s1 =	sadd.s32 s31, s30;
	s31 =	sld [smem:$0x627]  }
0x433: {  	[smem:$0x672] =	sst s1  }
0x434: {  	(v2sf) =	vpush v10, $0xF;
	s30 =	spop (v2sf);
	s1 =	sadd.s32 s3, s5;
	s3 =	sld [smem:$0x629]  }
0x435: {  	s5 =	smul.u32 $0x14F8B589, s0;
	s0 =	sshra.s32 s30, $0x1F;
	[smem:$0x682] =	sst s1  }
0x436: {  	s1 =	sadd.s32 s4, s31;
	s4 =	smulhi.u32 $0x14F8B589, s30;
	s30 =	sld [smem:$0x62A]  }
0x437: {  	(v2sf) =	vpush v10, $0x9;
	s31 =	sld [smem:$0x62B]  }
0x438: {  	[smem:$0x683] =	sst s1;
	s1 =	sadd.s32 s3, s2  }
0x439: {  	(v2sf) =	vpush v10, $0x8;
	[smem:$0x684] =	sst s1  }
0x43a: {  	(v2sf) =	vpush v10, $0xA;
	s1 =	sadd.s32 s31, s30;
	s30 =	sld [smem:$0x62D]  }
0x43b: {  	[smem:$0x685] =	sst s1  }
0x43c: {  	s1 =	sld [smem:$0x62C];
	_ =	sdelay $0x1  }
0x43d: {  	(v2sf) =	vpush v10, $0xB  }
0x43e: {  	s20 =	sadd.s32 s20, s23;
	s1 =	sadd.s32 s30, s1;
	s30 =	sld [smem:$0x62E]  }
0x43f: {  	s29 =	smul.u32 $0x14F8B589, s29;
	[smem:$0x688] =	sst s20;
	s18 =	sadd.s32 s18, s21;
	(v2sf) =	vpush v10, $0x0  }
0x440: {  	s25 =	sadd.s32 s25, s28;
	[smem:$0x68A] =	sst s18  }
0x441: {  	(v2sf) =	vpush v10, $0x1;
	s3 =	smul.u32 $0x14F8B589, s0;
	s31 =	sadd.s32 s29, s30;
	s29 =	sld [smem:$0x62F]  }
0x442: {  	s24 =	sadd.s32 s22, s24;
	(v2sf) =	vpush v10, $0x2;
	s0 =	spop (v2sf);
	s30 =	sld [smem:$0x630]  }
0x443: {  	s23 =	sadd.s32 s16, s19;
	s2 =	smulhi.u32 $0x14F8B589, s0;
	s0 =	sshra.s32 s0, $0x1F  }
0x444: {  	s21 =	sadd.s32 s14, s17;
	[smem:$0x687] =	sst s1;
	s1 =	smul.u32 $0x14F8B589, s0  }
0x445: {  	(v2sf) =	vpush v10, $0x3;
	s0 =	spop (v2sf);
	s29 =	sadd.s32 s30, s29;
	s30 =	sld [smem:$0x631]  }
0x446: {  	s19 =	sadd.s32 s12, s15;
	(v2sf) =	vpush v10, $0x4;
	[smem:$0x686] =	sst s31;
	s31 =	smulhi.u32 $0x14F8B589, s0  }
0x447: {  	(v2sf) =	vpush v10, $0x5;
	s0 =	sshra.s32 s0, $0x1F;
	[smem:$0x689] =	sst s29;
	s29 =	spop (v2sf)  }
0x448: {  	s0 =	smul.u32 $0x14F8B589, s0;
	s26 =	sadd.s32 s26, s30;
	s30 =	spop (v2sf)  }
0x449: {  	s8 =	sadd.s32 s8, s11;
	[smem:$0x68B] =	sst s26;
	s26 =	smulhi.u32 $0x14F8B589, s29  }
0x44a: {  	s17 =	sadd.s32 s10, s13;
	s29 =	sshra.s32 s29, $0x1F;
	s22 =	smulhi.u32 $0x14F8B589, s30  }
0x44b: {  	[smem:$0x68D] =	sst s8;
	s28 =	smul.u32 $0x14F8B589, s29;
	s29 =	sshra.s32 s30, $0x1F  }
0x44c: {  	s5 =	sadd.s32 s5, s6;
	s30 =	spop (v2sf);
	s20 =	smul.u32 $0x14F8B589, s29  }
0x44d: {  	[smem:$0x68C] =	sst s5;
	s18 =	smulhi.u32 $0x14F8B589, s30;
	s29 =	sshra.s32 s30, $0x1F  }
0x44e: {  	s1 =	sadd.s32 s1, s2;
	s30 =	spop (v2sf);
	s16 =	smul.u32 $0x14F8B589, s29  }
0x44f: {  	[smem:$0x68F] =	sst s1;
	s14 =	smulhi.u32 $0x14F8B589, s30;
	s29 =	sshra.s32 s30, $0x1F  }
0x450: {  	s30 =	spop (v2sf);
	s6 =	sadd.s32 s28, s26;
	s12 =	smul.u32 $0x14F8B589, s29  }
0x451: {  	s10 =	smulhi.u32 $0x14F8B589, s30;
	s29 =	sshra.s32 s30, $0x1F;
	s30 =	spop (v2sf)  }
0x452: {  	[smem:$0x68E] =	sst s6;
	s8 =	smul.u32 $0x14F8B589, s29  }
0x453: {  	s29 =	sadd.s32 s7, s9;
	s7 =	smulhi.u32 $0x14F8B589, s30;
	s11 =	sshra.s32 s30, $0x1F  }
0x454: {  	s31 =	sadd.s32 s0, s31;
	s13 =	spop (v2sf);
	s5 =	smul.u32 $0x14F8B589, s11  }
0x455: {  	s30 =	sadd.s32 s3, s4;
	s3 =	smulhi.u32 $0x14F8B589, s13;
	s4 =	spop (v2sf)  }
0x456: {  	s15 =	sshra.s32 s13, $0x1F;
	s0 =	smulhi.u32 $0x14F8B589, s4;
	s9 =	spop (v2sf)  }
0x457: {  	s2 =	sshra.s32 s4, $0x1F;
	s13 =	smulhi.u32 $0x14F8B589, s9;
	s4 =	sshra.s32 s9, $0x1F  }
0x458: {  	s6 =	sld [smem:$0x637];
	s4 =	smul.u32 $0x14F8B589, s4  }
0x459: {  	s11 =	sadd.s32 s20, s22;
	s20 =	sadd.s32 s8, s10;
	s8 =	sld [smem:$0x632]  }
0x45a: {  	s28 =	sadd.s32 s16, s18;
	s16 =	sadd.s32 s4, s13;
	s13 =	sld [smem:$0x635]  }
0x45b: {  	s1 =	smul.u32 $0x14F8B589, s15;
	[smem:$0x690] =	sst s11  }
0x45c: {  	s11 =	sld [smem:$0x634];
	s15 =	sadd.s32 s5, s7;
	s7 =	sshra.s32 s8, $0x1F  }
0x45d: {  	[smem:$0x691] =	sst s28;
	v44 =	vmov s7;
	s18 =	sshra.s32 s13, $0xD  }
0x45e: {  	vm8 =	vmmov vm3;
	s22 =	sadd.s32 s12, s14;
	s26 =	sadd.s32 s1, s3;
	s1 =	sshra.s32 s13, $0x1F;
	v11 =	vsel vm3, s18, v44;
	vm3 =	vcmask $0x704  }
0x45f: {  	s9 =	sld [smem:$0x633];
	s12 =	sshrl.u32 s11, $0x1F;
	s7 =	sshra.s32 s6, $0xD;
	v11 =	vsel vm3, s1, v11  }
0x460: {  	s18 =	sld [smem:$0x63A];
	s1 =	sshra.s32 s11, $0xD;
	s11 =	sshra.s32 s6, $0x1F;
	v47 =	vsel vm12, s7, v11  }
0x461: {  	s28 =	sshrl.u32 s13, $0x1F;
	v49 =	vsel vm11, s11, v47;
	s11 =	sld [smem:$0x639]  }
0x462: {  	s10 =	sshrl.u32 s9, $0x1F;
	v45 =	vmov s12;
	v46 =	vmov s28;
	s28 =	sld [smem:$0x636]  }
0x463: {  	v12 =	vsel vm12, s10, v45;
	s10 =	sshrl.u32 s6, $0x1F;
	v13 =	vnsel vm8, $0x0, v46;
	s6 =	sld [smem:$0x638];
	s7 =	sshra.s32 s18, $0xD  }
0x464: {  	v48 =	vsel vm12, s10, v13;
	v13 =	vsel vm2, s7, v49;
	s7 =	sld [smem:$0x63B];
	s13 =	sshrl.u32 s11, $0x1F  }
0x465: {  	s5 =	sshrl.u32 s28, $0x1F;
	v50 =	vmov s13;
	s13 =	sld [smem:$0x63C]  }
0x466: {  	vm13 =	vmmov vm11;
	s10 =	sshra.s32 s18, $0x1F;
	vm11 =	vcmask $0x1714;
	v12 =	vsel vm2, s5, v12;
	s12 =	sshrl.u32 s6, $0x1F  }
0x467: {  	s5 =	sshrl.u32 s18, $0x1F;
	v11 =	vsel vm0, s12, v12;
	v13 =	vsel vm11, s10, v13;
	s10 =	sld [smem:$0x63D];
	s12 =	sshrl.u32 s7, $0x1F  }
0x468: {  	s2 =	smul.u32 $0x14F8B589, s2;
	v12 =	vsel vm2, s5, v48;
	s5 =	sld [smem:$0x63E];
	v14 =	vsel vm12, s12, v50;
	s12 =	sshra.s32 s13, $0xD  }
0x469: {  	v13 =	vsel vm0, s12, v13;
	s12 =	sld [smem:$0x63F]  }
0x46a: {  	s14 =	sadd.s32 s2, s0;
	s0 =	sld [smem:$0x640];
	s3 =	sshrl.u32 s10, $0x1F  }
0x46b: {  	vm9 =	vcmask $0x2724;
	vm14 =	vcmask $0x1F1C;
	s4 =	sshrl.u32 s5, $0x1F;
	s18 =	sshrl.u32 s13, $0x1F;
	s2 =	sshra.s32 s13, $0x1F  }
0x46c: {  	v14 =	vsel vm2, s3, v14;
	v12 =	vsel vm0, s18, v12;
	v13 =	vsel vm14, s2, v13;
	s2 =	sshra.s32 s28, $0xD;
	s28 =	sld [smem:$0x641];
	s13 =	sshrl.u32 s12, $0x1F  }
0x46d: {  	vm7 =	vmmov vm15;
	s18 =	sshrl.u32 s0, $0x1F;
	v51 =	vsel vm15, s4, v12;
	v12 =	vsel vm0, s13, v14;
	s13 =	sshra.s32 s5, $0xD  }
0x46e: {  	s9 =	sshra.s32 s9, $0xD;
	v53 =	vmov s1;
	v52 =	vsel vm6, s18, v51;
	s18 =	sshra.s32 s5, $0x1F;
	v16 =	vsel vm7, s13, v13  }
0x46f: {  	vm4 =	vmmov vm6;
	s1 =	sshrl.u32 s8, $0x1F;
	v54 =	vsel vm12, s9, v53;
	s9 =	sshra.s32 s0, $0xD;
	s4 =	sshrl.u32 s28, $0x1F;
	v55 =	vsel vm9, s18, v16  }
0x470: {  	vm6 =	vmmov vm10;
	s5 =	sshra.s32 s7, $0xD;
	s7 =	sshra.s32 s11, $0xD;
	v14 =	vsel vm5, s4, v52;
	v15 =	vsel vm4, s9, v55;
	s9 =	sld [smem:$0x645]  }
0x471: {  	s3 =	sld [smem:$0x642];
	s11 =	sshra.s32 s12, $0xD;
	s12 =	sshra.s32 s0, $0x1F;
	v56 =	vmov s7;
	v13 =	vsel vm10, s1, v14;
	vm10 =	vcmask $0x2F2C  }
0x472: {  	s10 =	sshra.s32 s10, $0xD;
	vm15 =	vmmov vm5;
	s13 =	sshra.s32 s28, $0xD;
	s7 =	sld [smem:$0x644];
	v16 =	vsel vm12, s5, v56;
	v15 =	vsel vm10, s12, v15  }
0x473: {  	v16 =	vsel vm2, s10, v16;
	v15 =	vsel vm15, s13, v15;
	s13 =	sld [smem:$0x643];
	s10 =	sshra.s32 s9, $0xD  }
0x474: {  	v16 =	vsel vm0, s11, v16;
	s11 =	sshrl.u32 s9, $0x1F;
	s12 =	sshra.s32 s9, $0x1F;
	s9 =	sld [smem:$0x648]  }
0x475: {  	vm1 =	vmmov vm12;
	s6 =	sshra.s32 s6, $0xD;
	v14 =	vsel vm2, s2, v54;
	s18 =	sshra.s32 s28, $0x1F;
	vm12 =	vcmask $0x3734  }
0x476: {  	s0 =	sshra.s32 s3, $0xD;
	v14 =	vsel vm0, s6, v14;
	v15 =	vsel vm12, s18, v15;
	s18 =	sld [smem:$0x646];
	v19 =	vmov s11;
	s6 =	sshra.s32 s13, $0x1F  }
0x477: {  	s28 =	sshra.s32 s8, $0xD;
	s8 =	sshrl.u32 s7, $0x1F;
	v19 =	vnsel vm8, $0x0, v19;
	v17 =	vmov s6;
	s11 =	sshrl.u32 s9, $0x1F  }
0x478: {  	s1 =	sshrl.u32 s3, $0x1F;
	s3 =	sshra.s32 s7, $0xD;
	v18 =	vmov s8;
	v17 =	vsel vm8, s10, v17;
	v57 =	vsel vm1, s11, v19;
	s11 =	sld [smem:$0x649]  }
0x479: {  	s7 =	sld [smem:$0x647];
	v18 =	vsel vm1, s1, v18;
	v15 =	vsel vm6, s28, v15;
	s28 =	sshrl.u32 s18, $0x1F;
	s10 =	sshra.s32 s9, $0xD;
	v17 =	vsel vm3, s12, v17  }
0x47a: {  	(v2sf) =	vpush v10, $0x6;
	v18 =	vsel vm2, s28, v18;
	s28 =	sld [smem:$0x64A];
	s12 =	sshra.s32 s9, $0x1F;
	v20 =	vsel vm1, s10, v17  }
0x47b: {  	s1 =	sshra.s32 s18, $0xD;
	v58 =	vsel vm13, s12, v20;
	s18 =	sshrl.u32 s11, $0x1F;
	s12 =	sld [smem:$0x64B]  }
0x47c: {  	vm5 =	vmmov vm0;
	s8 =	sshrl.u32 s7, $0x1F;
	v59 =	vmov s18;
	s18 =	sld [smem:$0x64C]  }
0x47d: {  	s4 =	sshra.s32 s7, $0xD;
	s7 =	sld [smem:$0x64D];
	v17 =	vsel vm5, s8, v18;
	s8 =	sshra.s32 s28, $0xD  }
0x47e: {  	s9 =	sshra.s32 s28, $0x1F;
	v19 =	vsel vm2, s8, v58;
	s8 =	sld [smem:$0x64E];
	s10 =	sshrl.u32 s12, $0x1F  }
0x47f: {  	v19 =	vsel vm11, s9, v19;
	s9 =	sld [smem:$0x650];
	v20 =	vsel vm1, s10, v59;
	s10 =	sshra.s32 s18, $0xD  }
0x480: {  	s6 =	sshrl.u32 s28, $0x1F;
	s2 =	sshra.s32 s18, $0x1F;
	v21 =	vsel vm5, s10, v19;
	s10 =	sld [smem:$0x64F]  }
0x481: {  	v18 =	vsel vm2, s6, v57;
	s28 =	sshrl.u32 s18, $0x1F;
	v61 =	vsel vm14, s2, v21;
	s2 =	sshra.s32 s12, $0xD;
	s12 =	sld [smem:$0x651]  }
0x482: {  	vm0 =	vmmov vm6;
	v62 =	vmov s3;
	s5 =	sshrl.u32 s7, $0x1F;
	s11 =	sshra.s32 s11, $0xD;
	s6 =	sshrl.u32 s8, $0x1F;
	v18 =	vsel vm5, s28, v18  }
0x483: {  	v22 =	vmov s11;
	v20 =	vsel vm2, s5, v20;
	s28 =	sshrl.u32 s9, $0x1F;
	v18 =	vsel vm7, s6, v18;
	s18 =	sshrl.u32 s10, $0x1F  }
0x484: {  	s5 =	sshra.s32 s7, $0xD;
	v21 =	vsel vm1, s0, v62;
	v18 =	vsel vm4, s28, v18;
	s28 =	sshra.s32 s8, $0xD;
	v60 =	vsel vm5, s18, v20;
	s18 =	sshrl.u32 s12, $0x1F  }
0x485: {  	s6 =	sshra.s32 s9, $0x1F;
	v21 =	vsel vm2, s1, v21;
	v20 =	vsel vm7, s28, v61;
	s28 =	sshrl.u32 s13, $0x1F;
	v18 =	vsel vm15, s18, v18;
	s18 =	sshra.s32 s8, $0x1F  }
0x486: {  	v34 =	vsel vm1, s2, v22;
	v18 =	vsel vm0, s28, v18;
	v20 =	vsel vm9, s18, v20;
	s28 =	sshra.s32 s9, $0xD;
	s9 =	sshra.s32 s13, $0xD;
	s13 =	sld [smem:$0x652]  }
0x487: {  	s10 =	sshra.s32 s10, $0xD;
	v63 =	vsel vm5, s4, v21;
	v21 =	vsel vm2, s5, v34;
	v23 =	vsel vm4, s28, v20;
	s28 =	sld [smem:$0x653]  }
0x488: {  	s7 =	sshra.s32 s12, $0xD;
	v21 =	vsel vm5, s10, v21;
	s10 =	sld [smem:$0x654];
	v35 =	vsel vm10, s6, v23  }
0x489: {  	vm6 =	vmmov vm7;
	s8 =	sshra.s32 s12, $0x1F;
	s12 =	spop (v2sf);
	s11 =	sshra.s32 s13, $0x1F;
	v22 =	vsel vm15, s7, v35  }
0x48a: {  	vm7 =	vmmov vm0;
	s0 =	smulhi.u32 $0x14F8B589, s12;
	v36 =	vmov s11;
	s4 =	sshra.s32 s28, $0xD;
	v22 =	vsel vm12, s8, v22  }
0x48b: {  	s18 =	sshra.s32 s12, $0x1F;
	s12 =	sld [smem:$0x656];
	s8 =	sshra.s32 s28, $0x1F;
	v23 =	vsel vm8, s4, v36;
	v22 =	vsel vm0, s9, v22;
	vm0 =	vcmask $0x704  }
0x48c: {  	s6 =	sshrl.u32 s10, $0x1F;
	v23 =	vsel vm0, s8, v23;
	s8 =	sld [smem:$0x655]  }
0x48d: {  	v24 =	vmov s6;
	s6 =	sld [smem:$0x657];
	s9 =	sshrl.u32 s28, $0x1F  }
0x48e: {  	v25 =	vmov s9  }
0x48f: {  	s9 =	sshrl.u32 s12, $0x1F;
	v25 =	vnsel vm8, $0x0, v25;
	s11 =	sshrl.u32 s8, $0x1F  }
0x490: {  	s4 =	sshrl.u32 s6, $0x1F;
	v37 =	vsel vm1, s9, v25;
	s9 =	sld [smem:$0x65A];
	v24 =	vsel vm1, s11, v24  }
0x491: {  	v24 =	vsel vm2, s4, v24;
	s4 =	sld [smem:$0x658]  }
0x492: {  	s7 =	sshra.s32 s12, $0x1F  }
0x493: {  	s28 =	sshra.s32 s12, $0xD;
	s12 =	sld [smem:$0x659];
	s5 =	sshrl.u32 s9, $0x1F  }
0x494: {  	v23 =	vsel vm1, s28, v23;
	v39 =	vmov s5;
	s5 =	sld [smem:$0x65B];
	s11 =	sshrl.u32 s4, $0x1F  }
0x495: {  	v26 =	vsel vm13, s7, v23;
	v23 =	vsel vm5, s11, v24;
	s11 =	sld [smem:$0x65C]  }
0x496: {  	s28 =	sshra.s32 s12, $0xD  }
0x497: {  	s1 =	sshrl.u32 s12, $0x1F;
	s3 =	sshra.s32 s12, $0x1F;
	v38 =	vsel vm2, s28, v26;
	s7 =	sshrl.u32 s5, $0x1F  }
0x498: {  	v25 =	vsel vm11, s3, v38;
	v24 =	vsel vm2, s1, v37;
	v26 =	vsel vm1, s7, v39;
	s7 =	sld [smem:$0x65D];
	s12 =	sshrl.u32 s11, $0x1F;
	s28 =	sshra.s32 s11, $0xD  }
0x499: {  	vm3 =	vmmov vm14;
	s3 =	sshra.s32 s11, $0x1F;
	v24 =	vsel vm5, s12, v24;
	v25 =	vsel vm5, s28, v25;
	s12 =	sld [smem:$0x65E]  }
0x49a: {  	v25 =	vsel vm3, s3, v25;
	s3 =	sld [smem:$0x65F];
	_ =	sdelay $0x1  }
0x49b: {  	s11 =	sshrl.u32 s7, $0x1F  }
0x49c: {  	v26 =	vsel vm2, s11, v26;
	s11 =	sld [smem:$0x660];
	s28 =	sshrl.u32 s12, $0x1F;
	s1 =	sshrl.u32 s3, $0x1F  }
0x49d: {  	s2 =	smul.u32 $0x14F8B589, s18;
	v27 =	vsel vm6, s28, v24;
	v24 =	vsel vm5, s1, v26;
	s1 =	sshra.s32 s10, $0xD;
	s10 =	sld [smem:$0x661]  }
0x49e: {  	_ = 	snop  }
0x49f: {  	s18 =	sadd.s32 s2, s0;
	s2 =	sshrl.u32 s11, $0x1F;
	s28 =	sshra.s32 s12, $0xD  }
0x4a0: {  	s12 =	sshra.s32 s12, $0x1F;
	v40 =	vsel vm4, s2, v27;
	v25 =	vsel vm6, s28, v25;
	s28 =	sshrl.u32 s10, $0x1F  }
0x4a1: {  	v41 =	vmov s1;
	v28 =	vsel vm9, s12, v25;
	s12 =	sshra.s32 s8, $0xD;
	s8 =	smov.u32 s13;
	s13 =	sshrl.u32 s13, $0x1F;
	v26 =	vsel vm15, s28, v40  }
0x4a2: {  	v42 =	vsel vm1, s12, v41;
	s12 =	sshra.s32 s6, $0xD;
	s28 =	sshra.s32 s11, $0xD;
	v25 =	vsel vm7, s13, v26;
	s13 =	sshra.s32 s9, $0xD  }
0x4a3: {  	v26 =	vsel vm2, s12, v42;
	s9 =	sshra.s32 s10, $0xD;
	s12 =	sshra.s32 s10, $0x1F;
	s10 =	sld [smem:$0x664]  }
0x4a4: {  	s4 =	sshra.s32 s4, $0xD;
	v43 =	vsel vm4, s28, v28;
	s28 =	sshra.s32 s11, $0x1F;
	v44 =	vmov s13;
	s13 =	sld [smem:$0x662]  }
0x4a5: {  	v27 =	vsel vm10, s28, v43;
	v26 =	vsel vm5, s4, v26;
	s4 =	sld [smem:$0x663]  }
0x4a6: {  	s2 =	sshra.s32 s3, $0xD;
	v27 =	vsel vm15, s9, v27;
	s9 =	sld [smem:$0x665]  }
0x4a7: {  	s6 =	sshra.s32 s5, $0xD;
	v27 =	vsel vm12, s12, v27;
	s12 =	sld [smem:$0x666];
	s28 =	sshra.s32 s13, $0x1F  }
0x4a8: {  	s3 =	sshra.s32 s8, $0xD;
	s11 =	sshra.s32 s7, $0xD;
	s5 =	sshra.s32 s4, $0xD;
	v29 =	vmov s28  }
0x4a9: {  	v28 =	vsel vm1, s6, v44;
	s8 =	sshrl.u32 s10, $0x1F;
	s6 =	sshrl.u32 s4, $0x1F;
	s7 =	sshra.s32 s4, $0x1F;
	v29 =	vsel vm8, s5, v29  }
0x4aa: {  	v28 =	vsel vm2, s11, v28;
	v30 =	vmov s8;
	s8 =	sld [smem:$0x669];
	s11 =	sshrl.u32 s9, $0x1F;
	s28 =	sshra.s32 s12, $0xD;
	v29 =	vsel vm0, s7, v29  }
0x4ab: {  	s1 =	sshra.s32 s9, $0xD;
	s9 =	sld [smem:$0x667];
	s5 =	sshra.s32 s12, $0x1F;
	v29 =	vsel vm1, s28, v29  }
0x4ac: {  	v31 =	vmov s6;
	v32 =	vsel vm13, s5, v29;
	s5 =	sld [smem:$0x668]  }
0x4ad: {  	v31 =	vnsel vm8, $0x0, v31;
	s4 =	sshrl.u32 s12, $0x1F  }
0x4ae: {  	v30 =	vsel vm1, s11, v30;
	v31 =	vsel vm1, s4, v31;
	s11 =	sshrl.u32 s8, $0x1F;
	s6 =	sshrl.u32 s9, $0x1F  }
0x4af: {  	v45 =	vsel vm2, s11, v31;
	s11 =	sld [smem:$0x66A];
	v30 =	vsel vm2, s6, v30;
	s7 =	sshrl.u32 s5, $0x1F  }
0x4b0: {  	v29 =	vsel vm5, s7, v30;
	s7 =	sld [smem:$0x66B];
	_ =	sdelay $0x1  }
0x4b1: {  	s12 =	sshra.s32 s8, $0xD;
	s4 =	sshrl.u32 s11, $0x1F  }
0x4b2: {  	vm14 =	vmmov vm11;
	s28 =	sshra.s32 s8, $0x1F;
	v46 =	vsel vm2, s12, v32;
	v47 =	vmov s4;
	s4 =	sld [smem:$0x66D];
	s6 =	sshrl.u32 s7, $0x1F  }
0x4b3: {  	v31 =	vsel vm14, s28, v46;
	s28 =	sshra.s32 s7, $0xD;
	v30 =	vsel vm5, s6, v45;
	s6 =	sld [smem:$0x66C]  }
0x4b4: {  	v31 =	vsel vm5, s28, v31;
	s28 =	sld [smem:$0x66F]  }
0x4b5: {  	s0 =	sshra.s32 s7, $0x1F;
	s7 =	sld [smem:$0x66E]  }
0x4b6: {  	s12 =	sshrl.u32 s4, $0x1F  }
0x4b7: {  	v30 =	vsel vm6, s12, v30;
	s8 =	sshrl.u32 s6, $0x1F;
	s12 =	sshrl.u32 s28, $0x1F  }
0x4b8: {  	v32 =	vsel vm1, s8, v47;
	s8 =	sshrl.u32 s7, $0x1F;
	v30 =	vsel vm4, s12, v30;
	s12 =	sld [smem:$0x671]  }
0x4b9: {  	v32 =	vsel vm2, s8, v32;
	s8 =	sld [smem:$0x670];
	_ =	sdelay $0x1  }
0x4ba: {  	v27 =	vsel vm7, s3, v27;
	s3 =	sshra.s32 s4, $0xD;
	s4 =	sshra.s32 s4, $0x1F;
	v33 =	vsel vm3, s0, v31  }
0x4bb: {  	vm11 =	vmmov vm7;
	v28 =	vsel vm5, s2, v28;
	v48 =	vsel vm6, s3, v33;
	s3 =	sshra.s32 s11, $0xD;
	s2 =	sshrl.u32 s12, $0x1F;
	s0 =	sshrl.u32 s8, $0x1F  }
0x4bc: {  	v30 =	vsel vm15, s2, v30;
	s2 =	sshra.s32 s10, $0xD;
	s10 =	sshrl.u32 s13, $0x1F;
	v31 =	vsel vm5, s0, v32;
	v32 =	vsel vm9, s4, v48;
	s4 =	sshra.s32 s28, $0xD  }
0x4bd: {  	v30 =	vsel vm11, s10, v30;
	v49 =	vmov s2;
	s10 =	sshra.s32 s28, $0x1F;
	s28 =	sshra.s32 s8, $0xD;
	s8 =	sld [smem:$0x673];
	v32 =	vsel vm4, s4, v32  }
0x4be: {  	s0 =	sshra.s32 s9, $0xD;
	v33 =	vsel vm1, s1, v49;
	s4 =	sshra.s32 s12, $0xD;
	v32 =	vsel vm10, s10, v32;
	s10 =	sld [smem:$0x674]  }
0x4bf: {  	s5 =	sshra.s32 s5, $0xD;
	v34 =	vmov s3;
	s9 =	sshra.s32 s6, $0xD;
	v33 =	vsel vm2, s0, v33;
	v32 =	vsel vm15, s4, v32;
	s4 =	sld [smem:$0x672]  }
0x4c0: {  	s11 =	sshra.s32 s7, $0xD;
	v34 =	vsel vm1, s9, v34;
	v33 =	vsel vm5, s5, v33;
	s5 =	sshra.s32 s12, $0x1F;
	s12 =	sld [smem:$0x675]  }
0x4c1: {  	s6 =	sshra.s32 s13, $0xD;
	v34 =	vsel vm2, s11, v34;
	s11 =	sshrl.u32 s10, $0x1F  }
0x4c2: {  	vm7 =	vmmov vm8;
	vm8 =	vmmov vm11;
	v32 =	vsel vm12, s5, v32;
	s1 =	sshra.s32 s10, $0xD;
	s10 =	sld [smem:$0x677];
	s7 =	sshra.s32 s4, $0x1F  }
0x4c3: {  	v35 =	vsel vm5, s28, v34;
	s9 =	sshrl.u32 s8, $0x1F;
	v34 =	vsel vm8, s6, v32;
	s28 =	sshra.s32 s12, $0xD;
	s6 =	sshrl.u32 s12, $0x1F;
	v36 =	vmov s7  }
0x4c4: {  	s13 =	sshra.s32 s8, $0xD;
	s8 =	sshra.s32 s12, $0x1F;
	v37 =	vmov s6;
	s6 =	sld [smem:$0x676];
	v36 =	vsel vm7, s28, v36  }
0x4c5: {  	v50 =	vmov s11;
	s7 =	sld [smem:$0x67A];
	s11 =	sshra.s32 s10, $0xD;
	v36 =	vsel vm0, s8, v36  }
0x4c6: {  	s12 =	sshrl.u32 s10, $0x1F;
	s28 =	sshra.s32 s10, $0x1F;
	s10 =	sld [smem:$0x678];
	v36 =	vsel vm1, s11, v36  }
0x4c7: {  	v36 =	vsel vm13, s28, v36;
	s28 =	sld [smem:$0x67B]  }
0x4c8: {  	v32 =	vsel vm1, s9, v50;
	v37 =	vnsel vm7, $0x0, v37;
	s9 =	sshrl.u32 s6, $0x1F;
	s11 =	sld [smem:$0x679]  }
0x4c9: {  	v11 =	vcombine.low v12, v11;
	v37 =	vsel vm1, s12, v37;
	s8 =	sshrl.u32 s7, $0x1F;
	v32 =	vsel vm2, s9, v32;
	s0 =	sshrl.u32 s10, $0x1F;
	s9 =	sshra.s32 s7, $0xD  }
0x4ca: {  	s12 =	sshra.s32 s7, $0x1F;
	v37 =	vsel vm2, s8, v37;
	s7 =	sld [smem:$0x67C];
	v32 =	vsel vm5, s0, v32;
	v36 =	vsel vm2, s9, v36;
	s0 =	sshrl.u32 s28, $0x1F  }
0x4cb: {  	v14 =	vcombine.low v16, v14;
	v36 =	vsel vm14, s12, v36;
	s12 =	sshra.s32 s28, $0xD;
	v37 =	vsel vm5, s0, v37;
	s0 =	sld [smem:$0x67D]  }
0x4cc: {  	v9 =	vmul.u32 $0x335, v9;
	v11 =	vperm.xlane v11, v0;
	v36 =	vsel vm5, s12, v36;
	s12 =	sld [smem:$0x67E]  }
0x4cd: {  	(v2sf) =	vpush v10, $0x7;
	v13 =	vperm.xlane v13, v1;
	v14 =	vperm.xlane v14, v0;
	s8 =	sld [smem:$0x67F];
	s5 =	sshrl.u32 s11, $0x1F;
	s28 =	sshra.s32 s28, $0x1F  }
0x4ce: {  	v60 =	vcombine.low v60, v17;
	s2 =	sshra.s32 s6, $0xD;
	v38 =	vmov s5;
	s6 =	sshrl.u32 s7, $0x1F;
	v36 =	vsel vm3, s28, v36;
	s28 =	sld [smem:$0x680]  }
0x4cf: {  	v15 =	vperm.xlane v15, v1;
	v62 =	vcombine.low v21, v63;
	v38 =	vsel vm1, s6, v38;
	s9 =	sshrl.u32 s0, $0x1F;
	s6 =	sshrl.u32 s12, $0x1F  }
0x4d0: {  	v63 =	vperm.xlane v60, v0;
	v37 =	vsel vm6, s9, v37;
	s9 =	sshrl.u32 s8, $0x1F;
	v38 =	vsel vm2, s6, v38;
	s6 =	sshra.s32 s0, $0xD  }
0x4d1: {  	v20 =	vperm.xlane v18, v1;
	s3 =	sshrl.u32 s28, $0x1F;
	v37 =	vsel vm4, s9, v37;
	s9 =	sld [smem:$0x681];
	v39 =	vsel vm6, s6, v36;
	s6 =	sshra.s32 s11, $0xD  }
0x4d2: {  	v51 =	vmov s1;
	s1 =	sshra.s32 s7, $0xD;
	v38 =	vsel vm5, s3, v38;
	s3 =	sshra.s32 s10, $0xD;
	s10 =	sshra.s32 s0, $0x1F;
	v40 =	vmov s6  }
0x4d3: {  	v21 =	vperm.xlane v22, v1;
	s7 =	sshra.s32 s8, $0xD;
	v39 =	vsel vm9, s10, v39;
	s10 =	sshra.s32 s12, $0xD;
	v40 =	vsel vm1, s1, v40  }
0x4d4: {  	v24 =	vcombine.low v24, v23;
	s11 =	sshra.s32 s28, $0xD;
	v39 =	vsel vm4, s7, v39;
	s7 =	sld [smem:$0x682];
	s5 =	sshrl.u32 s9, $0x1F;
	v52 =	vsel vm2, s10, v40  }
0x4d5: {  	vm11 =	vmmov vm12;
	s0 =	sshrl.u32 s4, $0x1F;
	s12 =	sshra.s32 s8, $0x1F;
	v37 =	vsel vm15, s5, v37;
	v40 =	vsel vm5, s11, v52;
	s11 =	sld [smem:$0x684]  }
0x4d6: {  	vm12 =	vmmov vm7;
	s28 =	sshra.s32 s9, $0x1F;
	v36 =	vsel vm8, s0, v37;
	v37 =	vsel vm1, s13, v51;
	s13 =	sshra.s32 s9, $0xD;
	s9 =	sld [smem:$0x683]  }
0x4d7: {  	vm7 =	vmmov vm8;
	s4 =	sshra.s32 s4, $0xD;
	vm6 =	vmmov vm12;
	v41 =	vsel vm10, s12, v39;
	s8 =	sshrl.u32 s7, $0x1F;
	s1 =	sshra.s32 s7, $0xD  }
0x4d8: {  	vm4 =	vmmov vm15;
	s7 =	sld [smem:$0x685];
	v37 =	vsel vm2, s2, v37;
	v41 =	vsel vm15, s13, v41;
	s13 =	sshra.s32 s17, $0x1F;
	s12 =	sshrl.u32 s11, $0x1F  }
0x4d9: {  	vm15 =	vcmask $0x2B28;
	v39 =	vsel vm5, s3, v37;
	v53 =	vsel vm11, s28, v41;
	s28 =	sshrl.u32 s25, $0x1F;
	s10 =	sshrl.u32 s9, $0x1F;
	s2 =	sshra.s32 s9, $0xD  }
0x4da: {  	v37 =	vsel vm8, s4, v53;
	s4 =	sshra.s32 s25, $0xD;
	v43 =	vmov s28;
	s9 =	sshra.s32 s25, $0x1F;
	s25 =	sld [smem:$0x686];
	v54 =	vmov s10  }
0x4db: {  	v42 =	vmov s13;
	s0 =	sshra.s32 s11, $0xD;
	s11 =	sshrl.u32 s24, $0x1F;
	s28 =	sld [smem:$0x688];
	v43 =	vnsel vm12, $0x0, v43;
	v41 =	vsel vm1, s8, v54  }
0x4dc: {  	v42 =	vsel vm12, s4, v42;
	s8 =	sshrl.u32 s7, $0x1F;
	v43 =	vsel vm1, s11, v43;
	s11 =	sld [smem:$0x687];
	v41 =	vsel vm2, s12, v41  }
0x4dd: {  	s6 =	sshrl.u32 s21, $0x1F;
	vm8 =	vcmask $0x2320;
	v42 =	vsel vm0, s9, v42;
	s12 =	sshra.s32 s24, $0xD;
	v41 =	vsel vm5, s8, v41;
	s8 =	sld [smem:$0x68A]  }
0x4de: {  	s13 =	sshra.s32 s24, $0x1F;
	v55 =	vmov s2;
	vm12 =	vmmov vm7;
	s4 =	sshrl.u32 s28, $0x1F;
	v42 =	vsel vm1, s12, v42;
	s12 =	sld [smem:$0x689]  }
0x4df: {  	s5 =	sshra.s32 s7, $0xD;
	v37 =	vperm.xlane v37, v1;
	vm0 =	vmmov vm4;
	s10 =	sshrl.u32 s25, $0x1F;
	v43 =	vsel vm2, s4, v43;
	s4 =	sshrl.u32 s23, $0x1F  }
0x4e0: {  	v54 =	vperm.xlane v25, v1;
	v44 =	vmov s10;
	s24 =	sshrl.u32 s11, $0x1F;
	v42 =	vsel vm13, s13, v42;
	s13 =	sshra.s32 s28, $0xD;
	s10 =	sshrl.u32 s8, $0x1F  }
0x4e1: {  	v44 =	vsel vm1, s24, v44;
	v42 =	vsel vm2, s13, v42;
	s24 =	sshra.s32 s28, $0x1F;
	s7 =	sshrl.u32 s12, $0x1F;
	s13 =	sshra.s32 s8, $0x1F;
	v43 =	vsel vm5, s10, v43  }
0x4e2: {  	v42 =	vsel vm14, s24, v42;
	v44 =	vsel vm2, s7, v44;
	s10 =	sld [smem:$0x68B];
	s7 =	sshra.s32 s8, $0xD;
	s8 =	sshra.s32 s25, $0xD;
	v43 =	vsel vm8, s4, v43  }
0x4e3: {  	s24 =	sshrl.u32 s19, $0x1F;
	v42 =	vsel vm5, s7, v42;
	v58 =	vmov s8;
	v43 =	vsel vm15, s6, v43  }
0x4e4: {  	s7 =	sshra.s32 s23, $0xD;
	v46 =	vsel vm3, s13, v42;
	vm3 =	vmmov vm9;
	s13 =	sshra.s32 s11, $0xD;
	v43 =	vsel vm4, s24, v43  }
0x4e5: {  	s9 =	spop (v2sf);
	s28 =	sshrl.u32 s10, $0x1F;
	v57 =	vsel vm8, s7, v46;
	v46 =	vsel vm1, s13, v58;
	v58 =	vcombine.low v31, v29  }
0x4e6: {  	s25 =	sshra.s32 s12, $0xD;
	s4 =	sshrl.u32 s17, $0x1F;
	s24 =	sshrl.u32 s22, $0x1F;
	v31 =	vcombine.low v40, v39;
	v45 =	vsel vm5, s28, v44;
	v44 =	vsel vm1, s1, v55  }
0x4e7: {  	s6 =	smulhi.u32 $0x14F8B589, s9;
	s28 =	sshra.s32 s9, $0x1F;
	v42 =	vsel vm7, s4, v43;
	s9 =	sshra.s32 s23, $0x1F;
	v47 =	vmov s24;
	v46 =	vsel vm2, s25, v46  }
0x4e8: {  	s2 =	sshra.s32 s10, $0xD;
	s24 =	sld [smem:$0x68D];
	v56 =	vsel vm2, s0, v44;
	v44 =	vsel vm9, s9, v57;
	v47 =	vnsel vm6, $0x0, v47  }
0x4e9: {  	s3 =	sshra.s32 s19, $0xD;
	s23 =	sshra.s32 s21, $0xD;
	s4 =	sshrl.u32 s20, $0x1F;
	v46 =	vsel vm5, s2, v46;
	v60 =	vperm.xlane v58, v0;
	v43 =	vsel vm5, s5, v56  }
0x4ea: {  	v61 =	vld [tilespmem:$0x1FFF0];
	s8 =	sshrl.u32 s15, $0x1F;
	s1 =	smul.u32 $0x14F8B589, s28;
	s28 =	sshra.s32 s21, $0x1F;
	v44 =	vsel vm15, s23, v44;
	v47 =	vsel vm1, s4, v47;
	v56 =	vperm.xlane v27, v1  }
0x4eb: {  	s11 =	sshrl.u32 s26, $0x1F;
	s5 =	sshra.s32 s19, $0x1F;
	v27 =	vcombine.low v38, v32;
	v44 =	vsel vm10, s28, v44;
	v49 =	vsel vm2, s8, v47;
	s9 =	sshrl.u32 s24, $0x1F  }
0x4ec: {  	s19 =	sshrl.u32 s14, $0x1F;
	s1 =	sadd.s32 s1, s6;
	s6 =	sld [smem:$0x68C];
	v44 =	vsel vm4, s3, v44;
	v47 =	vmov s9;
	v49 =	vsel vm5, s11, v49  }
0x4ed: {  	s28 =	sshrl.u32 s16, $0x1F;
	vm4 =	vmmov vm8;
	v44 =	vsel vm11, s5, v44;
	v49 =	vsel vm8, s19, v49  }
0x4ee: {  	vm8 =	vmmov vm15;
	vm11 =	vcmask $0x704;
	v49 =	vsel vm15, s28, v49  }
0x4ef: {  	s7 =	sshrl.u32 s6, $0x1F;
	s4 =	sshra.s32 s6, $0xD;
	vm15 =	vnez.u8 v61;
	v61 =	vperm.xlane v30, v1;
	v30 =	vperm.xlane v36, v1  }
0x4f0: {  	s5 =	sld [smem:$0x68E];
	v48 =	vmov s7;
	v51 =	vmov s4;
	v11 =	vsel vm15, v13, v11  }
0x4f1: {  	s10 =	sshrl.u32 s29, $0x1F;
	s21 =	sld [smem:$0x690];
	v14 =	vsel vm15, v15, v14;
	v13 =	vperm.xlane v62, v0;
	v15 =	vsel vm15, v20, v63  }
0x4f2: {  	s0 =	sld [smem:$0x692];
	s8 =	sshra.s32 s29, $0xD;
	s7 =	sshrl.u32 s18, $0x1F;
	v63 =	vperm.xlane v34, v1;
	v34 =	vcombine.low v45, v41;
	v48 =	vsel vm1, s10, v48  }
0x4f3: {  	s12 =	sshrl.u32 s30, $0x1F;
	s19 =	sld [smem:$0x68F];
	s13 =	sshrl.u32 s5, $0x1F;
	v49 =	vsel vm0, s7, v49;
	v51 =	vsel vm1, s8, v51;
	v11 =	vadd.s32 v11, v14  }
0x4f4: {  	s11 =	sshra.s32 s30, $0xD;
	s10 =	sshrl.u32 s1, $0x1F;
	s28 =	sshra.s32 s5, $0xD;
	v23 =	vsel vm15, v61, v60;
	v48 =	vsel vm2, s12, v48;
	v50 =	vmov s13  }
0x4f5: {  	s25 =	sshrl.u32 s31, $0x1F;
	s29 =	sshra.s32 s15, $0xD;
	s30 =	sshra.s32 s15, $0x1F;
	v49 =	vsel vm7, s10, v49;
	v51 =	vsel vm2, s11, v51;
	v17 =	vmov s28  }
0x4f6: {  	s4 =	sld [smem:$0x691];
	s23 =	sshrl.u32 s19, $0x1F;
	s12 =	sshra.s32 s1, $0x1F;
	v11 =	vmul.u32 $0x186A0, v11;
	v13 =	vsel vm15, v21, v13;
	v40 =	vperm.xlane v34, v0  }
0x4f7: {  	s3 =	smulhi.u32 $0x14F8B589, s0;
	s2 =	sshra.s32 s0, $0x1F;
	s6 =	sshrl.u32 s21, $0x1F;
	v48 =	vsel vm5, s23, v48;
	v50 =	vsel vm1, s25, v50;
	v52 =	vmov s12  }
0x4f8: {  	s2 =	smul.u32 $0x14F8B589, s2;
	s13 =	sshra.s32 s22, $0xD;
	v22 =	vadd.s32 v15, v13;
	v13 =	vperm.xlane v24, v0;
	v50 =	vsel vm2, s6, v50;
	s6 =	sld [smem:$0x693]  }
0x4f9: {  	s22 =	sshra.s32 s22, $0x1F;
	s9 =	sshrl.u32 s4, $0x1F;
	v59 =	vsel vm6, s13, v52;
	v2 =	vsub.s32 v2, v11;
	v11 =	vmul.u32 $0x186A0, v22;
	s13 =	rddreg [dreg:$0x1f]  }
0x4fa: {  	s23 =	sshra.s32 s20, $0xD;
	v52 =	vcombine.low v28, v26;
	v50 =	vsel vm5, s9, v50;
	v12 =	vsel vm11, s22, v59;
	s15 =	smulhi.u32 $0x14F8B589, s13;
	s22 =	rddreg [dreg:$0x1c]  }
0x4fb: {  	vm11 =	vmmov vm14;
	v53 =	vadd.s32 $0x186A0, v2;
	s9 =	sld [smem:$0x694];
	v12 =	vsel vm1, s23, v12;
	s23 =	smulhi.u32 $0x14F8B589, s22  }
0x4fc: {  	s25 =	sshra.s32 s20, $0x1F;
	v13 =	vsel vm15, v54, v13;
	v59 =	vcombine.low v35, v33;
	v3 =	vsub.s32 v3, v11;
	s7 =	smulhi.u32 $0x14F8B589, s6;
	s5 =	sshra.s32 s6, $0x1F  }
0x4fd: {  	s12 =	rddreg [dreg:$0x16];
	v55 =	vperm.xlane v52, v0;
	v39 =	vcombine.low v50, v48;
	v12 =	vsel vm13, s25, v12;
	s25 =	sshra.s32 s26, $0xD;
	s8 =	smul.u32 $0x14F8B589, s5  }
0x4fe: {  	v48 =	vperm.xlane v49, v1;
	vm6 =	vlt.s32 v3, $0x0;
	v12 =	vsel vm2, s29, v12;
	s10 =	smulhi.u32 $0x14F8B589, s9;
	s5 =	sshra.s32 s9, $0x1F;
	s29 =	sshra.s32 s19, $0xD  }
0x4ff: {  	v57 =	vadd.s32 $0x186A0, v3;
	v14 =	vperm.xlane v59, v0;
	vm13 =	vcmask $0x2F2C;
	s9 =	sshra.s32 s12, $0x1F;
	s19 =	sshra.s32 s18, $0xD;
	s11 =	smul.u32 $0x14F8B589, s5  }
0x500: {  	v11 =	vsel vm15, v56, v55;
	v3 =	vsel vm6, v57, v3;
	v12 =	vsel vm14, s30, v12;
	s5 =	sshra.s32 s13, $0x1F;
	s30 =	sshra.s32 s31, $0xD;
	s13 =	smulhi.u32 $0x14F8B589, s12  }
0x501: {  	vm6 =	vmmov vm4;
	v45 =	vperm.xlane v39, v0;
	s31 =	sshra.s32 s26, $0x1F;
	v28 =	vsel vm5, s29, v51;
	s29 =	sshra.s32 s4, $0xD;
	s20 =	smul.u32 $0x14F8B589, s5  }
0x502: {  	vm14 =	vlt.s32 v2, $0x0;
	s5 =	sshra.s32 s22, $0x1F;
	v12 =	vsel vm5, s25, v12;
	v29 =	vsel vm1, s30, v17;
	s25 =	sshra.s32 s21, $0xD;
	s30 =	rddreg [dreg:$0x13]  }
0x503: {  	v11 =	vadd.s32 v13, v11;
	v24 =	vsel vm15, v63, v14;
	v51 =	vperm.xlane v42, v1;
	s21 =	rddreg [dreg:$0x12];
	s28 =	smul.u32 $0x14F8B589, s5;
	s5 =	sadd.s32 s2, s3  }
0x504: {  	v62 =	vmul.u32 $0x186A0, v11;
	v11 =	vsel vm14, v53, v2;
	v13 =	vadd.s32 v23, v24;
	s3 =	sadd.s32 s8, s7;
	s7 =	sshra.s32 s17, $0xD;
	s17 =	sshra.s32 s30, $0x1F  }
0x505: {  	v56 =	vld [tilespmem:$0x80];
	s22 =	sshra.s32 s14, $0x1F;
	vm14 =	vmmov vm3;
	v18 =	vsel vm15, v48, v45;
	v14 =	vsel vm2, s25, v29;
	s4 =	sshra.s32 s21, $0x1F;
	s17 =	smul.u32 $0x14F8B589, s17  }
0x506: {  	v2 =	vsub.s32 v4, v62;
	s0 =	sadd.s32 s20, s15;
	v35 =	vsel vm5, s29, v14;
	s20 =	sshra.s32 s18, $0x1F;
	s18 =	smulhi.u32 $0x14F8B589, s21;
	v55 =	vsel vm12, s7, v44  }
0x507: {  	s2 =	sadd.s32 s11, s10;
	s11 =	sshrl.u32 s5, $0x1F;
	s25 =	smul.u32 $0x14F8B589, s4;
	v14 =	vsel vm15, v51, v40;
	vm7 =	vlt.s32 v2, $0x0;
	v25 =	vadd.s32 $0x186A0, v2  }
0x508: {  	s6 =	sadd.s32 s28, s23;
	s23 =	smul.u32 $0x14F8B589, s9;
	s28 =	rddreg [dreg:$0x14];
	v15 =	vcombine.low v35, v28;
	v26 =	vsel vm7, v25, v2;
	vm7 =	vcmask $0x1F1C  }
0x509: {  	s10 =	sshra.s32 s14, $0xD;
	v49 =	vsel vm1, s11, v47;
	v2 =	vmul.u32 $0x186A0, v13;
	s12 =	smulhi.u32 $0x14F8B589, s28;
	s14 =	sshra.s32 s28, $0x1F;
	v12 =	vsel vm7, s31, v12  }
0x50a: {  	s26 =	sshra.s32 s16, $0xD;
	v20 =	vperm.xlane v55, v1;
	v9 =	vadd.s32 v9, v56;
	s14 =	smul.u32 $0x14F8B589, s14;
	v12 =	vsel vm4, s10, v12  }
0x50b: {  	s8 =	sshrl.u32 s3, $0x1F;
	s28 =	rddreg [dreg:$0x11];
	s31 =	smulhi.u32 $0x14F8B589, s30;
	v5 =	vsub.s32 v5, v2;
	v2 =	vperm.xlane v27, v0;
	v12 =	vsel vm3, s22, v12  }
0x50c: {  	s16 =	sshra.s32 s16, $0x1F;
	v54 =	vsel vm2, s8, v49;
	s29 =	smulhi.u32 $0x14F8B589, s28;
	vm4 =	vmmov vm8;
	v32 =	vsel vm8, s26, v12  }
0x50d: {  	s22 =	sshra.s32 s1, $0xD;
	s1 =	sadd.s32 s23, s13;
	s23 =	sshrl.u32 s6, $0x1F;
	v13 =	vsel vm15, v30, v2;
	v2 =	vperm.xlane v31, v0;
	v36 =	vsel vm13, s16, v32  }
0x50e: {  	s4 =	sadd.s32 s14, s12;
	s12 =	sadd.s32 s17, s31;
	vm8 =	vcmask $0x3734;
	v52 =	vmov s23;
	s23 =	rddreg [dreg:$0x10];
	v38 =	vsel vm0, s19, v36  }
0x50f: {  	v50 =	vperm.xlane v15, v0;
	s13 =	sadd.s32 s25, s18;
	s25 =	smulhi.u32 $0x14F8B589, s23;
	s18 =	sshra.s32 s23, $0x1F;
	vm13 =	vmmov vm12;
	v41 =	vsel vm8, s20, v38  }
0x510: {  	s30 =	sshra.s32 s28, $0x1F;
	s15 =	sshrl.u32 s12, $0x1F;
	v17 =	vsel vm15, v37, v2;
	v2 =	vcombine.low v46, v43;
	s28 =	smul.u32 $0x14F8B589, s18;
	v16 =	vsel vm12, s22, v41  }
0x511: {  	s21 =	rddreg [dreg:$0xf];
	s5 =	sshra.s32 s5, $0xD;
	s16 =	sshrl.u32 s0, $0x1F;
	v57 =	vmov s15;
	v13 =	vadd.s32 v13, v17;
	v16 =	vperm.xlane v16, v1  }
0x512: {  	s31 =	smul.u32 $0x14F8B589, s30;
	s26 =	sshrl.u32 s1, $0x1F;
	v53 =	vperm.xlane v2, v0;
	v2 =	vsel vm1, s16, v52;
	s7 =	sadd.s32 s28, s25;
	vm12 =	vcmask $0x300  }
0x513: {  	s9 =	sshrl.u32 s2, $0x1F;
	s17 =	sshrl.u32 s4, $0x1F;
	v13 =	vmul.u32 $0x186A0, v13;
	v2 =	vsel vm2, s26, v2;
	s20 =	sshra.s32 s7, $0x1F;
	v16 =	vsel vm15, v16, v50  }
0x514: {  	s10 =	sshrl.u32 s13, $0x1F;
	s8 =	sadd.s32 s31, s29;
	s29 =	rddreg [dreg:$0xe];
	v2 =	vsel vm5, s17, v2;
	v58 =	vmov s20;
	v16 =	vadd.s32 v18, v16  }
0x515: {  	s23 =	sshra.s32 s12, $0xD;
	s12 =	sshra.s32 s12, $0x1F;
	s30 =	smulhi.u32 $0x14F8B589, s29;
	v19 =	vsel vm15, v20, v53;
	v6 =	vsub.s32 v6, v13;
	v16 =	vmul.u32 $0x186A0, v16  }
0x516: {  	s18 =	sshrl.u32 s8, $0x1F;
	s31 =	sshra.s32 s29, $0x1F;
	s22 =	smulhi.u32 $0x14F8B589, s21;
	v59 =	vsel vm12, s23, v58;
	v14 =	vadd.s32 v14, v19;
	v18 =	vsel vm5, s9, v54  }
0x517: {  	s29 =	sshra.s32 s13, $0xD;
	s16 =	smul.u32 $0x14F8B589, s31;
	s26 =	sshra.s32 s21, $0x1F;
	v18 =	vcombine.low v2, v18;
	v2 =	vsub.s32 v10, v16;
	v10 =	vnsel vm12, $0x0, v57  }
0x518: {  	s13 =	sshra.s32 s13, $0x1F;
	s21 =	rddreg [dreg:$0xd];
	s11 =	smul.u32 $0x14F8B589, s26;
	vm12 =	vcmask $0x704;
	vm3 =	vlt.s32 v2, $0x0;
	v16 =	vadd.s32 $0x186A0, v2  }
0x519: {  	s17 =	sshra.s32 s21, $0x1F;
	s26 =	rddreg [dreg:$0xc];
	s30 =	sadd.s32 s16, s30;
	v20 =	vmul.u32 $0x186A0, v14;
	v2 =	vsel vm3, v16, v2;
	v16 =	vsel vm12, s12, v59  }
0x51a: {  	s20 =	sshra.s32 s8, $0xD;
	s17 =	smul.u32 $0x14F8B589, s17;
	s11 =	sadd.s32 s11, s22;
	v10 =	vsel vm1, s10, v10;
	vm3 =	vcmask $0xF0C;
	v16 =	vsel vm1, s29, v16  }
0x51b: {  	s8 =	sshra.s32 s8, $0x1F;
	s28 =	smulhi.u32 $0x14F8B589, s26;
	s25 =	sshrl.u32 s11, $0x1F;
	v22 =	vsub.s32 v7, v20;
	v10 =	vsel vm2, s18, v10;
	v61 =	vsel vm3, s13, v16  }
0x51c: {  	s19 =	sshra.s32 s26, $0x1F;
	s22 =	smulhi.u32 $0x14F8B589, s21;
	v2 =	vmul.u32 $0x3E8, v2;
	v60 =	vsel vm5, s25, v10;
	s25 =	sshra.s32 s24, $0xD;
	v10 =	vsel vm2, s20, v61  }
0x51d: {  	s31 =	smul.u32 $0x14F8B589, s19;
	s23 =	sshra.s32 s11, $0xD;
	v18 =	vperm.xlane v18, v0;
	s29 =	sshra.s32 s6, $0xD;
	v62 =	vmov s25;
	v10 =	vsel vm11, s8, v10  }
0x51e: {  	s0 =	sshra.s32 s0, $0xD;
	s26 =	sshra.s32 s11, $0x1F;
	s18 =	sshrl.u32 s30, $0x1F;
	v63 =	vmov s29;
	v2 =	vadd.s32 v2, v9;
	v10 =	vsel vm5, s23, v10  }
0x51f: {  	s19 =	sadd.s32 s17, s22;
	s9 =	sadd.s32 s31, s28;
	s28 =	sshra.s32 s30, $0xD;
	v9 =	vsel vm6, s18, v60;
	v16 =	vsel vm1, s5, v62;
	v10 =	vsel vm7, s26, v10  }
0x520: {  	s3 =	sshra.s32 s3, $0xD;
	s21 =	sshrl.u32 s19, $0x1F;
	s30 =	sshra.s32 s30, $0x1F;
	v21 =	vsel vm1, s0, v63;
	(v2sf) =	vpush v2, $0xD;
	v10 =	vsel vm6, s28, v10  }
0x521: {  	s1 =	sshra.s32 s1, $0xD;
	s31 =	sshra.s32 s19, $0xD;
	v9 =	vsel vm4, s21, v9;
	v16 =	vsel vm2, s3, v16;
	v10 =	vsel vm14, s30, v10  }
0x522: {  	s22 =	sshrl.u32 s9, $0x1F;
	s5 =	sshra.s32 s19, $0x1F;
	v21 =	vsel vm2, s1, v21;
	v10 =	vsel vm4, s31, v10;
	vm4 =	vcmask $0x2F2C  }
0x523: {  	s2 =	sshra.s32 s2, $0xD;
	s6 =	sshra.s32 s4, $0xD;
	s8 =	sshra.s32 s9, $0xD;
	(v2sf) =	vpush v2, $0xC;
	v9 =	vsel vm0, s22, v9;
	v10 =	vsel vm4, s5, v10  }
0x524: {  	s11 =	sshra.s32 s9, $0x1F;
	s10 =	sshrl.u32 s7, $0x1F;
	v16 =	vsel vm5, s2, v16;
	v21 =	vsel vm5, s6, v21;
	v10 =	vsel vm0, s8, v10  }
0x525: {  	s12 =	sshra.s32 s7, $0xD;
	v9 =	vsel vm13, s10, v9;
	v16 =	vcombine.low v21, v16;
	v10 =	vsel vm8, s11, v10  }
0x526: {  	(v2sf) =	vpush v2, $0xE;
	v9 =	vperm.xlane v9, v1;
	v10 =	vsel vm13, s12, v10  }
0x527: {  	(v2sf) =	vpush v2, $0xF;
	v16 =	vperm.xlane v16, v0;
	v10 =	vperm.xlane v10, v1  }
0x528: {  	[tilespmem:$0x220] =	vst v3;
	v3 =	vadd.s32 $0x186A0, v6;
	v23 =	vadd.s32 $0x186A0, v22;
	(v2sf) =	vpush v2, $0x9  }
0x529: {  	vm11 =	vmmov vm0;
	v9 =	vsel vm15, v9, v18;
	v10 =	vsel vm15, v10, v16  }
0x52a: {  	vm7 =	vmmov vm6;
	(v2sf) =	vpush v2, $0x8;
	v9 =	vadd.s32 v9, v10  }
0x52b: {  	vm6 =	vmmov vm13;
	(v2sf) =	vpush v2, $0xA;
	v9 =	vmul.u32 $0x186A0, v9  }
0x52c: {  	vm14 =	vmmov vm15;
	(v2sf) =	vpush v2, $0xB;
	vm13 =	vlt.s32 v6, $0x0  }
0x52d: {  	v3 =	vsel vm13, v3, v6;
	vm15 =	vlt.s32 v22, $0x0;
	v24 =	vsub.s32 v8, v9  }
0x52e: {  	[tilespmem:$0x250] =	vst v3;
	v3 =	vsel vm15, v23, v22;
	vm0 =	vlt.s32 v24, $0x0;
	v25 =	vadd.s32 $0x186A0, v24  }
0x52f: {  	(v2sf) =	vpush v2, $0x0;
	[tilespmem:$0x260] =	vst v3;
	v3 =	vsel vm0, v25, v24  }
0x530: {  	(v2sf) =	vpush v2, $0x1;
	[tilespmem:$0x270] =	vst v3;
	v3 =	vld [tilespmem:$0x190]  }
0x531: {  	(v2sf) =	vpush v2, $0x2  }
0x532: {  	(v2sf) =	vpush v2, $0x3  }
0x533: {  	s13 =	spop (v2sf);
	(v2sf) =	vpush v2, $0x4  }
0x534: {  	s14 =	spop (v2sf);
	(v2sf) =	vpush v2, $0x5  }
0x535: {  	[tilespmem:$0x230] =	vst v26;
	s15 =	spop (v2sf);
	(v2sf) =	vpush v2, $0x6;
	v26 =	vmul.u32 $0x5C, v3  }
0x536: {  	s16 =	spop (v2sf);
	(v2sf) =	vpush v2, $0x7  }
0x537: {  	s17 =	spop (v2sf);
	(v2sf) =	vpush v26, $0xD;
	_ =	sdelay $0x1  }
0x538: {  	s18 =	spop (v2sf);
	(v2sf) =	vpush v26, $0xC;
	_ =	sdelay $0x1  }
0x539: {  	s19 =	spop (v2sf);
	(v2sf) =	vpush v26, $0xE;
	_ =	sdelay $0x1  }
0x53a: {  	s20 =	spop (v2sf);
	(v2sf) =	vpush v26, $0xF  }
0x53b: {  	s21 =	spop (v2sf)  }
0x53c: {  	s22 =	spop (v2sf);
	(v2sf) =	vpush v26, $0x9  }
0x53d: {  	s23 =	spop (v2sf)  }
0x53e: {  	[smem:$0x695] =	sst s13;
	s24 =	spop (v2sf);
	(v2sf) =	vpush v26, $0x8  }
0x53f: {  	[smem:$0x696] =	sst s14;
	s25 =	spop (v2sf)  }
0x540: {  	[smem:$0x697] =	sst s15;
	s26 =	spop (v2sf);
	(v2sf) =	vpush v26, $0xA  }
0x541: {  	[smem:$0x698] =	sst s16;
	s28 =	spop (v2sf)  }
0x542: {  	[smem:$0x699] =	sst s17;
	s29 =	spop (v2sf);
	(v2sf) =	vpush v26, $0xB  }
0x543: {  	[smem:$0x69A] =	sst s18;
	s30 =	spop (v2sf)  }
0x544: {  	[smem:$0x69B] =	sst s19;
	(v2sf) =	vpush v26, $0x0;
	s31 =	smulhi.u32 $0x14F8B589, s30;
	s0 =	sshra.s32 s30, $0x1F  }
0x545: {  	s6 =	spop (v2sf);
	s0 =	smul.u32 $0x14F8B589, s0  }
0x546: {  	[smem:$0x69C] =	sst s20;
	(v2sf) =	vpush v26, $0x1;
	s3 =	smulhi.u32 $0x14F8B589, s6;
	s2 =	sshra.s32 s6, $0x1F  }
0x547: {  	s7 =	spop (v2sf);
	s2 =	smul.u32 $0x14F8B589, s2  }
0x548: {  	[smem:$0x69D] =	sst s21;
	(v2sf) =	vpush v26, $0x2;
	s5 =	smulhi.u32 $0x14F8B589, s7;
	s4 =	sshra.s32 s7, $0x1F  }
0x549: {  	s8 =	spop (v2sf);
	s4 =	smul.u32 $0x14F8B589, s4  }
0x54a: {  	[smem:$0x69E] =	sst s22;
	(v2sf) =	vpush v26, $0x3;
	s7 =	smulhi.u32 $0x14F8B589, s8;
	s6 =	sshra.s32 s8, $0x1F  }
0x54b: {  	s9 =	spop (v2sf);
	s8 =	smul.u32 $0x14F8B589, s6  }
0x54c: {  	[smem:$0x69F] =	sst s23;
	s10 =	smulhi.u32 $0x14F8B589, s9;
	s6 =	sshra.s32 s9, $0x1F  }
0x54d: {  	(v2sf) =	vpush v26, $0x4;
	s12 =	spop (v2sf);
	s11 =	smul.u32 $0x14F8B589, s6  }
0x54e: {  	[smem:$0x6A1] =	sst s25;
	s13 =	smulhi.u32 $0x14F8B589, s12;
	s6 =	sshra.s32 s12, $0x1F  }
0x54f: {  	(v2sf) =	vpush v26, $0x5;
	s25 =	spop (v2sf);
	s23 =	smul.u32 $0x14F8B589, s6  }
0x550: {  	[smem:$0x6A2] =	sst s26;
	(v2sf) =	vpush v26, $0x6;
	s14 =	smulhi.u32 $0x14F8B589, s25;
	s6 =	sshra.s32 s25, $0x1F  }
0x551: {  	s26 =	spop (v2sf);
	s15 =	smul.u32 $0x14F8B589, s6  }
0x552: {  	[smem:$0x6A3] =	sst s28;
	(v2sf) =	vpush v26, $0x7;
	s16 =	smulhi.u32 $0x14F8B589, s26;
	s6 =	sshra.s32 s26, $0x1F  }
0x553: {  	s28 =	spop (v2sf);
	s17 =	smul.u32 $0x14F8B589, s6  }
0x554: {  	[smem:$0x6A4] =	sst s29;
	s18 =	smulhi.u32 $0x14F8B589, s28;
	s6 =	sshra.s32 s28, $0x1F  }
0x555: {  	s29 =	spop (v2sf);
	s19 =	smul.u32 $0x14F8B589, s6  }
0x556: {  	[smem:$0x6A0] =	sst s24;
	s20 =	smulhi.u32 $0x14F8B589, s29;
	s6 =	sshra.s32 s29, $0x1F  }
0x557: {  	s30 =	spop (v2sf);
	s21 =	smul.u32 $0x14F8B589, s6  }
0x558: {  	s1 =	sadd.s32 s0, s31;
	s22 =	smulhi.u32 $0x14F8B589, s30;
	s6 =	sshra.s32 s30, $0x1F  }
0x559: {  	s31 =	spop (v2sf);
	s24 =	smul.u32 $0x14F8B589, s6;
	s6 =	sadd.s32 s2, s3  }
0x55a: {  	s3 =	smulhi.u32 $0x14F8B589, s31;
	s0 =	sshra.s32 s31, $0x1F;
	s2 =	sadd.s32 s4, s5  }
0x55b: {  	s4 =	sadd.s32 s11, s10;
	s31 =	sadd.s32 s19, s18;
	s25 =	smul.u32 $0x14F8B589, s0  }
0x55c: {  	s0 =	sadd.s32 s8, s7;
	s7 =	sadd.s32 s15, s14;
	s5 =	spop (v2sf)  }
0x55d: {  	s18 =	sadd.s32 s25, s3;
	s26 =	smulhi.u32 $0x14F8B589, s5;
	s8 =	sshra.s32 s5, $0x1F  }
0x55e: {  	s25 =	sshra.s32 s31, $0x1F;
	s11 =	spop (v2sf);
	s9 =	smul.u32 $0x14F8B589, s8  }
0x55f: {  	s10 =	smulhi.u32 $0x14F8B589, s11;
	s5 =	sshra.s32 s11, $0x1F;
	s28 =	spop (v2sf)  }
0x560: {  	s8 =	sadd.s32 s23, s13;
	s11 =	sadd.s32 s21, s20;
	s13 =	smul.u32 $0x14F8B589, s5  }
0x561: {  	s23 =	spop (v2sf);
	s5 =	sadd.s32 s17, s16;
	s17 =	sadd.s32 s24, s22  }
0x562: {  	s20 =	smulhi.u32 $0x14F8B589, s28;
	s21 =	sshra.s32 s28, $0x1F;
	s22 =	sshrl.u32 s6, $0x1F  }
0x563: {  	vm9 =	vlt.s32 v5, $0x0;
	v33 =	vadd.s32 $0x186A0, v5;
	s24 =	sshrl.u32 s31, $0x1F;
	s29 =	smulhi.u32 $0x14F8B589, s23;
	s30 =	sshra.s32 s23, $0x1F  }
0x564: {  	vm10 =	vmmov vm2;
	v21 =	vsel vm9, v33, v5;
	vm8 =	vmmov vm7;
	s28 =	sshrl.u32 s2, $0x1F;
	s6 =	sshra.s32 s6, $0xD;
	s14 =	smul.u32 $0x14F8B589, s30  }
0x565: {  	vm13 =	vcmask $0x300;
	vm15 =	vmmov vm3;
	vm0 =	vmmov vm1;
	s19 =	sadd.s32 s9, s26;
	s23 =	sshra.s32 s31, $0xD;
	s26 =	sshrl.u32 s1, $0x1F  }
0x566: {  	v28 =	vmov s22;
	v29 =	vmov s24;
	s31 =	sshra.s32 s11, $0x1F;
	v31 =	vmov s6;
	s1 =	sshra.s32 s1, $0xD;
	s3 =	sadd.s32 s14, s29  }
0x567: {  	s9 =	sadd.s32 s13, s10;
	v6 =	vsel vm1, s26, v28;
	v7 =	vnsel vm13, $0x0, v29;
	s30 =	sshrl.u32 s11, $0x1F;
	v33 =	vsel vm0, s1, v31;
	s13 =	sshra.s32 s3, $0x1F  }
0x568: {  	s15 =	sshrl.u32 s17, $0x1F;
	v6 =	vsel vm2, s28, v6;
	v7 =	vsel vm1, s30, v7;
	s29 =	sshra.s32 s11, $0xD;
	s11 =	sshrl.u32 s0, $0x1F;
	v27 =	vmov s13  }
0x569: {  	s22 =	sshrl.u32 s18, $0x1F;
	s14 =	sshrl.u32 s8, $0x1F;
	v7 =	vsel vm2, s15, v7;
	v6 =	vsel vm5, s11, v6;
	v5 =	vsel vm13, s23, v27  }
0x56a: {  	s12 =	smul.u32 $0x14F8B589, s21;
	s21 =	sshrl.u32 s4, $0x1F;
	s8 =	sshra.s32 s8, $0xD;
	v30 =	vmov s14;
	v7 =	vsel vm5, s22, v7;
	v5 =	vsel vm12, s25, v5  }
0x56b: {  	s24 =	sshrl.u32 s19, $0x1F;
	v32 =	vmov s8;
	v8 =	vsel vm1, s21, v30;
	v5 =	vsel vm1, s29, v5  }
0x56c: {  	s16 =	sshra.s32 s17, $0xD;
	s4 =	sshra.s32 s4, $0xD;
	v7 =	vsel vm7, s24, v7;
	vm7 =	vcmask $0x2B28;
	v5 =	vsel vm3, s31, v5  }
0x56d: {  	s10 =	sadd.s32 s12, s20;
	s20 =	sshra.s32 s17, $0x1F;
	v34 =	vsel vm0, s4, v32;
	s23 =	sshrl.u32 s7, $0x1F;
	vm1 =	vcmask $0x1714;
	v5 =	vsel vm2, s16, v5  }
0x56e: {  	s28 =	sshrl.u32 s5, $0x1F;
	s25 =	sshra.s32 s18, $0xD;
	v8 =	vsel vm2, s23, v8;
	vm12 =	vmmov vm11;
	v5 =	vsel vm1, s20, v5  }
0x56f: {  	s26 =	sshra.s32 s18, $0x1F;
	s29 =	sshrl.u32 s9, $0x1F;
	v8 =	vsel vm5, s28, v8;
	vm3 =	vcmask $0x1F1C;
	v5 =	vsel vm5, s25, v5  }
0x570: {  	s30 =	sshrl.u32 s10, $0x1F;
	v7 =	vsel vm7, s29, v7;
	s31 =	sshra.s32 s19, $0xD;
	v6 =	vcombine.low v8, v6;
	v5 =	vsel vm3, s26, v5  }
0x571: {  	s11 =	sshra.s32 s19, $0x1F;
	s13 =	sshra.s32 s2, $0xD;
	v7 =	vsel vm11, s30, v7;
	vm11 =	vcmask $0x2724;
	v5 =	vsel vm8, s31, v5  }
0x572: {  	s12 =	sshra.s32 s9, $0xD;
	s0 =	sshra.s32 s0, $0xD;
	s14 =	sshra.s32 s7, $0xD;
	v8 =	vsel vm10, s13, v33;
	vm2 =	vmmov vm5;
	v5 =	vsel vm11, s11, v5  }
0x573: {  	s15 =	sshra.s32 s9, $0x1F;
	v9 =	vsel vm10, s14, v34;
	s16 =	sshra.s32 s5, $0xD;
	v8 =	vsel vm2, s0, v8;
	v5 =	vsel vm7, s12, v5  }
0x574: {  	s17 =	sshra.s32 s10, $0xD;
	v9 =	vsel vm2, s16, v9;
	vm8 =	vmmov vm4;
	v5 =	vsel vm4, s15, v5  }
0x575: {  	s18 =	sshrl.u32 s3, $0x1F;
	s19 =	sshra.s32 s10, $0x1F;
	vm4 =	vmmov vm12;
	v5 =	vsel vm12, s17, v5;
	vm12 =	vcmask $0x3734  }
0x576: {  	v7 =	vsel vm6, s18, v7;
	s20 =	sshra.s32 s3, $0xD;
	v8 =	vcombine.low v9, v8;
	v5 =	vsel vm12, s19, v5  }
0x577: {  	v6 =	vperm.xlane v6, v0;
	v7 =	vperm.xlane v7, v1;
	v5 =	vsel vm6, s20, v5  }
0x578: {  	v8 =	vperm.xlane v8, v0;
	v5 =	vperm.xlane v5, v1;
	_ =	sdelay $0x1  }
0x579: {  	v6 =	vsel vm14, v7, v6;
	v5 =	vsel vm14, v5, v8  }
0x57a: {  	v5 =	vadd.s32 v6, v5  }
0x57b: {  	v5 =	vmul.u32 $0x186A0, v5  }
0x57c: {  	v35 =	vld [tilespmem:$0x90]  }
0x57d: {  	v4 =	vsub.s32 v26, v5  }
0x57e: {  	vm6 =	vlt.s32 v4, $0x0;
	v5 =	vadd.s32 $0x186A0, v4  }
0x57f: {  	v3 =	vmul.u32 $0x335, v3;
	v4 =	vsel vm6, v5, v4  }
0x580: {  	v4 =	vmul.u32 $0x3E8, v4  }
0x581: {  	v3 =	vadd.s32 v3, v35  }
0x582: {  	v3 =	vadd.s32 v4, v3  }
0x583: {  	(v2sf) =	vpush v3, $0xD  }
0x584: {  	(v2sf) =	vpush v3, $0xC  }
0x585: {  	(v2sf) =	vpush v3, $0xE  }
0x586: {  	(v2sf) =	vpush v3, $0xF  }
0x587: {  	(v2sf) =	vpush v3, $0x9  }
0x588: {  	(v2sf) =	vpush v3, $0x8  }
0x589: {  	(v2sf) =	vpush v3, $0xA  }
0x58a: {  	(v2sf) =	vpush v3, $0xB  }
0x58b: {  	(v2sf) =	vpush v3, $0x0  }
0x58c: {  	v36 =	vld [tilespmem:$0x1A0];
	(v2sf) =	vpush v3, $0x1  }
0x58d: {  	(v2sf) =	vpush v3, $0x2  }
0x58e: {  	(v2sf) =	vpush v3, $0x3  }
0x58f: {  	(v2sf) =	vpush v3, $0x4  }
0x590: {  	(v2sf) =	vpush v3, $0x5  }
0x591: {  	v37 =	vmul.u32 $0x5C, v36;
	(v2sf) =	vpush v3, $0x6  }
0x592: {  	s29 =	spop (v2sf);
	(v2sf) =	vpush v3, $0x7  }
0x593: {  	s21 =	spop (v2sf);
	(v2sf) =	vpush v37, $0xD  }
0x594: {  	s22 =	spop (v2sf)  }
0x595: {  	(v2sf) =	vpush v37, $0xC;
	s23 =	spop (v2sf)  }
0x596: {  	s24 =	spop (v2sf)  }
0x597: {  	(v2sf) =	vpush v37, $0xE;
	s25 =	spop (v2sf)  }
0x598: {  	s26 =	spop (v2sf)  }
0x599: {  	(v2sf) =	vpush v37, $0xF;
	s28 =	spop (v2sf)  }
0x59a: {  	s30 =	spop (v2sf)  }
0x59b: {  	(v2sf) =	vpush v37, $0x9;
	s31 =	spop (v2sf)  }
0x59c: {  	s1 =	spop (v2sf)  }
0x59d: {  	(v2sf) =	vpush v37, $0x8;
	s2 =	spop (v2sf)  }
0x59e: {  	s3 =	spop (v2sf)  }
0x59f: {  	(v2sf) =	vpush v37, $0xA;
	s4 =	spop (v2sf)  }
0x5a0: {  	[smem:$0x6AC] =	sst s30;
	s30 =	spop (v2sf)  }
0x5a1: {  	[smem:$0x6A7] =	sst s23;
	(v2sf) =	vpush v37, $0xB;
	s23 =	spop (v2sf)  }
0x5a2: {  	[smem:$0x6A5] =	sst s21;
	s5 =	spop (v2sf)  }
0x5a3: {  	[smem:$0x6AD] =	sst s31;
	(v2sf) =	vpush v37, $0x0;
	s6 =	smulhi.u32 $0x14F8B589, s5;
	s0 =	sshra.s32 s5, $0x1F  }
0x5a4: {  	s31 =	spop (v2sf);
	s9 =	smul.u32 $0x14F8B589, s0  }
0x5a5: {  	[smem:$0x6AF] =	sst s2;
	(v2sf) =	vpush v37, $0x1;
	s0 =	smulhi.u32 $0x14F8B589, s31;
	s2 =	sshra.s32 s31, $0x1F  }
0x5a6: {  	s11 =	spop (v2sf);
	s5 =	smul.u32 $0x14F8B589, s2  }
0x5a7: {  	[smem:$0x6B1] =	sst s4;
	(v2sf) =	vpush v37, $0x2;
	s12 =	smulhi.u32 $0x14F8B589, s11;
	s4 =	sshra.s32 s11, $0x1F  }
0x5a8: {  	s10 =	spop (v2sf);
	s4 =	smul.u32 $0x14F8B589, s4  }
0x5a9: {  	[smem:$0x6A6] =	sst s22;
	(v2sf) =	vpush v37, $0x3;
	s11 =	smulhi.u32 $0x14F8B589, s10;
	s7 =	sshra.s32 s10, $0x1F  }
0x5aa: {  	s16 =	spop (v2sf);
	s7 =	smul.u32 $0x14F8B589, s7  }
0x5ab: {  	[smem:$0x6A8] =	sst s24;
	(v2sf) =	vpush v37, $0x4;
	s17 =	smulhi.u32 $0x14F8B589, s16;
	s14 =	sshra.s32 s16, $0x1F  }
0x5ac: {  	s18 =	spop (v2sf);
	s13 =	smul.u32 $0x14F8B589, s14  }
0x5ad: {  	[smem:$0x6A9] =	sst s25;
	(v2sf) =	vpush v37, $0x5;
	s19 =	smulhi.u32 $0x14F8B589, s18;
	s14 =	sshra.s32 s18, $0x1F  }
0x5ae: {  	(v2sf) =	vpush v37, $0x6;
	s15 =	smul.u32 $0x14F8B589, s14;
	s25 =	spop (v2sf)  }
0x5af: {  	[smem:$0x6AA] =	sst s26;
	(v2sf) =	vpush v37, $0x7;
	s20 =	smulhi.u32 $0x14F8B589, s25;
	s14 =	sshra.s32 s25, $0x1F  }
0x5b0: {  	s26 =	spop (v2sf);
	s21 =	smul.u32 $0x14F8B589, s14  }
0x5b1: {  	[smem:$0x6AB] =	sst s28;
	s22 =	smulhi.u32 $0x14F8B589, s26;
	s14 =	sshra.s32 s26, $0x1F  }
0x5b2: {  	s24 =	smul.u32 $0x14F8B589, s14;
	s28 =	spop (v2sf)  }
0x5b3: {  	[smem:$0x6AE] =	sst s1;
	s25 =	smulhi.u32 $0x14F8B589, s28;
	s14 =	sshra.s32 s28, $0x1F  }
0x5b4: {  	s31 =	spop (v2sf);
	s26 =	smul.u32 $0x14F8B589, s14  }
0x5b5: {  	[smem:$0x6B0] =	sst s3;
	s28 =	smulhi.u32 $0x14F8B589, s31;
	s14 =	sshra.s32 s31, $0x1F  }
0x5b6: {  	s6 =	sadd.s32 s9, s6;
	s1 =	spop (v2sf);
	s31 =	smul.u32 $0x14F8B589, s14  }
0x5b7: {  	s19 =	sadd.s32 s15, s19;
	s2 =	smulhi.u32 $0x14F8B589, s1;
	s14 =	sshra.s32 s1, $0x1F  }
0x5b8: {  	s21 =	sadd.s32 s21, s20;
	s9 =	spop (v2sf);
	s1 =	smul.u32 $0x14F8B589, s14  }
0x5b9: {  	s14 =	sadd.s32 s5, s0;
	s3 =	smulhi.u32 $0x14F8B589, s9;
	s8 =	sshra.s32 s9, $0x1F  }
0x5ba: {  	s9 =	sadd.s32 s4, s12;
	s10 =	spop (v2sf);
	s4 =	smul.u32 $0x14F8B589, s8  }
0x5bb: {  	s8 =	sadd.s32 s7, s11;
	s7 =	smulhi.u32 $0x14F8B589, s10;
	s11 =	sshra.s32 s10, $0x1F  }
0x5bc: {  	s5 =	sadd.s32 s13, s17;
	s13 =	spop (v2sf);
	s17 =	smul.u32 $0x14F8B589, s11  }
0x5bd: {  	s16 =	smulhi.u32 $0x14F8B589, s13;
	s12 =	sshra.s32 s13, $0x1F;
	s0 =	spop (v2sf)  }
0x5be: {  	s22 =	sadd.s32 s24, s22;
	s18 =	smul.u32 $0x14F8B589, s12;
	s15 =	spop (v2sf)  }
0x5bf: {  	s11 =	sadd.s32 s26, s25;
	s10 =	smulhi.u32 $0x14F8B589, s15;
	s12 =	sshra.s32 s15, $0x1F  }
0x5c0: {  	s13 =	sadd.s32 s31, s28;
	s1 =	sadd.s32 s1, s2;
	s12 =	smul.u32 $0x14F8B589, s12  }
0x5c1: {  	s26 =	sshrl.u32 s6, $0x1F;
	s28 =	sshrl.u32 s9, $0x1F;
	s2 =	sadd.s32 s4, s3  }
0x5c2: {  	s20 =	sshrl.u32 s11, $0x1F;
	s7 =	sadd.s32 s17, s7;
	s4 =	sadd.s32 s12, s10  }
0x5c3: {  	vm9 =	vmmov vm13;
	vm5 =	vmmov vm7;
	s17 =	sadd.s32 s18, s16;
	s16 =	sshrl.u32 s14, $0x1F;
	s12 =	sshra.s32 s4, $0x1F  }
0x5c4: {  	vm6 =	vcmask $0x2320;
	s18 =	sshra.s32 s11, $0xD;
	v39 =	vmov s16;
	s15 =	smulhi.u32 $0x14F8B589, s0;
	s0 =	sshra.s32 s0, $0x1F;
	v38 =	vmov s12  }
0x5c5: {  	s24 =	sshra.s32 s11, $0x1F;
	s31 =	sshra.s32 s13, $0xD;
	v7 =	vsel vm0, s26, v39;
	s0 =	smul.u32 $0x14F8B589, s0;
	v6 =	vsel vm13, s18, v38;
	vm13 =	vcmask $0x704  }
0x5c6: {  	v40 =	vmov s20;
	s11 =	sshra.s32 s13, $0x1F;
	v7 =	vsel vm10, s28, v7;
	s10 =	sshrl.u32 s13, $0x1F;
	s13 =	sshrl.u32 s8, $0x1F;
	v6 =	vsel vm13, s24, v6  }
0x5c7: {  	v8 =	vnsel vm9, $0x0, v40;
	s3 =	sadd.s32 s0, s15;
	s15 =	sshrl.u32 s19, $0x1F;
	v7 =	vsel vm2, s13, v7;
	v6 =	vsel vm0, s31, v6  }
0x5c8: {  	s16 =	sshrl.u32 s1, $0x1F;
	v8 =	vsel vm0, s10, v8;
	v41 =	vmov s15;
	s13 =	sshra.s32 s14, $0xD;
	s18 =	sshra.s32 s1, $0xD;
	v6 =	vsel vm15, s11, v6  }
0x5c9: {  	s20 =	sshra.s32 s1, $0x1F;
	s25 =	sshrl.u32 s2, $0x1F;
	v8 =	vsel vm10, s16, v8;
	v42 =	vmov s13;
	s16 =	sshra.s32 s6, $0xD;
	v6 =	vsel vm10, s18, v6  }
0x5ca: {  	s28 =	sshrl.u32 s7, $0x1F;
	v8 =	vsel vm2, s25, v8;
	v10 =	vsel vm0, s16, v42;
	s24 =	sshrl.u32 s5, $0x1F;
	s31 =	sshra.s32 s2, $0xD;
	v6 =	vsel vm1, s20, v6  }
0x5cb: {  	s26 =	sshrl.u32 s21, $0x1F;
	s10 =	sshra.s32 s2, $0x1F;
	s12 =	sshrl.u32 s17, $0x1F;
	v8 =	vsel vm6, s28, v8;
	v9 =	vsel vm0, s24, v41;
	v6 =	vsel vm2, s31, v6  }
0x5cc: {  	s15 =	sshra.s32 s7, $0xD;
	v8 =	vsel vm7, s12, v8;
	v9 =	vsel vm10, s26, v9;
	s11 =	sshrl.u32 s22, $0x1F;
	s18 =	sshra.s32 s19, $0xD;
	v6 =	vsel vm3, s10, v6  }
0x5cd: {  	s24 =	sshra.s32 s5, $0xD;
	v9 =	vsel vm2, s11, v9;
	s19 =	sshra.s32 s7, $0x1F;
	v43 =	vmov s18;
	v6 =	vsel vm6, s15, v6  }
0x5ce: {  	[tilespmem:$0x210] =	vst v11;
	s25 =	sshra.s32 s17, $0xD;
	s28 =	sshra.s32 s21, $0xD;
	s20 =	sshra.s32 s9, $0xD;
	v7 =	vcombine.low v9, v7;
	v11 =	vsel vm0, s24, v43;
	v6 =	vsel vm11, s19, v6  }
0x5cf: {  	s2 =	sshra.s32 s22, $0xD;
	s26 =	sshra.s32 s8, $0xD;
	v10 =	vsel vm10, s20, v10;
	s31 =	sshra.s32 s17, $0x1F;
	v11 =	vsel vm10, s28, v11;
	v6 =	vsel vm7, s25, v6  }
0x5d0: {  	s14 =	sshrl.u32 s3, $0x1F;
	s5 =	sshra.s32 s3, $0xD;
	v10 =	vsel vm2, s26, v10;
	v11 =	vsel vm2, s2, v11;
	v6 =	vsel vm8, s31, v6  }
0x5d1: {  	s6 =	sshra.s32 s3, $0x1F;
	v8 =	vsel vm4, s14, v8;
	v44 =	vcombine.low v11, v10;
	v6 =	vsel vm4, s5, v6  }
0x5d2: {  	s8 =	sshra.s32 s4, $0xD;
	s7 =	sshrl.u32 s4, $0x1F;
	v7 =	vperm.xlane v7, v0;
	vm7 =	vcmask $0x3B38;
	v6 =	vsel vm12, s6, v6  }
0x5d3: {  	v8 =	vsel vm7, s7, v8;
	v9 =	vperm.xlane v44, v0;
	v6 =	vsel vm7, s8, v6  }
0x5d4: {  	v8 =	vperm.xlane v8, v1;
	v6 =	vperm.xlane v6, v1;
	_ =	sdelay $0x1  }
0x5d5: {  	v7 =	vsel vm14, v8, v7;
	v6 =	vsel vm14, v6, v9  }
0x5d6: {  	v6 =	vadd.s32 v7, v6  }
0x5d7: {  	v6 =	vmul.u32 $0x186A0, v6  }
0x5d8: {  	v45 =	vld [tilespmem:$0xA0]  }
0x5d9: {  	v5 =	vsub.s32 v37, v6  }
0x5da: {  	vm3 =	vlt.s32 v5, $0x0;
	v6 =	vadd.s32 $0x186A0, v5  }
0x5db: {  	v4 =	vmul.u32 $0x335, v36;
	v5 =	vsel vm3, v6, v5  }
0x5dc: {  	v5 =	vmul.u32 $0x3E8, v5  }
0x5dd: {  	v4 =	vadd.s32 v4, v45  }
0x5de: {  	v4 =	vadd.s32 v5, v4  }
0x5df: {  	(v2sf) =	vpush v4, $0xD  }
0x5e0: {  	(v2sf) =	vpush v4, $0xC  }
0x5e1: {  	(v2sf) =	vpush v4, $0xE  }
0x5e2: {  	(v2sf) =	vpush v4, $0xF  }
0x5e3: {  	(v2sf) =	vpush v4, $0x9  }
0x5e4: {  	(v2sf) =	vpush v4, $0x8  }
0x5e5: {  	(v2sf) =	vpush v4, $0xA  }
0x5e6: {  	(v2sf) =	vpush v4, $0xB  }
0x5e7: {  	(v2sf) =	vpush v4, $0x0  }
0x5e8: {  	v46 =	vld [tilespmem:$0x1B0];
	(v2sf) =	vpush v4, $0x1  }
0x5e9: {  	(v2sf) =	vpush v4, $0x2  }
0x5ea: {  	(v2sf) =	vpush v4, $0x3  }
0x5eb: {  	(v2sf) =	vpush v4, $0x4  }
0x5ec: {  	(v2sf) =	vpush v4, $0x5  }
0x5ed: {  	v47 =	vmul.u32 $0x5C, v46;
	(v2sf) =	vpush v4, $0x6  }
0x5ee: {  	(v2sf) =	vpush v4, $0x7;
	s25 =	spop (v2sf)  }
0x5ef: {  	(v2sf) =	vpush v47, $0xD;
	s28 =	spop (v2sf)  }
0x5f0: {  	s31 =	spop (v2sf)  }
0x5f1: {  	(v2sf) =	vpush v47, $0xC;
	s9 =	spop (v2sf)  }
0x5f2: {  	s10 =	spop (v2sf)  }
0x5f3: {  	(v2sf) =	vpush v47, $0xE;
	s11 =	spop (v2sf)  }
0x5f4: {  	s12 =	spop (v2sf)  }
0x5f5: {  	(v2sf) =	vpush v47, $0xF;
	s13 =	spop (v2sf)  }
0x5f6: {  	s14 =	spop (v2sf)  }
0x5f7: {  	(v2sf) =	vpush v47, $0x9;
	s15 =	spop (v2sf)  }
0x5f8: {  	s16 =	spop (v2sf)  }
0x5f9: {  	(v2sf) =	vpush v47, $0x8;
	s17 =	spop (v2sf)  }
0x5fa: {  	s18 =	spop (v2sf)  }
0x5fb: {  	[smem:$0x6B2] =	sst s9;
	(v2sf) =	vpush v47, $0xA;
	s19 =	spop (v2sf)  }
0x5fc: {  	[smem:$0x6B3] =	sst s10;
	s20 =	spop (v2sf)  }
0x5fd: {  	[smem:$0x6B6] =	sst s13;
	(v2sf) =	vpush v47, $0xB;
	s21 =	spop (v2sf)  }
0x5fe: {  	[smem:$0x6B9] =	sst s16;
	s22 =	spop (v2sf)  }
0x5ff: {  	(v2sf) =	vpush v47, $0x0;
	[smem:$0x6BE] =	sst s21;
	s21 =	smulhi.u32 $0x14F8B589, s22;
	s0 =	sshra.s32 s22, $0x1F  }
0x600: {  	s24 =	spop (v2sf);
	s16 =	smul.u32 $0x14F8B589, s0  }
0x601: {  	(v2sf) =	vpush v47, $0x1;
	[smem:$0x6BA] =	sst s17;
	s17 =	smulhi.u32 $0x14F8B589, s24;
	s2 =	sshra.s32 s24, $0x1F  }
0x602: {  	s26 =	spop (v2sf);
	s1 =	smul.u32 $0x14F8B589, s2  }
0x603: {  	(v2sf) =	vpush v47, $0x2;
	[smem:$0x6BC] =	sst s19;
	s19 =	smulhi.u32 $0x14F8B589, s26;
	s4 =	sshra.s32 s26, $0x1F  }
0x604: {  	s0 =	spop (v2sf);
	s10 =	smul.u32 $0x14F8B589, s4  }
0x605: {  	(v2sf) =	vpush v47, $0x3;
	[smem:$0x6BB] =	sst s18;
	s13 =	smulhi.u32 $0x14F8B589, s0;
	s6 =	sshra.s32 s0, $0x1F  }
0x606: {  	s2 =	spop (v2sf);
	s18 =	smul.u32 $0x14F8B589, s6  }
0x607: {  	[smem:$0x6B5] =	sst s12;
	(v2sf) =	vpush v47, $0x4;
	s24 =	smulhi.u32 $0x14F8B589, s2;
	s9 =	sshra.s32 s2, $0x1F  }
0x608: {  	s3 =	spop (v2sf);
	s9 =	smul.u32 $0x14F8B589, s9  }
0x609: {  	[smem:$0x6B7] =	sst s14;
	(v2sf) =	vpush v47, $0x5;
	s14 =	smulhi.u32 $0x14F8B589, s3;
	s12 =	sshra.s32 s3, $0x1F  }
0x60a: {  	(v2sf) =	vpush v47, $0x6;
	s4 =	spop (v2sf);
	s12 =	smul.u32 $0x14F8B589, s12  }
0x60b: {  	(v2sf) =	vpush v47, $0x7;
	s26 =	smulhi.u32 $0x14F8B589, s4;
	s22 =	sshra.s32 s4, $0x1F  }
0x60c: {  	s5 =	spop (v2sf);
	s8 =	smul.u32 $0x14F8B589, s22  }
0x60d: {  	[smem:$0x6B4] =	sst s11;
	s11 =	smulhi.u32 $0x14F8B589, s5;
	s22 =	sshra.s32 s5, $0x1F  }
0x60e: {  	s6 =	spop (v2sf);
	s22 =	smul.u32 $0x14F8B589, s22  }
0x60f: {  	[smem:$0x6B8] =	sst s15;
	s7 =	smulhi.u32 $0x14F8B589, s6;
	s0 =	sshra.s32 s6, $0x1F  }
0x610: {  	s15 =	spop (v2sf);
	s5 =	smul.u32 $0x14F8B589, s0  }
0x611: {  	[smem:$0x6BD] =	sst s20;
	s6 =	smulhi.u32 $0x14F8B589, s15;
	s0 =	sshra.s32 s15, $0x1F  }
0x612: {  	s20 =	spop (v2sf);
	s4 =	smul.u32 $0x14F8B589, s0  }
0x613: {  	s21 =	sadd.s32 s16, s21;
	s3 =	smulhi.u32 $0x14F8B589, s20;
	s0 =	sshra.s32 s20, $0x1F  }
0x614: {  	s19 =	sadd.s32 s10, s19;
	s2 =	smul.u32 $0x14F8B589, s0;
	s0 =	spop (v2sf)  }
0x615: {  	s15 =	sadd.s32 s1, s17;
	s17 =	smulhi.u32 $0x14F8B589, s0;
	s16 =	sshra.s32 s0, $0x1F  }
0x616: {  	s18 =	sadd.s32 s18, s13;
	s1 =	spop (v2sf);
	s16 =	smul.u32 $0x14F8B589, s16  }
0x617: {  	s10 =	sadd.s32 s9, s24;
	s13 =	smulhi.u32 $0x14F8B589, s1;
	s20 =	sshra.s32 s1, $0x1F  }
0x618: {  	s12 =	sadd.s32 s12, s14;
	s0 =	spop (v2sf);
	s1 =	smul.u32 $0x14F8B589, s20  }
0x619: {  	s24 =	smulhi.u32 $0x14F8B589, s0;
	s9 =	sshra.s32 s0, $0x1F;
	s0 =	spop (v2sf)  }
0x61a: {  	s26 =	sadd.s32 s8, s26;
	s14 =	smul.u32 $0x14F8B589, s9;
	s9 =	spop (v2sf)  }
0x61b: {  	s11 =	sadd.s32 s22, s11;
	s20 =	smulhi.u32 $0x14F8B589, s9;
	s9 =	sshra.s32 s9, $0x1F  }
0x61c: {  	s5 =	sadd.s32 s5, s7;
	s4 =	sadd.s32 s4, s6;
	s9 =	smul.u32 $0x14F8B589, s9  }
0x61d: {  	s2 =	sadd.s32 s2, s3;
	s3 =	sadd.s32 s16, s17;
	s16 =	sshrl.u32 s15, $0x1F  }
0x61e: {  	s6 =	sadd.s32 s1, s13;
	s1 =	sadd.s32 s14, s24;
	s24 =	sadd.s32 s9, s20  }
0x61f: {  	vm9 =	vcmask $0x300;
	vm15 =	vcmask $0xF0C;
	s14 =	smulhi.u32 $0x14F8B589, s0;
	s0 =	sshra.s32 s0, $0x1F;
	s8 =	sshra.s32 s24, $0x1F  }
0x620: {  	vm8 =	vmmov vm12;
	s22 =	sshrl.u32 s21, $0x1F;
	s17 =	sshra.s32 s5, $0xD;
	v49 =	vmov s16;
	s0 =	smul.u32 $0x14F8B589, s0;
	v48 =	vmov s8  }
0x621: {  	vm12 =	vmmov vm13;
	v8 =	vsel vm0, s22, v49;
	s20 =	sshrl.u32 s5, $0x1F;
	s5 =	sshra.s32 s5, $0x1F;
	s9 =	sshrl.u32 s19, $0x1F;
	v7 =	vsel vm9, s17, v48  }
0x622: {  	s13 =	sshra.s32 s4, $0xD;
	s16 =	sshrl.u32 s18, $0x1F;
	v50 =	vmov s20;
	s0 =	sadd.s32 s0, s14;
	v8 =	vsel vm10, s9, v8;
	v7 =	vsel vm13, s5, v7  }
0x623: {  	s14 =	sshrl.u32 s4, $0x1F;
	s4 =	sshra.s32 s4, $0x1F;
	v9 =	vnsel vm9, $0x0, v50;
	v8 =	vsel vm2, s16, v8;
	s17 =	sshrl.u32 s12, $0x1F;
	v7 =	vsel vm0, s13, v7  }
0x624: {  	s22 =	sshra.s32 s2, $0xD;
	s20 =	sshrl.u32 s2, $0x1F;
	v9 =	vsel vm0, s14, v9;
	v51 =	vmov s17;
	v7 =	vsel vm15, s4, v7  }
0x625: {  	s2 =	sshra.s32 s2, $0x1F;
	s9 =	sshrl.u32 s3, $0x1F;
	s8 =	sshrl.u32 s10, $0x1F;
	v9 =	vsel vm10, s20, v9;
	vm13 =	vmmov vm6;
	v7 =	vsel vm10, s22, v7  }
0x626: {  	s16 =	sshra.s32 s3, $0xD;
	s14 =	sshrl.u32 s6, $0x1F;
	v10 =	vsel vm0, s8, v51;
	v9 =	vsel vm2, s9, v9;
	v7 =	vsel vm1, s2, v7  }
0x627: {  	s17 =	sshra.s32 s3, $0x1F;
	s13 =	sshrl.u32 s26, $0x1F;
	v9 =	vsel vm6, s14, v9;
	vm6 =	vcmask $0x1F1C;
	v7 =	vsel vm2, s16, v7  }
0x628: {  	vm3 =	vmmov vm1;
	s20 =	sshrl.u32 s11, $0x1F;
	s8 =	sshra.s32 s6, $0xD;
	v10 =	vsel vm10, s13, v10;
	v7 =	vsel vm6, s17, v7  }
0x629: {  	s14 =	sshra.s32 s6, $0x1F;
	s6 =	sld [smem:$0x696];
	s22 =	sshrl.u32 s1, $0x1F;
	v10 =	vsel vm2, s20, v10;
	vm1 =	vmmov vm2;
	v7 =	vsel vm13, s8, v7  }
0x62a: {  	s7 =	sshrl.u32 s0, $0x1F;
	v9 =	vsel vm5, s22, v9;
	s2 =	sld [smem:$0x695];
	vm2 =	vmmov vm4;
	s17 =	sshra.s32 s1, $0xD;
	v7 =	vsel vm11, s14, v7  }
0x62b: {  	v9 =	vsel vm4, s7, v9;
	vm4 =	vcmask $0x2F2C;
	s1 =	sshra.s32 s1, $0x1F;
	v7 =	vsel vm5, s17, v7  }
0x62c: {  	s5 =	sshra.s32 s15, $0xD;
	s9 =	sshra.s32 s21, $0xD;
	s22 =	sshra.s32 s0, $0xD;
	v7 =	vsel vm4, s1, v7  }
0x62d: {  	v52 =	vmov s5;
	s0 =	sshra.s32 s0, $0x1F;
	s7 =	smulhi.u32 $0x14F8B589, s6;
	s4 =	sshra.s32 s2, $0x1F;
	v7 =	vsel vm2, s22, v7  }
0x62e: {  	v11 =	vsel vm0, s9, v52;
	s9 =	sld [smem:$0x697];
	v7 =	vsel vm8, s0, v7;
	s0 =	smul.u32 $0x14F8B589, s4  }
0x62f: {  	s3 =	smulhi.u32 $0x14F8B589, s2;
	[smem:$0x6CF] =	sst s7;
	s8 =	sshra.s32 s6, $0x1F  }
0x630: {  	[smem:$0x6CE] =	sst s0;
	s0 =	smul.u32 $0x14F8B589, s8  }
0x631: {  	s16 =	sshra.s32 s10, $0xD;
	s10 =	smulhi.u32 $0x14F8B589, s9;
	[smem:$0x6CD] =	sst s3  }
0x632: {  	[smem:$0x6D0] =	sst s0  }
0x633: {  	[tilespmem:$0x240] =	vst v21;
	s13 =	sshra.s32 s12, $0xD;
	[smem:$0x6D1] =	sst s10  }
0x634: {  	s15 =	sshra.s32 s19, $0xD;
	v53 =	vmov s13;
	s12 =	sld [smem:$0x698]  }
0x635: {  	v11 =	vsel vm10, s15, v11;
	s20 =	sshra.s32 s26, $0xD;
	v12 =	vsel vm0, s16, v53;
	s15 =	sld [smem:$0x699]  }
0x636: {  	s19 =	sshra.s32 s18, $0xD;
	s21 =	sshra.s32 s11, $0xD;
	v12 =	vsel vm10, s20, v12;
	s18 =	sld [smem:$0x69A]  }
0x637: {  	s26 =	sshrl.u32 s24, $0x1F;
	v12 =	vsel vm1, s21, v12;
	s21 =	sld [smem:$0x69B]  }
0x638: {  	v9 =	vsel vm7, s26, v9;
	s26 =	sld [smem:$0x69C]  }
0x639: {  	s11 =	sshra.s32 s9, $0x1F;
	s4 =	sld [smem:$0x69D]  }
0x63a: {  	s0 =	smul.u32 $0x14F8B589, s11;
	s7 =	sld [smem:$0x69E]  }
0x63b: {  	s10 =	sld [smem:$0x69F];
	s13 =	smulhi.u32 $0x14F8B589, s12  }
0x63c: {  	[smem:$0x6D2] =	sst s0;
	s16 =	smulhi.u32 $0x14F8B589, s15  }
0x63d: {  	v11 =	vsel vm1, s19, v11;
	s19 =	smulhi.u32 $0x14F8B589, s18;
	s20 =	sshra.s32 s18, $0x1F;
	s18 =	sld [smem:$0x6A2]  }
0x63e: {  	[smem:$0x6D3] =	sst s13  }
0x63f: {  	s22 =	smulhi.u32 $0x14F8B589, s21;
	[smem:$0x6D5] =	sst s16  }
0x640: {  	s5 =	sshra.s32 s24, $0xD;
	v8 =	vcombine.low v10, v8;
	s2 =	smulhi.u32 $0x14F8B589, s26;
	[smem:$0x6D7] =	sst s19  }
0x641: {  	v54 =	vcombine.low v12, v11;
	v7 =	vsel vm7, s5, v7;
	s5 =	smulhi.u32 $0x14F8B589, s4;
	[smem:$0x6D9] =	sst s22  }
0x642: {  	v8 =	vperm.xlane v8, v0;
	v9 =	vperm.xlane v9, v1;
	s8 =	smulhi.u32 $0x14F8B589, s7;
	[smem:$0x6DC] =	sst s2  }
0x643: {  	v10 =	vperm.xlane v54, v0;
	v7 =	vperm.xlane v7, v1;
	s11 =	smulhi.u32 $0x14F8B589, s10;
	[smem:$0x6DF] =	sst s5  }
0x644: {  	[smem:$0x6E1] =	sst s8  }
0x645: {  	v8 =	vsel vm14, v9, v8;
	v7 =	vsel vm14, v7, v10;
	[smem:$0x6E3] =	sst s11  }
0x646: {  	v7 =	vadd.s32 v8, v7;
	s13 =	sld [smem:$0x6A0]  }
0x647: {  	v7 =	vmul.u32 $0x186A0, v7;
	s14 =	sshra.s32 s12, $0x1F;
	s16 =	sld [smem:$0x6A1]  }
0x648: {  	v55 =	vld [tilespmem:$0xB0];
	s0 =	smul.u32 $0x14F8B589, s14;
	s22 =	sld [smem:$0x6A4]  }
0x649: {  	s17 =	sshra.s32 s15, $0x1F;
	v6 =	vsub.s32 v47, v7;
	s2 =	smulhi.u32 $0x14F8B589, s29;
	s11 =	sld [smem:$0x6A6]  }
0x64a: {  	vm9 =	vlt.s32 v6, $0x0;
	v7 =	vadd.s32 $0x186A0, v6;
	[smem:$0x6D4] =	sst s0;
	s0 =	smul.u32 $0x14F8B589, s17  }
0x64b: {  	v5 =	vmul.u32 $0x335, v46;
	v6 =	vsel vm9, v7, v6;
	s19 =	smulhi.u32 $0x14F8B589, s18;
	[smem:$0x6EF] =	sst s2  }
0x64c: {  	v6 =	vmul.u32 $0x3E8, v6;
	[smem:$0x6D6] =	sst s0  }
0x64d: {  	v5 =	vadd.s32 v5, v55;
	s0 =	smul.u32 $0x14F8B589, s20;
	[smem:$0x6E9] =	sst s19  }
0x64e: {  	s24 =	sshra.s32 s21, $0x1F;
	v5 =	vadd.s32 v6, v5;
	s14 =	smulhi.u32 $0x14F8B589, s13;
	s20 =	sld [smem:$0x6A3]  }
0x64f: {  	(v2sf) =	vpush v5, $0xD;
	[smem:$0x6D8] =	sst s0;
	s0 =	smul.u32 $0x14F8B589, s24  }
0x650: {  	s3 =	sshra.s32 s26, $0x1F;
	s17 =	smulhi.u32 $0x14F8B589, s16;
	[smem:$0x6E5] =	sst s14  }
0x651: {  	(v2sf) =	vpush v5, $0xC;
	[smem:$0x6DA] =	sst s0;
	s0 =	smul.u32 $0x14F8B589, s3  }
0x652: {  	s6 =	sshra.s32 s4, $0x1F;
	[smem:$0x6E7] =	sst s17;
	s24 =	smulhi.u32 $0x14F8B589, s22;
	(v2sf) =	vpush v5, $0xE  }
0x653: {  	(v2sf) =	vpush v5, $0xF;
	[smem:$0x6DD] =	sst s0;
	s0 =	smul.u32 $0x14F8B589, s6  }
0x654: {  	s9 =	sshra.s32 s7, $0x1F;
	s21 =	smulhi.u32 $0x14F8B589, s20;
	[smem:$0x6ED] =	sst s24  }
0x655: {  	(v2sf) =	vpush v5, $0x9;
	[smem:$0x6E0] =	sst s0;
	s0 =	smul.u32 $0x14F8B589, s9  }
0x656: {  	s12 =	sshra.s32 s10, $0x1F;
	[smem:$0x6EB] =	sst s21;
	(v2sf) =	vpush v5, $0x8  }
0x657: {  	[smem:$0x6E2] =	sst s0;
	s0 =	smul.u32 $0x14F8B589, s12  }
0x658: {  	s15 =	sshra.s32 s13, $0x1F;
	s6 =	sld [smem:$0x6A5];
	(v2sf) =	vpush v5, $0xA  }
0x659: {  	[smem:$0x6E4] =	sst s0;
	s0 =	smul.u32 $0x14F8B589, s15  }
0x65a: {  	s21 =	sld [smem:$0x6A8]  }
0x65b: {  	(v2sf) =	vpush v5, $0xB;
	s7 =	smulhi.u32 $0x14F8B589, s6;
	[smem:$0x6E6] =	sst s0  }
0x65c: {  	(v2sf) =	vpush v5, $0x0;
	s12 =	smulhi.u32 $0x14F8B589, s11;
	s0 =	sshra.s32 s16, $0x1F;
	s16 =	sld [smem:$0x6A7]  }
0x65d: {  	(v2sf) =	vpush v5, $0x1;
	[smem:$0x6F1] =	sst s7;
	s0 =	smul.u32 $0x14F8B589, s0  }
0x65e: {  	[smem:$0x6F3] =	sst s12;
	s26 =	spop (v2sf)  }
0x65f: {  	v56 =	vld [tilespmem:$0x1C0];
	(v2sf) =	vpush v5, $0x2;
	[smem:$0x6E8] =	sst s0;
	s0 =	sshra.s32 s18, $0x1F;
	s17 =	smulhi.u32 $0x14F8B589, s16  }
0x660: {  	(v2sf) =	vpush v5, $0x3;
	s24 =	spop (v2sf);
	s0 =	smul.u32 $0x14F8B589, s0  }
0x661: {  	(v2sf) =	vpush v5, $0x4;
	s1 =	spop (v2sf);
	[smem:$0x6F5] =	sst s17  }
0x662: {  	(v2sf) =	vpush v5, $0x5;
	s4 =	spop (v2sf);
	[smem:$0x6EA] =	sst s0  }
0x663: {  	[smem:$0x6C0] =	sst s4  }
0x664: {  	v57 =	vmul.u32 $0x5C, v56;
	(v2sf) =	vpush v5, $0x6;
	s5 =	spop (v2sf);
	s4 =	sld [smem:$0x6A9]  }
0x665: {  	(v2sf) =	vpush v5, $0x7;
	s0 =	sshra.s32 s20, $0x1F;
	[smem:$0x6C1] =	sst s5;
	s9 =	spop (v2sf)  }
0x666: {  	(v2sf) =	vpush v57, $0xD;
	s0 =	smul.u32 $0x14F8B589, s0;
	[smem:$0x6C2] =	sst s9  }
0x667: {  	(v2sf) =	vpush v57, $0xC;
	s10 =	spop (v2sf);
	s9 =	sld [smem:$0x6AA]  }
0x668: {  	[smem:$0x6EC] =	sst s0;
	s0 =	sshra.s32 s22, $0x1F;
	s22 =	smulhi.u32 $0x14F8B589, s21  }
0x669: {  	[smem:$0x6C3] =	sst s10;
	s5 =	smulhi.u32 $0x14F8B589, s4  }
0x66a: {  	(v2sf) =	vpush v57, $0xE;
	s14 =	spop (v2sf);
	s0 =	smul.u32 $0x14F8B589, s0  }
0x66b: {  	[smem:$0x6C4] =	sst s14;
	s15 =	spop (v2sf)  }
0x66c: {  	s3 =	sshra.s32 s29, $0x1F;
	[smem:$0x6C5] =	sst s15;
	s19 =	spop (v2sf)  }
0x66d: {  	(v2sf) =	vpush v57, $0xF;
	[smem:$0x6EE] =	sst s0;
	s0 =	smul.u32 $0x14F8B589, s3  }
0x66e: {  	[smem:$0x6F9] =	sst s5;
	s20 =	spop (v2sf)  }
0x66f: {  	s8 =	sshra.s32 s6, $0x1F;
	(v2sf) =	vpush v57, $0x9;
	s2 =	spop (v2sf);
	[smem:$0x6F0] =	sst s0  }
0x670: {  	s0 =	smul.u32 $0x14F8B589, s8;
	s3 =	spop (v2sf)  }
0x671: {  	s13 =	sshra.s32 s11, $0x1F;
	s10 =	smulhi.u32 $0x14F8B589, s9;
	s7 =	spop (v2sf)  }
0x672: {  	[smem:$0x6F2] =	sst s0;
	s0 =	smul.u32 $0x14F8B589, s13  }
0x673: {  	(v2sf) =	vpush v57, $0x8;
	[smem:$0x6C7] =	sst s20;
	s8 =	spop (v2sf)  }
0x674: {  	s18 =	sshra.s32 s16, $0x1F;
	s12 =	spop (v2sf);
	[smem:$0x6F4] =	sst s0  }
0x675: {  	(v2sf) =	vpush v57, $0xA;
	s0 =	smul.u32 $0x14F8B589, s18;
	s13 =	spop (v2sf)  }
0x676: {  	s29 =	sshra.s32 s21, $0x1F;
	[smem:$0x6C8] =	sst s2;
	s14 =	spop (v2sf)  }
0x677: {  	(v2sf) =	vpush v57, $0xB;
	[smem:$0x6F6] =	sst s0;
	s0 =	smul.u32 $0x14F8B589, s29  }
0x678: {  	[smem:$0x6C9] =	sst s3;
	s20 =	smulhi.u32 $0x14F8B589, s14;
	s2 =	sshra.s32 s14, $0x1F  }
0x679: {  	s15 =	spop (v2sf);
	s3 =	smul.u32 $0x14F8B589, s2  }
0x67a: {  	s6 =	sshra.s32 s4, $0x1F;
	(v2sf) =	vpush v57, $0x0;
	[smem:$0x6C6] =	sst s19;
	s5 =	smulhi.u32 $0x14F8B589, s15  }
0x67b: {  	s4 =	sshra.s32 s15, $0x1F;
	[smem:$0x6F8] =	sst s0;
	s0 =	smul.u32 $0x14F8B589, s6  }
0x67c: {  	(v2sf) =	vpush v57, $0x1;
	s16 =	spop (v2sf);
	s4 =	smul.u32 $0x14F8B589, s4  }
0x67d: {  	[smem:$0x6CA] =	sst s7;
	s7 =	smulhi.u32 $0x14F8B589, s16;
	s6 =	sshra.s32 s16, $0x1F  }
0x67e: {  	(v2sf) =	vpush v57, $0x2;
	s17 =	spop (v2sf);
	s6 =	smul.u32 $0x14F8B589, s6  }
0x67f: {  	s11 =	sshra.s32 s9, $0x1F;
	[smem:$0x6FB] =	sst s10;
	s10 =	smulhi.u32 $0x14F8B589, s17  }
0x680: {  	(v2sf) =	vpush v57, $0x3;
	[smem:$0x6FA] =	sst s0;
	s0 =	smul.u32 $0x14F8B589, s11  }
0x681: {  	[smem:$0x6CB] =	sst s8;
	s8 =	sshra.s32 s17, $0x1F;
	s11 =	smulhi.u32 $0x14F8B589, s13  }
0x682: {  	(v2sf) =	vpush v57, $0x4;
	s18 =	spop (v2sf);
	s8 =	smul.u32 $0x14F8B589, s8  }
0x683: {  	[smem:$0x6CC] =	sst s12;
	s12 =	smulhi.u32 $0x14F8B589, s18;
	s9 =	sshra.s32 s18, $0x1F  }
0x684: {  	(v2sf) =	vpush v57, $0x5;
	s19 =	spop (v2sf);
	s14 =	smul.u32 $0x14F8B589, s9  }
0x685: {  	[smem:$0x6BF] =	sst s1;
	s16 =	smulhi.u32 $0x14F8B589, s19;
	s9 =	sshra.s32 s19, $0x1F  }
0x686: {  	(v2sf) =	vpush v57, $0x6;
	s21 =	spop (v2sf);
	s17 =	smul.u32 $0x14F8B589, s9  }
0x687: {  	(v2sf) =	vpush v57, $0x7;
	[smem:$0x6FC] =	sst s0;
	s0 =	sshra.s32 s13, $0x1F;
	s18 =	smulhi.u32 $0x14F8B589, s21  }
0x688: {  	[smem:$0x6F7] =	sst s22;
	s9 =	sshra.s32 s21, $0x1F;
	s1 =	smul.u32 $0x14F8B589, s0  }
0x689: {  	s22 =	spop (v2sf);
	s19 =	smul.u32 $0x14F8B589, s9  }
0x68a: {  	s21 =	smulhi.u32 $0x14F8B589, s22;
	s9 =	sshra.s32 s22, $0x1F  }
0x68b: {  	s4 =	sadd.s32 s4, s5;
	s29 =	spop (v2sf);
	s9 =	smul.u32 $0x14F8B589, s9  }
0x68c: {  	s6 =	sadd.s32 s6, s7;
	s15 =	smulhi.u32 $0x14F8B589, s29;
	s13 =	sshra.s32 s29, $0x1F  }
0x68d: {  	s8 =	sadd.s32 s8, s10;
	s0 =	spop (v2sf);
	s2 =	smul.u32 $0x14F8B589, s13  }
0x68e: {  	s11 =	sadd.s32 s1, s11;
	s1 =	smulhi.u32 $0x14F8B589, s0;
	s22 =	sshra.s32 s0, $0x1F  }
0x68f: {  	s5 =	sadd.s32 s14, s12;
	s29 =	spop (v2sf);
	s0 =	smul.u32 $0x14F8B589, s22  }
0x690: {  	s13 =	sadd.s32 s3, s20;
	s20 =	smulhi.u32 $0x14F8B589, s29;
	s3 =	sshra.s32 s29, $0x1F  }
0x691: {  	s14 =	sadd.s32 s17, s16;
	s22 =	spop (v2sf);
	s7 =	smul.u32 $0x14F8B589, s3  }
0x692: {  	s9 =	sadd.s32 s9, s21;
	s10 =	smulhi.u32 $0x14F8B589, s22;
	s3 =	sshra.s32 s22, $0x1F  }
0x693: {  	s29 =	spop (v2sf);
	s15 =	sadd.s32 s2, s15;
	s12 =	smul.u32 $0x14F8B589, s3  }
0x694: {  	s16 =	smulhi.u32 $0x14F8B589, s29;
	s22 =	sshra.s32 s29, $0x1F;
	s3 =	sadd.s32 s19, s18  }
0x695: {  	s29 =	spop (v2sf);
	s21 =	sadd.s32 s0, s1;
	s17 =	smul.u32 $0x14F8B589, s22  }
0x696: {  	s19 =	smulhi.u32 $0x14F8B589, s29;
	s18 =	sshra.s32 s29, $0x1F;
	s22 =	spop (v2sf)  }
0x697: {  	s18 =	smul.u32 $0x14F8B589, s18;
	s1 =	sadd.s32 s17, s16;
	s17 =	sld [smem:$0x6AB]  }
0x698: {  	s0 =	smulhi.u32 $0x14F8B589, s22;
	s29 =	sshra.s32 s22, $0x1F;
	s16 =	sld [smem:$0x6AC]  }
0x699: {  	s20 =	sadd.s32 s7, s20;
	s2 =	sadd.s32 s12, s10;
	s10 =	smul.u32 $0x14F8B589, s29  }
0x69a: {  	s7 =	sadd.s32 s18, s19;
	s19 =	sshrl.u32 s13, $0x1F;
	s22 =	smulhi.u32 $0x14F8B589, s17  }
0x69b: {  	s12 =	sadd.s32 s10, s0;
	s29 =	sshra.s32 s17, $0x1F;
	s17 =	smulhi.u32 $0x14F8B589, s16  }
0x69c: {  	v59 =	vmov s19;
	s19 =	sshrl.u32 s15, $0x1F;
	s0 =	sshra.s32 s16, $0x1F;
	s10 =	smul.u32 $0x14F8B589, s29  }
0x69d: {  	s18 =	sshra.s32 s12, $0x1F;
	s16 =	sshrl.u32 s11, $0x1F;
	s0 =	smul.u32 $0x14F8B589, s0  }
0x69e: {  	v58 =	vmov s18;
	s29 =	sshrl.u32 s9, $0x1F;
	s18 =	sshra.s32 s15, $0xD;
	[smem:$0x6FD] =	sst s22  }
0x69f: {  	v9 =	vsel vm0, s16, v59;
	s16 =	sshra.s32 s21, $0x1F;
	[smem:$0x6FF] =	sst s17;
	s22 =	sshra.s32 s9, $0xD  }
0x6a0: {  	s9 =	sshra.s32 s9, $0x1F;
	s17 =	sshrl.u32 s4, $0x1F;
	[smem:$0x6FE] =	sst s10  }
0x6a1: {  	vm9 =	vcmask $0x300;
	v60 =	vmov s29;
	s29 =	sshrl.u32 s6, $0x1F;
	[smem:$0x700] =	sst s0;
	s0 =	sshra.s32 s11, $0xD  }
0x6a2: {  	v8 =	vsel vm9, s22, v58;
	s22 =	sshra.s32 s15, $0x1F;
	s10 =	sshrl.u32 s5, $0x1F;
	s11 =	sshrl.u32 s21, $0x1F  }
0x6a3: {  	v9 =	vsel vm10, s17, v9;
	v10 =	vnsel vm9, $0x0, v60;
	s15 =	sshra.s32 s21, $0xD;
	s17 =	sshrl.u32 s8, $0x1F;
	s5 =	sshra.s32 s5, $0xD  }
0x6a4: {  	s21 =	sshrl.u32 s2, $0x1F;
	v8 =	vsel vm12, s9, v8;
	v10 =	vsel vm0, s19, v10;
	s19 =	sshrl.u32 s14, $0x1F;
	v63 =	vmov s5;
	s5 =	smulhi.u32 $0x14F8B589, s28  }
0x6a5: {  	v61 =	vmov s10;
	s9 =	sshra.s32 s3, $0xD;
	s10 =	sshra.s32 s7, $0xD;
	v8 =	vsel vm0, s18, v8;
	s18 =	sshrl.u32 s20, $0x1F  }
0x6a6: {  	v10 =	vsel vm10, s11, v10;
	v11 =	vsel vm0, s17, v61;
	s11 =	sshrl.u32 s3, $0x1F;
	s3 =	smulhi.u32 $0x14F8B589, s25;
	v8 =	vsel vm15, s22, v8;
	[smem:$0x716] =	sst s5  }
0x6a7: {  	s17 =	sshrl.u32 s7, $0x1F;
	v10 =	vsel vm1, s18, v10;
	s22 =	sshra.s32 s20, $0xD;
	v11 =	vsel vm10, s19, v11;
	s5 =	sld [smem:$0x6BA];
	v8 =	vsel vm10, s15, v8  }
0x6a8: {  	v10 =	vsel vm13, s21, v10;
	s15 =	sshrl.u32 s1, $0x1F;
	v11 =	vsel vm1, s11, v11;
	s11 =	sshra.s32 s7, $0x1F;
	[smem:$0x714] =	sst s3;
	v8 =	vsel vm3, s16, v8  }
0x6a9: {  	s7 =	smulhi.u32 $0x14F8B589, s31;
	v10 =	vsel vm5, s15, v10;
	v8 =	vsel vm1, s22, v8;
	s22 =	sshra.s32 s14, $0xD;
	s14 =	sld [smem:$0x6AE]  }
0x6aa: {  	v9 =	vsel vm1, s29, v9;
	s29 =	sshra.s32 s20, $0x1F;
	v10 =	vsel vm2, s17, v10;
	s17 =	sld [smem:$0x6AF]  }
0x6ab: {  	s20 =	sshra.s32 s8, $0xD;
	s16 =	sshra.s32 s13, $0xD;
	[smem:$0x718] =	sst s7  }
0x6ac: {  	v13 =	vsel vm0, s20, v63;
	s13 =	sshrl.u32 s12, $0x1F;
	v62 =	vmov s16;
	s16 =	sshra.s32 s12, $0xD;
	s12 =	sld [smem:$0x6B3]  }
0x6ad: {  	s4 =	sshra.s32 s4, $0xD;
	v8 =	vsel vm6, s29, v8;
	s29 =	sld [smem:$0x6AD];
	v13 =	vsel vm10, s22, v13  }
0x6ae: {  	s18 =	sshra.s32 s2, $0xD;
	s2 =	sshra.s32 s2, $0x1F;
	vm3 =	vmmov vm13;
	v12 =	vsel vm0, s0, v62;
	v13 =	vsel vm1, s9, v13;
	s9 =	sld [smem:$0x6B2]  }
0x6af: {  	s19 =	sshra.s32 s6, $0xD;
	v8 =	vsel vm3, s18, v8;
	v12 =	vsel vm10, s4, v12;
	s4 =	sshra.s32 s25, $0x1F;
	s25 =	sld [smem:$0x6B7]  }
0x6b0: {  	s21 =	sshra.s32 s1, $0xD;
	v8 =	vsel vm11, s2, v8;
	v12 =	vsel vm1, s19, v12;
	s15 =	smulhi.u32 $0x14F8B589, s14;
	s19 =	sld [smem:$0x6B0]  }
0x6b1: {  	s18 =	smulhi.u32 $0x14F8B589, s17;
	v8 =	vsel vm5, s21, v8;
	s21 =	sld [smem:$0x6B1]  }
0x6b2: {  	v10 =	vsel vm7, s13, v10;
	s13 =	smulhi.u32 $0x14F8B589, s12;
	[smem:$0x703] =	sst s15  }
0x6b3: {  	[smem:$0x705] =	sst s18  }
0x6b4: {  	[smem:$0x71C] =	sst s13  }
0x6b5: {  	s6 =	smulhi.u32 $0x14F8B589, s29;
	s15 =	sld [smem:$0x6B4]  }
0x6b6: {  	s8 =	sshra.s32 s29, $0x1F;
	s29 =	smulhi.u32 $0x14F8B589, s30;
	s18 =	sld [smem:$0x6B5]  }
0x6b7: {  	s1 =	sshra.s32 s1, $0x1F;
	s0 =	smul.u32 $0x14F8B589, s8;
	[smem:$0x701] =	sst s6  }
0x6b8: {  	v8 =	vsel vm4, s1, v8;
	s1 =	smulhi.u32 $0x14F8B589, s23;
	[smem:$0x70F] =	sst s29  }
0x6b9: {  	vm12 =	vmmov vm9;
	vm9 =	vmmov vm2;
	s20 =	smulhi.u32 $0x14F8B589, s19;
	[smem:$0x702] =	sst s0  }
0x6ba: {  	v8 =	vsel vm9, s10, v8;
	s6 =	sshra.s32 s28, $0x1F;
	s10 =	smulhi.u32 $0x14F8B589, s9;
	[smem:$0x711] =	sst s1  }
0x6bb: {  	v9 =	vcombine.low v11, v9;
	s28 =	smulhi.u32 $0x14F8B589, s25;
	s0 =	sshra.s32 s14, $0x1F;
	[smem:$0x707] =	sst s20  }
0x6bc: {  	v15 =	vcombine.low v13, v12;
	v8 =	vsel vm8, s11, v8;
	s0 =	smul.u32 $0x14F8B589, s0;
	[smem:$0x71A] =	sst s10  }
0x6bd: {  	v9 =	vperm.xlane v9, v0;
	v10 =	vperm.xlane v10, v1;
	s22 =	smulhi.u32 $0x14F8B589, s21;
	v8 =	vsel vm7, s16, v8;
	[smem:$0x724] =	sst s28  }
0x6be: {  	v11 =	vperm.xlane v15, v0;
	v8 =	vperm.xlane v8, v1;
	[smem:$0x704] =	sst s0;
	s0 =	sshra.s32 s17, $0x1F  }
0x6bf: {  	[smem:$0x70D] =	sst s22;
	s0 =	smul.u32 $0x14F8B589, s0  }
0x6c0: {  	v9 =	vsel vm14, v10, v9;
	s16 =	smulhi.u32 $0x14F8B589, s15;
	s17 =	sshra.s32 s15, $0x1F;
	s15 =	sld [smem:$0x6BD];
	v8 =	vsel vm14, v8, v11  }
0x6c1: {  	v8 =	vadd.s32 v9, v8;
	[smem:$0x706] =	sst s0;
	s0 =	sshra.s32 s19, $0x1F;
	s19 =	smulhi.u32 $0x14F8B589, s18  }
0x6c2: {  	[smem:$0x71E] =	sst s16;
	v8 =	vmul.u32 $0x186A0, v8;
	s0 =	smul.u32 $0x14F8B589, s0  }
0x6c3: {  	v16 =	vld [tilespmem:$0xC0];
	[smem:$0x720] =	sst s19  }
0x6c4: {  	vm13 =	vmmov vm6;
	s16 =	smulhi.u32 $0x14F8B589, s15;
	v7 =	vsub.s32 v57, v8;
	[smem:$0x708] =	sst s0;
	s0 =	sshra.s32 s21, $0x1F  }
0x6c5: {  	vm6 =	vmmov vm3;
	vm3 =	vlt.s32 v7, $0x0;
	v8 =	vadd.s32 $0x186A0, v7;
	s21 =	sld [smem:$0x6B6];
	s0 =	smul.u32 $0x14F8B589, s0  }
0x6c6: {  	v6 =	vmul.u32 $0x335, v56;
	s30 =	sshra.s32 s30, $0x1F;
	[smem:$0x730] =	sst s16;
	v7 =	vsel vm3, v8, v7  }
0x6c7: {  	v7 =	vmul.u32 $0x3E8, v7;
	[smem:$0x70E] =	sst s0;
	s0 =	smul.u32 $0x14F8B589, s30  }
0x6c8: {  	v6 =	vadd.s32 v6, v16;
	s2 =	sshra.s32 s23, $0x1F;
	s22 =	smulhi.u32 $0x14F8B589, s21;
	s30 =	sld [smem:$0x6B8]  }
0x6c9: {  	v6 =	vadd.s32 v7, v6;
	[smem:$0x710] =	sst s0;
	s0 =	smul.u32 $0x14F8B589, s2  }
0x6ca: {  	(v2sf) =	vpush v6, $0xD;
	[smem:$0x722] =	sst s22  }
0x6cb: {  	(v2sf) =	vpush v6, $0xC;
	[smem:$0x712] =	sst s0;
	s0 =	smul.u32 $0x14F8B589, s4  }
0x6cc: {  	s8 =	sshra.s32 s31, $0x1F;
	s2 =	sld [smem:$0x6B9];
	s31 =	smulhi.u32 $0x14F8B589, s30;
	(v2sf) =	vpush v6, $0xE  }
0x6cd: {  	[smem:$0x715] =	sst s0;
	s0 =	smul.u32 $0x14F8B589, s6  }
0x6ce: {  	(v2sf) =	vpush v6, $0xF;
	[smem:$0x726] =	sst s31  }
0x6cf: {  	(v2sf) =	vpush v6, $0x9;
	[smem:$0x717] =	sst s0;
	s0 =	smul.u32 $0x14F8B589, s8  }
0x6d0: {  	s11 =	sshra.s32 s9, $0x1F;
	s3 =	smulhi.u32 $0x14F8B589, s2;
	s31 =	sld [smem:$0x6BE];
	(v2sf) =	vpush v6, $0x8  }
0x6d1: {  	(v2sf) =	vpush v6, $0xA;
	[smem:$0x719] =	sst s0;
	s0 =	smul.u32 $0x14F8B589, s11  }
0x6d2: {  	s14 =	sshra.s32 s12, $0x1F;
	s6 =	smulhi.u32 $0x14F8B589, s5;
	[smem:$0x728] =	sst s3  }
0x6d3: {  	(v2sf) =	vpush v6, $0xB;
	[smem:$0x71B] =	sst s0;
	s0 =	smul.u32 $0x14F8B589, s14  }
0x6d4: {  	[smem:$0x72A] =	sst s6;
	(v2sf) =	vpush v6, $0x0  }
0x6d5: {  	s7 =	sshra.s32 s5, $0x1F;
	(v2sf) =	vpush v6, $0x1;
	[smem:$0x71D] =	sst s0;
	s0 =	smul.u32 $0x14F8B589, s17  }
0x6d6: {  	v17 =	vld [tilespmem:$0x1D0];
	s20 =	sshra.s32 s18, $0x1F;
	s5 =	smulhi.u32 $0x14F8B589, s26;
	s8 =	sld [smem:$0x6BB];
	(v2sf) =	vpush v6, $0x2  }
0x6d7: {  	[smem:$0x71F] =	sst s0;
	s0 =	smul.u32 $0x14F8B589, s20  }
0x6d8: {  	s4 =	sshra.s32 s2, $0x1F;
	s2 =	smulhi.u32 $0x14F8B589, s31;
	s11 =	sld [smem:$0x6BC];
	(v2sf) =	vpush v6, $0x3  }
0x6d9: {  	s23 =	sshra.s32 s21, $0x1F;
	(v2sf) =	vpush v6, $0x4;
	s19 =	spop (v2sf);
	[smem:$0x721] =	sst s0  }
0x6da: {  	(v2sf) =	vpush v6, $0x5;
	s0 =	smul.u32 $0x14F8B589, s23;
	s20 =	spop (v2sf)  }
0x6db: {  	v18 =	vmul.u32 $0x5C, v17;
	s29 =	sshra.s32 s25, $0x1F;
	[smem:$0x732] =	sst s2;
	(v2sf) =	vpush v6, $0x6;
	s21 =	spop (v2sf)  }
0x6dc: {  	(v2sf) =	vpush v6, $0x7;
	[smem:$0x723] =	sst s0;
	s0 =	smul.u32 $0x14F8B589, s29  }
0x6dd: {  	s9 =	smulhi.u32 $0x14F8B589, s8;
	(v2sf) =	vpush v18, $0xD;
	s22 =	spop (v2sf)  }
0x6de: {  	s1 =	sshra.s32 s30, $0x1F;
	(v2sf) =	vpush v18, $0xC;
	s23 =	spop (v2sf);
	[smem:$0x725] =	sst s0  }
0x6df: {  	s0 =	smul.u32 $0x14F8B589, s1;
	s25 =	spop (v2sf)  }
0x6e0: {  	[smem:$0x72C] =	sst s9;
	(v2sf) =	vpush v18, $0xE;
	s28 =	spop (v2sf)  }
0x6e1: {  	[smem:$0x727] =	sst s0;
	s0 =	smul.u32 $0x14F8B589, s4  }
0x6e2: {  	s12 =	smulhi.u32 $0x14F8B589, s11;
	s29 =	spop (v2sf)  }
0x6e3: {  	(v2sf) =	vpush v18, $0xF;
	s30 =	spop (v2sf);
	[smem:$0x729] =	sst s0  }
0x6e4: {  	s0 =	smul.u32 $0x14F8B589, s7;
	s13 =	spop (v2sf)  }
0x6e5: {  	s10 =	sshra.s32 s8, $0x1F;
	[smem:$0x72E] =	sst s12;
	(v2sf) =	vpush v18, $0x9;
	s14 =	spop (v2sf)  }
0x6e6: {  	[smem:$0x72B] =	sst s0;
	s0 =	smul.u32 $0x14F8B589, s10  }
0x6e7: {  	[smem:$0x6DE] =	sst s14;
	s17 =	spop (v2sf)  }
0x6e8: {  	s18 =	spop (v2sf);
	[smem:$0x72D] =	sst s0;
	s0 =	sshra.s32 s11, $0x1F  }
0x6e9: {  	(v2sf) =	vpush v18, $0x8;
	s3 =	spop (v2sf);
	s0 =	smul.u32 $0x14F8B589, s0  }
0x6ea: {  	[smem:$0x70A] =	sst s18;
	s4 =	spop (v2sf)  }
0x6eb: {  	(v2sf) =	vpush v18, $0xA;
	s7 =	spop (v2sf);
	[smem:$0x72F] =	sst s0;
	s0 =	sshra.s32 s15, $0x1F  }
0x6ec: {  	s8 =	spop (v2sf);
	s0 =	smul.u32 $0x14F8B589, s0  }
0x6ed: {  	(v2sf) =	vpush v18, $0xB;
	s18 =	smulhi.u32 $0x14F8B589, s8;
	s9 =	spop (v2sf)  }
0x6ee: {  	[smem:$0x709] =	sst s17;
	s17 =	smulhi.u32 $0x14F8B589, s9;
	s2 =	sshra.s32 s9, $0x1F  }
0x6ef: {  	(v2sf) =	vpush v18, $0x0;
	s10 =	spop (v2sf);
	s14 =	smul.u32 $0x14F8B589, s2  }
0x6f0: {  	[smem:$0x731] =	sst s0;
	s0 =	sshra.s32 s31, $0x1F;
	s16 =	smulhi.u32 $0x14F8B589, s10  }
0x6f1: {  	(v2sf) =	vpush v18, $0x1;
	[smem:$0x70C] =	sst s4;
	s4 =	sshra.s32 s10, $0x1F;
	s0 =	smul.u32 $0x14F8B589, s0  }
0x6f2: {  	s11 =	spop (v2sf);
	s12 =	smul.u32 $0x14F8B589, s4  }
0x6f3: {  	[smem:$0x6DB] =	sst s13;
	(v2sf) =	vpush v18, $0x2;
	s13 =	smulhi.u32 $0x14F8B589, s11;
	s4 =	sshra.s32 s11, $0x1F  }
0x6f4: {  	s6 =	sshra.s32 s26, $0x1F;
	s26 =	spop (v2sf);
	s11 =	smul.u32 $0x14F8B589, s4  }
0x6f5: {  	(v2sf) =	vpush v18, $0x3;
	[smem:$0x733] =	sst s0;
	s0 =	smul.u32 $0x14F8B589, s6  }
0x6f6: {  	s31 =	smulhi.u32 $0x14F8B589, s26;
	s4 =	sshra.s32 s26, $0x1F  }
0x6f7: {  	(v2sf) =	vpush v18, $0x4;
	s26 =	smul.u32 $0x14F8B589, s4;
	[smem:$0x735] =	sst s0;
	s0 =	sshra.s32 s8, $0x1F  }
0x6f8: {  	s15 =	smul.u32 $0x14F8B589, s0;
	s0 =	spop (v2sf)  }
0x6f9: {  	(v2sf) =	vpush v18, $0x5;
	s10 =	smulhi.u32 $0x14F8B589, s0;
	s4 =	sshra.s32 s0, $0x1F  }
0x6fa: {  	s1 =	spop (v2sf);
	s8 =	smul.u32 $0x14F8B589, s4  }
0x6fb: {  	[smem:$0x70B] =	sst s3;
	(v2sf) =	vpush v18, $0x6;
	s9 =	smulhi.u32 $0x14F8B589, s1;
	s0 =	sshra.s32 s1, $0x1F  }
0x6fc: {  	(v2sf) =	vpush v18, $0x7;
	s2 =	spop (v2sf);
	s6 =	smul.u32 $0x14F8B589, s0  }
0x6fd: {  	[smem:$0x713] =	sst s7;
	s7 =	smulhi.u32 $0x14F8B589, s2;
	s0 =	sshra.s32 s2, $0x1F  }
0x6fe: {  	s3 =	spop (v2sf);
	s4 =	smul.u32 $0x14F8B589, s0  }
0x6ff: {  	[smem:$0x734] =	sst s5;
	s5 =	smulhi.u32 $0x14F8B589, s3;
	s0 =	sshra.s32 s3, $0x1F  }
0x700: {  	s1 =	spop (v2sf);
	s2 =	smul.u32 $0x14F8B589, s0  }
0x701: {  	s3 =	smulhi.u32 $0x14F8B589, s1;
	s0 =	sshra.s32 s1, $0x1F  }
0x702: {  	s17 =	sadd.s32 s14, s17;
	s1 =	smul.u32 $0x14F8B589, s0;
	s0 =	spop (v2sf)  }
0x703: {  	s18 =	sadd.s32 s15, s18;
	s15 =	smulhi.u32 $0x14F8B589, s0;
	s0 =	sshra.s32 s0, $0x1F  }
0x704: {  	s16 =	sadd.s32 s12, s16;
	s14 =	spop (v2sf);
	s0 =	smul.u32 $0x14F8B589, s0  }
0x705: {  	s11 =	sadd.s32 s11, s13;
	s12 =	smulhi.u32 $0x14F8B589, s14;
	s14 =	sshra.s32 s14, $0x1F  }
0x706: {  	s31 =	sadd.s32 s26, s31;
	s13 =	smul.u32 $0x14F8B589, s14;
	s14 =	spop (v2sf)  }
0x707: {  	s10 =	sadd.s32 s8, s10;
	s26 =	smulhi.u32 $0x14F8B589, s14;
	s14 =	sshra.s32 s14, $0x1F  }
0x708: {  	s6 =	sadd.s32 s6, s9;
	s8 =	spop (v2sf);
	s14 =	smul.u32 $0x14F8B589, s14  }
0x709: {  	s4 =	sadd.s32 s4, s7;
	s9 =	smulhi.u32 $0x14F8B589, s8;
	s8 =	sshra.s32 s8, $0x1F  }
0x70a: {  	s5 =	sadd.s32 s2, s5;
	s7 =	smul.u32 $0x14F8B589, s8;
	s8 =	spop (v2sf)  }
0x70b: {  	s3 =	sadd.s32 s1, s3;
	s2 =	smulhi.u32 $0x14F8B589, s8;
	s1 =	spop (v2sf)  }
0x70c: {  	s15 =	sadd.s32 s0, s15;
	s0 =	smulhi.u32 $0x14F8B589, s1;
	s1 =	sshra.s32 s1, $0x1F  }
0x70d: {  	s13 =	sadd.s32 s13, s12;
	s12 =	sadd.s32 s14, s26;
	s14 =	smul.u32 $0x14F8B589, s1  }
0x70e: {  	s8 =	sshra.s32 s8, $0x1F;
	s1 =	sadd.s32 s7, s9;
	s9 =	smulhi.u32 $0x14F8B589, s24  }
0x70f: {  	s8 =	smul.u32 $0x14F8B589, s8  }
0x710: {  	s26 =	sshra.s32 s24, $0x1F;
	[smem:$0x736] =	sst s9  }
0x711: {  	s2 =	sadd.s32 s8, s2;
	s8 =	smul.u32 $0x14F8B589, s26;
	s9 =	sld [smem:$0x6BF]  }
0x712: {  	_ = 	snop  }
0x713: {  	s7 =	sshrl.u32 s6, $0x1F;
	s24 =	sadd.s32 s14, s0;
	[smem:$0x737] =	sst s8  }
0x714: {  	s8 =	sshra.s32 s24, $0x1F;
	s14 =	smulhi.u32 $0x14F8B589, s9;
	s26 =	sshra.s32 s9, $0x1F  }
0x715: {  	v19 =	vmov s8;
	s8 =	sshrl.u32 s18, $0x1F;
	s9 =	sshrl.u32 s17, $0x1F;
	s0 =	smul.u32 $0x14F8B589, s26  }
0x716: {  	v20 =	vmov s9;
	s26 =	sshrl.u32 s5, $0x1F;
	s9 =	sshrl.u32 s16, $0x1F;
	[smem:$0x738] =	sst s14  }
0x717: {  	s14 =	sshra.s32 s5, $0xD;
	s5 =	sshra.s32 s5, $0x1F;
	v21 =	vmov s26;
	s26 =	sshrl.u32 s11, $0x1F  }
0x718: {  	vm3 =	vcmask $0x704;
	v10 =	vsel vm0, s8, v20;
	s8 =	sshrl.u32 s10, $0x1F;
	[smem:$0x739] =	sst s0;
	s0 =	sshra.s32 s18, $0xD  }
0x719: {  	v9 =	vsel vm12, s14, v19;
	s14 =	sshra.s32 s3, $0xD;
	v10 =	vsel vm10, s9, v10;
	v11 =	vnsel vm12, $0x0, v21;
	s18 =	sshrl.u32 s3, $0x1F;
	s3 =	sshra.s32 s3, $0x1F  }
0x71a: {  	s9 =	sshrl.u32 s15, $0x1F;
	v22 =	vmov s8;
	s8 =	sshrl.u32 s12, $0x1F;
	v9 =	vsel vm3, s5, v9;
	v11 =	vsel vm0, s18, v11;
	s18 =	sshrl.u32 s31, $0x1F  }
0x71b: {  	vm12 =	vcmask $0x1714;
	v10 =	vsel vm1, s26, v10;
	s26 =	sshrl.u32 s13, $0x1F;
	s5 =	sld [smem:$0x6C7];
	v9 =	vsel vm0, s14, v9;
	s14 =	sshra.s32 s15, $0xD  }
0x71c: {  	v11 =	vsel vm10, s9, v11;
	s15 =	sshra.s32 s15, $0x1F;
	v12 =	vsel vm0, s18, v22;
	s9 =	sshra.s32 s13, $0xD;
	s18 =	sshrl.u32 s1, $0x1F;
	v9 =	vsel vm15, s3, v9  }
0x71d: {  	v11 =	vsel vm1, s26, v11;
	v12 =	vsel vm10, s7, v12;
	s26 =	sshra.s32 s17, $0xD;
	s7 =	sshrl.u32 s2, $0x1F;
	s3 =	sld [smem:$0x6C6];
	v9 =	vsel vm10, s14, v9  }
0x71e: {  	v11 =	vsel vm6, s8, v11;
	s14 =	sshra.s32 s13, $0x1F;
	s8 =	sshra.s32 s12, $0xD;
	v23 =	vmov s26;
	s26 =	sld [smem:$0x6C0];
	v9 =	vsel vm12, s15, v9  }
0x71f: {  	s15 =	sshrl.u32 s4, $0x1F;
	v11 =	vsel vm5, s18, v11;
	s18 =	sshra.s32 s6, $0xD;
	s6 =	smulhi.u32 $0x14F8B589, s5;
	v9 =	vsel vm1, s9, v9  }
0x720: {  	vm2 =	vmmov vm4;
	vm4 =	vmmov vm9;
	s9 =	sshra.s32 s16, $0xD;
	v9 =	vsel vm13, s14, v9;
	s14 =	sshra.s32 s12, $0x1F;
	s12 =	sld [smem:$0x6C1]  }
0x721: {  	v13 =	vsel vm0, s0, v23;
	v12 =	vsel vm1, s15, v12;
	v11 =	vsel vm4, s7, v11;
	s15 =	sshra.s32 s11, $0xD;
	s11 =	sshrl.u32 s24, $0x1F;
	[smem:$0x749] =	sst s6  }
0x722: {  	s16 =	sshra.s32 s31, $0xD;
	v13 =	vsel vm10, s9, v13;
	v11 =	vsel vm7, s11, v11;
	s11 =	sld [smem:$0x6CA]  }
0x723: {  	s31 =	smulhi.u32 $0x14F8B589, s26;
	s7 =	sshra.s32 s26, $0x1F;
	v13 =	vsel vm1, s15, v13;
	s15 =	sld [smem:$0x6C2]  }
0x724: {  	s0 =	smul.u32 $0x14F8B589, s7;
	s7 =	sld [smem:$0x6C8]  }
0x725: {  	v9 =	vsel vm6, s8, v9;
	[smem:$0x73A] =	sst s31  }
0x726: {  	v9 =	vsel vm11, s14, v9;
	s14 =	sshra.s32 s24, $0xD;
	s24 =	sld [smem:$0x6C4]  }
0x727: {  	s17 =	sshra.s32 s1, $0xD;
	s31 =	sld [smem:$0x6C5]  }
0x728: {  	s8 =	sshra.s32 s4, $0xD;
	s4 =	smulhi.u32 $0x14F8B589, s3;
	[smem:$0x73B] =	sst s0  }
0x729: {  	s13 =	sshra.s32 s10, $0xD;
	v9 =	vsel vm5, s17, v9;
	s17 =	sld [smem:$0x6C3]  }
0x72a: {  	v24 =	vmov s13;
	s13 =	smulhi.u32 $0x14F8B589, s12;
	[smem:$0x747] =	sst s4  }
0x72b: {  	s1 =	sshra.s32 s1, $0x1F;
	s9 =	sshra.s32 s2, $0xD;
	s4 =	sld [smem:$0x6CE]  }
0x72c: {  	s0 =	sshra.s32 s12, $0x1F;
	s12 =	smulhi.u32 $0x14F8B589, s11;
	v9 =	vsel vm2, s1, v9;
	[smem:$0x73C] =	sst s13  }
0x72d: {  	v9 =	vsel vm4, s9, v9;
	s9 =	sld [smem:$0x6C9]  }
0x72e: {  	[smem:$0x74F] =	sst s12  }
0x72f: {  	v14 =	vsel vm0, s16, v24;
	s0 =	smul.u32 $0x14F8B589, s0;
	s13 =	sld [smem:$0x6CB]  }
0x730: {  	v14 =	vsel vm10, s18, v14;
	s16 =	smulhi.u32 $0x14F8B589, s15;
	s12 =	sld [smem:$0x6D1]  }
0x731: {  	v14 =	vsel vm1, s8, v14;
	s8 =	smulhi.u32 $0x14F8B589, s7;
	[smem:$0x73D] =	sst s0  }
0x732: {  	[smem:$0x73E] =	sst s16  }
0x733: {  	[smem:$0x74B] =	sst s8  }
0x734: {  	s26 =	smulhi.u32 $0x14F8B589, s24;
	s0 =	sshra.s32 s15, $0x1F;
	s15 =	sld [smem:$0x6CC]  }
0x735: {  	s10 =	sshra.s32 s2, $0x1F;
	s2 =	smulhi.u32 $0x14F8B589, s31;
	s8 =	sld [smem:$0x6D0]  }
0x736: {  	s18 =	smulhi.u32 $0x14F8B589, s17;
	[smem:$0x742] =	sst s26  }
0x737: {  	s0 =	smul.u32 $0x14F8B589, s0;
	[smem:$0x745] =	sst s2  }
0x738: {  	s26 =	smulhi.u32 $0x14F8B589, s21;
	[smem:$0x740] =	sst s18  }
0x739: {  	v9 =	vsel vm8, s10, v9;
	s10 =	smulhi.u32 $0x14F8B589, s9;
	[smem:$0x73F] =	sst s0  }
0x73a: {  	v9 =	vsel vm7, s14, v9;
	s14 =	smulhi.u32 $0x14F8B589, s13;
	[smem:$0x75B] =	sst s26  }
0x73b: {  	s16 =	smulhi.u32 $0x14F8B589, s15;
	[smem:$0x74D] =	sst s10  }
0x73c: {  	v10 =	vcombine.low v12, v10;
	s0 =	sshra.s32 s17, $0x1F;
	s17 =	smulhi.u32 $0x14F8B589, s19;
	[smem:$0x752] =	sst s14  }
0x73d: {  	v25 =	vcombine.low v14, v13;
	s18 =	sshra.s32 s19, $0x1F;
	s19 =	smulhi.u32 $0x14F8B589, s20;
	[smem:$0x754] =	sst s16  }
0x73e: {  	v11 =	vperm.xlane v11, v1;
	v10 =	vperm.xlane v10, v0;
	[smem:$0x756] =	sst s17  }
0x73f: {  	v12 =	vperm.xlane v25, v0;
	v9 =	vperm.xlane v9, v1;
	s0 =	smul.u32 $0x14F8B589, s0;
	[smem:$0x759] =	sst s19  }
0x740: {  	s10 =	sshra.s32 s23, $0x1F;
	s17 =	sld [smem:$0x6D3]  }
0x741: {  	v10 =	vsel vm14, v11, v10;
	v9 =	vsel vm14, v9, v12;
	s14 =	smul.u32 $0x14F8B589, s10;
	[smem:$0x741] =	sst s0;
	s0 =	sshra.s32 s24, $0x1F  }
0x742: {  	v9 =	vadd.s32 v10, v9;
	s16 =	sshra.s32 s25, $0x1F;
	s10 =	sld [smem:$0x6D8];
	s0 =	smul.u32 $0x14F8B589, s0  }
0x743: {  	v9 =	vmul.u32 $0x186A0, v9;
	s24 =	sshra.s32 s20, $0x1F;
	s20 =	smul.u32 $0x14F8B589, s16;
	[smem:$0x761] =	sst s14  }
0x744: {  	v26 =	vld [tilespmem:$0xD0];
	s14 =	smulhi.u32 $0x14F8B589, s30;
	[smem:$0x743] =	sst s0;
	s0 =	sshra.s32 s31, $0x1F  }
0x745: {  	v8 =	vsub.s32 v18, v9;
	[smem:$0x763] =	sst s20;
	s0 =	smul.u32 $0x14F8B589, s0  }
0x746: {  	vm7 =	vlt.s32 v8, $0x0;
	v9 =	vadd.s32 $0x186A0, v8;
	[smem:$0x76A] =	sst s14  }
0x747: {  	v7 =	vmul.u32 $0x335, v17;
	s31 =	sshra.s32 s21, $0x1F;
	v8 =	vsel vm7, v9, v8;
	[smem:$0x746] =	sst s0  }
0x748: {  	s21 =	smulhi.u32 $0x14F8B589, s28;
	v8 =	vmul.u32 $0x3E8, v8;
	s0 =	sshra.s32 s3, $0x1F;
	s3 =	sld [smem:$0x6CD]  }
0x749: {  	v7 =	vadd.s32 v7, v26;
	s14 =	sld [smem:$0x6E0];
	s0 =	smul.u32 $0x14F8B589, s0  }
0x74a: {  	s6 =	sshra.s32 s22, $0x1F;
	[smem:$0x764] =	sst s21;
	v7 =	vadd.s32 v8, v7  }
0x74b: {  	(v2sf) =	vpush v7, $0xD;
	[smem:$0x748] =	sst s0;
	s0 =	sshra.s32 s5, $0x1F;
	s1 =	sadd.s32 s4, s3  }
0x74c: {  	s5 =	smulhi.u32 $0x14F8B589, s22;
	s22 =	sshra.s32 s28, $0x1F;
	s28 =	sld [smem:$0x6D5]  }
0x74d: {  	(v2sf) =	vpush v7, $0xC;
	s0 =	smul.u32 $0x14F8B589, s0;
	[smem:$0x78E] =	sst s1  }
0x74e: {  	s3 =	smul.u32 $0x14F8B589, s22;
	s22 =	sld [smem:$0x6DB]  }
0x74f: {  	(v2sf) =	vpush v7, $0xE;
	[smem:$0x74A] =	sst s0;
	s0 =	sshra.s32 s7, $0x1F  }
0x750: {  	(v2sf) =	vpush v7, $0xF;
	[smem:$0x75D] =	sst s5;
	s0 =	smul.u32 $0x14F8B589, s0  }
0x751: {  	(v2sf) =	vpush v7, $0x9;
	s7 =	sld [smem:$0x6CF]  }
0x752: {  	s5 =	smulhi.u32 $0x14F8B589, s29;
	[smem:$0x74C] =	sst s0;
	s0 =	sshra.s32 s9, $0x1F  }
0x753: {  	[smem:$0x765] =	sst s3;
	(v2sf) =	vpush v7, $0x8;
	s0 =	smul.u32 $0x14F8B589, s0  }
0x754: {  	[smem:$0x767] =	sst s5  }
0x755: {  	(v2sf) =	vpush v7, $0xA;
	s1 =	sadd.s32 s8, s7;
	[smem:$0x74E] =	sst s0;
	s0 =	sshra.s32 s11, $0x1F  }
0x756: {  	(v2sf) =	vpush v7, $0xB;
	[smem:$0x790] =	sst s1;
	s0 =	smul.u32 $0x14F8B589, s0  }
0x757: {  	s9 =	smulhi.u32 $0x14F8B589, s23;
	s1 =	sld [smem:$0x6FD]  }
0x758: {  	[smem:$0x750] =	sst s0;
	s0 =	sshra.s32 s13, $0x1F  }
0x759: {  	(v2sf) =	vpush v7, $0x0;
	[smem:$0x760] =	sst s9;
	s0 =	smul.u32 $0x14F8B589, s0  }
0x75a: {  	(v2sf) =	vpush v7, $0x1;
	s9 =	sld [smem:$0x6D7];
	s11 =	spop (v2sf)  }
0x75b: {  	[smem:$0x753] =	sst s0;
	s0 =	sshra.s32 s15, $0x1F;
	s15 =	smulhi.u32 $0x14F8B589, s25  }
0x75c: {  	s13 =	sld [smem:$0x6D2];
	s4 =	spop (v2sf)  }
0x75d: {  	s0 =	smul.u32 $0x14F8B589, s0;
	[smem:$0x762] =	sst s15  }
0x75e: {  	s8 =	spop (v2sf);
	s15 =	sshra.s32 s30, $0x1F;
	s30 =	sld [smem:$0x6DC]  }
0x75f: {  	s19 =	spop (v2sf);
	[smem:$0x755] =	sst s0  }
0x760: {  	(v2sf) =	vpush v7, $0x2;
	s0 =	smul.u32 $0x14F8B589, s18;
	s23 =	spop (v2sf)  }
0x761: {  	s18 =	sld [smem:$0x6D4];
	s20 =	smul.u32 $0x14F8B589, s15  }
0x762: {  	s25 =	spop (v2sf);
	[smem:$0x757] =	sst s0  }
0x763: {  	s0 =	smul.u32 $0x14F8B589, s24;
	[smem:$0x76B] =	sst s20  }
0x764: {  	s26 =	spop (v2sf);
	s20 =	sld [smem:$0x6E3]  }
0x765: {  	s24 =	spop (v2sf);
	[smem:$0x75A] =	sst s0  }
0x766: {  	(v2sf) =	vpush v7, $0x3;
	[smem:$0x744] =	sst s24  }
0x767: {  	s0 =	smul.u32 $0x14F8B589, s31;
	s31 =	sld [smem:$0x6D6]  }
0x768: {  	s2 =	spop (v2sf);
	s24 =	smulhi.u32 $0x14F8B589, s22  }
0x769: {  	(v2sf) =	vpush v7, $0x4;
	s7 =	spop (v2sf);
	[smem:$0x75C] =	sst s0  }
0x76a: {  	[smem:$0x751] =	sst s7  }
0x76b: {  	[smem:$0x76D] =	sst s24  }
0x76c: {  	s0 =	smul.u32 $0x14F8B589, s6;
	s7 =	sld [smem:$0x6DE]  }
0x76d: {  	(v2sf) =	vpush v7, $0x5;
	s24 =	sld [smem:$0x6E5]  }
0x76e: {  	[smem:$0x75E] =	sst s0;
	s0 =	sadd.s32 s13, s12  }
0x76f: {  	s13 =	spop (v2sf);
	[smem:$0x792] =	sst s0  }
0x770: {  	[smem:$0x758] =	sst s13  }
0x771: {  	s0 =	sadd.s32 s18, s17;
	s17 =	sld [smem:$0x6D9]  }
0x772: {  	s6 =	sshra.s32 s29, $0x1F;
	s18 =	sld [smem:$0x6DA]  }
0x773: {  	(v2sf) =	vpush v7, $0x6;
	s12 =	smul.u32 $0x14F8B589, s6;
	s13 =	sld [smem:$0x6DF]  }
0x774: {  	[smem:$0x794] =	sst s0  }
0x775: {  	s16 =	spop (v2sf);
	[smem:$0x768] =	sst s12  }
0x776: {  	[smem:$0x75F] =	sst s16  }
0x777: {  	(v2sf) =	vpush v7, $0x7;
	s0 =	sadd.s32 s31, s28;
	s31 =	sld [smem:$0x6DD]  }
0x778: {  	s21 =	spop (v2sf);
	[smem:$0x798] =	sst s0  }
0x779: {  	[smem:$0x766] =	sst s21  }
0x77a: {  	s28 =	sshra.s32 s22, $0x1F;
	s21 =	sld [smem:$0x6E4]  }
0x77b: {  	s0 =	sadd.s32 s10, s9;
	s5 =	smul.u32 $0x14F8B589, s28;
	s28 =	sld [smem:$0x6E6]  }
0x77c: {  	s29 =	spop (v2sf);
	[smem:$0x796] =	sst s0  }
0x77d: {  	[smem:$0x769] =	sst s29  }
0x77e: {  	s0 =	sadd.s32 s18, s17;
	s17 =	sld [smem:$0x6E1]  }
0x77f: {  	s18 =	sld [smem:$0x6E2]  }
0x780: {  	s29 =	sld [smem:$0x6E7]  }
0x781: {  	s9 =	smulhi.u32 $0x14F8B589, s7;
	[smem:$0x79A] =	sst s0  }
0x782: {  	s6 =	spop (v2sf);
	[smem:$0x76E] =	sst s5  }
0x783: {  	[smem:$0x76C] =	sst s6  }
0x784: {  	v27 =	vld [tilespmem:$0x1E0];
	s10 =	sshra.s32 s7, $0x1F;
	[smem:$0x770] =	sst s9  }
0x785: {  	s15 =	smul.u32 $0x14F8B589, s10;
	s0 =	sadd.s32 s31, s30;
	s30 =	sld [smem:$0x6E8]  }
0x786: {  	s12 =	spop (v2sf);
	[smem:$0x79C] =	sst s0  }
0x787: {  	[smem:$0x76F] =	sst s12  }
0x788: {  	[smem:$0x771] =	sst s15  }
0x789: {  	v28 =	vmul.u32 $0x5C, v27;
	s12 =	sld [smem:$0x6E9]  }
0x78a: {  	s0 =	sadd.s32 s14, s13;
	s13 =	sld [smem:$0x6EA]  }
0x78b: {  	(v2sf) =	vpush v28, $0xD;
	s14 =	sld [smem:$0x6EB]  }
0x78c: {  	s15 =	sld [smem:$0x6EC]  }
0x78d: {  	(v2sf) =	vpush v28, $0xC;
	[smem:$0x791] =	sst s0  }
0x78e: {  	s0 =	sadd.s32 s18, s17;
	s17 =	sld [smem:$0x6ED]  }
0x78f: {  	(v2sf) =	vpush v28, $0xE;
	s18 =	sld [smem:$0x6EE]  }
0x790: {  	[smem:$0x793] =	sst s0  }
0x791: {  	(v2sf) =	vpush v28, $0xF;
	s0 =	sadd.s32 s21, s20;
	s20 =	sld [smem:$0x6EF]  }
0x792: {  	(v2sf) =	vpush v28, $0x9;
	s21 =	sld [smem:$0x6F0]  }
0x793: {  	[smem:$0x795] =	sst s0  }
0x794: {  	(v2sf) =	vpush v28, $0x8;
	s0 =	sadd.s32 s28, s24;
	s24 =	sld [smem:$0x6F1]  }
0x795: {  	s28 =	sld [smem:$0x6F2]  }
0x796: {  	(v2sf) =	vpush v28, $0xA;
	[smem:$0x797] =	sst s0  }
0x797: {  	s0 =	sadd.s32 s30, s29;
	s29 =	sld [smem:$0x6F3]  }
0x798: {  	s30 =	sld [smem:$0x6F4]  }
0x799: {  	[smem:$0x799] =	sst s0;
	s0 =	sadd.s32 s13, s12  }
0x79a: {  	s16 =	spop (v2sf);
	[smem:$0x79B] =	sst s0;
	s0 =	sadd.s32 s15, s14  }
0x79b: {  	s3 =	smulhi.u32 $0x14F8B589, s16;
	[smem:$0x79D] =	sst s0  }
0x79c: {  	s22 =	spop (v2sf);
	s0 =	sadd.s32 s18, s17;
	s17 =	sld [smem:$0x6F5]  }
0x79d: {  	s6 =	smulhi.u32 $0x14F8B589, s22;
	s18 =	sld [smem:$0x6F6]  }
0x79e: {  	s31 =	spop (v2sf);
	[smem:$0x78F] =	sst s0  }
0x79f: {  	(v2sf) =	vpush v28, $0xB;
	s10 =	smulhi.u32 $0x14F8B589, s31;
	s0 =	sadd.s32 s21, s20;
	s20 =	sld [smem:$0x6F7]  }
0x7a0: {  	s5 =	sshra.s32 s16, $0x1F;
	s16 =	spop (v2sf);
	s21 =	sld [smem:$0x6F8]  }
0x7a1: {  	s7 =	sshra.s32 s22, $0x1F;
	s22 =	spop (v2sf);
	[smem:$0x79F] =	sst s0  }
0x7a2: {  	s13 =	smulhi.u32 $0x14F8B589, s16;
	s0 =	sadd.s32 s28, s24;
	s24 =	sld [smem:$0x6F9]  }
0x7a3: {  	s9 =	sshra.s32 s31, $0x1F;
	s31 =	spop (v2sf);
	s28 =	sld [smem:$0x6FA]  }
0x7a4: {  	(v2sf) =	vpush v28, $0x0;
	s15 =	smulhi.u32 $0x14F8B589, s22;
	s14 =	sshra.s32 s22, $0x1F;
	[smem:$0x7A0] =	sst s0  }
0x7a5: {  	s22 =	spop (v2sf);
	s0 =	sadd.s32 s30, s29;
	s29 =	sld [smem:$0x6FB]  }
0x7a6: {  	s12 =	sshra.s32 s16, $0x1F;
	s16 =	smul.u32 $0x14F8B589, s14;
	s30 =	sld [smem:$0x6FC]  }
0x7a7: {  	s14 =	sshra.s32 s31, $0x1F;
	[smem:$0x7A2] =	sst s0;
	s0 =	sadd.s32 s18, s17  }
0x7a8: {  	s18 =	smul.u32 $0x14F8B589, s14;
	s14 =	sshra.s32 s22, $0x1F;
	[smem:$0x7A4] =	sst s0  }
0x7a9: {  	s0 =	sadd.s32 s21, s20;
	s20 =	smulhi.u32 $0x14F8B589, s22;
	s22 =	sld [smem:$0x6FE]  }
0x7aa: {  	[smem:$0x7A7] =	sst s0  }
0x7ab: {  	s0 =	sadd.s32 s28, s24;
	s24 =	sld [smem:$0x6FF]  }
0x7ac: {  	(v2sf) =	vpush v28, $0x1;
	s28 =	sld [smem:$0x700]  }
0x7ad: {  	s17 =	smulhi.u32 $0x14F8B589, s31;
	[smem:$0x7A5] =	sst s0  }
0x7ae: {  	s31 =	spop (v2sf);
	s0 =	sadd.s32 s30, s29;
	s30 =	sld [smem:$0x701]  }
0x7af: {  	(v2sf) =	vpush v28, $0x2;
	s21 =	smul.u32 $0x14F8B589, s14;
	s14 =	sshra.s32 s31, $0x1F;
	[smem:$0x7A8] =	sst s0  }
0x7b0: {  	(v2sf) =	vpush v28, $0x3;
	s0 =	sadd.s32 s22, s1;
	s22 =	smulhi.u32 $0x14F8B589, s31;
	s31 =	sld [smem:$0x702]  }
0x7b1: {  	(v2sf) =	vpush v28, $0x4;
	s1 =	sld [smem:$0x703]  }
0x7b2: {  	(v2sf) =	vpush v28, $0x5;
	[smem:$0x7AA] =	sst s0;
	s0 =	sadd.s32 s28, s24  }
0x7b3: {  	(v2sf) =	vpush v28, $0x6;
	s29 =	spop (v2sf);
	[smem:$0x7A1] =	sst s0;
	s0 =	sadd.s32 s31, s30  }
0x7b4: {  	(v2sf) =	vpush v28, $0x7;
	s24 =	smul.u32 $0x14F8B589, s14;
	[smem:$0x7A3] =	sst s0  }
0x7b5: {  	s28 =	smulhi.u32 $0x14F8B589, s29;
	s14 =	sshra.s32 s29, $0x1F;
	s29 =	sld [smem:$0x704]  }
0x7b6: {  	s30 =	sld [smem:$0x705]  }
0x7b7: {  	s5 =	smul.u32 $0x14F8B589, s5;
	s31 =	sld [smem:$0x706]  }
0x7b8: {  	s7 =	smul.u32 $0x14F8B589, s7;
	s0 =	sadd.s32 s29, s1;
	s1 =	sld [smem:$0x707]  }
0x7b9: {  	s9 =	smul.u32 $0x14F8B589, s9;
	[smem:$0x7A6] =	sst s0  }
0x7ba: {  	s12 =	smul.u32 $0x14F8B589, s12;
	s0 =	sadd.s32 s31, s30;
	s31 =	sld [smem:$0x708]  }
0x7bb: {  	s29 =	smul.u32 $0x14F8B589, s14;
	s14 =	spop (v2sf)  }
0x7bc: {  	s30 =	smulhi.u32 $0x14F8B589, s14;
	s14 =	sshra.s32 s14, $0x1F  }
0x7bd: {  	[smem:$0x7A9] =	sst s0;
	s0 =	sadd.s32 s31, s1;
	s31 =	smul.u32 $0x14F8B589, s14  }
0x7be: {  	s1 =	sadd.s32 s5, s3;
	[smem:$0x7AB] =	sst s0;
	s0 =	spop (v2sf)  }
0x7bf: {  	s14 =	sadd.s32 s7, s6;
	s3 =	smulhi.u32 $0x14F8B589, s0;
	s0 =	sshra.s32 s0, $0x1F  }
0x7c0: {  	s7 =	sadd.s32 s9, s10;
	s6 =	spop (v2sf);
	s0 =	smul.u32 $0x14F8B589, s0  }
0x7c1: {  	s5 =	sadd.s32 s12, s13;
	s10 =	smulhi.u32 $0x14F8B589, s6;
	s9 =	sshra.s32 s6, $0x1F  }
0x7c2: {  	s12 =	spop (v2sf);
	s6 =	sadd.s32 s16, s15;
	s13 =	smul.u32 $0x14F8B589, s9  }
0x7c3: {  	s15 =	smulhi.u32 $0x14F8B589, s12;
	s9 =	sshra.s32 s12, $0x1F;
	s12 =	sadd.s32 s18, s17  }
0x7c4: {  	s17 =	spop (v2sf);
	s16 =	smul.u32 $0x14F8B589, s9;
	s9 =	sadd.s32 s21, s20  }
0x7c5: {  	s18 =	smulhi.u32 $0x14F8B589, s17;
	s21 =	sshra.s32 s17, $0x1F;
	s17 =	sadd.s32 s24, s22  }
0x7c6: {  	s22 =	sadd.s32 s29, s28;
	s20 =	smul.u32 $0x14F8B589, s21;
	s21 =	spop (v2sf)  }
0x7c7: {  	s28 =	sadd.s32 s31, s30;
	s24 =	smulhi.u32 $0x14F8B589, s21;
	s21 =	sshra.s32 s21, $0x1F  }
0x7c8: {  	s0 =	sadd.s32 s0, s3;
	s31 =	spop (v2sf);
	s21 =	smul.u32 $0x14F8B589, s21  }
0x7c9: {  	s30 =	sadd.s32 s13, s10;
	s3 =	smulhi.u32 $0x14F8B589, s31;
	s29 =	sshra.s32 s31, $0x1F  }
0x7ca: {  	s16 =	sadd.s32 s16, s15;
	s10 =	smul.u32 $0x14F8B589, s29;
	s29 =	sld [smem:$0x709]  }
0x7cb: {  	s15 =	sadd.s32 s20, s18;
	s13 =	sadd.s32 s21, s24;
	s21 =	sshrl.u32 s14, $0x1F  }
0x7cc: {  	s18 =	sshrl.u32 s9, $0x1F;
	s10 =	sadd.s32 s10, s3;
	v30 =	vmov s21;
	s21 =	sshrl.u32 s1, $0x1F  }
0x7cd: {  	s31 =	smulhi.u32 $0x14F8B589, s29;
	s20 =	sshra.s32 s29, $0x1F;
	s29 =	sld [smem:$0x70A]  }
0x7ce: {  	s1 =	sshra.s32 s1, $0xD;
	s24 =	smul.u32 $0x14F8B589, s20;
	s20 =	sshra.s32 s10, $0x1F  }
0x7cf: {  	v11 =	vsel vm0, s21, v30;
	s21 =	sshrl.u32 s5, $0x1F;
	[smem:$0x772] =	sst s31;
	v29 =	vmov s20;
	s20 =	sshrl.u32 s16, $0x1F  }
0x7d0: {  	[smem:$0x773] =	sst s24;
	s31 =	smulhi.u32 $0x14F8B589, s29;
	s3 =	sshra.s32 s29, $0x1F  }
0x7d1: {  	vm7 =	vcmask $0x300;
	s24 =	sshra.s32 s22, $0xD;
	s29 =	sshrl.u32 s22, $0x1F;
	s3 =	smul.u32 $0x14F8B589, s3  }
0x7d2: {  	v10 =	vsel vm7, s24, v29;
	v31 =	vmov s29;
	s24 =	sshra.s32 s28, $0xD;
	s29 =	sshrl.u32 s28, $0x1F;
	[smem:$0x774] =	sst s31  }
0x7d3: {  	s31 =	sshra.s32 s22, $0x1F;
	s22 =	sshrl.u32 s7, $0x1F;
	[smem:$0x775] =	sst s3  }
0x7d4: {  	v12 =	vnsel vm7, $0x0, v31;
	v10 =	vsel vm3, s31, v10;
	v11 =	vsel vm10, s22, v11;
	s31 =	sshra.s32 s28, $0x1F;
	s22 =	sshrl.u32 s12, $0x1F;
	s28 =	sshra.s32 s0, $0xD  }
0x7d5: {  	v12 =	vsel vm0, s29, v12;
	s29 =	sshrl.u32 s6, $0x1F;
	v10 =	vsel vm0, s24, v10;
	v11 =	vsel vm1, s21, v11;
	s24 =	sshrl.u32 s0, $0x1F;
	s0 =	sshra.s32 s0, $0x1F  }
0x7d6: {  	v32 =	vmov s22;
	s21 =	sshra.s32 s30, $0xD;
	s22 =	sshra.s32 s30, $0x1F;
	v10 =	vsel vm15, s31, v10;
	v12 =	vsel vm10, s24, v12;
	s31 =	sshrl.u32 s30, $0x1F  }
0x7d7: {  	v13 =	vsel vm0, s29, v32;
	s24 =	sshrl.u32 s17, $0x1F;
	s29 =	sshra.s32 s14, $0xD;
	v12 =	vsel vm1, s31, v12;
	s31 =	sshra.s32 s16, $0xD  }
0x7d8: {  	v10 =	vsel vm10, s28, v10;
	v13 =	vsel vm10, s18, v13;
	s18 =	sshra.s32 s12, $0xD;
	v12 =	vsel vm6, s20, v12;
	s20 =	sshra.s32 s16, $0x1F;
	s16 =	sld [smem:$0x70D]  }
0x7d9: {  	s30 =	sshrl.u32 s13, $0x1F;
	s28 =	sshrl.u32 s15, $0x1F;
	v10 =	vsel vm12, s0, v10;
	v34 =	vmov s18;
	s18 =	sld [smem:$0x70F]  }
0x7da: {  	v33 =	vmov s29;
	v10 =	vsel vm1, s21, v10;
	v12 =	vsel vm5, s28, v12;
	s21 =	sshra.s32 s5, $0xD;
	s5 =	sshra.s32 s17, $0xD;
	s17 =	sld [smem:$0x70E]  }
0x7db: {  	s14 =	sshra.s32 s7, $0xD;
	s7 =	sshra.s32 s13, $0x1F;
	v14 =	vsel vm0, s1, v33;
	v12 =	vsel vm4, s30, v12;
	s30 =	sld [smem:$0x70B]  }
0x7dc: {  	v14 =	vsel vm10, s14, v14;
	v10 =	vsel vm13, s22, v10;
	s22 =	sshra.s32 s6, $0xD;
	s6 =	sshra.s32 s13, $0xD;
	s13 =	sld [smem:$0x70C]  }
0x7dd: {  	v14 =	vsel vm1, s21, v14;
	s21 =	sld [smem:$0x711]  }
0x7de: {  	v10 =	vsel vm6, s31, v10;
	v15 =	vsel vm0, s22, v34;
	s22 =	sld [smem:$0x712]  }
0x7df: {  	s28 =	sshra.s32 s9, $0xD;
	v10 =	vsel vm11, s20, v10;
	s20 =	sld [smem:$0x710]  }
0x7e0: {  	v15 =	vsel vm10, s28, v15;
	s28 =	sld [smem:$0x714]  }
0x7e1: {  	s3 =	sadd.s32 s17, s16;
	s16 =	sld [smem:$0x71B]  }
0x7e2: {  	s17 =	sld [smem:$0x71C]  }
0x7e3: {  	v13 =	vsel vm1, s24, v13;
	s24 =	sshra.s32 s15, $0xD;
	[smem:$0x7AC] =	sst s3  }
0x7e4: {  	v10 =	vsel vm5, s24, v10;
	s24 =	sld [smem:$0x713]  }
0x7e5: {  	s9 =	smulhi.u32 $0x14F8B589, s30;
	s31 =	sshra.s32 s30, $0x1F;
	s30 =	sld [smem:$0x716]  }
0x7e6: {  	s29 =	sshra.s32 s15, $0x1F;
	v15 =	vsel vm1, s5, v15;
	s5 =	sld [smem:$0x718]  }
0x7e7: {  	v10 =	vsel vm2, s29, v10;
	s29 =	sld [smem:$0x715]  }
0x7e8: {  	s14 =	smul.u32 $0x14F8B589, s31;
	s31 =	sld [smem:$0x717]  }
0x7e9: {  	v10 =	vsel vm4, s6, v10;
	s6 =	sld [smem:$0x719]  }
0x7ea: {  	vm3 =	vmmov vm7;
	vm7 =	vmmov vm15;
	s3 =	sadd.s32 s20, s18;
	s18 =	sld [smem:$0x71D]  }
0x7eb: {  	vm15 =	vmmov vm6;
	s12 =	sshrl.u32 s10, $0x1F;
	vm6 =	vmmov vm4;
	vm4 =	vcmask $0x3B38;
	s20 =	sld [smem:$0x71E]  }
0x7ec: {  	s0 =	sshra.s32 s13, $0x1F;
	v12 =	vsel vm4, s12, v12;
	s12 =	smulhi.u32 $0x14F8B589, s13;
	[smem:$0x7AD] =	sst s3  }
0x7ed: {  	s13 =	smul.u32 $0x14F8B589, s0;
	s0 =	sadd.s32 s22, s21;
	s21 =	sld [smem:$0x71F]  }
0x7ee: {  	s3 =	sld [smem:$0x725]  }
0x7ef: {  	s15 =	sshra.s32 s10, $0xD;
	v10 =	vsel vm8, s7, v10;
	[smem:$0x79E] =	sst s0  }
0x7f0: {  	v10 =	vsel vm4, s15, v10;
	s15 =	sld [smem:$0x71A]  }
0x7f1: {  	s1 =	sadd.s32 s29, s28;
	s28 =	sld [smem:$0x720]  }
0x7f2: {  	s7 =	smulhi.u32 $0x14F8B589, s11;
	s29 =	sld [smem:$0x721]  }
0x7f3: {  	s22 =	smulhi.u32 $0x14F8B589, s4;
	[smem:$0x7AF] =	sst s1  }
0x7f4: {  	[smem:$0x777] =	sst s7  }
0x7f5: {  	[smem:$0x778] =	sst s22  }
0x7f6: {  	s1 =	sadd.s32 s31, s30;
	s30 =	sld [smem:$0x722]  }
0x7f7: {  	s31 =	sld [smem:$0x723]  }
0x7f8: {  	s10 =	smulhi.u32 $0x14F8B589, s24;
	s0 =	sshra.s32 s24, $0x1F;
	s7 =	sld [smem:$0x727]  }
0x7f9: {  	s24 =	sshra.s32 s4, $0x1F;
	s4 =	smulhi.u32 $0x14F8B589, s8;
	s22 =	sld [smem:$0x72E]  }
0x7fa: {  	[smem:$0x7B1] =	sst s1  }
0x7fb: {  	[smem:$0x77A] =	sst s4  }
0x7fc: {  	s0 =	smul.u32 $0x14F8B589, s0;
	s12 =	sadd.s32 s13, s12;
	s4 =	sld [smem:$0x733]  }
0x7fd: {  	[smem:$0x7E4] =	sst s12  }
0x7fe: {  	[smem:$0x776] =	sst s0  }
0x7ff: {  	s0 =	sadd.s32 s6, s5;
	s6 =	sld [smem:$0x726]  }
0x800: {  	s5 =	sshra.s32 s8, $0x1F;
	s8 =	sld [smem:$0x728]  }
0x801: {  	s1 =	sadd.s32 s16, s15;
	s15 =	sld [smem:$0x729]  }
0x802: {  	s16 =	sld [smem:$0x72A]  }
0x803: {  	[smem:$0x7B3] =	sst s0  }
0x804: {  	[smem:$0x7B4] =	sst s1  }
0x805: {  	s1 =	sadd.s32 s18, s17;
	s17 =	sld [smem:$0x72B]  }
0x806: {  	s0 =	sadd.s32 s21, s20;
	s20 =	sld [smem:$0x72C]  }
0x807: {  	s21 =	sld [smem:$0x72D]  }
0x808: {  	[smem:$0x7B8] =	sst s1  }
0x809: {  	[smem:$0x7B6] =	sst s0  }
0x80a: {  	s0 =	smul.u32 $0x14F8B589, s24;
	s24 =	sld [smem:$0x72F]  }
0x80b: {  	s1 =	sadd.s32 s29, s28;
	s28 =	sld [smem:$0x730]  }
0x80c: {  	s18 =	smulhi.u32 $0x14F8B589, s19;
	s29 =	sld [smem:$0x731]  }
0x80d: {  	[smem:$0x7BA] =	sst s1  }
0x80e: {  	[smem:$0x77C] =	sst s18  }
0x80f: {  	s1 =	sadd.s32 s31, s30;
	s18 =	sld [smem:$0x739]  }
0x810: {  	[smem:$0x7BC] =	sst s1  }
0x811: {  	s30 =	smulhi.u32 $0x14F8B589, s23;
	[smem:$0x779] =	sst s0  }
0x812: {  	s31 =	sshra.s32 s23, $0x1F;
	s23 =	smulhi.u32 $0x14F8B589, s26;
	s1 =	sld [smem:$0x724]  }
0x813: {  	[smem:$0x77E] =	sst s30  }
0x814: {  	[smem:$0x782] =	sst s23  }
0x815: {  	s30 =	sld [smem:$0x742]  }
0x816: {  	s23 =	sld [smem:$0x74F]  }
0x817: {  	s0 =	sadd.s32 s3, s1;
	s3 =	sld [smem:$0x732]  }
0x818: {  	s1 =	sadd.s32 s7, s6;
	s6 =	sld [smem:$0x735]  }
0x819: {  	s7 =	sld [smem:$0x736]  }
0x81a: {  	[smem:$0x7B0] =	sst s0  }
0x81b: {  	[smem:$0x7B2] =	sst s1  }
0x81c: {  	s0 =	smul.u32 $0x14F8B589, s5;
	s5 =	sld [smem:$0x734]  }
0x81d: {  	s1 =	sadd.s32 s15, s8;
	s8 =	sld [smem:$0x737]  }
0x81e: {  	[smem:$0x7B5] =	sst s1  }
0x81f: {  	s1 =	sadd.s32 s21, s20;
	s20 =	sld [smem:$0x73B]  }
0x820: {  	s21 =	sld [smem:$0x73C]  }
0x821: {  	s15 =	smulhi.u32 $0x14F8B589, s25;
	[smem:$0x77B] =	sst s0  }
0x822: {  	[smem:$0x7B9] =	sst s1  }
0x823: {  	[smem:$0x780] =	sst s15  }
0x824: {  	s0 =	sadd.s32 s17, s16;
	s17 =	sld [smem:$0x738]  }
0x825: {  	s1 =	sadd.s32 s24, s22;
	s22 =	sld [smem:$0x73D]  }
0x826: {  	s16 =	sshra.s32 s25, $0x1F;
	s25 =	sld [smem:$0x73E]  }
0x827: {  	s24 =	sshra.s32 s26, $0x1F;
	s26 =	sld [smem:$0x73F]  }
0x828: {  	s15 =	sld [smem:$0x749]  }
0x829: {  	[smem:$0x7B7] =	sst s0  }
0x82a: {  	s19 =	sshra.s32 s19, $0x1F;
	[smem:$0x7BB] =	sst s1  }
0x82b: {  	s0 =	smul.u32 $0x14F8B589, s19;
	s19 =	sld [smem:$0x73A]  }
0x82c: {  	s1 =	sadd.s32 s4, s3;
	s3 =	sld [smem:$0x744]  }
0x82d: {  	[smem:$0x7AE] =	sst s1  }
0x82e: {  	s1 =	sadd.s32 s6, s5;
	s5 =	sld [smem:$0x745]  }
0x82f: {  	s6 =	sld [smem:$0x746]  }
0x830: {  	[smem:$0x77D] =	sst s0  }
0x831: {  	[smem:$0x7BE] =	sst s1  }
0x832: {  	s0 =	sadd.s32 s29, s28;
	s28 =	sld [smem:$0x740]  }
0x833: {  	s1 =	sadd.s32 s18, s17;
	s29 =	sld [smem:$0x741]  }
0x834: {  	s17 =	smulhi.u32 $0x14F8B589, s2;
	s18 =	sshra.s32 s2, $0x1F;
	s2 =	sld [smem:$0x757]  }
0x835: {  	[smem:$0x7BD] =	sst s0  }
0x836: {  	[smem:$0x7C1] =	sst s1  }
0x837: {  	s0 =	smul.u32 $0x14F8B589, s31;
	s31 =	sld [smem:$0x743]  }
0x838: {  	s1 =	sadd.s32 s20, s19;
	s19 =	sld [smem:$0x74B]  }
0x839: {  	s20 =	sld [smem:$0x74C]  }
0x83a: {  	[smem:$0x7C3] =	sst s1  }
0x83b: {  	[smem:$0x786] =	sst s17  }
0x83c: {  	s1 =	sadd.s32 s26, s25;
	s25 =	sld [smem:$0x751]  }
0x83d: {  	s17 =	sld [smem:$0x75F]  }
0x83e: {  	s4 =	smulhi.u32 $0x14F8B589, s3;
	[smem:$0x77F] =	sst s0  }
0x83f: {  	[smem:$0x7C7] =	sst s1  }
0x840: {  	[smem:$0x784] =	sst s4  }
0x841: {  	s0 =	sadd.s32 s8, s7;
	s7 =	sld [smem:$0x747]  }
0x842: {  	s8 =	sld [smem:$0x748]  }
0x843: {  	s1 =	sadd.s32 s29, s28;
	s28 =	sld [smem:$0x752]  }
0x844: {  	s29 =	sld [smem:$0x753]  }
0x845: {  	[smem:$0x7BF] =	sst s0  }
0x846: {  	[smem:$0x7CA] =	sst s1  }
0x847: {  	s0 =	smul.u32 $0x14F8B589, s16;
	s16 =	sld [smem:$0x74A]  }
0x848: {  	s1 =	sadd.s32 s6, s5;
	s5 =	sld [smem:$0x759]  }
0x849: {  	s6 =	sld [smem:$0x75A]  }
0x84a: {  	[smem:$0x7C2] =	sst s1  }
0x84b: {  	[smem:$0x781] =	sst s0  }
0x84c: {  	s0 =	sadd.s32 s22, s21;
	s21 =	sld [smem:$0x74D]  }
0x84d: {  	s22 =	sld [smem:$0x74E]  }
0x84e: {  	s1 =	sadd.s32 s8, s7;
	s7 =	sld [smem:$0x75B]  }
0x84f: {  	s8 =	sld [smem:$0x75C]  }
0x850: {  	[smem:$0x7C5] =	sst s0  }
0x851: {  	s26 =	smulhi.u32 $0x14F8B589, s25;
	[smem:$0x7C4] =	sst s1  }
0x852: {  	s0 =	smul.u32 $0x14F8B589, s24;
	s24 =	sld [smem:$0x750]  }
0x853: {  	[smem:$0x788] =	sst s26  }
0x854: {  	s1 =	sadd.s32 s20, s19;
	s19 =	sld [smem:$0x760]  }
0x855: {  	s20 =	sld [smem:$0x761]  }
0x856: {  	[smem:$0x7C8] =	sst s1  }
0x857: {  	[smem:$0x783] =	sst s0  }
0x858: {  	s0 =	sadd.s32 s31, s30;
	s30 =	sld [smem:$0x754]  }
0x859: {  	s31 =	sld [smem:$0x755]  }
0x85a: {  	s1 =	sadd.s32 s22, s21;
	s21 =	sld [smem:$0x762]  }
0x85b: {  	s22 =	sld [smem:$0x763]  }
0x85c: {  	[smem:$0x7CC] =	sst s0  }
0x85d: {  	[smem:$0x7C9] =	sst s1  }
0x85e: {  	s0 =	sshra.s32 s3, $0x1F;
	s3 =	sld [smem:$0x758]  }
0x85f: {  	v11 =	vcombine.low v13, v11;
	v35 =	vcombine.low v15, v14;
	s1 =	sadd.s32 s29, s28;
	s28 =	sld [smem:$0x767]  }
0x860: {  	s0 =	smul.u32 $0x14F8B589, s0;
	[smem:$0x7CD] =	sst s1  }
0x861: {  	v11 =	vperm.xlane v11, v0;
	v13 =	vperm.xlane v35, v0;
	s1 =	sadd.s32 s31, s30;
	s30 =	sld [smem:$0x768]  }
0x862: {  	v12 =	vperm.xlane v12, v1;
	v10 =	vperm.xlane v10, v1;
	[smem:$0x785] =	sst s0  }
0x863: {  	[smem:$0x7C0] =	sst s1  }
0x864: {  	v11 =	vsel vm14, v12, v11;
	v10 =	vsel vm14, v10, v13;
	s1 =	sld [smem:$0x756]  }
0x865: {  	v10 =	vadd.s32 v11, v10;
	s0 =	sadd.s32 s16, s15;
	s15 =	sld [smem:$0x75D]  }
0x866: {  	v10 =	vmul.u32 $0x186A0, v10;
	s4 =	smulhi.u32 $0x14F8B589, s3;
	s16 =	sld [smem:$0x75E]  }
0x867: {  	v36 =	vld [tilespmem:$0xE0];
	[smem:$0x7C6] =	sst s0;
	s0 =	smul.u32 $0x14F8B589, s18  }
0x868: {  	v9 =	vsub.s32 v28, v10;
	s18 =	smulhi.u32 $0x14F8B589, s17;
	[smem:$0x78A] =	sst s4  }
0x869: {  	vm2 =	vlt.s32 v9, $0x0;
	v10 =	vadd.s32 $0x186A0, v9;
	[smem:$0x787] =	sst s0  }
0x86a: {  	v8 =	vmul.u32 $0x335, v27;
	v9 =	vsel vm2, v10, v9;
	[smem:$0x78B] =	sst s18  }
0x86b: {  	v9 =	vmul.u32 $0x3E8, v9;
	s0 =	sadd.s32 s24, s23;
	s23 =	sld [smem:$0x764]  }
0x86c: {  	v8 =	vadd.s32 v8, v36;
	s24 =	sld [smem:$0x765]  }
0x86d: {  	v8 =	vadd.s32 v9, v8;
	[smem:$0x7CB] =	sst s0;
	s0 =	sshra.s32 s25, $0x1F  }
0x86e: {  	(v2sf) =	vpush v8, $0xD;
	s18 =	sld [smem:$0x76F];
	s0 =	smul.u32 $0x14F8B589, s0  }
0x86f: {  	(v2sf) =	vpush v8, $0xC;
	s25 =	sld [smem:$0x766]  }
0x870: {  	[smem:$0x789] =	sst s0  }
0x871: {  	s0 =	sadd.s32 s2, s1;
	s1 =	sadd.s32 s6, s5;
	s6 =	sld [smem:$0x769]  }
0x872: {  	[smem:$0x7D1] =	sst s0  }
0x873: {  	[smem:$0x7CF] =	sst s1  }
0x874: {  	s1 =	sadd.s32 s8, s7;
	s7 =	sld [smem:$0x76A]  }
0x875: {  	(v2sf) =	vpush v8, $0xE;
	s26 =	smulhi.u32 $0x14F8B589, s25;
	s8 =	sld [smem:$0x76B]  }
0x876: {  	[smem:$0x7D3] =	sst s1  }
0x877: {  	s0 =	sshra.s32 s3, $0x1F;
	[smem:$0x78D] =	sst s26  }
0x878: {  	(v2sf) =	vpush v8, $0xF;
	s29 =	smul.u32 $0x14F8B589, s0;
	s0 =	sadd.s32 s16, s15;
	s15 =	sld [smem:$0x76C]  }
0x879: {  	(v2sf) =	vpush v8, $0x9;
	s16 =	sld [smem:$0x76D]  }
0x87a: {  	(v2sf) =	vpush v8, $0x8;
	s1 =	sadd.s32 s20, s19;
	s20 =	sld [smem:$0x770]  }
0x87b: {  	[smem:$0x7D4] =	sst s0  }
0x87c: {  	(v2sf) =	vpush v8, $0xA;
	[smem:$0x7D7] =	sst s1  }
0x87d: {  	s31 =	spop (v2sf);
	s0 =	sshra.s32 s17, $0x1F;
	s17 =	sld [smem:$0x76E]  }
0x87e: {  	s2 =	spop (v2sf);
	s1 =	sadd.s32 s22, s21;
	s21 =	sld [smem:$0x771]  }
0x87f: {  	[smem:$0x7D5] =	sst s1;
	s0 =	smul.u32 $0x14F8B589, s0  }
0x880: {  	s1 =	sadd.s32 s30, s28;
	s3 =	sadd.s32 s8, s7;
	s7 =	sld [smem:$0x773]  }
0x881: {  	(v2sf) =	vpush v8, $0xB;
	s28 =	smulhi.u32 $0x14F8B589, s6;
	[smem:$0x7E5] =	sst s1  }
0x882: {  	(v2sf) =	vpush v8, $0x0;
	s1 =	sshra.s32 s6, $0x1F;
	[smem:$0x7D2] =	sst s3;
	s3 =	sshra.s32 s15, $0x1F  }
0x883: {  	(v2sf) =	vpush v8, $0x1;
	[smem:$0x78C] =	sst s0;
	s0 =	sadd.s32 s24, s23;
	s24 =	smul.u32 $0x14F8B589, s1  }
0x884: {  	s1 =	spop (v2sf);
	s5 =	sadd.s32 s17, s16;
	s17 =	sld [smem:$0x774]  }
0x885: {  	s22 =	smul.u32 $0x14F8B589, s3;
	s6 =	sadd.s32 s21, s20;
	[smem:$0x7E0] =	sst s0  }
0x886: {  	(v2sf) =	vpush v8, $0x2;
	s0 =	sshra.s32 s25, $0x1F;
	s25 =	smulhi.u32 $0x14F8B589, s15;
	[smem:$0x7D6] =	sst s5  }
0x887: {  	(v2sf) =	vpush v8, $0x3;
	s4 =	spop (v2sf);
	[smem:$0x7D8] =	sst s6  }
0x888: {  	s6 =	sld [smem:$0x772];
	s3 =	spop (v2sf);
	s24 =	sadd.s32 s24, s28  }
0x889: {  	s19 =	spop (v2sf);
	[smem:$0x7F4] =	sst s24  }
0x88a: {  	(v2sf) =	vpush v8, $0x4;
	s22 =	sadd.s32 s22, s25;
	[smem:$0x7CE] =	sst s19  }
0x88b: {  	(v2sf) =	vpush v8, $0x5;
	s5 =	sshra.s32 s18, $0x1F;
	s30 =	spop (v2sf);
	[smem:$0x7F5] =	sst s22  }
0x88c: {  	v9 =	vld [tilespmem:$0x1F0];
	(v2sf) =	vpush v8, $0x6;
	s20 =	smul.u32 $0x14F8B589, s5;
	s5 =	sadd.s32 s7, s6;
	[smem:$0x7D0] =	sst s30  }
0x88d: {  	s21 =	smulhi.u32 $0x14F8B589, s31;
	[smem:$0x7D9] =	sst s5  }
0x88e: {  	s26 =	smul.u32 $0x14F8B589, s0;
	s6 =	sadd.s32 s14, s9;
	s30 =	sld [smem:$0x775]  }
0x88f: {  	(v2sf) =	vpush v8, $0x7;
	s19 =	smulhi.u32 $0x14F8B589, s2;
	[smem:$0x7E3] =	sst s6  }
0x890: {  	s0 =	sshra.s32 s31, $0x1F;
	s31 =	spop (v2sf);
	s6 =	sld [smem:$0x779]  }
0x891: {  	v10 =	vmul.u32 $0x5C, v9;
	[smem:$0x7DD] =	sst s31;
	s8 =	spop (v2sf)  }
0x892: {  	s15 =	sshra.s32 s2, $0x1F;
	[smem:$0x7DE] =	sst s8;
	s16 =	spop (v2sf)  }
0x893: {  	(v2sf) =	vpush v10, $0xD;
	s8 =	sshra.s32 s4, $0x1F;
	[smem:$0x7E2] =	sst s16;
	s16 =	smul.u32 $0x14F8B589, s15  }
0x894: {  	s2 =	sadd.s32 s30, s17;
	s15 =	smulhi.u32 $0x14F8B589, s4;
	s4 =	sld [smem:$0x777]  }
0x895: {  	s31 =	spop (v2sf);
	[smem:$0x7E1] =	sst s2  }
0x896: {  	s11 =	sshra.s32 s11, $0x1F;
	[smem:$0x7F6] =	sst s31;
	s5 =	spop (v2sf)  }
0x897: {  	s11 =	smul.u32 $0x14F8B589, s11;
	s2 =	sshra.s32 s1, $0x1F;
	[smem:$0x7F7] =	sst s5  }
0x898: {  	(v2sf) =	vpush v10, $0xC;
	s14 =	smul.u32 $0x14F8B589, s2;
	s2 =	sld [smem:$0x776]  }
0x899: {  	s7 =	spop (v2sf);
	s5 =	sld [smem:$0x778]  }
0x89a: {  	[smem:$0x7F8] =	sst s7;
	s9 =	spop (v2sf)  }
0x89b: {  	(v2sf) =	vpush v10, $0xE;
	[dreg:$0x19] =	wrdreg s9;
	s13 =	spop (v2sf)  }
0x89c: {  	s17 =	smulhi.u32 $0x14F8B589, s1;
	s30 =	sshra.s32 s3, $0x1F;
	[dreg:$0x17] =	wrdreg s13  }
0x89d: {  	(v2sf) =	vpush v10, $0xF;
	s1 =	sadd.s32 s2, s10;
	s10 =	smul.u32 $0x14F8B589, s30;
	s30 =	sld [smem:$0x77A]  }
0x89e: {  	s31 =	spop (v2sf);
	s2 =	sld [smem:$0x77C]  }
0x89f: {  	s23 =	smulhi.u32 $0x14F8B589, s18;
	[dreg:$0x15] =	wrdreg s31  }
0x8a0: {  	s18 =	smul.u32 $0x14F8B589, s0;
	[smem:$0x7DF] =	sst s1  }
0x8a1: {  	s13 =	smulhi.u32 $0x14F8B589, s3;
	s1 =	sadd.s32 s11, s4;
	s31 =	sld [smem:$0x77B]  }
0x8a2: {  	s3 =	spop (v2sf);
	[smem:$0x7E6] =	sst s1  }
0x8a3: {  	s11 =	smulhi.u32 $0x14F8B589, s3;
	s0 =	sshra.s32 s3, $0x1F;
	s3 =	sld [smem:$0x77D]  }
0x8a4: {  	s1 =	sadd.s32 s6, s5;
	s5 =	sld [smem:$0x77E]  }
0x8a5: {  	s6 =	sld [smem:$0x77F]  }
0x8a6: {  	s12 =	smul.u32 $0x14F8B589, s8;
	[smem:$0x7E7] =	sst s1  }
0x8a7: {  	s7 =	spop (v2sf);
	s1 =	sadd.s32 s31, s30;
	s30 =	sld [smem:$0x780]  }
0x8a8: {  	s8 =	smul.u32 $0x14F8B589, s0;
	s31 =	sld [smem:$0x781]  }
0x8a9: {  	s9 =	smulhi.u32 $0x14F8B589, s7;
	s0 =	sshra.s32 s7, $0x1F;
	[smem:$0x7E8] =	sst s1  }
0x8aa: {  	s4 =	spop (v2sf);
	s1 =	sadd.s32 s3, s2;
	s2 =	sld [smem:$0x784]  }
0x8ab: {  	s7 =	smul.u32 $0x14F8B589, s0;
	[smem:$0x7E9] =	sst s1;
	s1 =	sadd.s32 s6, s5  }
0x8ac: {  	s0 =	sshra.s32 s4, $0x1F;
	s3 =	spop (v2sf);
	[smem:$0x7EA] =	sst s1  }
0x8ad: {  	s6 =	smulhi.u32 $0x14F8B589, s4;
	s1 =	sadd.s32 s31, s30;
	s30 =	sld [smem:$0x782]  }
0x8ae: {  	s5 =	smul.u32 $0x14F8B589, s0;
	s31 =	sld [smem:$0x783]  }
0x8af: {  	(v2sf) =	vpush v10, $0x9;
	s4 =	smulhi.u32 $0x14F8B589, s3;
	s0 =	sshra.s32 s3, $0x1F;
	s3 =	sld [smem:$0x785]  }
0x8b0: {  	[smem:$0x7ED] =	sst s1  }
0x8b1: {  	s1 =	sadd.s32 s31, s30;
	s30 =	sld [smem:$0x786]  }
0x8b2: {  	(v2sf) =	vpush v10, $0x8;
	s31 =	sld [smem:$0x787]  }
0x8b3: {  	[smem:$0x7EE] =	sst s1;
	s1 =	sadd.s32 s3, s2  }
0x8b4: {  	[smem:$0x7F1] =	sst s1  }
0x8b5: {  	(v2sf) =	vpush v10, $0xA;
	s1 =	sadd.s32 s31, s30;
	s30 =	sld [smem:$0x789]  }
0x8b6: {  	[smem:$0x7EB] =	sst s1  }
0x8b7: {  	s20 =	sadd.s32 s20, s23;
	(v2sf) =	vpush v10, $0xB;
	s1 =	sld [smem:$0x788]  }
0x8b8: {  	[smem:$0x7EC] =	sst s20;
	s18 =	sadd.s32 s18, s21  }
0x8b9: {  	[smem:$0x7F9] =	sst s18;
	(v2sf) =	vpush v10, $0x0  }
0x8ba: {  	s16 =	sadd.s32 s16, s19;
	s1 =	sadd.s32 s30, s1;
	s30 =	sld [smem:$0x78A]  }
0x8bb: {  	s12 =	sadd.s32 s12, s15;
	[smem:$0x7FA] =	sst s16;
	(v2sf) =	vpush v10, $0x1  }
0x8bc: {  	[smem:$0x7FC] =	sst s12;
	(v2sf) =	vpush v10, $0x2  }
0x8bd: {  	s3 =	smul.u32 $0x14F8B589, s0;
	s31 =	sadd.s32 s29, s30;
	s29 =	sld [smem:$0x78B]  }
0x8be: {  	s14 =	sadd.s32 s14, s17;
	s0 =	spop (v2sf);
	s30 =	sld [smem:$0x78C]  }
0x8bf: {  	[smem:$0x7FB] =	sst s14;
	(v2sf) =	vpush v10, $0x3;
	s2 =	smulhi.u32 $0x14F8B589, s0;
	s0 =	sshra.s32 s0, $0x1F  }
0x8c0: {  	s10 =	sadd.s32 s10, s13;
	[smem:$0x7EF] =	sst s1;
	s1 =	smul.u32 $0x14F8B589, s0  }
0x8c1: {  	(v2sf) =	vpush v10, $0x4;
	s0 =	spop (v2sf);
	s29 =	sadd.s32 s30, s29;
	s30 =	sld [smem:$0x78D]  }
0x8c2: {  	(v2sf) =	vpush v10, $0x5;
	[smem:$0x7F0] =	sst s31;
	s31 =	smulhi.u32 $0x14F8B589, s0;
	s0 =	sshra.s32 s0, $0x1F  }
0x8c3: {  	[smem:$0x7FD] =	sst s10;
	s0 =	smul.u32 $0x14F8B589, s0  }
0x8c4: {  	[smem:$0x7F2] =	sst s29;
	s29 =	spop (v2sf);
	s26 =	sadd.s32 s26, s30  }
0x8c5: {  	(v2sf) =	vpush v10, $0x6;
	[smem:$0x7F3] =	sst s26;
	s26 =	smulhi.u32 $0x14F8B589, s29;
	s29 =	sshra.s32 s29, $0x1F  }
0x8c6: {  	s3 =	sadd.s32 s3, s4;
	s24 =	smul.u32 $0x14F8B589, s29;
	s29 =	spop (v2sf)  }
0x8c7: {  	[smem:$0x7DA] =	sst s3;
	s22 =	smulhi.u32 $0x14F8B589, s29;
	s30 =	sshra.s32 s29, $0x1F  }
0x8c8: {  	s1 =	sadd.s32 s1, s2;
	s28 =	spop (v2sf);
	s20 =	smul.u32 $0x14F8B589, s30  }
0x8c9: {  	[smem:$0x7DB] =	sst s1;
	(v2sf) =	vpush v10, $0x7;
	s18 =	smulhi.u32 $0x14F8B589, s28;
	s29 =	sshra.s32 s28, $0x1F  }
0x8ca: {  	s30 =	spop (v2sf);
	s26 =	sadd.s32 s24, s26;
	s16 =	smul.u32 $0x14F8B589, s29  }
0x8cb: {  	s14 =	smulhi.u32 $0x14F8B589, s30;
	s19 =	sshra.s32 s30, $0x1F;
	s21 =	spop (v2sf)  }
0x8cc: {  	[smem:$0x7DC] =	sst s26;
	s12 =	smul.u32 $0x14F8B589, s19  }
0x8cd: {  	s26 =	sld [smem:$0x78E];
	s10 =	smulhi.u32 $0x14F8B589, s21;
	s23 =	sshra.s32 s21, $0x1F  }
0x8ce: {  	s28 =	sadd.s32 s8, s11;
	s25 =	spop (v2sf);
	s8 =	smul.u32 $0x14F8B589, s23  }
0x8cf: {  	s23 =	sadd.s32 s7, s9;
	s7 =	smulhi.u32 $0x14F8B589, s25;
	s29 =	sshra.s32 s25, $0x1F  }
0x8d0: {  	s25 =	sadd.s32 s5, s6;
	s30 =	spop (v2sf);
	s5 =	smul.u32 $0x14F8B589, s29  }
0x8d1: {  	s4 =	smulhi.u32 $0x14F8B589, s30;
	s6 =	sshra.s32 s30, $0x1F;
	s9 =	spop (v2sf)  }
0x8d2: {  	s30 =	sadd.s32 s0, s31;
	s31 =	sadd.s32 s20, s22;
	s6 =	smul.u32 $0x14F8B589, s6  }
0x8d3: {  	s0 =	sadd.s32 s16, s18;
	s11 =	smulhi.u32 $0x14F8B589, s9;
	s21 =	sshra.s32 s9, $0x1F  }
0x8d4: {  	s1 =	sadd.s32 s12, s14;
	s13 =	spop (v2sf);
	s29 =	smul.u32 $0x14F8B589, s21  }
0x8d5: {  	s2 =	sadd.s32 s8, s10;
	s15 =	smulhi.u32 $0x14F8B589, s13;
	s17 =	sshra.s32 s13, $0x1F  }
0x8d6: {  	s9 =	sshra.s32 s26, $0xD;
	s13 =	sld [smem:$0x792];
	s19 =	smul.u32 $0x14F8B589, s17  }
0x8d7: {  	s3 =	sadd.s32 s5, s7;
	s5 =	sadd.s32 s6, s4;
	s17 =	sld [smem:$0x791]  }
0x8d8: {  	s7 =	sadd.s32 s29, s11;
	s29 =	sadd.s32 s19, s15;
	s20 =	spop (v2sf)  }
0x8d9: {  	s15 =	sld [smem:$0x790];
	s21 =	smulhi.u32 $0x14F8B589, s20;
	s22 =	sshra.s32 s20, $0x1F  }
0x8da: {  	s18 =	sshrl.u32 s17, $0x1F;
	s24 =	smul.u32 $0x14F8B589, s22;
	s22 =	sld [smem:$0x78F]  }
0x8db: {  	s19 =	sshra.s32 s17, $0xD;
	s20 =	sshra.s32 s17, $0x1F;
	s17 =	sld [smem:$0x795]  }
0x8dc: {  	s16 =	sshrl.u32 s15, $0x1F;
	s8 =	sadd.s32 s24, s21;
	s24 =	sld [smem:$0x793]  }
0x8dd: {  	s4 =	sshrl.u32 s26, $0x1F;
	s10 =	sshra.s32 s15, $0xD;
	v38 =	vmov s16;
	s14 =	sshra.s32 s22, $0x1F  }
0x8de: {  	v39 =	vmov s18;
	v12 =	vsel vm0, s4, v38;
	s21 =	sshrl.u32 s13, $0x1F;
	s18 =	sshrl.u32 s17, $0x1F;
	v37 =	vmov s14;
	s14 =	sld [smem:$0x794]  }
0x8df: {  	v13 =	vnsel vm3, $0x0, v39;
	v12 =	vsel vm10, s21, v12;
	s21 =	sshra.s32 s17, $0xD;
	s26 =	sshrl.u32 s24, $0x1F;
	s4 =	sshra.s32 s24, $0xD  }
0x8e0: {  	vm12 =	vcmask $0x704;
	v11 =	vsel vm3, s19, v37;
	s15 =	sshra.s32 s24, $0x1F;
	s24 =	sshra.s32 s17, $0x1F;
	s17 =	sld [smem:$0x79A];
	v13 =	vsel vm0, s26, v13  }
0x8e1: {  	v11 =	vsel vm12, s20, v11;
	s16 =	sshrl.u32 s14, $0x1F;
	v41 =	vsel vm10, s18, v13;
	s18 =	sld [smem:$0x797]  }
0x8e2: {  	v40 =	vsel vm0, s4, v11;
	v11 =	vsel vm1, s16, v12;
	s16 =	sld [smem:$0x796]  }
0x8e3: {  	v42 =	vsel vm7, s15, v40;
	s15 =	sld [smem:$0x798]  }
0x8e4: {  	vm9 =	vcmask $0x1714;
	v13 =	vsel vm10, s21, v42;
	s21 =	sld [smem:$0x799];
	s20 =	sshrl.u32 s18, $0x1F  }
0x8e5: {  	v13 =	vsel vm9, s24, v13;
	s24 =	sshra.s32 s18, $0x1F;
	s19 =	sshrl.u32 s16, $0x1F;
	v12 =	vsel vm1, s20, v41;
	s20 =	sld [smem:$0x79B]  }
0x8e6: {  	vm13 =	vmmov vm7;
	vm2 =	vmmov vm10;
	s26 =	sshrl.u32 s15, $0x1F;
	v43 =	vmov s19;
	s19 =	sshra.s32 s18, $0xD;
	s18 =	sld [smem:$0x79C]  }
0x8e7: {  	v46 =	vmov s10;
	s11 =	sshrl.u32 s17, $0x1F;
	v14 =	vsel vm0, s26, v43;
	v44 =	vsel vm1, s19, v13;
	s19 =	sld [smem:$0x79D]  }
0x8e8: {  	s6 =	sshra.s32 s13, $0xD;
	vm7 =	vmmov vm6;
	s16 =	sshra.s32 s16, $0xD;
	s4 =	sshrl.u32 s21, $0x1F;
	v14 =	vsel vm10, s11, v14;
	vm10 =	vcmask $0x1F1C  }
0x8e9: {  	s13 =	sshra.s32 s21, $0xD;
	v47 =	vmov s16;
	v12 =	vsel vm15, s4, v12;
	s12 =	sshrl.u32 s20, $0x1F;
	s26 =	sshrl.u32 s18, $0x1F;
	v45 =	vsel vm10, s24, v44  }
0x8ea: {  	v12 =	vsel vm5, s12, v12;
	s4 =	sshrl.u32 s19, $0x1F;
	v13 =	vsel vm1, s26, v14;
	v14 =	vsel vm15, s13, v45  }
0x8eb: {  	s10 =	sshra.s32 s14, $0xD;
	s21 =	sshra.s32 s21, $0x1F;
	s16 =	sshra.s32 s22, $0xD;
	v12 =	vsel vm6, s4, v12;
	vm6 =	vmmov vm15;
	vm15 =	vcmask $0x2724  }
0x8ec: {  	s12 =	sshrl.u32 s22, $0x1F;
	s22 =	sld [smem:$0x7A1];
	s4 =	sshra.s32 s20, $0xD;
	v14 =	vsel vm15, s21, v14  }
0x8ed: {  	vm11 =	vmmov vm8;
	vm8 =	vcmask $0x2F2C;
	s24 =	sshra.s32 s15, $0xD;
	s13 =	sshra.s32 s20, $0x1F;
	v14 =	vsel vm5, s4, v14;
	s4 =	sld [smem:$0x79E]  }
0x8ee: {  	s26 =	sshra.s32 s17, $0xD;
	s14 =	sshra.s32 s19, $0xD;
	s20 =	sld [smem:$0x7A0];
	v14 =	vsel vm8, s13, v14  }
0x8ef: {  	s15 =	sshra.s32 s19, $0x1F;
	v12 =	vsel vm4, s12, v12;
	s12 =	sshra.s32 s18, $0xD;
	s18 =	sld [smem:$0x79F];
	v14 =	vsel vm7, s14, v14  }
0x8f0: {  	v16 =	vsel vm0, s24, v47;
	s24 =	sshra.s32 s22, $0xD;
	s17 =	sshra.s32 s4, $0x1F;
	v14 =	vsel vm11, s15, v14;
	s15 =	sld [smem:$0x7A2]  }
0x8f1: {  	v15 =	vsel vm0, s9, v46;
	v16 =	vsel vm2, s26, v16;
	s26 =	sshrl.u32 s22, $0x1F;
	s21 =	sshrl.u32 s20, $0x1F;
	v48 =	vmov s17;
	s17 =	sld [smem:$0x7A3]  }
0x8f2: {  	vm14 =	vmmov vm3;
	v15 =	vsel vm2, s6, v15;
	s6 =	sshra.s32 s20, $0xD;
	s19 =	sshrl.u32 s18, $0x1F;
	s9 =	sshra.s32 s18, $0xD  }
0x8f3: {  	s14 =	sshra.s32 s22, $0x1F;
	v17 =	vsel vm4, s16, v14;
	v50 =	vsel vm14, s24, v48;
	s24 =	sld [smem:$0x7A6];
	s16 =	sshrl.u32 s15, $0x1F  }
0x8f4: {  	v49 =	vmov s21;
	s11 =	sshra.s32 s15, $0xD;
	s15 =	sld [smem:$0x7A5];
	s18 =	sshra.s32 s17, $0xD  }
0x8f5: {  	v53 =	vmov s26;
	v51 =	vsel vm0, s19, v49;
	v52 =	vsel vm12, s14, v50;
	s19 =	sshrl.u32 s17, $0x1F;
	s20 =	sshra.s32 s17, $0x1F;
	s17 =	sld [smem:$0x7A7]  }
0x8f6: {  	v19 =	vnsel vm14, $0x0, v53;
	v18 =	vsel vm0, s18, v52;
	s18 =	sld [smem:$0x7A4]  }
0x8f7: {  	s14 =	sld [smem:$0x7A8];
	v14 =	vsel vm2, s16, v51;
	v19 =	vsel vm0, s19, v19;
	s16 =	sshrl.u32 s24, $0x1F  }
0x8f8: {  	s22 =	sshrl.u32 s15, $0x1F;
	v19 =	vsel vm2, s16, v19;
	s16 =	sld [smem:$0x7AA]  }
0x8f9: {  	v18 =	vsel vm13, s20, v18;
	v54 =	vmov s22;
	s20 =	sshrl.u32 s17, $0x1F;
	s22 =	sld [smem:$0x7A9];
	s21 =	sshrl.u32 s18, $0x1F  }
0x8fa: {  	s26 =	sshra.s32 s24, $0xD;
	v20 =	vsel vm0, s20, v54;
	v14 =	vsel vm1, s21, v14;
	s21 =	sshrl.u32 s14, $0x1F  }
0x8fb: {  	v15 =	vsel vm1, s10, v15;
	s19 =	sshra.s32 s24, $0x1F;
	v18 =	vsel vm2, s26, v18;
	s10 =	sshra.s32 s18, $0xD;
	v20 =	vsel vm2, s21, v20;
	s21 =	sld [smem:$0x7AB]  }
0x8fc: {  	v18 =	vsel vm9, s19, v18;
	s18 =	sld [smem:$0x7AC];
	s20 =	sshrl.u32 s16, $0x1F;
	s26 =	sshra.s32 s22, $0xD  }
0x8fd: {  	s24 =	sshrl.u32 s22, $0x1F;
	v55 =	vsel vm1, s26, v18;
	v18 =	vsel vm1, s20, v20;
	s20 =	sld [smem:$0x7AD]  }
0x8fe: {  	vm3 =	vmmov vm5;
	s19 =	sshra.s32 s22, $0x1F;
	v19 =	vsel vm1, s24, v19;
	s22 =	sshrl.u32 s21, $0x1F  }
0x8ff: {  	v16 =	vsel vm1, s12, v16;
	v57 =	vmov s6;
	s6 =	sshra.s32 s17, $0xD;
	s14 =	sshra.s32 s14, $0xD;
	s24 =	sshrl.u32 s18, $0x1F;
	v19 =	vsel vm6, s22, v19  }
0x900: {  	vm5 =	vmmov vm4;
	v56 =	vsel vm10, s19, v55;
	s26 =	sshra.s32 s21, $0xD;
	s19 =	sshra.s32 s21, $0x1F;
	s21 =	sshrl.u32 s20, $0x1F;
	v19 =	vsel vm3, s24, v19  }
0x901: {  	v21 =	vsel vm0, s9, v57;
	s12 =	sshra.s32 s16, $0xD;
	v20 =	vsel vm6, s26, v56;
	s22 =	sshra.s32 s15, $0xD;
	v19 =	vsel vm7, s21, v19;
	s21 =	sld [smem:$0x7AE]  }
0x902: {  	v21 =	vsel vm2, s11, v21;
	s26 =	sshra.s32 s18, $0xD;
	s15 =	sshra.s32 s18, $0x1F;
	v20 =	vsel vm15, s19, v20;
	v59 =	vmov s22;
	s22 =	sld [smem:$0x7B0]  }
0x903: {  	s16 =	sshra.s32 s20, $0xD;
	s17 =	sshra.s32 s20, $0x1F;
	s20 =	sld [smem:$0x7AF];
	v58 =	vsel vm3, s26, v20;
	v20 =	vsel vm1, s10, v21;
	v21 =	vsel vm0, s6, v59  }
0x904: {  	vm4 =	vmmov vm12;
	s24 =	sshrl.u32 s4, $0x1F;
	v22 =	vsel vm8, s15, v58;
	v21 =	vsel vm2, s14, v21;
	s15 =	sld [smem:$0x7B2];
	s18 =	sshra.s32 s21, $0x1F  }
0x905: {  	v19 =	vsel vm5, s24, v19;
	s24 =	sshra.s32 s22, $0xD;
	s26 =	sshrl.u32 s22, $0x1F;
	v23 =	vsel vm1, s12, v21;
	s12 =	sld [smem:$0x7B1];
	v60 =	vmov s18  }
0x906: {  	s19 =	sshra.s32 s4, $0xD;
	v22 =	vsel vm7, s16, v22;
	s4 =	sshra.s32 s22, $0x1F;
	v28 =	vmov s26;
	s26 =	sld [smem:$0x7B5];
	v61 =	vsel vm14, s24, v60  }
0x907: {  	s13 =	sshrl.u32 s20, $0x1F;
	s22 =	sld [smem:$0x7B4];
	v22 =	vsel vm11, s17, v22;
	s16 =	sshra.s32 s15, $0xD;
	v62 =	vsel vm4, s4, v61  }
0x908: {  	s6 =	sshra.s32 s20, $0xD;
	v21 =	vsel vm5, s19, v22;
	s18 =	sshra.s32 s15, $0x1F;
	s19 =	sld [smem:$0x7B3];
	v22 =	vsel vm0, s16, v62  }
0x909: {  	s14 =	sshrl.u32 s12, $0x1F;
	s4 =	sshra.s32 s26, $0xD;
	v22 =	vsel vm13, s18, v22;
	s18 =	sld [smem:$0x7B7]  }
0x90a: {  	s17 =	sshrl.u32 s15, $0x1F;
	s24 =	sshrl.u32 s22, $0x1F;
	v63 =	vmov s14;
	s16 =	sshra.s32 s26, $0x1F;
	v29 =	vsel vm2, s4, v22  }
0x90b: {  	v25 =	vnsel vm14, $0x0, v28;
	s9 =	sshra.s32 s22, $0xD;
	s20 =	sshrl.u32 s19, $0x1F;
	v24 =	vsel vm0, s13, v63;
	v31 =	vsel vm9, s16, v29;
	s16 =	sld [smem:$0x7B6]  }
0x90c: {  	v25 =	vsel vm0, s17, v25;
	s15 =	sshrl.u32 s26, $0x1F;
	s26 =	sld [smem:$0x7B9];
	v24 =	vsel vm2, s20, v24;
	s20 =	sshra.s32 s18, $0xD  }
0x90d: {  	s10 =	sshra.s32 s19, $0xD;
	v30 =	vsel vm2, s15, v25;
	s19 =	sshrl.u32 s18, $0x1F;
	v25 =	vsel vm1, s20, v31;
	s20 =	sld [smem:$0x7BB]  }
0x90e: {  	vm12 =	vmmov vm6;
	s22 =	sshra.s32 s18, $0x1F;
	s18 =	sld [smem:$0x7BA];
	s17 =	sshrl.u32 s16, $0x1F  }
0x90f: {  	s11 =	sshra.s32 s12, $0xD;
	v22 =	vsel vm1, s24, v24;
	s4 =	sshrl.u32 s26, $0x1F;
	v24 =	vsel vm1, s19, v30;
	v32 =	vmov s17;
	s17 =	sld [smem:$0x7B8]  }
0x910: {  	s15 =	sld [smem:$0x7BC];
	v24 =	vsel vm12, s4, v24;
	v25 =	vsel vm10, s22, v25;
	s22 =	sshra.s32 s26, $0xD;
	s19 =	sshrl.u32 s20, $0x1F  }
0x911: {  	s14 =	sshrl.u32 s18, $0x1F;
	v33 =	vsel vm12, s22, v25;
	s22 =	sshra.s32 s16, $0xD;
	v24 =	vsel vm3, s19, v24;
	s19 =	sld [smem:$0x7BD]  }
0x912: {  	s16 =	sld [smem:$0x7C0];
	s24 =	sshrl.u32 s17, $0x1F;
	s12 =	sshra.s32 s17, $0xD  }
0x913: {  	s17 =	sshra.s32 s20, $0xD;
	v26 =	vsel vm0, s24, v32;
	s24 =	sshra.s32 s26, $0x1F;
	s26 =	sshrl.u32 s15, $0x1F  }
0x914: {  	v36 =	vmov s22;
	v26 =	vsel vm2, s14, v26;
	s4 =	sshrl.u32 s19, $0x1F;
	v34 =	vsel vm15, s24, v33;
	s14 =	sshrl.u32 s21, $0x1F;
	s24 =	sshra.s32 s18, $0xD  }
0x915: {  	vm6 =	vmmov vm5;
	v37 =	vsel vm0, s12, v36;
	v25 =	vsel vm1, s26, v26;
	s26 =	sshra.s32 s20, $0x1F;
	s20 =	sshra.s32 s21, $0xD;
	s21 =	sld [smem:$0x7BE]  }
0x916: {  	v24 =	vsel vm7, s4, v24;
	v26 =	vsel vm3, s17, v34;
	v38 =	vsel vm2, s24, v37;
	s24 =	sld [smem:$0x7C2]  }
0x917: {  	s18 =	sshra.s32 s19, $0xD;
	s17 =	sshra.s32 s16, $0x1F;
	v24 =	vsel vm6, s14, v24;
	v26 =	vsel vm8, s26, v26;
	s14 =	sld [smem:$0x7BF]  }
0x918: {  	v35 =	vmov s11;
	s19 =	sshra.s32 s19, $0x1F;
	s4 =	sshra.s32 s15, $0xD;
	v39 =	vmov s17;
	s17 =	sld [smem:$0x7C3];
	v26 =	vsel vm7, s18, v26  }
0x919: {  	v27 =	vsel vm0, s6, v35;
	s18 =	sld [smem:$0x7C1];
	s22 =	sshrl.u32 s21, $0x1F;
	s6 =	sshra.s32 s21, $0xD;
	v26 =	vsel vm11, s19, v26  }
0x91a: {  	v27 =	vsel vm2, s10, v27;
	s26 =	sshrl.u32 s24, $0x1F;
	s15 =	sshrl.u32 s14, $0x1F;
	v26 =	vsel vm6, s20, v26;
	s20 =	sld [smem:$0x7C4]  }
0x91b: {  	v29 =	vsel vm1, s4, v38;
	s4 =	sshra.s32 s24, $0xD;
	s13 =	sshra.s32 s14, $0xD;
	v41 =	vmov s26;
	s26 =	sld [smem:$0x7C5];
	v40 =	vmov s15  }
0x91c: {  	v28 =	vsel vm1, s9, v27;
	v27 =	vsel vm14, s4, v39;
	s12 =	sshra.s32 s17, $0xD;
	s4 =	sld [smem:$0x7C6];
	s19 =	sshrl.u32 s18, $0x1F;
	v30 =	vsel vm0, s22, v40  }
0x91d: {  	s11 =	sshra.s32 s18, $0xD;
	s18 =	sshrl.u32 s17, $0x1F;
	s17 =	sld [smem:$0x7CA];
	v30 =	vsel vm2, s19, v30  }
0x91e: {  	s15 =	sshra.s32 s24, $0x1F;
	s21 =	sshrl.u32 s20, $0x1F;
	v30 =	vsel vm1, s18, v30;
	s18 =	sld [smem:$0x7C8]  }
0x91f: {  	v31 =	vnsel vm14, $0x0, v41;
	v27 =	vsel vm4, s15, v27;
	s22 =	sshra.s32 s20, $0xD;
	s24 =	sshra.s32 s20, $0x1F;
	s10 =	sshrl.u32 s26, $0x1F  }
0x920: {  	s19 =	sshrl.u32 s4, $0x1F;
	s14 =	sshra.s32 s26, $0xD;
	s26 =	sshra.s32 s4, $0x1F;
	v31 =	vsel vm0, s21, v31;
	v27 =	vsel vm0, s22, v27  }
0x921: {  	v31 =	vsel vm2, s19, v31;
	v27 =	vsel vm13, s24, v27;
	s19 =	sld [smem:$0x7C7];
	s24 =	sshra.s32 s4, $0xD;
	s22 =	sshrl.u32 s18, $0x1F  }
0x922: {  	v27 =	vsel vm2, s24, v27;
	s20 =	sshra.s32 s18, $0xD;
	s24 =	sshra.s32 s18, $0x1F;
	s18 =	sld [smem:$0x7CC]  }
0x923: {  	v27 =	vsel vm9, s26, v27;
	v31 =	vsel vm1, s22, v31;
	s22 =	sld [smem:$0x7C9]  }
0x924: {  	s21 =	sshrl.u32 s19, $0x1F;
	v27 =	vsel vm1, s20, v27;
	s20 =	sld [smem:$0x7CD]  }
0x925: {  	v42 =	vmov s21;
	s21 =	sld [smem:$0x7CB]  }
0x926: {  	s9 =	sshra.s32 s19, $0xD;
	s19 =	sshrl.u32 s16, $0x1F  }
0x927: {  	vm5 =	vmmov vm12;
	v32 =	vsel vm0, s10, v42;
	s10 =	sshrl.u32 s17, $0x1F;
	s26 =	sshrl.u32 s18, $0x1F;
	s4 =	sshrl.u32 s22, $0x1F  }
0x928: {  	v27 =	vsel vm10, s24, v27;
	v32 =	vsel vm2, s10, v32;
	s24 =	sshra.s32 s22, $0xD;
	v31 =	vsel vm5, s4, v31;
	s15 =	sshrl.u32 s21, $0x1F;
	s4 =	sshrl.u32 s20, $0x1F  }
0x929: {  	v44 =	vmov s9;
	v33 =	vsel vm1, s26, v32;
	s26 =	sshra.s32 s17, $0xD;
	s17 =	sshra.s32 s21, $0xD;
	v31 =	vsel vm3, s15, v31;
	s15 =	sshra.s32 s18, $0xD  }
0x92a: {  	v34 =	vsel vm0, s14, v44;
	s18 =	sshra.s32 s21, $0x1F;
	v31 =	vsel vm7, s4, v31;
	s4 =	sshra.s32 s22, $0x1F;
	s22 =	sld [smem:$0x7D2]  }
0x92b: {  	v27 =	vsel vm5, s24, v27;
	v34 =	vsel vm2, s26, v34;
	s21 =	sshra.s32 s20, $0x1F;
	v31 =	vsel vm6, s19, v31;
	s19 =	sshra.s32 s20, $0xD;
	s20 =	sld [smem:$0x7CF]  }
0x92c: {  	v34 =	vsel vm1, s15, v34;
	s15 =	sld [smem:$0x7D1];
	v27 =	vsel vm15, s4, v27  }
0x92d: {  	s10 =	sld [smem:$0x7CE];
	v27 =	vsel vm3, s17, v27  }
0x92e: {  	s26 =	sld [smem:$0x7D0];
	v27 =	vsel vm8, s18, v27;
	s18 =	sshrl.u32 s22, $0x1F;
	s24 =	sshrl.u32 s20, $0x1F  }
0x92f: {  	s17 =	sshrl.u32 s15, $0x1F;
	v47 =	vmov s18;
	s18 =	sld [smem:$0x7D3];
	v45 =	vmov s24  }
0x930: {  	v27 =	vsel vm7, s19, v27;
	v46 =	vsel vm0, s17, v45;
	s17 =	sld [smem:$0x7D4]  }
0x931: {  	vm12 =	vmmov vm6;
	s19 =	sshra.s32 s16, $0xD;
	s16 =	sld [smem:$0x7D5];
	v27 =	vsel vm11, s21, v27  }
0x932: {  	v43 =	vmov s13;
	s9 =	smulhi.u32 $0x14F8B589, s10;
	v35 =	vsel vm12, s19, v27;
	s19 =	sld [smem:$0x7D7];
	s21 =	sshrl.u32 s18, $0x1F  }
0x933: {  	v32 =	vsel vm0, s6, v43;
	s6 =	sshra.s32 s10, $0x1F;
	v48 =	vsel vm2, s21, v46;
	s21 =	sld [smem:$0x7D6];
	s24 =	sshrl.u32 s17, $0x1F  }
0x934: {  	s10 =	smul.u32 $0x14F8B589, s6;
	v27 =	vsel vm1, s24, v48;
	s24 =	sld [smem:$0x7D8]  }
0x935: {  	s6 =	smulhi.u32 $0x14F8B589, s26;
	s4 =	sshra.s32 s26, $0x1F;
	s26 =	sshrl.u32 s16, $0x1F  }
0x936: {  	v32 =	vsel vm2, s11, v32;
	s11 =	smul.u32 $0x14F8B589, s4;
	v49 =	vnsel vm14, $0x0, v47;
	v50 =	vmov s26;
	s14 =	sshrl.u32 s19, $0x1F;
	s4 =	sshrl.u32 s21, $0x1F  }
0x937: {  	v37 =	vsel vm0, s14, v50;
	s14 =	sshrl.u32 s23, $0x1F;
	v36 =	vsel vm0, s4, v49;
	s4 =	sshra.s32 s8, $0x1F;
	s26 =	sshrl.u32 s24, $0x1F  }
0x938: {  	v51 =	vmov s4;
	s4 =	smov.u32 s23;
	s23 =	sshra.s32 s0, $0xD;
	v36 =	vsel vm2, s26, v36;
	s26 =	sld [smem:$0x7D9]  }
0x939: {  	v52 =	vmov s14;
	s14 =	sshrl.u32 s0, $0x1F;
	s0 =	sshra.s32 s0, $0x1F;
	v38 =	vsel vm14, s23, v51;
	s23 =	sshrl.u32 s28, $0x1F  }
0x93a: {  	v39 =	vsel vm0, s23, v52;
	v38 =	vsel vm4, s0, v38;
	s23 =	sshra.s32 s1, $0xD  }
0x93b: {  	v32 =	vsel vm1, s12, v32;
	s12 =	sshrl.u32 s5, $0x1F;
	v53 =	vmov s14;
	v38 =	vsel vm0, s23, v38;
	s23 =	sld [smem:$0x7DA];
	s13 =	sshrl.u32 s26, $0x1F  }
0x93c: {  	s14 =	smov.u32 s25;
	v40 =	vnsel vm14, $0x0, v53;
	v36 =	vsel vm1, s13, v36;
	s13 =	sshrl.u32 s25, $0x1F;
	s25 =	sshrl.u32 s1, $0x1F  }
0x93d: {  	s15 =	sshra.s32 s15, $0xD;
	s0 =	sshra.s32 s28, $0xD;
	v40 =	vsel vm0, s25, v40;
	s25 =	sshrl.u32 s2, $0x1F  }
0x93e: {  	s1 =	sshra.s32 s1, $0x1F;
	v39 =	vsel vm2, s13, v39;
	s28 =	sshrl.u32 s23, $0x1F;
	v40 =	vsel vm2, s25, v40;
	s25 =	sld [smem:$0x7DB]  }
0x93f: {  	s14 =	sshra.s32 s14, $0xD;
	s4 =	sshra.s32 s4, $0xD;
	v38 =	vsel vm13, s1, v38;
	v39 =	vsel vm1, s28, v39;
	s28 =	sshra.s32 s2, $0xD  }
0x940: {  	v55 =	vmov s4;
	s4 =	sshra.s32 s5, $0x1F;
	s13 =	sshrl.u32 s30, $0x1F;
	v38 =	vsel vm2, s28, v38;
	s28 =	sshrl.u32 s3, $0x1F  }
0x941: {  	s1 =	sshra.s32 s2, $0x1F;
	v54 =	vmov s13;
	v40 =	vsel vm1, s28, v40;
	s28 =	sld [smem:$0x7DC];
	s13 =	sshrl.u32 s25, $0x1F  }
0x942: {  	v38 =	vsel vm9, s1, v38;
	s1 =	sshra.s32 s3, $0x1F;
	v40 =	vsel vm5, s12, v40;
	s12 =	sshrl.u32 s31, $0x1F;
	v41 =	vsel vm0, s13, v54;
	s13 =	sshra.s32 s3, $0xD  }
0x943: {  	v42 =	vsel vm0, s0, v55;
	s3 =	sshra.s32 s30, $0xD;
	s30 =	sshra.s32 s31, $0xD;
	s31 =	sshra.s32 s29, $0xD  }
0x944: {  	vm6 =	vmmov vm3;
	v42 =	vsel vm2, s14, v42;
	s2 =	sshrl.u32 s28, $0x1F;
	v38 =	vsel vm1, s13, v38;
	s13 =	sshrl.u32 s7, $0x1F;
	s14 =	sshra.s32 s28, $0xD  }
0x945: {  	v56 =	vmov s3;
	s3 =	sshra.s32 s29, $0x1F;
	v40 =	vsel vm6, s13, v40;
	v38 =	vsel vm10, s1, v38;
	s13 =	sshra.s32 s5, $0xD;
	s5 =	sshra.s32 s23, $0xD  }
0x946: {  	v41 =	vsel vm2, s2, v41;
	s23 =	sshra.s32 s7, $0x1F;
	v38 =	vsel vm5, s13, v38;
	s13 =	sshra.s32 s7, $0xD;
	s7 =	sld [smem:$0x7DE]  }
0x947: {  	vm3 =	vmmov vm13;
	vm13 =	vmmov vm6;
	s1 =	sadd.s32 s10, s9;
	s10 =	sld [smem:$0x7DF];
	v41 =	vsel vm1, s12, v41;
	s12 =	sshrl.u32 s29, $0x1F  }
0x948: {  	v42 =	vsel vm1, s5, v42;
	s5 =	sshrl.u32 s8, $0x1F;
	s29 =	sshra.s32 s22, $0x1F;
	v40 =	vsel vm7, s12, v40;
	v38 =	vsel vm15, s4, v38;
	s12 =	sshra.s32 s25, $0xD  }
0x949: {  	s25 =	sld [smem:$0x7DD];
	v43 =	vsel vm0, s12, v56;
	v38 =	vsel vm13, s13, v38;
	s13 =	sshra.s32 s8, $0xD;
	s12 =	sshra.s32 s7, $0x1F  }
0x94a: {  	v40 =	vsel vm12, s5, v40;
	s8 =	sshra.s32 s24, $0x1F;
	v43 =	vsel vm2, s14, v43;
	s5 =	smul.u32 $0x14F8B589, s12;
	s12 =	sld [smem:$0x7E0]  }
0x94b: {  	v38 =	vsel vm8, s23, v38;
	s2 =	smulhi.u32 $0x14F8B589, s7;
	s14 =	sshra.s32 s10, $0x1F;
	v43 =	vsel vm1, s30, v43;
	s30 =	sld [smem:$0x7E2]  }
0x94c: {  	s4 =	smulhi.u32 $0x14F8B589, s25;
	s28 =	sshra.s32 s25, $0x1F;
	v38 =	vsel vm7, s31, v38;
	v58 =	vmov s14;
	s14 =	sld [smem:$0x7E3]  }
0x94d: {  	s0 =	smul.u32 $0x14F8B589, s28;
	v38 =	vsel vm11, s3, v38;
	s28 =	sshra.s32 s22, $0xD;
	s3 =	sadd.s32 s11, s6  }
0x94e: {  	v59 =	vld [tilespmem:$0x1FFF0];
	v39 =	vcombine.low v41, v39;
	s22 =	sshra.s32 s21, $0xD;
	s6 =	sshra.s32 s20, $0xD;
	s20 =	sshra.s32 s18, $0xD  }
0x94f: {  	v9 =	vmul.u32 $0x335, v9;
	v38 =	vsel vm12, s13, v38;
	s13 =	sld [smem:$0x7E1];
	v63 =	vmov s6;
	s6 =	sadd.s32 s5, s2;
	s23 =	sshrl.u32 s12, $0x1F  }
0x950: {  	v39 =	vperm.xlane v39, v0;
	v57 =	vcombine.low v43, v42;
	v42 =	vsel vm14, s28, v58;
	s7 =	smulhi.u32 $0x14F8B589, s30;
	s31 =	sshra.s32 s30, $0x1F;
	s11 =	sshrl.u32 s14, $0x1F  }
0x951: {  	v40 =	vperm.xlane v40, v1;
	v42 =	vsel vm4, s29, v42;
	s30 =	sshrl.u32 s10, $0x1F;
	s4 =	sadd.s32 s0, s4;
	v37 =	vsel vm2, s23, v37;
	s23 =	sshra.s32 s21, $0x1F  }
0x952: {  	v41 =	vperm.xlane v57, v0;
	v38 =	vperm.xlane v38, v1;
	v60 =	vsel vm0, s22, v42;
	s21 =	sld [smem:$0x7E4];
	s22 =	smov.u32 s10;
	s25 =	sshrl.u32 s13, $0x1F  }
0x953: {  	vm14 =	vnez.u8 v59;
	s10 =	sshra.s32 s26, $0xD;
	v61 =	vsel vm3, s23, v60;
	s23 =	sshra.s32 s26, $0x1F;
	v36 =	vsel vm5, s25, v36;
	s25 =	smul.u32 $0x14F8B589, s31  }
0x954: {  	v39 =	vsel vm14, v40, v39;
	v44 =	vsel vm0, s15, v63;
	v38 =	vsel vm14, v38, v41;
	s31 =	sshra.s32 s24, $0xD;
	s24 =	sshra.s32 s17, $0xD;
	s17 =	sld [smem:$0x7E6]  }
0x955: {  	v62 =	vld [tilespmem:$0xF0];
	s26 =	sshra.s32 s13, $0xD;
	v38 =	vadd.s32 v39, v38;
	v36 =	vsel vm13, s11, v36;
	s28 =	sshrl.u32 s21, $0x1F;
	s11 =	sld [smem:$0x7E5];
	v39 =	vsel vm2, s31, v61  }
0x956: {  	v38 =	vmul.u32 $0x186A0, v38;
	s15 =	sshra.s32 s21, $0x1F;
	v36 =	vsel vm7, s28, v36;
	v39 =	vsel vm9, s8, v39;
	s5 =	sadd.s32 s25, s7;
	s25 =	sshra.s32 s19, $0xD  }
0x957: {  	v13 =	vcombine.low v13, v11;
	s28 =	sshra.s32 s16, $0xD;
	s16 =	sshra.s32 s22, $0xD;
	s19 =	sld [smem:$0x7E7];
	v36 =	vsel vm12, s30, v36;
	v42 =	vsel vm1, s10, v39  }
0x958: {  	v10 =	vsub.s32 v10, v38;
	s30 =	sshra.s32 s13, $0x1F;
	v47 =	vmov s28;
	s29 =	sshrl.u32 s11, $0x1F;
	v38 =	vsel vm10, s23, v42;
	s23 =	sld [smem:$0x7E9]  }
0x959: {  	v13 =	vperm.xlane v13, v0;
	s13 =	sshra.s32 s14, $0x1F;
	v39 =	vsel vm0, s25, v47;
	s25 =	sld [smem:$0x7EA];
	v37 =	vsel vm1, s29, v37;
	s29 =	sshra.s32 s12, $0xD  }
0x95a: {  	v9 =	vadd.s32 v9, v62;
	vm6 =	vmmov vm5;
	vm5 =	vmmov vm3;
	s12 =	sshra.s32 s14, $0xD;
	s14 =	sshra.s32 s21, $0xD;
	s21 =	sld [smem:$0x7E8]  }
0x95b: {  	s18 =	sshrl.u32 s17, $0x1F;
	s7 =	sshra.s32 s17, $0xD;
	vm3 =	vlt.s32 v10, $0x0;
	v43 =	vadd.s32 $0x186A0, v10;
	v38 =	vsel vm6, s26, v38;
	s26 =	sld [smem:$0x7EB]  }
0x95c: {  	v46 =	vsel vm2, s20, v44;
	s31 =	sshra.s32 s11, $0xD;
	v10 =	vsel vm3, v43, v10;
	s20 =	sshrl.u32 s19, $0x1F;
	v38 =	vsel vm15, s30, v38;
	s30 =	sld [smem:$0x7ED]  }
0x95d: {  	s9 =	sshra.s32 s19, $0xD;
	v45 =	vmul.u32 $0x3E8, v10;
	v10 =	vsel vm1, s24, v46;
	v48 =	vmov s20;
	s20 =	sld [smem:$0x7EE];
	s24 =	sshrl.u32 s23, $0x1F  }
0x95e: {  	vm8 =	vmmov vm4;
	vm4 =	vmmov vm9;
	v38 =	vsel vm13, s12, v38;
	s0 =	sshra.s32 s23, $0xD;
	s12 =	sshrl.u32 s25, $0x1F;
	s2 =	sshra.s32 s25, $0xD  }
0x95f: {  	vm9 =	vcmask $0x2F2C;
	vm3 =	vcmask $0x300;
	v40 =	vsel vm0, s18, v48;
	s22 =	sshrl.u32 s21, $0x1F;
	s8 =	sshra.s32 s21, $0xD;
	s21 =	sld [smem:$0x7EC]  }
0x960: {  	v39 =	vsel vm2, s29, v39;
	v54 =	vmov s9;
	s28 =	sshrl.u32 s26, $0x1F;
	s18 =	sshra.s32 s26, $0xD;
	v40 =	vsel vm2, s22, v40;
	s22 =	sld [smem:$0x7EF]  }
0x961: {  	v39 =	vsel vm1, s31, v39;
	v9 =	vadd.s32 v45, v9;
	v38 =	vsel vm9, s13, v38;
	s31 =	sshrl.u32 s30, $0x1F;
	s11 =	sshra.s32 s30, $0xD;
	s30 =	sld [smem:$0x7F2]  }
0x962: {  	s19 =	sshra.s32 s26, $0x1F;
	(v2sf) =	vpush v9, $0xD;
	v38 =	vsel vm7, s14, v38;
	s10 =	sshra.s32 s20, $0xD;
	v40 =	vsel vm1, s24, v40;
	s24 =	sld [smem:$0x7F0]  }
0x963: {  	v44 =	vsel vm0, s7, v54;
	v49 =	vmov s28;
	v38 =	vsel vm11, s15, v38;
	s15 =	sshrl.u32 s20, $0x1F;
	s20 =	sld [smem:$0x7F4];
	s29 =	sshra.s32 s21, $0x1F  }
0x964: {  	v44 =	vsel vm2, s8, v44;
	(v2sf) =	vpush v9, $0xC;
	s8 =	sshra.s32 s21, $0xD;
	v50 =	vmov s29;
	s23 =	sshrl.u32 s22, $0x1F;
	s26 =	sshra.s32 s22, $0xD  }
0x965: {  	v41 =	vnsel vm3, $0x0, v49;
	v51 =	vmov s31;
	s28 =	sshra.s32 s22, $0x1F;
	s29 =	sld [smem:$0x7F1];
	s31 =	sshrl.u32 s30, $0x1F;
	v42 =	vsel vm3, s18, v50  }
0x966: {  	v12 =	vperm.xlane v12, v1;
	s22 =	sld [smem:$0x7F3];
	v41 =	vsel vm0, s23, v41;
	s25 =	sshrl.u32 s24, $0x1F;
	s23 =	sshra.s32 s24, $0x1F;
	v42 =	vsel vm8, s19, v42  }
0x967: {  	(v2sf) =	vpush v9, $0xE;
	v41 =	vsel vm2, s25, v41;
	s25 =	sshra.s32 s30, $0xD;
	v42 =	vsel vm0, s26, v42;
	s26 =	sshra.s32 s30, $0x1F;
	s30 =	sld [smem:$0x7F6]  }
0x968: {  	v15 =	vcombine.low v16, v15;
	v43 =	vsel vm0, s12, v51;
	s18 =	sshrl.u32 s21, $0x1F;
	s19 =	sshra.s32 s24, $0xD;
	s14 =	sshrl.u32 s29, $0x1F;
	v42 =	vsel vm5, s28, v42  }
0x969: {  	(v2sf) =	vpush v9, $0xF;
	v41 =	vsel vm1, s31, v41;
	s12 =	sshra.s32 s29, $0xD;
	s17 =	sshrl.u32 s22, $0x1F;
	s29 =	sld [smem:$0x7F5];
	v42 =	vsel vm2, s19, v42  }
0x96a: {  	v43 =	vsel vm2, s15, v43;
	s24 =	sshrl.u32 s20, $0x1F;
	v41 =	vsel vm6, s17, v41;
	s19 =	sshra.s32 s22, $0xD;
	v42 =	vsel vm4, s23, v42;
	s31 =	sshra.s32 s30, $0x1F  }
0x96b: {  	v41 =	vsel vm13, s24, v41;
	s24 =	sshra.s32 s20, $0xD;
	v52 =	vsel vm1, s25, v42;
	v42 =	vsel vm1, s14, v43;
	s14 =	smul.u32 $0x14F8B589, s31;
	s31 =	sld [smem:$0x7F8]  }
0x96c: {  	v14 =	vcombine.low v18, v14;
	v38 =	vsel vm12, s16, v38;
	s28 =	sshrl.u32 s29, $0x1F;
	s16 =	smulhi.u32 $0x14F8B589, s30;
	v53 =	vsel vm10, s26, v52;
	s26 =	sld [smem:$0x7F7]  }
0x96d: {  	v15 =	vperm.xlane v15, v0;
	v17 =	vperm.xlane v17, v1;
	s23 =	sshra.s32 s22, $0x1F;
	s30 =	sshra.s32 s29, $0x1F;
	s22 =	sld [smem:$0x7FB]  }
0x96e: {  	v14 =	vperm.xlane v14, v0;
	v41 =	vsel vm7, s28, v41;
	v43 =	vsel vm6, s19, v53;
	s21 =	smulhi.u32 $0x14F8B589, s31;
	s15 =	sshra.s32 s31, $0x1F;
	s31 =	rddreg [dreg:$0x19]  }
0x96f: {  	v12 =	vsel vm14, v12, v13;
	v41 =	vsel vm12, s18, v41;
	v43 =	vsel vm15, s23, v43;
	s18 =	smulhi.u32 $0x14F8B589, s26;
	s9 =	sshra.s32 s26, $0x1F;
	s26 =	sld [smem:$0x7FA]  }
0x970: {  	v54 =	vcombine.low v23, v20;
	v55 =	vmov s11;
	s25 =	sshra.s32 s20, $0x1F;
	s28 =	sshra.s32 s29, $0xD;
	v43 =	vsel vm13, s24, v43;
	s24 =	sld [smem:$0x7FC]  }
0x971: {  	v10 =	vcombine.low v39, v10;
	v57 =	vsel vm0, s2, v55;
	(v2sf) =	vpush v9, $0x9;
	s19 =	sshrl.u32 s6, $0x1F;
	s20 =	smul.u32 $0x14F8B589, s9;
	s9 =	spop (v2sf)  }
0x972: {  	v56 =	vsel vm9, s25, v43;
	s25 =	sld [smem:$0x7F9];
	v43 =	vsel vm1, s0, v44;
	v44 =	vsel vm2, s10, v57;
	s0 =	smul.u32 $0x14F8B589, s15;
	s10 =	sadd.s32 s14, s16  }
0x973: {  	v47 =	vsel vm14, v17, v15;
	v18 =	vperm.xlane v54, v0;
	v10 =	vperm.xlane v10, v0;
	s14 =	smulhi.u32 $0x14F8B589, s31;
	s16 =	sshrl.u32 s4, $0x1F;
	s13 =	spop (v2sf)  }
0x974: {  	(v2sf) =	vpush v9, $0x8;
	v58 =	vsel vm7, s28, v56;
	s28 =	sshrl.u32 s22, $0x1F;
	v45 =	vsel vm1, s12, v44;
	s12 =	sshra.s32 s31, $0x1F;
	s31 =	sshrl.u32 s10, $0x1F  }
0x975: {  	v50 =	vadd.s32 v12, v47;
	(v2sf) =	vpush v9, $0xA;
	s23 =	sshrl.u32 s26, $0x1F;
	s29 =	sshrl.u32 s24, $0x1F;
	v46 =	vsel vm11, s30, v58;
	s30 =	sshrl.u32 s1, $0x1F  }
0x976: {  	vm5 =	vmmov vm12;
	(v2sf) =	vpush v9, $0xB;
	vm12 =	vmmov vm10;
	s15 =	spop (v2sf);
	s2 =	smul.u32 $0x14F8B589, s12;
	s12 =	sadd.s32 s20, s18  }
0x977: {  	v63 =	vmov s19;
	(v2sf) =	vpush v9, $0x0;
	s7 =	sadd.s32 s0, s21;
	s21 =	rddreg [dreg:$0x15];
	s17 =	sshrl.u32 s25, $0x1F;
	v59 =	vmov s23  }
0x978: {  	v57 =	vperm.xlane v21, v1;
	s1 =	sshra.s32 s1, $0xD;
	s23 =	sld [smem:$0x7FD];
	v44 =	vsel vm5, s8, v46;
	s8 =	sshrl.u32 s3, $0x1F;
	v60 =	vsel vm0, s17, v59  }
0x979: {  	(v2sf) =	vpush v9, $0x1;
	v46 =	vnsel vm3, $0x0, v63;
	s18 =	spop (v2sf);
	s25 =	sshra.s32 s25, $0xD;
	v61 =	vsel vm2, s28, v60;
	s28 =	sshrl.u32 s5, $0x1F  }
0x97a: {  	(v2sf) =	vpush v9, $0x2;
	s3 =	sshra.s32 s3, $0xD;
	v11 =	vsel vm1, s29, v61;
	s29 =	rddreg [dreg:$0x17];
	v46 =	vsel vm0, s28, v46;
	s28 =	smulhi.u32 $0x14F8B589, s21  }
0x97b: {  	vm15 =	vmmov vm11;
	v56 =	vperm.xlane v19, v1;
	v62 =	vmov s30;
	s11 =	sshrl.u32 s23, $0x1F;
	s19 =	smulhi.u32 $0x14F8B589, s29;
	s30 =	sshra.s32 s29, $0x1F  }
0x97c: {  	v18 =	vsel vm14, v57, v18;
	vm11 =	vmmov vm8;
	s17 =	sshra.s32 s21, $0x1F;
	v16 =	vsel vm0, s11, v62;
	s29 =	sshrl.u32 s12, $0x1F;
	s20 =	smul.u32 $0x14F8B589, s30  }
0x97d: {  	v57 =	vperm.xlane v31, v1;
	v46 =	vsel vm2, s31, v46;
	s31 =	sshrl.u32 s7, $0x1F;
	v16 =	vsel vm2, s8, v16;
	s8 =	sadd.s32 s2, s14;
	s30 =	smul.u32 $0x14F8B589, s17  }
0x97e: {  	v14 =	vsel vm14, v56, v14;
	v59 =	vmul.u32 $0x186A0, v50;
	v48 =	vsel vm1, s29, v46;
	s29 =	sshra.s32 s24, $0xD;
	s24 =	sshra.s32 s13, $0x1F;
	s17 =	sshrl.u32 s8, $0x1F  }
0x97f: {  	v45 =	vcombine.low v45, v43;
	v63 =	vadd.s32 v14, v18;
	v49 =	vsel vm6, s31, v48;
	s31 =	sshra.s32 s6, $0xD;
	s6 =	sshra.s32 s6, $0x1F;
	s2 =	sadd.s32 s20, s19  }
0x980: {  	v50 =	vcombine.low v33, v30;
	v61 =	vmov s1;
	v2 =	vsub.s32 v2, v59;
	s19 =	spop (v2sf);
	s0 =	sadd.s32 s30, s28;
	s20 =	sshra.s32 s26, $0xD  }
0x981: {  	v62 =	vcombine.low v25, v22;
	v51 =	vsel vm13, s17, v49;
	s28 =	sshra.s32 s22, $0xD;
	v52 =	vmov s20;
	s21 =	sshrl.u32 s2, $0x1F;
	s20 =	smulhi.u32 $0x14F8B589, s9  }
0x982: {  	vm9 =	vlt.s32 v2, $0x0;
	v56 =	vadd.s32 $0x186A0, v2;
	s26 =	sshrl.u32 s0, $0x1F;
	v12 =	vsel vm7, s21, v51;
	s21 =	sshra.s32 s23, $0xD;
	s23 =	smulhi.u32 $0x14F8B589, s13  }
0x983: {  	v46 =	vcombine.low v29, v28;
	s30 =	sshra.s32 s0, $0x1F;
	v53 =	vsel vm0, s25, v52;
	s25 =	sshra.s32 s9, $0x1F;
	v13 =	vsel vm5, s26, v12;
	s26 =	smul.u32 $0x14F8B589, s24  }
0x984: {  	v15 =	vsel vm1, s16, v16;
	v47 =	vperm.xlane v62, v0;
	s22 =	sshra.s32 s5, $0xD;
	s17 =	spop (v2sf);
	v58 =	vmov s30;
	s1 =	smul.u32 $0x14F8B589, s25  }
0x985: {  	v48 =	vperm.xlane v24, v1;
	s16 =	spop (v2sf);
	v60 =	vsel vm3, s31, v58;
	v19 =	vsel vm0, s21, v61;
	s21 =	smulhi.u32 $0x14F8B589, s18;
	s31 =	sshra.s32 s18, $0x1F  }
0x986: {  	v62 =	vperm.xlane v35, v1;
	v16 =	vmul.u32 $0x186A0, v63;
	(v2sf) =	vpush v9, $0x3;
	s5 =	sshra.s32 s5, $0x1F;
	s14 =	spop (v2sf);
	s18 =	smul.u32 $0x14F8B589, s31  }
0x987: {  	(v2sf) =	vpush v9, $0x4;
	s24 =	sshra.s32 s19, $0x1F;
	v17 =	vsel vm8, s6, v60;
	v54 =	vsel vm2, s3, v19;
	s3 =	smulhi.u32 $0x14F8B589, s19;
	s11 =	spop (v2sf)  }
0x988: {  	s30 =	sshra.s32 s10, $0xD;
	vm8 =	vcmask $0xF0C;
	s19 =	smul.u32 $0x14F8B589, s24;
	v17 =	vsel vm0, s22, v17;
	s6 =	spop (v2sf);
	(v2sf) =	vpush v9, $0x5  }
0x989: {  	v35 =	vcombine.low v37, v27;
	s10 =	sshra.s32 s10, $0x1F;
	s31 =	smulhi.u32 $0x14F8B589, s16;
	v17 =	vsel vm8, s5, v17;
	s5 =	spop (v2sf);
	(v2sf) =	vpush v9, $0x6  }
0x98a: {  	v37 =	vcombine.low v42, v40;
	s13 =	sshra.s32 s12, $0xD;
	s12 =	sshra.s32 s12, $0x1F;
	v55 =	vsel vm2, s28, v53;
	s24 =	smulhi.u32 $0x14F8B589, s14;
	(v2sf) =	vpush v9, $0x7  }
0x98b: {  	v40 =	vperm.xlane v36, v1;
	v42 =	vperm.xlane v38, v1;
	s28 =	sshra.s32 s4, $0xD;
	v12 =	vsel vm1, s29, v55;
	s29 =	sshra.s32 s15, $0x1F;
	s22 =	smulhi.u32 $0x14F8B589, s15  }
0x98c: {  	v2 =	vsel vm9, v56, v2;
	v49 =	vperm.xlane v46, v0;
	v11 =	vcombine.low v15, v11;
	s16 =	sshra.s32 s16, $0x1F;
	s14 =	sshra.s32 s14, $0x1F;
	s15 =	smul.u32 $0x14F8B589, s29  }
0x98d: {  	v18 =	vsel vm14, v48, v47;
	v3 =	vsub.s32 v3, v16;
	s4 =	sadd.s32 s26, s23;
	v59 =	vsel vm1, s28, v54;
	s28 =	smulhi.u32 $0x14F8B589, s17;
	s17 =	sshra.s32 s17, $0x1F  }
0x98e: {  	v10 =	vsel vm14, v42, v10;
	v46 =	vperm.xlane v37, v0;
	v47 =	vperm.xlane v41, v1;
	s29 =	sshra.s32 s7, $0xD;
	s14 =	smul.u32 $0x14F8B589, s14;
	s7 =	sshra.s32 s7, $0x1F  }
0x98f: {  	v48 =	vperm.xlane v45, v0;
	v51 =	vperm.xlane v26, v1;
	s25 =	sshrl.u32 s4, $0x1F;
	v17 =	vsel vm2, s30, v17;
	s30 =	smul.u32 $0x14F8B589, s17;
	s17 =	sadd.s32 s15, s22  }
0x990: {  	v52 =	vperm.xlane v50, v0;
	vm9 =	vlt.s32 v3, $0x0;
	s4 =	sshra.s32 s4, $0xD;
	v53 =	vsel vm4, s10, v17;
	s10 =	sadd.s32 s18, s21;
	s18 =	sshrl.u32 s17, $0x1F  }
0x991: {  	v30 =	vadd.s32 $0x186A0, v3;
	v58 =	vcombine.low v34, v32;
	s21 =	smul.u32 $0x14F8B589, s16;
	s17 =	sshra.s32 s17, $0xD;
	v55 =	vsel vm1, s13, v53;
	s13 =	sadd.s32 s1, s20  }
0x992: {  	v11 =	vperm.xlane v11, v0;
	v15 =	vsel vm14, v47, v46;
	v13 =	vperm.xlane v13, v1;
	s15 =	sadd.s32 s30, s28;
	s28 =	sshrl.u32 s10, $0x1F;
	s26 =	sshrl.u32 s13, $0x1F  }
0x993: {  	v26 =	vperm.xlane v58, v0;
	v61 =	vmov s25;
	v60 =	vsel vm10, s12, v55;
	s12 =	sadd.s32 s19, s3;
	s25 =	sshrl.u32 s15, $0x1F;
	s19 =	smulhi.u32 $0x14F8B589, s11  }
0x994: {  	v63 =	vsel vm14, v51, v49;
	v24 =	vsel vm14, v57, v52;
	s11 =	sshra.s32 s11, $0x1F;
	s13 =	sshra.s32 s13, $0xD;
	v19 =	vsel vm0, s26, v61;
	s26 =	sshrl.u32 s12, $0x1F  }
0x995: {  	v49 =	vperm.xlane v44, v1;
	v11 =	vsel vm14, v13, v11;
	v25 =	vsel vm14, v62, v26;
	s20 =	smul.u32 $0x14F8B589, s11;
	s11 =	sadd.s32 s21, s31;
	s9 =	spop (v2sf)  }
0x996: {  	v26 =	vadd.s32 v18, v63;
	v17 =	vsel vm6, s29, v60;
	s29 =	sshra.s32 s6, $0x1F;
	v19 =	vsel vm2, s18, v19;
	s18 =	smulhi.u32 $0x14F8B589, s6;
	s1 =	spop (v2sf)  }
0x997: {  	v28 =	vadd.s32 v24, v25;
	v16 =	vmul.u32 $0x186A0, v26;
	v29 =	vmov s25;
	s25 =	sshra.s32 s5, $0x1F;
	s31 =	smul.u32 $0x14F8B589, s29;
	s3 =	spop (v2sf)  }
0x998: {  	v12 =	vcombine.low v59, v12;
	v39 =	vmov s4;
	v18 =	vmul.u32 $0x186A0, v28;
	s6 =	sadd.s32 s14, s24;
	s24 =	smulhi.u32 $0x14F8B589, s5;
	s5 =	spop (v2sf)  }
0x999: {  	v16 =	vsub.s32 v4, v16;
	v4 =	vsel vm9, v30, v3;
	v20 =	vsel vm0, s26, v29;
	s30 =	sshrl.u32 s11, $0x1F;
	s26 =	smul.u32 $0x14F8B589, s25;
	s29 =	spop (v2sf)  }
0x99a: {  	s10 =	sshra.s32 s10, $0xD;
	vm10 =	vlt.s32 v16, $0x0;
	v21 =	vsel vm0, s13, v39;
	v34 =	vsel vm2, s30, v20;
	s30 =	smulhi.u32 $0x14F8B589, s29;
	s13 =	sshra.s32 s29, $0x1F  }
0x99b: {  	v5 =	vsub.s32 v5, v18;
	v31 =	vadd.s32 $0x186A0, v16;
	s12 =	sshra.s32 s12, $0xD;
	v21 =	vsel vm2, s17, v21;
	s11 =	sshra.s32 s11, $0xD;
	s13 =	smul.u32 $0x14F8B589, s13  }
0x99c: {  	v3 =	vsel vm10, v31, v16;
	v16 =	vperm.xlane v35, v0;
	s23 =	sshrl.u32 s6, $0x1F;
	s19 =	sadd.s32 s20, s19;
	v50 =	vsel vm1, s10, v21;
	s10 =	sshra.s32 s8, $0xD  }
0x99d: {  	v12 =	vperm.xlane v12, v0;
	vm9 =	vlt.s32 v5, $0x0;
	v32 =	vadd.s32 $0x186A0, v5;
	s6 =	sshra.s32 s6, $0xD;
	s18 =	sadd.s32 s31, s18;
	s4 =	sadd.s32 s13, s30  }
0x99e: {  	v33 =	vsel vm1, s28, v19;
	v5 =	vsel vm9, v32, v5;
	v16 =	vsel vm14, v40, v16;
	s14 =	sadd.s32 s26, s24;
	s31 =	sshra.s32 s15, $0xD;
	s15 =	sshra.s32 s4, $0x1F  }
0x99f: {  	v19 =	vsel vm1, s23, v34;
	s16 =	sshra.s32 s19, $0xD;
	s17 =	sshra.s32 s19, $0x1F;
	s19 =	sshrl.u32 s19, $0x1F;
	v10 =	vadd.s32 v16, v10;
	v52 =	vmov s15  }
0x9a0: {  	v51 =	vmov s31;
	v16 =	vsel vm14, v49, v48;
	s20 =	sshrl.u32 s18, $0x1F;
	s28 =	smulhi.u32 $0x14F8B589, s9;
	s9 =	sshra.s32 s9, $0x1F;
	v22 =	vsel vm3, s16, v52  }
0x9a1: {  	s21 =	sshra.s32 s18, $0xD;
	s22 =	sshrl.u32 s14, $0x1F;
	v56 =	vcombine.low v19, v33;
	v57 =	vmov s19;
	s9 =	smul.u32 $0x14F8B589, s9;
	v54 =	vsel vm11, s17, v22  }
0x9a2: {  	s23 =	sshra.s32 s18, $0x1F;
	v21 =	vsel vm0, s12, v51;
	v15 =	vadd.s32 v15, v16;
	s24 =	smulhi.u32 $0x14F8B589, s1;
	s1 =	sshra.s32 s1, $0x1F;
	v55 =	vsel vm0, s21, v54  }
0x9a3: {  	s25 =	sshra.s32 s14, $0xD;
	s14 =	sshra.s32 s14, $0x1F;
	v10 =	vmul.u32 $0x186A0, v10;
	v18 =	vnsel vm3, $0x0, v57;
	s1 =	smul.u32 $0x14F8B589, s1;
	v13 =	vsel vm8, s23, v55  }
0x9a4: {  	v53 =	vsel vm2, s11, v21;
	v15 =	vmul.u32 $0x186A0, v15;
	s9 =	sadd.s32 s9, s28;
	s28 =	smulhi.u32 $0x14F8B589, s3;
	s3 =	sshra.s32 s3, $0x1F;
	v13 =	vsel vm2, s25, v13  }
0x9a5: {  	v18 =	vsel vm0, s20, v18;
	v14 =	vperm.xlane v56, v0;
	s1 =	sadd.s32 s1, s24;
	s3 =	smul.u32 $0x14F8B589, s3;
	s29 =	sshra.s32 s9, $0xD;
	v13 =	vsel vm4, s14, v13  }
0x9a6: {  	v16 =	vsel vm1, s6, v53;
	s31 =	smulhi.u32 $0x14F8B589, s5;
	s5 =	sshra.s32 s5, $0x1F;
	s30 =	sshra.s32 s9, $0x1F;
	vm3 =	vcmask $0x2724;
	v13 =	vsel vm1, s29, v13  }
0x9a7: {  	v18 =	vsel vm2, s22, v18;
	s26 =	sshrl.u32 s9, $0x1F;
	s5 =	smul.u32 $0x14F8B589, s5;
	s9 =	sshra.s32 s1, $0xD;
	v17 =	vsel vm3, s7, v17;
	v13 =	vsel vm12, s30, v13  }
0x9a8: {  	s8 =	sshra.s32 s8, $0x1F;
	v16 =	vcombine.low v16, v50;
	s3 =	sadd.s32 s3, s28;
	v17 =	vsel vm13, s10, v17;
	s10 =	sshra.s32 s1, $0x1F;
	v13 =	vsel vm6, s9, v13  }
0x9a9: {  	s12 =	sshra.s32 s2, $0xD;
	v18 =	vsel vm1, s26, v18;
	s11 =	sshra.s32 s3, $0xD;
	s5 =	sadd.s32 s5, s31;
	vm4 =	vcmask $0x2F2C;
	v13 =	vsel vm3, s10, v13  }
0x9aa: {  	v16 =	vperm.xlane v16, v0;
	s13 =	sshrl.u32 s3, $0x1F;
	s3 =	sshra.s32 s3, $0x1F;
	s1 =	sshrl.u32 s1, $0x1F;
	v17 =	vsel vm4, s8, v17;
	v13 =	vsel vm13, s11, v13  }
0x9ab: {  	s2 =	sshra.s32 s2, $0x1F;
	s15 =	sshra.s32 s5, $0xD;
	v18 =	vsel vm6, s1, v18;
	v17 =	vsel vm7, s12, v17;
	v13 =	vsel vm4, s3, v13  }
0x9ac: {  	s0 =	sshra.s32 s0, $0xD;
	s17 =	sshra.s32 s5, $0x1F;
	v18 =	vsel vm13, s13, v18;
	s14 =	sshrl.u32 s5, $0x1F;
	v17 =	vsel vm15, s2, v17;
	v13 =	vsel vm7, s15, v13  }
0x9ad: {  	s18 =	sshra.s32 s4, $0xD;
	s16 =	sshrl.u32 s4, $0x1F;
	v18 =	vsel vm7, s14, v18;
	v17 =	vsel vm5, s0, v17;
	v13 =	vsel vm15, s17, v13  }
0x9ae: {  	v18 =	vsel vm5, s16, v18;
	v17 =	vperm.xlane v17, v1;
	v13 =	vsel vm5, s18, v13  }
0x9af: {  	v6 =	vsub.s32 v6, v10;
	v18 =	vperm.xlane v18, v1;
	v13 =	vperm.xlane v13, v1  }
0x9b0: {  	v7 =	vsub.s32 v7, v15;
	v60 =	vadd.s32 $0x186A0, v6;
	v12 =	vsel vm14, v17, v12  }
0x9b1: {  	[tilespmem:$0x280] =	vst v2;
	v2 =	vsel vm14, v18, v14;
	v58 =	vadd.s32 v11, v12;
	v59 =	vsel vm14, v13, v16  }
0x9b2: {  	[tilespmem:$0x2A0] =	vst v3;
	v3 =	vadd.s32 $0x186A0, v7;
	v10 =	vmul.u32 $0x186A0, v58;
	v2 =	vadd.s32 v2, v59  }
0x9b3: {  	[tilespmem:$0x290] =	vst v4;
	vm12 =	vlt.s32 v6, $0x0;
	vm13 =	vlt.s32 v7, $0x0;
	v2 =	vmul.u32 $0x186A0, v2  }
0x9b4: {  	[tilespmem:$0x2B0] =	vst v5;
	v4 =	vsel vm12, v60, v6;
	v3 =	vsel vm13, v3, v7;
	v61 =	vsub.s32 v8, v10  }
0x9b5: {  	[tilespmem:$0x2C0] =	vst v4;
	vm14 =	vlt.s32 v61, $0x0;
	v62 =	vadd.s32 $0x186A0, v61;
	v2 =	vsub.s32 v9, v2  }
0x9b6: {  	s19 =	rddreg [dreg:$0x7];
	[tilespmem:$0x2D0] =	vst v3;
	v3 =	vsel vm14, v62, v61;
	vm15 =	vlt.s32 v2, $0x0;
	v63 =	vadd.s32 $0x186A0, v2  }
0x9b7: {  	s20 =	rddreg [dreg:$0x8];
	[tilespmem:$0x2E0] =	vst v3;
	v2 =	vsel vm15, v63, v2  }
0x9b8: {  	s22 =	rddreg [dreg:$0x1];
	s24 =	simm.s32 $0x300;
	s23 =	simm.s32 $0x80;
	[tilespmem:$0x2F0] =	vst v2  }
0x9b9: {  	[tilespmem:s24], [sflag:$0x1] =	stream.indirect.gather [hbm4b:s22+s23], $0x80, s19, s23, $0xb8;
	[tilespmem:$0x8300] =	vst v63  }
0x9ba: {  	s26 =	simm.s32 $0x1;
	s21 =	rddreg [dreg:$0x9]  }
0x9bb: {  	[tilespmem:s20], [sflag:$0x1] =	stream.indirect.gather [hbm4b:s22+s23], $0x80, s21, s23, $0xb8;
	[tilespmem:$0x8300] =	vst v63  }
0x9bc: {  	s25 =	rddreg [dreg:$0xb];
	_ =	swait.ge [sflag:s26], $0x4000  }
0x9bd: {  	[sflag:s26] =	ssyncset.done $0x0  }
0x9be: {  	[sflag:s26] =	ssyncadd.s32 $0xFFFFC000  }
0x9bf: {  	p0 =	sne.s32 s25, $0x1;
	_ =	swait.ge [sflag:s26], $0x4000  }
0x9c0: {  	s29 =	simm.s32 $0x0;
	s30 =	simm.s32 $0x2;
	[sflag:s26] =	ssyncset.done $0x0  }
.Ltmp0:
0x9c1: {  	s28 =	rddreg [dreg:$0xa];
	[sflag:s26] =	ssyncadd.s32 $0xFFFFC000;
	(pc) =	sbr.rel @p0 .LBB2_1-.Ltmp0, $4  }
0x9c2: {  	[hbm4b:s28+s29] =	stream.linear.scatter [tilespmem:s24], [sflag:$0x2], $0x8000, $0x38;
	[tilespmem:$0x8300] =	vst v63  }
0x9c3: {  	_ =	swait.ge [sflag:s30], $0x8000  }
0x9c4: {  	s31 =	simm.s32 $0x2;
	[sflag:s30] =	ssyncset.done $0x0  }
0x9c5: {  	s2 =	sadd.s32 $0xFFFFFFFF, s25;
	[sflag:s31] =	ssyncadd.s32 $0xFFFF8000  }
0x9c6: {  	_ =	sfence.sel $0x180000  }
0x9c7: {  	[bflag:$0x0] =	sbarrier.arrive $0xFFFF  }
0x9c8: {  	_ =	strace $0x90000047  }
0x9c9: {  	s0 =	stileid.u32;
	[bflag:$0x2] =	sbarrier.arrive $0xFFFF  }
0x9ca: {  	p0 =	sne.s32 s0, $0x0;
	s0 =	rddreg [dreg:$0x3]  }
0x9cb: {  	s0 =	sadd.s32 @!p0 $0x100000, s0  }
0x9cc: {  	[sflag:s0] =	ssyncadd.tile.s32 @!p0 $0x1;
	_ =	shalt  }
.Lfunc_end2:
_tile_overlayer_lowered:
.L_overlay_start_2:
0x9cd: {  	(tag) =	ssettag $0x2  }
0x9ce: {  	s0 =	rddreg [dreg:$0x0];
	s2 =	stileid.u32  }
0x9cf: {  	s1 =	rddreg [dreg:$0x1];
	p0 =	sne.s32 s2, $0x0  }
0x9d0: {  	s3 =	rddreg [dreg:$0x2];
	[bflag:$0x3] =	sbarrier.arrive $0xFFFF;
	s2 =	simm.s32 @!p0 $0x1C02  }
0x9d1: {  	[timem:s3], [sflag:s2] =	dma.local @!p0 [hbm:s0], s1  }
0x9d2: {  	s0 =	simm.s32 @!p0 $0x2  }
0x9d3: {  	_ =	swait.ge @!p0 [sflag:s0], s1  }
0x9d4: {  	s1 =	ssub.s32 @!p0 $0x0, s1;
	[sflag:s0] =	ssyncset.done @!p0 $0x0  }
0x9d5: {  	[sflag:s0] =	ssyncadd.s32 @!p0 s1  }
0x9d6: {  	[bflag:$0x3] =	sbarrier.arrive $0xFFFF  }
0x9d7: {  	_ =	shalt  }

</sc_bundles>
